<compile_context>
chip_gen: v7x
topology: tpu7x:2x2x1
jax: 0.10.2.dev20260603
libtpu: 0.0.44.dev20260713+nightly
codegen_flags: <defaults>
</compile_context>

<pallas_src>
import functools

import jax
import jax.numpy as jnp
from jax import lax
from jax.experimental import pallas as pl
from jax.experimental.pallas import tpu as pltpu
from jax.experimental.pallas import tpu_sc as plsc

N = 10000
E = 320000
F = 128
HID = 128
CLS = 40
NP = 10240
NAC = 10112
NC, NS = 2, 16
NW = NC * NS
CH = 100
KCH = E // NW // CH
RPT = NAC // NS

_MESH = plsc.VectorSubcoreMesh(core_axis_name="c", subcore_axis_name="s")


@functools.partial(
    pl.kernel,
    out_type=jax.ShapeDtypeStruct((NC, NP), jnp.float32),
    mesh=_MESH,
    scratch_types=[
        pltpu.VMEM((KCH, 1, CH), jnp.int32),
        pltpu.VMEM((128,), jnp.float32),
        pltpu.VMEM_SHARED((NP,), jnp.float32),
    ],
)
def _deg_hist(dst3, zeros_np, hist_out, didx, ones_v, hist):
    c = lax.axis_index("c")
    s = lax.axis_index("s")
    wid = c * NS + s
    npt = NP // NS
    pltpu.sync_copy(dst3.at[pl.ds(wid * KCH, KCH)], didx)
    pltpu.sync_copy(zeros_np.at[pl.ds(s * npt, npt)], hist.at[pl.ds(s * npt, npt)])
    for j in range(8):
        ones_v[pl.ds(j * 16, 16)] = jnp.full((16,), 1.0, jnp.float32)
    plsc.subcore_barrier()

    def body(k, carry):
        pltpu.sync_copy(ones_v.at[pl.ds(0, CH)], hist.at[didx.at[k, 0]],
                        add=True)
        return carry

    lax.fori_loop(0, KCH, body, 0)
    plsc.subcore_barrier()
    pltpu.sync_copy(hist.at[pl.ds(s * npt, npt)],
                    hist_out.at[c, pl.ds(s * npt, npt)])


def _dinv_col(h_ref, o_ref):
    deg = 1.0 + h_ref[0] + h_ref[1]
    o_ref[...] = lax.rsqrt(deg).reshape(NP, 1)


def _make_agg(width):
    @functools.partial(
        pl.kernel,
        out_type=jax.ShapeDtypeStruct((NC, NAC, width), jnp.float32),
        mesh=_MESH,
        scratch_types=[
            pltpu.VMEM((6, 1, CH), jnp.int32),
            pltpu.VMEM((6, 1, CH), jnp.int32),
            [pltpu.VMEM((CH, width), jnp.float32) for _ in range(3)],
            pltpu.VMEM_SHARED((NAC, width), jnp.float32),
            [pltpu.SemaphoreType.DMA for _ in range(6)],
            [pltpu.SemaphoreType.DMA for _ in range(3)],
            pltpu.SemaphoreType.DMA,
        ],
    )
    def agg(tbl, src3, dst3, zeros_nw, out, sstage, dstage, rows, acc,
            isem, gsem, ssem):
        c = lax.axis_index("c")
        s = lax.axis_index("s")
        wid = c * NS + s
        base = wid * KCH

        def fetch(k, m):
            pltpu.async_copy(src3.at[base + k], sstage.at[m], isem[m])
            pltpu.async_copy(dst3.at[base + k], dstage.at[m], isem[m])

        def fetch_wait(k, m):
            pltpu.make_async_copy(src3.at[base + k], sstage.at[m], isem[m]).wait()
            pltpu.make_async_copy(dst3.at[base + k], dstage.at[m], isem[m]).wait()

        def gather(m, j):
            pltpu.async_copy(tbl.at[sstage.at[m, 0]], rows[j], gsem[j])

        def gather_wait(m, j):
            pltpu.make_async_copy(tbl.at[sstage.at[m, 0]], rows[j], gsem[j]).wait()

        def scatter_wait(m, j):
            pltpu.make_async_copy(rows[j], acc.at[dstage.at[m, 0]], ssem).wait()

        for m in range(4):
            fetch(m, m)
        for k in range(2):
            fetch_wait(k, k)
            gather(k, k)
        pltpu.sync_copy(zeros_nw.at[pl.ds(s * RPT, RPT)], acc.at[pl.ds(s * RPT, RPT)])
        plsc.subcore_barrier()

        def phase(k, j, m):
            k = jnp.int32(k)
            gather_wait(m, j)

            @pl.when(k > 0)
            def _():
                scatter_wait((m + 5) % 6, (j + 2) % 3)

            pltpu.async_copy(rows[j], acc.at[dstage.at[m, 0]], ssem, add=True)

            @pl.when(k + 4 < KCH)
            def _():
                fetch(k + 4, (m + 4) % 6)

            @pl.when(k + 2 < KCH)
            def _():
                fetch_wait(k + 2, (m + 2) % 6)
                gather((m + 2) % 6, (j + 2) % 3)

        def body(i, carry):
            for u in range(6):
                phase(i * 6 + u, u % 3, u)
            return carry

        lax.fori_loop(0, KCH // 6, body, 0)
        for k in range(KCH - KCH % 6, KCH):
            phase(k, k % 3, k % 6)
        scatter_wait((KCH - 1) % 6, (KCH - 1) % 3)
        plsc.subcore_barrier()
        pltpu.sync_copy(acc.at[pl.ds(s * RPT, RPT)], out.at[c, pl.ds(s * RPT, RPT)])

    return agg


_agg128 = _make_agg(HID)

RB = 2000
GRID = N // RB


def _mm(x_ref, w_ref, o_ref):
    o_ref[...] = jnp.dot(x_ref[...], w_ref[...],
                         preferred_element_type=jnp.float32)


def _scale(h_ref, dinv_ref, o_ref):
    o_ref[...] = h_ref[...] * dinv_ref[...]


def _layer2(p_ref, h1s_ref, dinv_ref, b1_ref, o_ref):
    a = (p_ref[0] + p_ref[1] + h1s_ref[...]) * dinv_ref[...] + b1_ref[...]
    o_ref[...] = jnp.maximum(a, 0.0) * dinv_ref[...]


def _combine(q_ref, g_ref, dinv_ref, w2_ref, b2_ref, o_ref):
    a = (q_ref[0] + q_ref[1] + g_ref[...]) * dinv_ref[...]
    o_ref[...] = jnp.dot(a, w2_ref[...],
                         preferred_element_type=jnp.float32) + b2_ref[...]


def kernel(x, edge_index, W1, b1, W2, b2):
    ei = edge_index.astype(jnp.int32)
    src3 = ei[0].reshape(NW * KCH, 1, CH)
    dst3 = ei[1].reshape(NW * KCH, 1, CH)
    zeros_np = jnp.zeros((NP,), jnp.float32)
    zeros_h = jnp.zeros((NAC, HID), jnp.float32)
    b1_2d = b1.reshape(1, HID)
    b2_2d = b2.reshape(1, CLS)

    h1 = pl.pallas_call(
        _mm,
        grid=(GRID,),
        in_specs=[
            pl.BlockSpec((RB, F), lambda r: (r, 0)),
            pl.BlockSpec((F, HID), lambda r: (0, 0)),
        ],
        out_specs=pl.BlockSpec((RB, HID), lambda r: (r, 0)),
        out_shape=jax.ShapeDtypeStruct((N, HID), jnp.float32),
    )(x, W1)

    hist = _deg_hist(dst3, zeros_np)
    dinv_col = pl.pallas_call(
        _dinv_col,
        in_specs=[pl.BlockSpec((NC, NP), lambda: (0, 0))],
        out_specs=pl.BlockSpec((NP, 1), lambda: (0, 0)),
        out_shape=jax.ShapeDtypeStruct((NP, 1), jnp.float32),
    )(hist)

    h1s = pl.pallas_call(
        _scale,
        grid=(GRID,),
        in_specs=[
            pl.BlockSpec((RB, HID), lambda r: (r, 0)),
            pl.BlockSpec((RB, 1), lambda r: (r, 0)),
        ],
        out_specs=pl.BlockSpec((RB, HID), lambda r: (r, 0)),
        out_shape=jax.ShapeDtypeStruct((N, HID), jnp.float32),
    )(h1, dinv_col)

    p = _agg128(h1s, src3, dst3, zeros_h)

    g = pl.pallas_call(
        _layer2,
        grid=(GRID,),
        in_specs=[
            pl.BlockSpec((NC, RB, HID), lambda r: (0, r, 0)),
            pl.BlockSpec((RB, HID), lambda r: (r, 0)),
            pl.BlockSpec((RB, 1), lambda r: (r, 0)),
            pl.BlockSpec((1, HID), lambda r: (0, 0)),
        ],
        out_specs=pl.BlockSpec((RB, HID), lambda r: (r, 0)),
        out_shape=jax.ShapeDtypeStruct((N, HID), jnp.float32),
    )(p, h1s, dinv_col, b1_2d)

    q = _agg128(g, src3, dst3, zeros_h)

    out = pl.pallas_call(
        _combine,
        grid=(GRID,),
        in_specs=[
            pl.BlockSpec((NC, RB, HID), lambda r: (0, r, 0)),
            pl.BlockSpec((RB, HID), lambda r: (r, 0)),
            pl.BlockSpec((RB, 1), lambda r: (r, 0)),
            pl.BlockSpec((HID, CLS), lambda r: (0, 0)),
            pl.BlockSpec((1, CLS), lambda r: (0, 0)),
        ],
        out_specs=pl.BlockSpec((RB, CLS), lambda r: (r, 0)),
        out_shape=jax.ShapeDtypeStruct((N, CLS), jnp.float32),
    )(q, g, dinv_col, W2, b2_2d)
    return out

# --- scband reference (transcript-rebuilt; emitter-appended) ---
"""Pipeline reference for scband-gcn-10282151707565 (READ-ONLY COPY).

The authoritative reference and input builder live on the scoring server;
editing this copy changes nothing except your own understanding.
"""

import jax, jax.numpy as jnp
import numpy as np

NUM_NODES = 10000
NUM_EDGES = 320000
NUM_FEATURES = 128
HIDDEN = 128
NUM_CLASSES = 40


def setup_inputs(seed: int = 0) -> dict:
    key = jax.random.key(seed)
    k1, k2, k3, k4, k5, k6 = jax.random.split(key, 6)
    x = jax.random.normal(k1, (NUM_NODES, NUM_FEATURES), dtype=jnp.float32)
    edge_index = jax.random.randint(k2, (2, NUM_EDGES), 0, NUM_NODES, dtype=jnp.int64)
    # GCNConv parameters (glorot-style scaling)
    W1 = jax.random.normal(k3, (NUM_FEATURES, HIDDEN), dtype=jnp.float32) * (1.0 / np.sqrt(NUM_FEATURES))
    b1 = jnp.zeros((HIDDEN,), dtype=jnp.float32)
    W2 = jax.random.normal(k4, (HIDDEN, NUM_CLASSES), dtype=jnp.float32) * (1.0 / np.sqrt(HIDDEN))
    b2 = jnp.zeros((NUM_CLASSES,), dtype=jnp.float32)
    return {"x": x, "edge_index": edge_index, "W1": W1, "b1": b1, "W2": W2, "b2": b2}


def _gcn_conv(x, src, dst, W, b, num_nodes):
    # linear transform
    h = x @ W
    # symmetric normalization with self-loops already appended to src/dst
    deg = jnp.zeros((num_nodes,), dtype=h.dtype).at[dst].add(1.0)
    deg_inv_sqrt = jnp.where(deg > 0, 1.0 / jnp.sqrt(deg), 0.0)
    norm = deg_inv_sqrt[src] * deg_inv_sqrt[dst]
    # gather messages from src, scale, scatter-add into dst
    msgs = h[src] * norm[:, None]
    out = jnp.zeros((num_nodes, h.shape[1]), dtype=h.dtype).at[dst].add(msgs)
    return out + b


def reference(x, edge_index, W1, b1, W2, b2):
    num_nodes = x.shape[0]
    loop = jnp.arange(num_nodes, dtype=edge_index.dtype)
    src = jnp.concatenate([edge_index[0], loop])
    dst = jnp.concatenate([edge_index[1], loop])
    h = _gcn_conv(x, src, dst, W1, b1, num_nodes)
    h = jax.nn.relu(h)
    # F.dropout(training=False) is identity at inference
    out = _gcn_conv(h, src, dst, W2, b2, num_nodes)
    return out

if __name__ == "__main__":
    import jax
    _d = setup_inputs()
    print(jax.jit(kernel)(*tuple(_d.values())))

</pallas_src>

<mosaic_0001>
#map = affine_map<(d0, d1) -> (0, 0)>
#map1 = affine_map<(d0, d1) -> (0, 0, 0)>
module attributes {stable_mosaic.version = 14 : i64} {
  func.func @agg(%arg0: i32, %arg1: i32, %arg2: memref<10000x128xf32, #tpu.memory_space<hbm>>, %arg3: memref<3200x1x100xi32, #tpu.memory_space<hbm>>, %arg4: memref<3200x1x100xi32, #tpu.memory_space<hbm>>, %arg5: memref<10112x128xf32, #tpu.memory_space<hbm>>, %arg6: memref<2x10112x128xf32, #tpu.memory_space<hbm>>, %arg7: memref<6x1x100xi32, #tpu.memory_space<vmem>>, %arg8: memref<6x1x100xi32, #tpu.memory_space<vmem>>, %arg9: memref<100x128xf32, #tpu.memory_space<vmem>>, %arg10: memref<100x128xf32, #tpu.memory_space<vmem>>, %arg11: memref<100x128xf32, #tpu.memory_space<vmem>>, %arg12: memref<10112x128xf32, #tpu.memory_space<vmem_shared>>, %arg13: memref<!tpu.dma_semaphore, #tpu.memory_space<semaphore_mem>>, %arg14: memref<!tpu.dma_semaphore, #tpu.memory_space<semaphore_mem>>, %arg15: memref<!tpu.dma_semaphore, #tpu.memory_space<semaphore_mem>>, %arg16: memref<!tpu.dma_semaphore, #tpu.memory_space<semaphore_mem>>, %arg17: memref<!tpu.dma_semaphore, #tpu.memory_space<semaphore_mem>>, %arg18: memref<!tpu.dma_semaphore, #tpu.memory_space<semaphore_mem>>, %arg19: memref<!tpu.dma_semaphore, #tpu.memory_space<semaphore_mem>>, %arg20: memref<!tpu.dma_semaphore, #tpu.memory_space<semaphore_mem>>, %arg21: memref<!tpu.dma_semaphore, #tpu.memory_space<semaphore_mem>>, %arg22: memref<!tpu.dma_semaphore, #tpu.memory_space<semaphore_mem>>) attributes {dimension_semantics = [#tpu.dimension_semantics<core_parallel>, #tpu.dimension_semantics<subcore_parallel>], iteration_bounds = array<i64: 2, 16>, scalar_prefetch = 0 : i64, scratch_operands = 16 : i64, tpu.core_type = #tpu.core_type<sc_vector_subcore>, window_params = [{transform_indices = #map}, {transform_indices = #map1}, {transform_indices = #map1}, {transform_indices = #map}, {transform_indices = #map1}]} {
    %mul3A = arith.constant 16 : i32
    %mul3A_0 = arith.muli %arg0, %mul3A : i32
    %add3A = arith.addi %mul3A_0, %arg1 : i32
    %mul3A_1 = arith.constant 100 : i32
    %mul3A_2 = arith.muli %add3A, %mul3A_1 : i32
    %add3A_3 = arith.constant 0 : i32
    %add3A_4 = arith.addi %mul3A_2, %add3A_3 : i32
    %dma_start3A = arith.constant 0 : i32
    %dma_start3A_5 = arith.constant 0 : i32
    %dma_start3A_6 = arith.constant 0 : i32
    %dma_start3A_7 = tpu.memref_slice %arg7[%dma_start3A, %dma_start3A_5, %dma_start3A_6] : memref<6x1x100xi32, #tpu.memory_space<vmem>> -> memref<1x1x100xi32, #tpu.memory_space<vmem>>
    %dma_start3A_8 = tpu.memref_squeeze %dma_start3A_7 : memref<1x1x100xi32, #tpu.memory_space<vmem>> -> memref<1x100xi32, #tpu.memory_space<vmem>>
    %dma_start3A_9 = arith.constant 0 : i32
    %dma_start3A_10 = arith.constant 0 : i32
    %dma_start3A_11 = tpu.memref_slice %arg3[%add3A_4, %dma_start3A_9, %dma_start3A_10] : memref<3200x1x100xi32, #tpu.memory_space<hbm>> -> memref<1x1x100xi32, #tpu.memory_space<hbm>>
    %dma_start3A_12 = tpu.memref_squeeze %dma_start3A_11 : memref<1x1x100xi32, #tpu.memory_space<hbm>> -> memref<1x100xi32, #tpu.memory_space<hbm>>
    %dma_start3A_13 = arith.constant 0 : i32
    %dma_start3A_14 = arith.constant 0 : i32
    %dma_start3A_15 = tpu.memref_slice %arg7[%dma_start3A, %dma_start3A_13, %dma_start3A_14] : memref<6x1x100xi32, #tpu.memory_space<vmem>> -> memref<1x1x100xi32, #tpu.memory_space<vmem>>
    %dma_start3A_16 = tpu.memref_squeeze %dma_start3A_15 : memref<1x1x100xi32, #tpu.memory_space<vmem>> -> memref<1x100xi32, #tpu.memory_space<vmem>>
    %dma_start3A_17 = arith.constant 0 : i32
    %dma_start3A_18 = arith.constant 0 : i32
    %dma_start3A_19 = tpu.memref_slice %arg3[%add3A_4, %dma_start3A_17, %dma_start3A_18] : memref<3200x1x100xi32, #tpu.memory_space<hbm>> -> memref<1x1x100xi32, #tpu.memory_space<hbm>>
    %dma_start3A_20 = tpu.memref_squeeze %dma_start3A_19 : memref<1x1x100xi32, #tpu.memory_space<hbm>> -> memref<1x100xi32, #tpu.memory_space<hbm>>
    tpu.enqueue_dma source(%dma_start3A_20 : memref<1x100xi32, #tpu.memory_space<hbm>>) target(%dma_start3A_16 : memref<1x100xi32, #tpu.memory_space<vmem>>) target_semaphore(%arg13 : memref<!tpu.dma_semaphore, #tpu.memory_space<semaphore_mem>>)
    %add3A_21 = arith.constant 0 : i32
    %add3A_22 = arith.addi %mul3A_2, %add3A_21 : i32
    %dma_start3A_23 = arith.constant 0 : i32
    %dma_start3A_24 = arith.constant 0 : i32
    %dma_start3A_25 = arith.constant 0 : i32
    %dma_start3A_26 = tpu.memref_slice %arg8[%dma_start3A_23, %dma_start3A_24, %dma_start3A_25] : memref<6x1x100xi32, #tpu.memory_space<vmem>> -> memref<1x1x100xi32, #tpu.memory_space<vmem>>
    %dma_start3A_27 = tpu.memref_squeeze %dma_start3A_26 : memref<1x1x100xi32, #tpu.memory_space<vmem>> -> memref<1x100xi32, #tpu.memory_space<vmem>>
    %dma_start3A_28 = arith.constant 0 : i32
    %dma_start3A_29 = arith.constant 0 : i32
    %dma_start3A_30 = tpu.memref_slice %arg4[%add3A_22, %dma_start3A_28, %dma_start3A_29] : memref<3200x1x100xi32, #tpu.memory_space<hbm>> -> memref<1x1x100xi32, #tpu.memory_space<hbm>>
    %dma_start3A_31 = tpu.memref_squeeze %dma_start3A_30 : memref<1x1x100xi32, #tpu.memory_space<hbm>> -> memref<1x100xi32, #tpu.memory_space<hbm>>
    %dma_start3A_32 = arith.constant 0 : i32
    %dma_start3A_33 = arith.constant 0 : i32
    %dma_start3A_34 = tpu.memref_slice %arg8[%dma_start3A_23, %dma_start3A_32, %dma_start3A_33] : memref<6x1x100xi32, #tpu.memory_space<vmem>> -> memref<1x1x100xi32, #tpu.memory_space<vmem>>
    %dma_start3A_35 = tpu.memref_squeeze %dma_start3A_34 : memref<1x1x100xi32, #tpu.memory_space<vmem>> -> memref<1x100xi32, #tpu.memory_space<vmem>>
    %dma_start3A_36 = arith.constant 0 : i32
    %dma_start3A_37 = arith.constant 0 : i32
    %dma_start3A_38 = tpu.memref_slice %arg4[%add3A_22, %dma_start3A_36, %dma_start3A_37] : memref<3200x1x100xi32, #tpu.memory_space<hbm>> -> memref<1x1x100xi32, #tpu.memory_space<hbm>>
    %dma_start3A_39 = tpu.memref_squeeze %dma_start3A_38 : memref<1x1x100xi32, #tpu.memory_space<hbm>> -> memref<1x100xi32, #tpu.memory_space<hbm>>
    tpu.enqueue_dma source(%dma_start3A_39 : memref<1x100xi32, #tpu.memory_space<hbm>>) target(%dma_start3A_35 : memref<1x100xi32, #tpu.memory_space<vmem>>) target_semaphore(%arg13 : memref<!tpu.dma_semaphore, #tpu.memory_space<semaphore_mem>>)
    %add3A_40 = arith.constant 1 : i32
    %add3A_41 = arith.addi %mul3A_2, %add3A_40 : i32
    %dma_start3A_42 = arith.constant 1 : i32
    %dma_start3A_43 = arith.constant 0 : i32
    %dma_start3A_44 = arith.constant 0 : i32
    %dma_start3A_45 = tpu.memref_slice %arg7[%dma_start3A_42, %dma_start3A_43, %dma_start3A_44] : memref<6x1x100xi32, #tpu.memory_space<vmem>> -> memref<1x1x100xi32, #tpu.memory_space<vmem>>
    %dma_start3A_46 = tpu.memref_squeeze %dma_start3A_45 : memref<1x1x100xi32, #tpu.memory_space<vmem>> -> memref<1x100xi32, #tpu.memory_space<vmem>>
    %dma_start3A_47 = arith.constant 0 : i32
    %dma_start3A_48 = arith.constant 0 : i32
    %dma_start3A_49 = tpu.memref_slice %arg3[%add3A_41, %dma_start3A_47, %dma_start3A_48] : memref<3200x1x100xi32, #tpu.memory_space<hbm>> -> memref<1x1x100xi32, #tpu.memory_space<hbm>>
    %dma_start3A_50 = tpu.memref_squeeze %dma_start3A_49 : memref<1x1x100xi32, #tpu.memory_space<hbm>> -> memref<1x100xi32, #tpu.memory_space<hbm>>
    %dma_start3A_51 = arith.constant 0 : i32
    %dma_start3A_52 = arith.constant 0 : i32
    %dma_start3A_53 = tpu.memref_slice %arg7[%dma_start3A_42, %dma_start3A_51, %dma_start3A_52] : memref<6x1x100xi32, #tpu.memory_space<vmem>> -> memref<1x1x100xi32, #tpu.memory_space<vmem>>
    %dma_start3A_54 = tpu.memref_squeeze %dma_start3A_53 : memref<1x1x100xi32, #tpu.memory_space<vmem>> -> memref<1x100xi32, #tpu.memory_space<vmem>>
    %dma_start3A_55 = arith.constant 0 : i32
    %dma_start3A_56 = arith.constant 0 : i32
    %dma_start3A_57 = tpu.memref_slice %arg3[%add3A_41, %dma_start3A_55, %dma_start3A_56] : memref<3200x1x100xi32, #tpu.memory_space<hbm>> -> memref<1x1x100xi32, #tpu.memory_space<hbm>>
    %dma_start3A_58 = tpu.memref_squeeze %dma_start3A_57 : memref<1x1x100xi32, #tpu.memory_space<hbm>> -> memref<1x100xi32, #tpu.memory_space<hbm>>
    tpu.enqueue_dma source(%dma_start3A_58 : memref<1x100xi32, #tpu.memory_space<hbm>>) target(%dma_start3A_54 : memref<1x100xi32, #tpu.memory_space<vmem>>) target_semaphore(%arg14 : memref<!tpu.dma_semaphore, #tpu.memory_space<semaphore_mem>>)
    %add3A_59 = arith.constant 1 : i32
    %add3A_60 = arith.addi %mul3A_2, %add3A_59 : i32
    %dma_start3A_61 = arith.constant 1 : i32
    %dma_start3A_62 = arith.constant 0 : i32
    %dma_start3A_63 = arith.constant 0 : i32
    %dma_start3A_64 = tpu.memref_slice %arg8[%dma_start3A_61, %dma_start3A_62, %dma_start3A_63] : memref<6x1x100xi32, #tpu.memory_space<vmem>> -> memref<1x1x100xi32, #tpu.memory_space<vmem>>
    %dma_start3A_65 = tpu.memref_squeeze %dma_start3A_64 : memref<1x1x100xi32, #tpu.memory_space<vmem>> -> memref<1x100xi32, #tpu.memory_space<vmem>>
    %dma_start3A_66 = arith.constant 0 : i32
    %dma_start3A_67 = arith.constant 0 : i32
    %dma_start3A_68 = tpu.memref_slice %arg4[%add3A_60, %dma_start3A_66, %dma_start3A_67] : memref<3200x1x100xi32, #tpu.memory_space<hbm>> -> memref<1x1x100xi32, #tpu.memory_space<hbm>>
    %dma_start3A_69 = tpu.memref_squeeze %dma_start3A_68 : memref<1x1x100xi32, #tpu.memory_space<hbm>> -> memref<1x100xi32, #tpu.memory_space<hbm>>
    %dma_start3A_70 = arith.constant 0 : i32
    %dma_start3A_71 = arith.constant 0 : i32
    %dma_start3A_72 = tpu.memref_slice %arg8[%dma_start3A_61, %dma_start3A_70, %dma_start3A_71] : memref<6x1x100xi32, #tpu.memory_space<vmem>> -> memref<1x1x100xi32, #tpu.memory_space<vmem>>
    %dma_start3A_73 = tpu.memref_squeeze %dma_start3A_72 : memref<1x1x100xi32, #tpu.memory_space<vmem>> -> memref<1x100xi32, #tpu.memory_space<vmem>>
    %dma_start3A_74 = arith.constant 0 : i32
    %dma_start3A_75 = arith.constant 0 : i32
    %dma_start3A_76 = tpu.memref_slice %arg4[%add3A_60, %dma_start3A_74, %dma_start3A_75] : memref<3200x1x100xi32, #tpu.memory_space<hbm>> -> memref<1x1x100xi32, #tpu.memory_space<hbm>>
    %dma_start3A_77 = tpu.memref_squeeze %dma_start3A_76 : memref<1x1x100xi32, #tpu.memory_space<hbm>> -> memref<1x100xi32, #tpu.memory_space<hbm>>
    tpu.enqueue_dma source(%dma_start3A_77 : memref<1x100xi32, #tpu.memory_space<hbm>>) target(%dma_start3A_73 : memref<1x100xi32, #tpu.memory_space<vmem>>) target_semaphore(%arg14 : memref<!tpu.dma_semaphore, #tpu.memory_space<semaphore_mem>>)
    %add3A_78 = arith.constant 2 : i32
    %add3A_79 = arith.addi %mul3A_2, %add3A_78 : i32
    %dma_start3A_80 = arith.constant 2 : i32
    %dma_start3A_81 = arith.constant 0 : i32
    %dma_start3A_82 = arith.constant 0 : i32
    %dma_start3A_83 = tpu.memref_slice %arg7[%dma_start3A_80, %dma_start3A_81, %dma_start3A_82] : memref<6x1x100xi32, #tpu.memory_space<vmem>> -> memref<1x1x100xi32, #tpu.memory_space<vmem>>
    %dma_start3A_84 = tpu.memref_squeeze %dma_start3A_83 : memref<1x1x100xi32, #tpu.memory_space<vmem>> -> memref<1x100xi32, #tpu.memory_space<vmem>>
    %dma_start3A_85 = arith.constant 0 : i32
    %dma_start3A_86 = arith.constant 0 : i32
    %dma_start3A_87 = tpu.memref_slice %arg3[%add3A_79, %dma_start3A_85, %dma_start3A_86] : memref<3200x1x100xi32, #tpu.memory_space<hbm>> -> memref<1x1x100xi32, #tpu.memory_space<hbm>>
    %dma_start3A_88 = tpu.memref_squeeze %dma_start3A_87 : memref<1x1x100xi32, #tpu.memory_space<hbm>> -> memref<1x100xi32, #tpu.memory_space<hbm>>
    %dma_start3A_89 = arith.constant 0 : i32
    %dma_start3A_90 = arith.constant 0 : i32
    %dma_start3A_91 = tpu.memref_slice %arg7[%dma_start3A_80, %dma_start3A_89, %dma_start3A_90] : memref<6x1x100xi32, #tpu.memory_space<vmem>> -> memref<1x1x100xi32, #tpu.memory_space<vmem>>
    %dma_start3A_92 = tpu.memref_squeeze %dma_start3A_91 : memref<1x1x100xi32, #tpu.memory_space<vmem>> -> memref<1x100xi32, #tpu.memory_space<vmem>>
    %dma_start3A_93 = arith.constant 0 : i32
    %dma_start3A_94 = arith.constant 0 : i32
    %dma_start3A_95 = tpu.memref_slice %arg3[%add3A_79, %dma_start3A_93, %dma_start3A_94] : memref<3200x1x100xi32, #tpu.memory_space<hbm>> -> memref<1x1x100xi32, #tpu.memory_space<hbm>>
    %dma_start3A_96 = tpu.memref_squeeze %dma_start3A_95 : memref<1x1x100xi32, #tpu.memory_space<hbm>> -> memref<1x100xi32, #tpu.memory_space<hbm>>
    tpu.enqueue_dma source(%dma_start3A_96 : memref<1x100xi32, #tpu.memory_space<hbm>>) target(%dma_start3A_92 : memref<1x100xi32, #tpu.memory_space<vmem>>) target_semaphore(%arg15 : memref<!tpu.dma_semaphore, #tpu.memory_space<semaphore_mem>>)
    %add3A_97 = arith.constant 2 : i32
    %add3A_98 = arith.addi %mul3A_2, %add3A_97 : i32
    %dma_start3A_99 = arith.constant 2 : i32
    %dma_start3A_100 = arith.constant 0 : i32
    %dma_start3A_101 = arith.constant 0 : i32
    %dma_start3A_102 = tpu.memref_slice %arg8[%dma_start3A_99, %dma_start3A_100, %dma_start3A_101] : memref<6x1x100xi32, #tpu.memory_space<vmem>> -> memref<1x1x100xi32, #tpu.memory_space<vmem>>
    %dma_start3A_103 = tpu.memref_squeeze %dma_start3A_102 : memref<1x1x100xi32, #tpu.memory_space<vmem>> -> memref<1x100xi32, #tpu.memory_space<vmem>>
    %dma_start3A_104 = arith.constant 0 : i32
    %dma_start3A_105 = arith.constant 0 : i32
    %dma_start3A_106 = tpu.memref_slice %arg4[%add3A_98, %dma_start3A_104, %dma_start3A_105] : memref<3200x1x100xi32, #tpu.memory_space<hbm>> -> memref<1x1x100xi32, #tpu.memory_space<hbm>>
    %dma_start3A_107 = tpu.memref_squeeze %dma_start3A_106 : memref<1x1x100xi32, #tpu.memory_space<hbm>> -> memref<1x100xi32, #tpu.memory_space<hbm>>
    %dma_start3A_108 = arith.constant 0 : i32
    %dma_start3A_109 = arith.constant 0 : i32
    %dma_start3A_110 = tpu.memref_slice %arg8[%dma_start3A_99, %dma_start3A_108, %dma_start3A_109] : memref<6x1x100xi32, #tpu.memory_space<vmem>> -> memref<1x1x100xi32, #tpu.memory_space<vmem>>
    %dma_start3A_111 = tpu.memref_squeeze %dma_start3A_110 : memref<1x1x100xi32, #tpu.memory_space<vmem>> -> memref<1x100xi32, #tpu.memory_space<vmem>>
    %dma_start3A_112 = arith.constant 0 : i32
    %dma_start3A_113 = arith.constant 0 : i32
    %dma_start3A_114 = tpu.memref_slice %arg4[%add3A_98, %dma_start3A_112, %dma_start3A_113] : memref<3200x1x100xi32, #tpu.memory_space<hbm>> -> memref<1x1x100xi32, #tpu.memory_space<hbm>>
    %dma_start3A_115 = tpu.memref_squeeze %dma_start3A_114 : memref<1x1x100xi32, #tpu.memory_space<hbm>> -> memref<1x100xi32, #tpu.memory_space<hbm>>
    tpu.enqueue_dma source(%dma_start3A_115 : memref<1x100xi32, #tpu.memory_space<hbm>>) target(%dma_start3A_111 : memref<1x100xi32, #tpu.memory_space<vmem>>) target_semaphore(%arg15 : memref<!tpu.dma_semaphore, #tpu.memory_space<semaphore_mem>>)
    %add3A_116 = arith.constant 3 : i32
    %add3A_117 = arith.addi %mul3A_2, %add3A_116 : i32
    %dma_start3A_118 = arith.constant 3 : i32
    %dma_start3A_119 = arith.constant 0 : i32
    %dma_start3A_120 = arith.constant 0 : i32
    %dma_start3A_121 = tpu.memref_slice %arg7[%dma_start3A_118, %dma_start3A_119, %dma_start3A_120] : memref<6x1x100xi32, #tpu.memory_space<vmem>> -> memref<1x1x100xi32, #tpu.memory_space<vmem>>
    %dma_start3A_122 = tpu.memref_squeeze %dma_start3A_121 : memref<1x1x100xi32, #tpu.memory_space<vmem>> -> memref<1x100xi32, #tpu.memory_space<vmem>>
    %dma_start3A_123 = arith.constant 0 : i32
    %dma_start3A_124 = arith.constant 0 : i32
    %dma_start3A_125 = tpu.memref_slice %arg3[%add3A_117, %dma_start3A_123, %dma_start3A_124] : memref<3200x1x100xi32, #tpu.memory_space<hbm>> -> memref<1x1x100xi32, #tpu.memory_space<hbm>>
    %dma_start3A_126 = tpu.memref_squeeze %dma_start3A_125 : memref<1x1x100xi32, #tpu.memory_space<hbm>> -> memref<1x100xi32, #tpu.memory_space<hbm>>
    %dma_start3A_127 = arith.constant 0 : i32
    %dma_start3A_128 = arith.constant 0 : i32
    %dma_start3A_129 = tpu.memref_slice %arg7[%dma_start3A_118, %dma_start3A_127, %dma_start3A_128] : memref<6x1x100xi32, #tpu.memory_space<vmem>> -> memref<1x1x100xi32, #tpu.memory_space<vmem>>
    %dma_start3A_130 = tpu.memref_squeeze %dma_start3A_129 : memref<1x1x100xi32, #tpu.memory_space<vmem>> -> memref<1x100xi32, #tpu.memory_space<vmem>>
    %dma_start3A_131 = arith.constant 0 : i32
    %dma_start3A_132 = arith.constant 0 : i32
    %dma_start3A_133 = tpu.memref_slice %arg3[%add3A_117, %dma_start3A_131, %dma_start3A_132] : memref<3200x1x100xi32, #tpu.memory_space<hbm>> -> memref<1x1x100xi32, #tpu.memory_space<hbm>>
    %dma_start3A_134 = tpu.memref_squeeze %dma_start3A_133 : memref<1x1x100xi32, #tpu.memory_space<hbm>> -> memref<1x100xi32, #tpu.memory_space<hbm>>
    tpu.enqueue_dma source(%dma_start3A_134 : memref<1x100xi32, #tpu.memory_space<hbm>>) target(%dma_start3A_130 : memref<1x100xi32, #tpu.memory_space<vmem>>) target_semaphore(%arg16 : memref<!tpu.dma_semaphore, #tpu.memory_space<semaphore_mem>>)
    %add3A_135 = arith.constant 3 : i32
    %add3A_136 = arith.addi %mul3A_2, %add3A_135 : i32
    %dma_start3A_137 = arith.constant 3 : i32
    %dma_start3A_138 = arith.constant 0 : i32
    %dma_start3A_139 = arith.constant 0 : i32
    %dma_start3A_140 = tpu.memref_slice %arg8[%dma_start3A_137, %dma_start3A_138, %dma_start3A_139] : memref<6x1x100xi32, #tpu.memory_space<vmem>> -> memref<1x1x100xi32, #tpu.memory_space<vmem>>
    %dma_start3A_141 = tpu.memref_squeeze %dma_start3A_140 : memref<1x1x100xi32, #tpu.memory_space<vmem>> -> memref<1x100xi32, #tpu.memory_space<vmem>>
    %dma_start3A_142 = arith.constant 0 : i32
    %dma_start3A_143 = arith.constant 0 : i32
    %dma_start3A_144 = tpu.memref_slice %arg4[%add3A_136, %dma_start3A_142, %dma_start3A_143] : memref<3200x1x100xi32, #tpu.memory_space<hbm>> -> memref<1x1x100xi32, #tpu.memory_space<hbm>>
    %dma_start3A_145 = tpu.memref_squeeze %dma_start3A_144 : memref<1x1x100xi32, #tpu.memory_space<hbm>> -> memref<1x100xi32, #tpu.memory_space<hbm>>
    %dma_start3A_146 = arith.constant 0 : i32
    %dma_start3A_147 = arith.constant 0 : i32
    %dma_start3A_148 = tpu.memref_slice %arg8[%dma_start3A_137, %dma_start3A_146, %dma_start3A_147] : memref<6x1x100xi32, #tpu.memory_space<vmem>> -> memref<1x1x100xi32, #tpu.memory_space<vmem>>
    %dma_start3A_149 = tpu.memref_squeeze %dma_start3A_148 : memref<1x1x100xi32, #tpu.memory_space<vmem>> -> memref<1x100xi32, #tpu.memory_space<vmem>>
    %dma_start3A_150 = arith.constant 0 : i32
    %dma_start3A_151 = arith.constant 0 : i32
    %dma_start3A_152 = tpu.memref_slice %arg4[%add3A_136, %dma_start3A_150, %dma_start3A_151] : memref<3200x1x100xi32, #tpu.memory_space<hbm>> -> memref<1x1x100xi32, #tpu.memory_space<hbm>>
    %dma_start3A_153 = tpu.memref_squeeze %dma_start3A_152 : memref<1x1x100xi32, #tpu.memory_space<hbm>> -> memref<1x100xi32, #tpu.memory_space<hbm>>
    tpu.enqueue_dma source(%dma_start3A_153 : memref<1x100xi32, #tpu.memory_space<hbm>>) target(%dma_start3A_149 : memref<1x100xi32, #tpu.memory_space<vmem>>) target_semaphore(%arg16 : memref<!tpu.dma_semaphore, #tpu.memory_space<semaphore_mem>>)
    %add3A_154 = arith.constant 0 : i32
    %add3A_155 = arith.addi %mul3A_2, %add3A_154 : i32
    %dma_wait3A = arith.constant 0 : i32
    %dma_wait3A_156 = arith.constant 0 : i32
    %dma_wait3A_157 = arith.constant 0 : i32
    %dma_wait3A_158 = tpu.memref_slice %arg7[%dma_wait3A, %dma_wait3A_156, %dma_wait3A_157] : memref<6x1x100xi32, #tpu.memory_space<vmem>> -> memref<1x1x100xi32, #tpu.memory_space<vmem>>
    %dma_wait3A_159 = tpu.memref_squeeze %dma_wait3A_158 : memref<1x1x100xi32, #tpu.memory_space<vmem>> -> memref<1x100xi32, #tpu.memory_space<vmem>>
    %dma_wait3A_160 = arith.constant 0 : i32
    %dma_wait3A_161 = arith.constant 0 : i32
    %dma_wait3A_162 = tpu.memref_slice %arg3[%add3A_155, %dma_wait3A_160, %dma_wait3A_161] : memref<3200x1x100xi32, #tpu.memory_space<hbm>> -> memref<1x1x100xi32, #tpu.memory_space<hbm>>
    %dma_wait3A_163 = tpu.memref_squeeze %dma_wait3A_162 : memref<1x1x100xi32, #tpu.memory_space<hbm>> -> memref<1x100xi32, #tpu.memory_space<hbm>>
    %dma_wait3A_164 = arith.constant 0 : i32
    %dma_wait3A_165 = arith.constant 0 : i32
    %dma_wait3A_166 = tpu.memref_slice %arg7[%dma_wait3A, %dma_wait3A_164, %dma_wait3A_165] : memref<6x1x100xi32, #tpu.memory_space<vmem>> -> memref<1x1x100xi32, #tpu.memory_space<vmem>>
    %dma_wait3A_167 = tpu.memref_squeeze %dma_wait3A_166 : memref<1x1x100xi32, #tpu.memory_space<vmem>> -> memref<1x100xi32, #tpu.memory_space<vmem>>
    %dma_wait3A_168 = arith.constant 0 : i32
    %dma_wait3A_169 = arith.constant 0 : i32
    %dma_wait3A_170 = tpu.memref_slice %arg3[%add3A_155, %dma_wait3A_168, %dma_wait3A_169] : memref<3200x1x100xi32, #tpu.memory_space<hbm>> -> memref<1x1x100xi32, #tpu.memory_space<hbm>>
    %dma_wait3A_171 = tpu.memref_squeeze %dma_wait3A_170 : memref<1x1x100xi32, #tpu.memory_space<hbm>> -> memref<1x100xi32, #tpu.memory_space<hbm>>
    tpu.wait_dma2 semaphore(%arg13 : memref<!tpu.dma_semaphore, #tpu.memory_space<semaphore_mem>>) src(%dma_wait3A_171 : memref<1x100xi32, #tpu.memory_space<hbm>>) dst(%dma_wait3A_167 : memref<1x100xi32, #tpu.memory_space<vmem>>)
    %add3A_172 = arith.constant 0 : i32
    %add3A_173 = arith.addi %mul3A_2, %add3A_172 : i32
    %dma_wait3A_174 = arith.constant 0 : i32
    %dma_wait3A_175 = arith.constant 0 : i32
    %dma_wait3A_176 = arith.constant 0 : i32
    %dma_wait3A_177 = tpu.memref_slice %arg8[%dma_wait3A_174, %dma_wait3A_175, %dma_wait3A_176] : memref<6x1x100xi32, #tpu.memory_space<vmem>> -> memref<1x1x100xi32, #tpu.memory_space<vmem>>
    %dma_wait3A_178 = tpu.memref_squeeze %dma_wait3A_177 : memref<1x1x100xi32, #tpu.memory_space<vmem>> -> memref<1x100xi32, #tpu.memory_space<vmem>>
    %dma_wait3A_179 = arith.constant 0 : i32
    %dma_wait3A_180 = arith.constant 0 : i32
    %dma_wait3A_181 = tpu.memref_slice %arg4[%add3A_173, %dma_wait3A_179, %dma_wait3A_180] : memref<3200x1x100xi32, #tpu.memory_space<hbm>> -> memref<1x1x100xi32, #tpu.memory_space<hbm>>
    %dma_wait3A_182 = tpu.memref_squeeze %dma_wait3A_181 : memref<1x1x100xi32, #tpu.memory_space<hbm>> -> memref<1x100xi32, #tpu.memory_space<hbm>>
    %dma_wait3A_183 = arith.constant 0 : i32
    %dma_wait3A_184 = arith.constant 0 : i32
    %dma_wait3A_185 = tpu.memref_slice %arg8[%dma_wait3A_174, %dma_wait3A_183, %dma_wait3A_184] : memref<6x1x100xi32, #tpu.memory_space<vmem>> -> memref<1x1x100xi32, #tpu.memory_space<vmem>>
    %dma_wait3A_186 = tpu.memref_squeeze %dma_wait3A_185 : memref<1x1x100xi32, #tpu.memory_space<vmem>> -> memref<1x100xi32, #tpu.memory_space<vmem>>
    %dma_wait3A_187 = arith.constant 0 : i32
    %dma_wait3A_188 = arith.constant 0 : i32
    %dma_wait3A_189 = tpu.memref_slice %arg4[%add3A_173, %dma_wait3A_187, %dma_wait3A_188] : memref<3200x1x100xi32, #tpu.memory_space<hbm>> -> memref<1x1x100xi32, #tpu.memory_space<hbm>>
    %dma_wait3A_190 = tpu.memref_squeeze %dma_wait3A_189 : memref<1x1x100xi32, #tpu.memory_space<hbm>> -> memref<1x100xi32, #tpu.memory_space<hbm>>
    tpu.wait_dma2 semaphore(%arg13 : memref<!tpu.dma_semaphore, #tpu.memory_space<semaphore_mem>>) src(%dma_wait3A_190 : memref<1x100xi32, #tpu.memory_space<hbm>>) dst(%dma_wait3A_186 : memref<1x100xi32, #tpu.memory_space<vmem>>)
    %dma_start3A_191 = arith.constant 0 : i32
    %dma_start3A_192 = arith.constant 0 : i32
    %dma_start3A_193 = arith.constant 0 : i32
    %dma_start3A_194 = tpu.memref_slice %arg7[%dma_start3A_191, %dma_start3A_192, %dma_start3A_193] : memref<6x1x100xi32, #tpu.memory_space<vmem>> -> memref<1x1x100xi32, #tpu.memory_space<vmem>>
    %dma_start3A_195 = tpu.memref_squeeze %dma_start3A_194 : memref<1x1x100xi32, #tpu.memory_space<vmem>> -> memref<100xi32, #tpu.memory_space<vmem>>
    %dma_start3A_196 = arith.constant 0 : i32
    %dma_start3A_197 = arith.constant 0 : i32
    %dma_start3A_198 = tpu.memref_slice %arg2[%dma_start3A_196, %dma_start3A_197] : memref<10000x128xf32, #tpu.memory_space<hbm>> -> memref<10000x128xf32, #tpu.memory_space<hbm>>
    tpu.enqueue_indirect_dma source(%dma_start3A_198 : memref<10000x128xf32, #tpu.memory_space<hbm>>) target(%arg9 : memref<100x128xf32, #tpu.memory_space<vmem>>) offsets(%dma_start3A_195 : memref<100xi32, #tpu.memory_space<vmem>>) semaphore(%arg19 : memref<!tpu.dma_semaphore, #tpu.memory_space<semaphore_mem>>)
    %add3A_199 = arith.constant 1 : i32
    %add3A_200 = arith.addi %mul3A_2, %add3A_199 : i32
    %dma_wait3A_201 = arith.constant 1 : i32
    %dma_wait3A_202 = arith.constant 0 : i32
    %dma_wait3A_203 = arith.constant 0 : i32
    %dma_wait3A_204 = tpu.memref_slice %arg7[%dma_wait3A_201, %dma_wait3A_202, %dma_wait3A_203] : memref<6x1x100xi32, #tpu.memory_space<vmem>> -> memref<1x1x100xi32, #tpu.memory_space<vmem>>
    %dma_wait3A_205 = tpu.memref_squeeze %dma_wait3A_204 : memref<1x1x100xi32, #tpu.memory_space<vmem>> -> memref<1x100xi32, #tpu.memory_space<vmem>>
    %dma_wait3A_206 = arith.constant 0 : i32
    %dma_wait3A_207 = arith.constant 0 : i32
    %dma_wait3A_208 = tpu.memref_slice %arg3[%add3A_200, %dma_wait3A_206, %dma_wait3A_207] : memref<3200x1x100xi32, #tpu.memory_space<hbm>> -> memref<1x1x100xi32, #tpu.memory_space<hbm>>
    %dma_wait3A_209 = tpu.memref_squeeze %dma_wait3A_208 : memref<1x1x100xi32, #tpu.memory_space<hbm>> -> memref<1x100xi32, #tpu.memory_space<hbm>>
    %dma_wait3A_210 = arith.constant 0 : i32
    %dma_wait3A_211 = arith.constant 0 : i32
    %dma_wait3A_212 = tpu.memref_slice %arg7[%dma_wait3A_201, %dma_wait3A_210, %dma_wait3A_211] : memref<6x1x100xi32, #tpu.memory_space<vmem>> -> memref<1x1x100xi32, #tpu.memory_space<vmem>>
    %dma_wait3A_213 = tpu.memref_squeeze %dma_wait3A_212 : memref<1x1x100xi32, #tpu.memory_space<vmem>> -> memref<1x100xi32, #tpu.memory_space<vmem>>
    %dma_wait3A_214 = arith.constant 0 : i32
    %dma_wait3A_215 = arith.constant 0 : i32
    %dma_wait3A_216 = tpu.memref_slice %arg3[%add3A_200, %dma_wait3A_214, %dma_wait3A_215] : memref<3200x1x100xi32, #tpu.memory_space<hbm>> -> memref<1x1x100xi32, #tpu.memory_space<hbm>>
    %dma_wait3A_217 = tpu.memref_squeeze %dma_wait3A_216 : memref<1x1x100xi32, #tpu.memory_space<hbm>> -> memref<1x100xi32, #tpu.memory_space<hbm>>
    tpu.wait_dma2 semaphore(%arg14 : memref<!tpu.dma_semaphore, #tpu.memory_space<semaphore_mem>>) src(%dma_wait3A_217 : memref<1x100xi32, #tpu.memory_space<hbm>>) dst(%dma_wait3A_213 : memref<1x100xi32, #tpu.memory_space<vmem>>)
    %add3A_218 = arith.constant 1 : i32
    %add3A_219 = arith.addi %mul3A_2, %add3A_218 : i32
    %dma_wait3A_220 = arith.constant 1 : i32
    %dma_wait3A_221 = arith.constant 0 : i32
    %dma_wait3A_222 = arith.constant 0 : i32
    %dma_wait3A_223 = tpu.memref_slice %arg8[%dma_wait3A_220, %dma_wait3A_221, %dma_wait3A_222] : memref<6x1x100xi32, #tpu.memory_space<vmem>> -> memref<1x1x100xi32, #tpu.memory_space<vmem>>
    %dma_wait3A_224 = tpu.memref_squeeze %dma_wait3A_223 : memref<1x1x100xi32, #tpu.memory_space<vmem>> -> memref<1x100xi32, #tpu.memory_space<vmem>>
    %dma_wait3A_225 = arith.constant 0 : i32
    %dma_wait3A_226 = arith.constant 0 : i32
    %dma_wait3A_227 = tpu.memref_slice %arg4[%add3A_219, %dma_wait3A_225, %dma_wait3A_226] : memref<3200x1x100xi32, #tpu.memory_space<hbm>> -> memref<1x1x100xi32, #tpu.memory_space<hbm>>
    %dma_wait3A_228 = tpu.memref_squeeze %dma_wait3A_227 : memref<1x1x100xi32, #tpu.memory_space<hbm>> -> memref<1x100xi32, #tpu.memory_space<hbm>>
    %dma_wait3A_229 = arith.constant 0 : i32
    %dma_wait3A_230 = arith.constant 0 : i32
    %dma_wait3A_231 = tpu.memref_slice %arg8[%dma_wait3A_220, %dma_wait3A_229, %dma_wait3A_230] : memref<6x1x100xi32, #tpu.memory_space<vmem>> -> memref<1x1x100xi32, #tpu.memory_space<vmem>>
    %dma_wait3A_232 = tpu.memref_squeeze %dma_wait3A_231 : memref<1x1x100xi32, #tpu.memory_space<vmem>> -> memref<1x100xi32, #tpu.memory_space<vmem>>
    %dma_wait3A_233 = arith.constant 0 : i32
    %dma_wait3A_234 = arith.constant 0 : i32
    %dma_wait3A_235 = tpu.memref_slice %arg4[%add3A_219, %dma_wait3A_233, %dma_wait3A_234] : memref<3200x1x100xi32, #tpu.memory_space<hbm>> -> memref<1x1x100xi32, #tpu.memory_space<hbm>>
    %dma_wait3A_236 = tpu.memref_squeeze %dma_wait3A_235 : memref<1x1x100xi32, #tpu.memory_space<hbm>> -> memref<1x100xi32, #tpu.memory_space<hbm>>
    tpu.wait_dma2 semaphore(%arg14 : memref<!tpu.dma_semaphore, #tpu.memory_space<semaphore_mem>>) src(%dma_wait3A_236 : memref<1x100xi32, #tpu.memory_space<hbm>>) dst(%dma_wait3A_232 : memref<1x100xi32, #tpu.memory_space<vmem>>)
    %dma_start3A_237 = arith.constant 1 : i32
    %dma_start3A_238 = arith.constant 0 : i32
    %dma_start3A_239 = arith.constant 0 : i32
    %dma_start3A_240 = tpu.memref_slice %arg7[%dma_start3A_237, %dma_start3A_238, %dma_start3A_239] : memref<6x1x100xi32, #tpu.memory_space<vmem>> -> memref<1x1x100xi32, #tpu.memory_space<vmem>>
    %dma_start3A_241 = tpu.memref_squeeze %dma_start3A_240 : memref<1x1x100xi32, #tpu.memory_space<vmem>> -> memref<100xi32, #tpu.memory_space<vmem>>
    %dma_start3A_242 = arith.constant 0 : i32
    %dma_start3A_243 = arith.constant 0 : i32
    %dma_start3A_244 = tpu.memref_slice %arg2[%dma_start3A_242, %dma_start3A_243] : memref<10000x128xf32, #tpu.memory_space<hbm>> -> memref<10000x128xf32, #tpu.memory_space<hbm>>
    tpu.enqueue_indirect_dma source(%dma_start3A_244 : memref<10000x128xf32, #tpu.memory_space<hbm>>) target(%arg10 : memref<100x128xf32, #tpu.memory_space<vmem>>) offsets(%dma_start3A_241 : memref<100xi32, #tpu.memory_space<vmem>>) semaphore(%arg20 : memref<!tpu.dma_semaphore, #tpu.memory_space<semaphore_mem>>)
    %mul3A_245 = arith.constant 632 : i32
    %mul3A_246 = arith.muli %arg1, %mul3A_245 : i32
    %mul3A_247 = arith.constant 632 : i32
    %mul3A_248 = arith.muli %arg1, %mul3A_247 : i32
    "tpu.region"() ({
      %run_scoped3A = tpu.sem_alloc : memref<!tpu.dma_semaphore, #tpu.memory_space<semaphore_mem>>
      %dma_start3A_423 = arith.constant 0 : i32
      %dma_start3A_424 = tpu.memref_slice %arg12[%mul3A_248, %dma_start3A_423] : memref<10112x128xf32, #tpu.memory_space<vmem_shared>> -> memref<632x128xf32, #tpu.memory_space<vmem_shared>>
      %dma_start3A_425 = arith.constant 0 : i32
      %dma_start3A_426 = tpu.memref_slice %arg5[%mul3A_246, %dma_start3A_425] : memref<10112x128xf32, #tpu.memory_space<hbm>> -> memref<632x128xf32, #tpu.memory_space<hbm>>
      tpu.enqueue_dma source(%dma_start3A_426 : memref<632x128xf32, #tpu.memory_space<hbm>>) target(%dma_start3A_424 : memref<632x128xf32, #tpu.memory_space<vmem_shared>>) target_semaphore(%run_scoped3A : memref<!tpu.dma_semaphore, #tpu.memory_space<semaphore_mem>>)
      %dma_wait3A_427 = arith.constant 0 : i32
      %dma_wait3A_428 = tpu.memref_slice %arg12[%mul3A_248, %dma_wait3A_427] : memref<10112x128xf32, #tpu.memory_space<vmem_shared>> -> memref<632x128xf32, #tpu.memory_space<vmem_shared>>
      %dma_wait3A_429 = arith.constant 0 : i32
      %dma_wait3A_430 = tpu.memref_slice %arg5[%mul3A_246, %dma_wait3A_429] : memref<10112x128xf32, #tpu.memory_space<hbm>> -> memref<632x128xf32, #tpu.memory_space<hbm>>
      tpu.wait_dma2 semaphore(%run_scoped3A : memref<!tpu.dma_semaphore, #tpu.memory_space<semaphore_mem>>) src(%dma_wait3A_430 : memref<632x128xf32, #tpu.memory_space<hbm>>) dst(%dma_wait3A_428 : memref<632x128xf32, #tpu.memory_space<vmem_shared>>)
      tpu.yield
    }) : () -> ()
    %barrier3A = arith.constant 0 : index
    tpu.barrier barrier_id(%barrier3A)
    %scan3A = arith.constant 0 : i32
    %scan3A_249 = arith.constant 0 : i32
    %scan3A_250 = arith.constant 16 : i32
    %scan3A_251 = arith.addi %scan3A_249, %scan3A_250 : i32
    %scan3A_252 = arith.constant 1 : i32
    scf.for %scan3A_423 = %scan3A_249 to %scan3A_251 step %scan3A_252  : i32 {
      %mul3A_424 = arith.constant 6 : i32
      %mul3A_425 = arith.muli %scan3A_423, %mul3A_424 : i32
      %add3A_426 = arith.constant 0 : i32
      %add3A_427 = arith.addi %mul3A_425, %add3A_426 : i32
      %dma_wait3A_428 = arith.constant 0 : i32
      %dma_wait3A_429 = arith.constant 0 : i32
      %dma_wait3A_430 = arith.constant 0 : i32
      %dma_wait3A_431 = tpu.memref_slice %arg7[%dma_wait3A_428, %dma_wait3A_429, %dma_wait3A_430] : memref<6x1x100xi32, #tpu.memory_space<vmem>> -> memref<1x1x100xi32, #tpu.memory_space<vmem>>
      %dma_wait3A_432 = tpu.memref_squeeze %dma_wait3A_431 : memref<1x1x100xi32, #tpu.memory_space<vmem>> -> memref<100xi32, #tpu.memory_space<vmem>>
      %dma_wait3A_433 = arith.constant 0 : i32
      %dma_wait3A_434 = arith.constant 0 : i32
      %dma_wait3A_435 = tpu.memref_slice %arg2[%dma_wait3A_433, %dma_wait3A_434] : memref<10000x128xf32, #tpu.memory_space<hbm>> -> memref<10000x128xf32, #tpu.memory_space<hbm>>
      tpu.wait_indirect_dma semaphore(%arg19 : memref<!tpu.dma_semaphore, #tpu.memory_space<semaphore_mem>>) src(%dma_wait3A_435 : memref<10000x128xf32, #tpu.memory_space<hbm>>) dst(%arg9 : memref<100x128xf32, #tpu.memory_space<vmem>>)
      %gt3A_436 = arith.constant 0 : i32
      %gt3A_437 = arith.cmpi sgt, %add3A_427, %gt3A_436 : i32
      %convert_element_type3A_438 = arith.extui %gt3A_437 : i1 to i32
      %cond3A_439 = arith.constant 0 : i32
      %cond3A_440 = arith.cmpi ne, %convert_element_type3A_438, %cond3A_439 : i32
      scf.if %cond3A_440 {
        %dma_wait3A_658 = arith.constant 5 : i32
        %dma_wait3A_659 = arith.constant 0 : i32
        %dma_wait3A_660 = arith.constant 0 : i32
        %dma_wait3A_661 = tpu.memref_slice %arg8[%dma_wait3A_658, %dma_wait3A_659, %dma_wait3A_660] : memref<6x1x100xi32, #tpu.memory_space<vmem>> -> memref<1x1x100xi32, #tpu.memory_space<vmem>>
        %dma_wait3A_662 = tpu.memref_squeeze %dma_wait3A_661 : memref<1x1x100xi32, #tpu.memory_space<vmem>> -> memref<100xi32, #tpu.memory_space<vmem>>
        %dma_wait3A_663 = arith.constant 0 : i32
        %dma_wait3A_664 = arith.constant 0 : i32
        %dma_wait3A_665 = tpu.memref_slice %arg12[%dma_wait3A_663, %dma_wait3A_664] : memref<10112x128xf32, #tpu.memory_space<vmem_shared>> -> memref<10112x128xf32, #tpu.memory_space<vmem_shared>>
        tpu.wait_indirect_dma semaphore(%arg22 : memref<!tpu.dma_semaphore, #tpu.memory_space<semaphore_mem>>) src(%arg11 : memref<100x128xf32, #tpu.memory_space<vmem>>) dst(%dma_wait3A_665 : memref<10112x128xf32, #tpu.memory_space<vmem_shared>>)
      } else {
      }
      %dma_start3A_441 = arith.constant 0 : i32
      %dma_start3A_442 = arith.constant 0 : i32
      %dma_start3A_443 = arith.constant 0 : i32
      %dma_start3A_444 = tpu.memref_slice %arg8[%dma_start3A_441, %dma_start3A_442, %dma_start3A_443] : memref<6x1x100xi32, #tpu.memory_space<vmem>> -> memref<1x1x100xi32, #tpu.memory_space<vmem>>
      %dma_start3A_445 = tpu.memref_squeeze %dma_start3A_444 : memref<1x1x100xi32, #tpu.memory_space<vmem>> -> memref<100xi32, #tpu.memory_space<vmem>>
      %dma_start3A_446 = arith.constant 0 : i32
      %dma_start3A_447 = arith.constant 0 : i32
      %dma_start3A_448 = tpu.memref_slice %arg12[%dma_start3A_446, %dma_start3A_447] : memref<10112x128xf32, #tpu.memory_space<vmem_shared>> -> memref<10112x128xf32, #tpu.memory_space<vmem_shared>>
      tpu.enqueue_indirect_dma source(%arg9 : memref<100x128xf32, #tpu.memory_space<vmem>>) target(%dma_start3A_448 : memref<10112x128xf32, #tpu.memory_space<vmem_shared>>) offsets(%dma_start3A_445 : memref<100xi32, #tpu.memory_space<vmem>>) semaphore(%arg22 : memref<!tpu.dma_semaphore, #tpu.memory_space<semaphore_mem>>) {add = true}
      %add3A_449 = arith.constant 4 : i32
      %add3A_450 = arith.addi %add3A_427, %add3A_449 : i32
      %lt3A_451 = arith.constant 100 : i32
      %lt3A_452 = arith.cmpi slt, %add3A_450, %lt3A_451 : i32
      %convert_element_type3A_453 = arith.extui %lt3A_452 : i1 to i32
      %cond3A_454 = arith.constant 0 : i32
      %cond3A_455 = arith.cmpi ne, %convert_element_type3A_453, %cond3A_454 : i32
      scf.if %cond3A_455 {
        %add3A_658 = arith.constant 4 : i32
        %add3A_659 = arith.addi %add3A_427, %add3A_658 : i32
        %add3A_660 = arith.addi %mul3A_2, %add3A_659 : i32
        %dma_start3A_661 = arith.constant 4 : i32
        %dma_start3A_662 = arith.constant 0 : i32
        %dma_start3A_663 = arith.constant 0 : i32
        %dma_start3A_664 = tpu.memref_slice %arg7[%dma_start3A_661, %dma_start3A_662, %dma_start3A_663] : memref<6x1x100xi32, #tpu.memory_space<vmem>> -> memref<1x1x100xi32, #tpu.memory_space<vmem>>
        %dma_start3A_665 = tpu.memref_squeeze %dma_start3A_664 : memref<1x1x100xi32, #tpu.memory_space<vmem>> -> memref<1x100xi32, #tpu.memory_space<vmem>>
        %dma_start3A_666 = arith.constant 0 : i32
        %dma_start3A_667 = arith.constant 0 : i32
        %dma_start3A_668 = tpu.memref_slice %arg3[%add3A_660, %dma_start3A_666, %dma_start3A_667] : memref<3200x1x100xi32, #tpu.memory_space<hbm>> -> memref<1x1x100xi32, #tpu.memory_space<hbm>>
        %dma_start3A_669 = tpu.memref_squeeze %dma_start3A_668 : memref<1x1x100xi32, #tpu.memory_space<hbm>> -> memref<1x100xi32, #tpu.memory_space<hbm>>
        %dma_start3A_670 = arith.constant 0 : i32
        %dma_start3A_671 = arith.constant 0 : i32
        %dma_start3A_672 = tpu.memref_slice %arg7[%dma_start3A_661, %dma_start3A_670, %dma_start3A_671] : memref<6x1x100xi32, #tpu.memory_space<vmem>> -> memref<1x1x100xi32, #tpu.memory_space<vmem>>
        %dma_start3A_673 = tpu.memref_squeeze %dma_start3A_672 : memref<1x1x100xi32, #tpu.memory_space<vmem>> -> memref<1x100xi32, #tpu.memory_space<vmem>>
        %dma_start3A_674 = arith.constant 0 : i32
        %dma_start3A_675 = arith.constant 0 : i32
        %dma_start3A_676 = tpu.memref_slice %arg3[%add3A_660, %dma_start3A_674, %dma_start3A_675] : memref<3200x1x100xi32, #tpu.memory_space<hbm>> -> memref<1x1x100xi32, #tpu.memory_space<hbm>>
        %dma_start3A_677 = tpu.memref_squeeze %dma_start3A_676 : memref<1x1x100xi32, #tpu.memory_space<hbm>> -> memref<1x100xi32, #tpu.memory_space<hbm>>
        tpu.enqueue_dma source(%dma_start3A_677 : memref<1x100xi32, #tpu.memory_space<hbm>>) target(%dma_start3A_673 : memref<1x100xi32, #tpu.memory_space<vmem>>) target_semaphore(%arg17 : memref<!tpu.dma_semaphore, #tpu.memory_space<semaphore_mem>>)
        %add3A_678 = arith.addi %mul3A_2, %add3A_659 : i32
        %dma_start3A_679 = arith.constant 4 : i32
        %dma_start3A_680 = arith.constant 0 : i32
        %dma_start3A_681 = arith.constant 0 : i32
        %dma_start3A_682 = tpu.memref_slice %arg8[%dma_start3A_679, %dma_start3A_680, %dma_start3A_681] : memref<6x1x100xi32, #tpu.memory_space<vmem>> -> memref<1x1x100xi32, #tpu.memory_space<vmem>>
        %dma_start3A_683 = tpu.memref_squeeze %dma_start3A_682 : memref<1x1x100xi32, #tpu.memory_space<vmem>> -> memref<1x100xi32, #tpu.memory_space<vmem>>
        %dma_start3A_684 = arith.constant 0 : i32
        %dma_start3A_685 = arith.constant 0 : i32
        %dma_start3A_686 = tpu.memref_slice %arg4[%add3A_678, %dma_start3A_684, %dma_start3A_685] : memref<3200x1x100xi32, #tpu.memory_space<hbm>> -> memref<1x1x100xi32, #tpu.memory_space<hbm>>
        %dma_start3A_687 = tpu.memref_squeeze %dma_start3A_686 : memref<1x1x100xi32, #tpu.memory_space<hbm>> -> memref<1x100xi32, #tpu.memory_space<hbm>>
        %dma_start3A_688 = arith.constant 0 : i32
        %dma_start3A_689 = arith.constant 0 : i32
        %dma_start3A_690 = tpu.memref_slice %arg8[%dma_start3A_679, %dma_start3A_688, %dma_start3A_689] : memref<6x1x100xi32, #tpu.memory_space<vmem>> -> memref<1x1x100xi32, #tpu.memory_space<vmem>>
        %dma_start3A_691 = tpu.memref_squeeze %dma_start3A_690 : memref<1x1x100xi32, #tpu.memory_space<vmem>> -> memref<1x100xi32, #tpu.memory_space<vmem>>
        %dma_start3A_692 = arith.constant 0 : i32
        %dma_start3A_693 = arith.constant 0 : i32
        %dma_start3A_694 = tpu.memref_slice %arg4[%add3A_678, %dma_start3A_692, %dma_start3A_693] : memref<3200x1x100xi32, #tpu.memory_space<hbm>> -> memref<1x1x100xi32, #tpu.memory_space<hbm>>
        %dma_start3A_695 = tpu.memref_squeeze %dma_start3A_694 : memref<1x1x100xi32, #tpu.memory_space<hbm>> -> memref<1x100xi32, #tpu.memory_space<hbm>>
        tpu.enqueue_dma source(%dma_start3A_695 : memref<1x100xi32, #tpu.memory_space<hbm>>) target(%dma_start3A_691 : memref<1x100xi32, #tpu.memory_space<vmem>>) target_semaphore(%arg17 : memref<!tpu.dma_semaphore, #tpu.memory_space<semaphore_mem>>)
      } else {
      }
      %add3A_456 = arith.constant 2 : i32
      %add3A_457 = arith.addi %add3A_427, %add3A_456 : i32
      %lt3A_458 = arith.constant 100 : i32
      %lt3A_459 = arith.cmpi slt, %add3A_457, %lt3A_458 : i32
      %convert_element_type3A_460 = arith.extui %lt3A_459 : i1 to i32
      %cond3A_461 = arith.constant 0 : i32
      %cond3A_462 = arith.cmpi ne, %convert_element_type3A_460, %cond3A_461 : i32
      scf.if %cond3A_462 {
        %add3A_658 = arith.constant 2 : i32
        %add3A_659 = arith.addi %add3A_427, %add3A_658 : i32
        %add3A_660 = arith.addi %mul3A_2, %add3A_659 : i32
        %dma_wait3A_661 = arith.constant 2 : i32
        %dma_wait3A_662 = arith.constant 0 : i32
        %dma_wait3A_663 = arith.constant 0 : i32
        %dma_wait3A_664 = tpu.memref_slice %arg7[%dma_wait3A_661, %dma_wait3A_662, %dma_wait3A_663] : memref<6x1x100xi32, #tpu.memory_space<vmem>> -> memref<1x1x100xi32, #tpu.memory_space<vmem>>
        %dma_wait3A_665 = tpu.memref_squeeze %dma_wait3A_664 : memref<1x1x100xi32, #tpu.memory_space<vmem>> -> memref<1x100xi32, #tpu.memory_space<vmem>>
        %dma_wait3A_666 = arith.constant 0 : i32
        %dma_wait3A_667 = arith.constant 0 : i32
        %dma_wait3A_668 = tpu.memref_slice %arg3[%add3A_660, %dma_wait3A_666, %dma_wait3A_667] : memref<3200x1x100xi32, #tpu.memory_space<hbm>> -> memref<1x1x100xi32, #tpu.memory_space<hbm>>
        %dma_wait3A_669 = tpu.memref_squeeze %dma_wait3A_668 : memref<1x1x100xi32, #tpu.memory_space<hbm>> -> memref<1x100xi32, #tpu.memory_space<hbm>>
        %dma_wait3A_670 = arith.constant 0 : i32
        %dma_wait3A_671 = arith.constant 0 : i32
        %dma_wait3A_672 = tpu.memref_slice %arg7[%dma_wait3A_661, %dma_wait3A_670, %dma_wait3A_671] : memref<6x1x100xi32, #tpu.memory_space<vmem>> -> memref<1x1x100xi32, #tpu.memory_space<vmem>>
        %dma_wait3A_673 = tpu.memref_squeeze %dma_wait3A_672 : memref<1x1x100xi32, #tpu.memory_space<vmem>> -> memref<1x100xi32, #tpu.memory_space<vmem>>
        %dma_wait3A_674 = arith.constant 0 : i32
        %dma_wait3A_675 = arith.constant 0 : i32
        %dma_wait3A_676 = tpu.memref_slice %arg3[%add3A_660, %dma_wait3A_674, %dma_wait3A_675] : memref<3200x1x100xi32, #tpu.memory_space<hbm>> -> memref<1x1x100xi32, #tpu.memory_space<hbm>>
        %dma_wait3A_677 = tpu.memref_squeeze %dma_wait3A_676 : memref<1x1x100xi32, #tpu.memory_space<hbm>> -> memref<1x100xi32, #tpu.memory_space<hbm>>
        tpu.wait_dma2 semaphore(%arg15 : memref<!tpu.dma_semaphore, #tpu.memory_space<semaphore_mem>>) src(%dma_wait3A_677 : memref<1x100xi32, #tpu.memory_space<hbm>>) dst(%dma_wait3A_673 : memref<1x100xi32, #tpu.memory_space<vmem>>)
        %add3A_678 = arith.addi %mul3A_2, %add3A_659 : i32
        %dma_wait3A_679 = arith.constant 2 : i32
        %dma_wait3A_680 = arith.constant 0 : i32
        %dma_wait3A_681 = arith.constant 0 : i32
        %dma_wait3A_682 = tpu.memref_slice %arg8[%dma_wait3A_679, %dma_wait3A_680, %dma_wait3A_681] : memref<6x1x100xi32, #tpu.memory_space<vmem>> -> memref<1x1x100xi32, #tpu.memory_space<vmem>>
        %dma_wait3A_683 = tpu.memref_squeeze %dma_wait3A_682 : memref<1x1x100xi32, #tpu.memory_space<vmem>> -> memref<1x100xi32, #tpu.memory_space<vmem>>
        %dma_wait3A_684 = arith.constant 0 : i32
        %dma_wait3A_685 = arith.constant 0 : i32
        %dma_wait3A_686 = tpu.memref_slice %arg4[%add3A_678, %dma_wait3A_684, %dma_wait3A_685] : memref<3200x1x100xi32, #tpu.memory_space<hbm>> -> memref<1x1x100xi32, #tpu.memory_space<hbm>>
        %dma_wait3A_687 = tpu.memref_squeeze %dma_wait3A_686 : memref<1x1x100xi32, #tpu.memory_space<hbm>> -> memref<1x100xi32, #tpu.memory_space<hbm>>
        %dma_wait3A_688 = arith.constant 0 : i32
        %dma_wait3A_689 = arith.constant 0 : i32
        %dma_wait3A_690 = tpu.memref_slice %arg8[%dma_wait3A_679, %dma_wait3A_688, %dma_wait3A_689] : memref<6x1x100xi32, #tpu.memory_space<vmem>> -> memref<1x1x100xi32, #tpu.memory_space<vmem>>
        %dma_wait3A_691 = tpu.memref_squeeze %dma_wait3A_690 : memref<1x1x100xi32, #tpu.memory_space<vmem>> -> memref<1x100xi32, #tpu.memory_space<vmem>>
        %dma_wait3A_692 = arith.constant 0 : i32
        %dma_wait3A_693 = arith.constant 0 : i32
        %dma_wait3A_694 = tpu.memref_slice %arg4[%add3A_678, %dma_wait3A_692, %dma_wait3A_693] : memref<3200x1x100xi32, #tpu.memory_space<hbm>> -> memref<1x1x100xi32, #tpu.memory_space<hbm>>
        %dma_wait3A_695 = tpu.memref_squeeze %dma_wait3A_694 : memref<1x1x100xi32, #tpu.memory_space<hbm>> -> memref<1x100xi32, #tpu.memory_space<hbm>>
        tpu.wait_dma2 semaphore(%arg15 : memref<!tpu.dma_semaphore, #tpu.memory_space<semaphore_mem>>) src(%dma_wait3A_695 : memref<1x100xi32, #tpu.memory_space<hbm>>) dst(%dma_wait3A_691 : memref<1x100xi32, #tpu.memory_space<vmem>>)
        %dma_start3A_696 = arith.constant 2 : i32
        %dma_start3A_697 = arith.constant 0 : i32
        %dma_start3A_698 = arith.constant 0 : i32
        %dma_start3A_699 = tpu.memref_slice %arg7[%dma_start3A_696, %dma_start3A_697, %dma_start3A_698] : memref<6x1x100xi32, #tpu.memory_space<vmem>> -> memref<1x1x100xi32, #tpu.memory_space<vmem>>
        %dma_start3A_700 = tpu.memref_squeeze %dma_start3A_699 : memref<1x1x100xi32, #tpu.memory_space<vmem>> -> memref<100xi32, #tpu.memory_space<vmem>>
        %dma_start3A_701 = arith.constant 0 : i32
        %dma_start3A_702 = arith.constant 0 : i32
        %dma_start3A_703 = tpu.memref_slice %arg2[%dma_start3A_701, %dma_start3A_702] : memref<10000x128xf32, #tpu.memory_space<hbm>> -> memref<10000x128xf32, #tpu.memory_space<hbm>>
        tpu.enqueue_indirect_dma source(%dma_start3A_703 : memref<10000x128xf32, #tpu.memory_space<hbm>>) target(%arg11 : memref<100x128xf32, #tpu.memory_space<vmem>>) offsets(%dma_start3A_700 : memref<100xi32, #tpu.memory_space<vmem>>) semaphore(%arg21 : memref<!tpu.dma_semaphore, #tpu.memory_space<semaphore_mem>>)
      } else {
      }
      %mul3A_463 = arith.constant 6 : i32
      %mul3A_464 = arith.muli %scan3A_423, %mul3A_463 : i32
      %add3A_465 = arith.constant 1 : i32
      %add3A_466 = arith.addi %mul3A_464, %add3A_465 : i32
      %dma_wait3A_467 = arith.constant 1 : i32
      %dma_wait3A_468 = arith.constant 0 : i32
      %dma_wait3A_469 = arith.constant 0 : i32
      %dma_wait3A_470 = tpu.memref_slice %arg7[%dma_wait3A_467, %dma_wait3A_468, %dma_wait3A_469] : memref<6x1x100xi32, #tpu.memory_space<vmem>> -> memref<1x1x100xi32, #tpu.memory_space<vmem>>
      %dma_wait3A_471 = tpu.memref_squeeze %dma_wait3A_470 : memref<1x1x100xi32, #tpu.memory_space<vmem>> -> memref<100xi32, #tpu.memory_space<vmem>>
      %dma_wait3A_472 = arith.constant 0 : i32
      %dma_wait3A_473 = arith.constant 0 : i32
      %dma_wait3A_474 = tpu.memref_slice %arg2[%dma_wait3A_472, %dma_wait3A_473] : memref<10000x128xf32, #tpu.memory_space<hbm>> -> memref<10000x128xf32, #tpu.memory_space<hbm>>
      tpu.wait_indirect_dma semaphore(%arg20 : memref<!tpu.dma_semaphore, #tpu.memory_space<semaphore_mem>>) src(%dma_wait3A_474 : memref<10000x128xf32, #tpu.memory_space<hbm>>) dst(%arg10 : memref<100x128xf32, #tpu.memory_space<vmem>>)
      %gt3A_475 = arith.constant 0 : i32
      %gt3A_476 = arith.cmpi sgt, %add3A_466, %gt3A_475 : i32
      %convert_element_type3A_477 = arith.extui %gt3A_476 : i1 to i32
      %cond3A_478 = arith.constant 0 : i32
      %cond3A_479 = arith.cmpi ne, %convert_element_type3A_477, %cond3A_478 : i32
      scf.if %cond3A_479 {
        %dma_wait3A_658 = arith.constant 0 : i32
        %dma_wait3A_659 = arith.constant 0 : i32
        %dma_wait3A_660 = arith.constant 0 : i32
        %dma_wait3A_661 = tpu.memref_slice %arg8[%dma_wait3A_658, %dma_wait3A_659, %dma_wait3A_660] : memref<6x1x100xi32, #tpu.memory_space<vmem>> -> memref<1x1x100xi32, #tpu.memory_space<vmem>>
        %dma_wait3A_662 = tpu.memref_squeeze %dma_wait3A_661 : memref<1x1x100xi32, #tpu.memory_space<vmem>> -> memref<100xi32, #tpu.memory_space<vmem>>
        %dma_wait3A_663 = arith.constant 0 : i32
        %dma_wait3A_664 = arith.constant 0 : i32
        %dma_wait3A_665 = tpu.memref_slice %arg12[%dma_wait3A_663, %dma_wait3A_664] : memref<10112x128xf32, #tpu.memory_space<vmem_shared>> -> memref<10112x128xf32, #tpu.memory_space<vmem_shared>>
        tpu.wait_indirect_dma semaphore(%arg22 : memref<!tpu.dma_semaphore, #tpu.memory_space<semaphore_mem>>) src(%arg9 : memref<100x128xf32, #tpu.memory_space<vmem>>) dst(%dma_wait3A_665 : memref<10112x128xf32, #tpu.memory_space<vmem_shared>>)
      } else {
      }
      %dma_start3A_480 = arith.constant 1 : i32
      %dma_start3A_481 = arith.constant 0 : i32
      %dma_start3A_482 = arith.constant 0 : i32
      %dma_start3A_483 = tpu.memref_slice %arg8[%dma_start3A_480, %dma_start3A_481, %dma_start3A_482] : memref<6x1x100xi32, #tpu.memory_space<vmem>> -> memref<1x1x100xi32, #tpu.memory_space<vmem>>
      %dma_start3A_484 = tpu.memref_squeeze %dma_start3A_483 : memref<1x1x100xi32, #tpu.memory_space<vmem>> -> memref<100xi32, #tpu.memory_space<vmem>>
      %dma_start3A_485 = arith.constant 0 : i32
      %dma_start3A_486 = arith.constant 0 : i32
      %dma_start3A_487 = tpu.memref_slice %arg12[%dma_start3A_485, %dma_start3A_486] : memref<10112x128xf32, #tpu.memory_space<vmem_shared>> -> memref<10112x128xf32, #tpu.memory_space<vmem_shared>>
      tpu.enqueue_indirect_dma source(%arg10 : memref<100x128xf32, #tpu.memory_space<vmem>>) target(%dma_start3A_487 : memref<10112x128xf32, #tpu.memory_space<vmem_shared>>) offsets(%dma_start3A_484 : memref<100xi32, #tpu.memory_space<vmem>>) semaphore(%arg22 : memref<!tpu.dma_semaphore, #tpu.memory_space<semaphore_mem>>) {add = true}
      %add3A_488 = arith.constant 4 : i32
      %add3A_489 = arith.addi %add3A_466, %add3A_488 : i32
      %lt3A_490 = arith.constant 100 : i32
      %lt3A_491 = arith.cmpi slt, %add3A_489, %lt3A_490 : i32
      %convert_element_type3A_492 = arith.extui %lt3A_491 : i1 to i32
      %cond3A_493 = arith.constant 0 : i32
      %cond3A_494 = arith.cmpi ne, %convert_element_type3A_492, %cond3A_493 : i32
      scf.if %cond3A_494 {
        %add3A_658 = arith.constant 4 : i32
        %add3A_659 = arith.addi %add3A_466, %add3A_658 : i32
        %add3A_660 = arith.addi %mul3A_2, %add3A_659 : i32
        %dma_start3A_661 = arith.constant 5 : i32
        %dma_start3A_662 = arith.constant 0 : i32
        %dma_start3A_663 = arith.constant 0 : i32
        %dma_start3A_664 = tpu.memref_slice %arg7[%dma_start3A_661, %dma_start3A_662, %dma_start3A_663] : memref<6x1x100xi32, #tpu.memory_space<vmem>> -> memref<1x1x100xi32, #tpu.memory_space<vmem>>
        %dma_start3A_665 = tpu.memref_squeeze %dma_start3A_664 : memref<1x1x100xi32, #tpu.memory_space<vmem>> -> memref<1x100xi32, #tpu.memory_space<vmem>>
        %dma_start3A_666 = arith.constant 0 : i32
        %dma_start3A_667 = arith.constant 0 : i32
        %dma_start3A_668 = tpu.memref_slice %arg3[%add3A_660, %dma_start3A_666, %dma_start3A_667] : memref<3200x1x100xi32, #tpu.memory_space<hbm>> -> memref<1x1x100xi32, #tpu.memory_space<hbm>>
        %dma_start3A_669 = tpu.memref_squeeze %dma_start3A_668 : memref<1x1x100xi32, #tpu.memory_space<hbm>> -> memref<1x100xi32, #tpu.memory_space<hbm>>
        %dma_start3A_670 = arith.constant 0 : i32
        %dma_start3A_671 = arith.constant 0 : i32
        %dma_start3A_672 = tpu.memref_slice %arg7[%dma_start3A_661, %dma_start3A_670, %dma_start3A_671] : memref<6x1x100xi32, #tpu.memory_space<vmem>> -> memref<1x1x100xi32, #tpu.memory_space<vmem>>
        %dma_start3A_673 = tpu.memref_squeeze %dma_start3A_672 : memref<1x1x100xi32, #tpu.memory_space<vmem>> -> memref<1x100xi32, #tpu.memory_space<vmem>>
        %dma_start3A_674 = arith.constant 0 : i32
        %dma_start3A_675 = arith.constant 0 : i32
        %dma_start3A_676 = tpu.memref_slice %arg3[%add3A_660, %dma_start3A_674, %dma_start3A_675] : memref<3200x1x100xi32, #tpu.memory_space<hbm>> -> memref<1x1x100xi32, #tpu.memory_space<hbm>>
        %dma_start3A_677 = tpu.memref_squeeze %dma_start3A_676 : memref<1x1x100xi32, #tpu.memory_space<hbm>> -> memref<1x100xi32, #tpu.memory_space<hbm>>
        tpu.enqueue_dma source(%dma_start3A_677 : memref<1x100xi32, #tpu.memory_space<hbm>>) target(%dma_start3A_673 : memref<1x100xi32, #tpu.memory_space<vmem>>) target_semaphore(%arg18 : memref<!tpu.dma_semaphore, #tpu.memory_space<semaphore_mem>>)
        %add3A_678 = arith.addi %mul3A_2, %add3A_659 : i32
        %dma_start3A_679 = arith.constant 5 : i32
        %dma_start3A_680 = arith.constant 0 : i32
        %dma_start3A_681 = arith.constant 0 : i32
        %dma_start3A_682 = tpu.memref_slice %arg8[%dma_start3A_679, %dma_start3A_680, %dma_start3A_681] : memref<6x1x100xi32, #tpu.memory_space<vmem>> -> memref<1x1x100xi32, #tpu.memory_space<vmem>>
        %dma_start3A_683 = tpu.memref_squeeze %dma_start3A_682 : memref<1x1x100xi32, #tpu.memory_space<vmem>> -> memref<1x100xi32, #tpu.memory_space<vmem>>
        %dma_start3A_684 = arith.constant 0 : i32
        %dma_start3A_685 = arith.constant 0 : i32
        %dma_start3A_686 = tpu.memref_slice %arg4[%add3A_678, %dma_start3A_684, %dma_start3A_685] : memref<3200x1x100xi32, #tpu.memory_space<hbm>> -> memref<1x1x100xi32, #tpu.memory_space<hbm>>
        %dma_start3A_687 = tpu.memref_squeeze %dma_start3A_686 : memref<1x1x100xi32, #tpu.memory_space<hbm>> -> memref<1x100xi32, #tpu.memory_space<hbm>>
        %dma_start3A_688 = arith.constant 0 : i32
        %dma_start3A_689 = arith.constant 0 : i32
        %dma_start3A_690 = tpu.memref_slice %arg8[%dma_start3A_679, %dma_start3A_688, %dma_start3A_689] : memref<6x1x100xi32, #tpu.memory_space<vmem>> -> memref<1x1x100xi32, #tpu.memory_space<vmem>>
        %dma_start3A_691 = tpu.memref_squeeze %dma_start3A_690 : memref<1x1x100xi32, #tpu.memory_space<vmem>> -> memref<1x100xi32, #tpu.memory_space<vmem>>
        %dma_start3A_692 = arith.constant 0 : i32
        %dma_start3A_693 = arith.constant 0 : i32
        %dma_start3A_694 = tpu.memref_slice %arg4[%add3A_678, %dma_start3A_692, %dma_start3A_693] : memref<3200x1x100xi32, #tpu.memory_space<hbm>> -> memref<1x1x100xi32, #tpu.memory_space<hbm>>
        %dma_start3A_695 = tpu.memref_squeeze %dma_start3A_694 : memref<1x1x100xi32, #tpu.memory_space<hbm>> -> memref<1x100xi32, #tpu.memory_space<hbm>>
        tpu.enqueue_dma source(%dma_start3A_695 : memref<1x100xi32, #tpu.memory_space<hbm>>) target(%dma_start3A_691 : memref<1x100xi32, #tpu.memory_space<vmem>>) target_semaphore(%arg18 : memref<!tpu.dma_semaphore, #tpu.memory_space<semaphore_mem>>)
      } else {
      }
      %add3A_495 = arith.constant 2 : i32
      %add3A_496 = arith.addi %add3A_466, %add3A_495 : i32
      %lt3A_497 = arith.constant 100 : i32
      %lt3A_498 = arith.cmpi slt, %add3A_496, %lt3A_497 : i32
      %convert_element_type3A_499 = arith.extui %lt3A_498 : i1 to i32
      %cond3A_500 = arith.constant 0 : i32
      %cond3A_501 = arith.cmpi ne, %convert_element_type3A_499, %cond3A_500 : i32
      scf.if %cond3A_501 {
        %add3A_658 = arith.constant 2 : i32
        %add3A_659 = arith.addi %add3A_466, %add3A_658 : i32
        %add3A_660 = arith.addi %mul3A_2, %add3A_659 : i32
        %dma_wait3A_661 = arith.constant 3 : i32
        %dma_wait3A_662 = arith.constant 0 : i32
        %dma_wait3A_663 = arith.constant 0 : i32
        %dma_wait3A_664 = tpu.memref_slice %arg7[%dma_wait3A_661, %dma_wait3A_662, %dma_wait3A_663] : memref<6x1x100xi32, #tpu.memory_space<vmem>> -> memref<1x1x100xi32, #tpu.memory_space<vmem>>
        %dma_wait3A_665 = tpu.memref_squeeze %dma_wait3A_664 : memref<1x1x100xi32, #tpu.memory_space<vmem>> -> memref<1x100xi32, #tpu.memory_space<vmem>>
        %dma_wait3A_666 = arith.constant 0 : i32
        %dma_wait3A_667 = arith.constant 0 : i32
        %dma_wait3A_668 = tpu.memref_slice %arg3[%add3A_660, %dma_wait3A_666, %dma_wait3A_667] : memref<3200x1x100xi32, #tpu.memory_space<hbm>> -> memref<1x1x100xi32, #tpu.memory_space<hbm>>
        %dma_wait3A_669 = tpu.memref_squeeze %dma_wait3A_668 : memref<1x1x100xi32, #tpu.memory_space<hbm>> -> memref<1x100xi32, #tpu.memory_space<hbm>>
        %dma_wait3A_670 = arith.constant 0 : i32
        %dma_wait3A_671 = arith.constant 0 : i32
        %dma_wait3A_672 = tpu.memref_slice %arg7[%dma_wait3A_661, %dma_wait3A_670, %dma_wait3A_671] : memref<6x1x100xi32, #tpu.memory_space<vmem>> -> memref<1x1x100xi32, #tpu.memory_space<vmem>>
        %dma_wait3A_673 = tpu.memref_squeeze %dma_wait3A_672 : memref<1x1x100xi32, #tpu.memory_space<vmem>> -> memref<1x100xi32, #tpu.memory_space<vmem>>
        %dma_wait3A_674 = arith.constant 0 : i32
        %dma_wait3A_675 = arith.constant 0 : i32
        %dma_wait3A_676 = tpu.memref_slice %arg3[%add3A_660, %dma_wait3A_674, %dma_wait3A_675] : memref<3200x1x100xi32, #tpu.memory_space<hbm>> -> memref<1x1x100xi32, #tpu.memory_space<hbm>>
        %dma_wait3A_677 = tpu.memref_squeeze %dma_wait3A_676 : memref<1x1x100xi32, #tpu.memory_space<hbm>> -> memref<1x100xi32, #tpu.memory_space<hbm>>
        tpu.wait_dma2 semaphore(%arg16 : memref<!tpu.dma_semaphore, #tpu.memory_space<semaphore_mem>>) src(%dma_wait3A_677 : memref<1x100xi32, #tpu.memory_space<hbm>>) dst(%dma_wait3A_673 : memref<1x100xi32, #tpu.memory_space<vmem>>)
        %add3A_678 = arith.addi %mul3A_2, %add3A_659 : i32
        %dma_wait3A_679 = arith.constant 3 : i32
        %dma_wait3A_680 = arith.constant 0 : i32
        %dma_wait3A_681 = arith.constant 0 : i32
        %dma_wait3A_682 = tpu.memref_slice %arg8[%dma_wait3A_679, %dma_wait3A_680, %dma_wait3A_681] : memref<6x1x100xi32, #tpu.memory_space<vmem>> -> memref<1x1x100xi32, #tpu.memory_space<vmem>>
        %dma_wait3A_683 = tpu.memref_squeeze %dma_wait3A_682 : memref<1x1x100xi32, #tpu.memory_space<vmem>> -> memref<1x100xi32, #tpu.memory_space<vmem>>
        %dma_wait3A_684 = arith.constant 0 : i32
        %dma_wait3A_685 = arith.constant 0 : i32
        %dma_wait3A_686 = tpu.memref_slice %arg4[%add3A_678, %dma_wait3A_684, %dma_wait3A_685] : memref<3200x1x100xi32, #tpu.memory_space<hbm>> -> memref<1x1x100xi32, #tpu.memory_space<hbm>>
        %dma_wait3A_687 = tpu.memref_squeeze %dma_wait3A_686 : memref<1x1x100xi32, #tpu.memory_space<hbm>> -> memref<1x100xi32, #tpu.memory_space<hbm>>
        %dma_wait3A_688 = arith.constant 0 : i32
        %dma_wait3A_689 = arith.constant 0 : i32
        %dma_wait3A_690 = tpu.memref_slice %arg8[%dma_wait3A_679, %dma_wait3A_688, %dma_wait3A_689] : memref<6x1x100xi32, #tpu.memory_space<vmem>> -> memref<1x1x100xi32, #tpu.memory_space<vmem>>
        %dma_wait3A_691 = tpu.memref_squeeze %dma_wait3A_690 : memref<1x1x100xi32, #tpu.memory_space<vmem>> -> memref<1x100xi32, #tpu.memory_space<vmem>>
        %dma_wait3A_692 = arith.constant 0 : i32
        %dma_wait3A_693 = arith.constant 0 : i32
        %dma_wait3A_694 = tpu.memref_slice %arg4[%add3A_678, %dma_wait3A_692, %dma_wait3A_693] : memref<3200x1x100xi32, #tpu.memory_space<hbm>> -> memref<1x1x100xi32, #tpu.memory_space<hbm>>
        %dma_wait3A_695 = tpu.memref_squeeze %dma_wait3A_694 : memref<1x1x100xi32, #tpu.memory_space<hbm>> -> memref<1x100xi32, #tpu.memory_space<hbm>>
        tpu.wait_dma2 semaphore(%arg16 : memref<!tpu.dma_semaphore, #tpu.memory_space<semaphore_mem>>) src(%dma_wait3A_695 : memref<1x100xi32, #tpu.memory_space<hbm>>) dst(%dma_wait3A_691 : memref<1x100xi32, #tpu.memory_space<vmem>>)
        %dma_start3A_696 = arith.constant 3 : i32
        %dma_start3A_697 = arith.constant 0 : i32
        %dma_start3A_698 = arith.constant 0 : i32
        %dma_start3A_699 = tpu.memref_slice %arg7[%dma_start3A_696, %dma_start3A_697, %dma_start3A_698] : memref<6x1x100xi32, #tpu.memory_space<vmem>> -> memref<1x1x100xi32, #tpu.memory_space<vmem>>
        %dma_start3A_700 = tpu.memref_squeeze %dma_start3A_699 : memref<1x1x100xi32, #tpu.memory_space<vmem>> -> memref<100xi32, #tpu.memory_space<vmem>>
        %dma_start3A_701 = arith.constant 0 : i32
        %dma_start3A_702 = arith.constant 0 : i32
        %dma_start3A_703 = tpu.memref_slice %arg2[%dma_start3A_701, %dma_start3A_702] : memref<10000x128xf32, #tpu.memory_space<hbm>> -> memref<10000x128xf32, #tpu.memory_space<hbm>>
        tpu.enqueue_indirect_dma source(%dma_start3A_703 : memref<10000x128xf32, #tpu.memory_space<hbm>>) target(%arg9 : memref<100x128xf32, #tpu.memory_space<vmem>>) offsets(%dma_start3A_700 : memref<100xi32, #tpu.memory_space<vmem>>) semaphore(%arg19 : memref<!tpu.dma_semaphore, #tpu.memory_space<semaphore_mem>>)
      } else {
      }
      %mul3A_502 = arith.constant 6 : i32
      %mul3A_503 = arith.muli %scan3A_423, %mul3A_502 : i32
      %add3A_504 = arith.constant 2 : i32
      %add3A_505 = arith.addi %mul3A_503, %add3A_504 : i32
      %dma_wait3A_506 = arith.constant 2 : i32
      %dma_wait3A_507 = arith.constant 0 : i32
      %dma_wait3A_508 = arith.constant 0 : i32
      %dma_wait3A_509 = tpu.memref_slice %arg7[%dma_wait3A_506, %dma_wait3A_507, %dma_wait3A_508] : memref<6x1x100xi32, #tpu.memory_space<vmem>> -> memref<1x1x100xi32, #tpu.memory_space<vmem>>
      %dma_wait3A_510 = tpu.memref_squeeze %dma_wait3A_509 : memref<1x1x100xi32, #tpu.memory_space<vmem>> -> memref<100xi32, #tpu.memory_space<vmem>>
      %dma_wait3A_511 = arith.constant 0 : i32
      %dma_wait3A_512 = arith.constant 0 : i32
      %dma_wait3A_513 = tpu.memref_slice %arg2[%dma_wait3A_511, %dma_wait3A_512] : memref<10000x128xf32, #tpu.memory_space<hbm>> -> memref<10000x128xf32, #tpu.memory_space<hbm>>
      tpu.wait_indirect_dma semaphore(%arg21 : memref<!tpu.dma_semaphore, #tpu.memory_space<semaphore_mem>>) src(%dma_wait3A_513 : memref<10000x128xf32, #tpu.memory_space<hbm>>) dst(%arg11 : memref<100x128xf32, #tpu.memory_space<vmem>>)
      %gt3A_514 = arith.constant 0 : i32
      %gt3A_515 = arith.cmpi sgt, %add3A_505, %gt3A_514 : i32
      %convert_element_type3A_516 = arith.extui %gt3A_515 : i1 to i32
      %cond3A_517 = arith.constant 0 : i32
      %cond3A_518 = arith.cmpi ne, %convert_element_type3A_516, %cond3A_517 : i32
      scf.if %cond3A_518 {
        %dma_wait3A_658 = arith.constant 1 : i32
        %dma_wait3A_659 = arith.constant 0 : i32
        %dma_wait3A_660 = arith.constant 0 : i32
        %dma_wait3A_661 = tpu.memref_slice %arg8[%dma_wait3A_658, %dma_wait3A_659, %dma_wait3A_660] : memref<6x1x100xi32, #tpu.memory_space<vmem>> -> memref<1x1x100xi32, #tpu.memory_space<vmem>>
        %dma_wait3A_662 = tpu.memref_squeeze %dma_wait3A_661 : memref<1x1x100xi32, #tpu.memory_space<vmem>> -> memref<100xi32, #tpu.memory_space<vmem>>
        %dma_wait3A_663 = arith.constant 0 : i32
        %dma_wait3A_664 = arith.constant 0 : i32
        %dma_wait3A_665 = tpu.memref_slice %arg12[%dma_wait3A_663, %dma_wait3A_664] : memref<10112x128xf32, #tpu.memory_space<vmem_shared>> -> memref<10112x128xf32, #tpu.memory_space<vmem_shared>>
        tpu.wait_indirect_dma semaphore(%arg22 : memref<!tpu.dma_semaphore, #tpu.memory_space<semaphore_mem>>) src(%arg10 : memref<100x128xf32, #tpu.memory_space<vmem>>) dst(%dma_wait3A_665 : memref<10112x128xf32, #tpu.memory_space<vmem_shared>>)
      } else {
      }
      %dma_start3A_519 = arith.constant 2 : i32
      %dma_start3A_520 = arith.constant 0 : i32
      %dma_start3A_521 = arith.constant 0 : i32
      %dma_start3A_522 = tpu.memref_slice %arg8[%dma_start3A_519, %dma_start3A_520, %dma_start3A_521] : memref<6x1x100xi32, #tpu.memory_space<vmem>> -> memref<1x1x100xi32, #tpu.memory_space<vmem>>
      %dma_start3A_523 = tpu.memref_squeeze %dma_start3A_522 : memref<1x1x100xi32, #tpu.memory_space<vmem>> -> memref<100xi32, #tpu.memory_space<vmem>>
      %dma_start3A_524 = arith.constant 0 : i32
      %dma_start3A_525 = arith.constant 0 : i32
      %dma_start3A_526 = tpu.memref_slice %arg12[%dma_start3A_524, %dma_start3A_525] : memref<10112x128xf32, #tpu.memory_space<vmem_shared>> -> memref<10112x128xf32, #tpu.memory_space<vmem_shared>>
      tpu.enqueue_indirect_dma source(%arg11 : memref<100x128xf32, #tpu.memory_space<vmem>>) target(%dma_start3A_526 : memref<10112x128xf32, #tpu.memory_space<vmem_shared>>) offsets(%dma_start3A_523 : memref<100xi32, #tpu.memory_space<vmem>>) semaphore(%arg22 : memref<!tpu.dma_semaphore, #tpu.memory_space<semaphore_mem>>) {add = true}
      %add3A_527 = arith.constant 4 : i32
      %add3A_528 = arith.addi %add3A_505, %add3A_527 : i32
      %lt3A_529 = arith.constant 100 : i32
      %lt3A_530 = arith.cmpi slt, %add3A_528, %lt3A_529 : i32
      %convert_element_type3A_531 = arith.extui %lt3A_530 : i1 to i32
      %cond3A_532 = arith.constant 0 : i32
      %cond3A_533 = arith.cmpi ne, %convert_element_type3A_531, %cond3A_532 : i32
      scf.if %cond3A_533 {
        %add3A_658 = arith.constant 4 : i32
        %add3A_659 = arith.addi %add3A_505, %add3A_658 : i32
        %add3A_660 = arith.addi %mul3A_2, %add3A_659 : i32
        %dma_start3A_661 = arith.constant 0 : i32
        %dma_start3A_662 = arith.constant 0 : i32
        %dma_start3A_663 = arith.constant 0 : i32
        %dma_start3A_664 = tpu.memref_slice %arg7[%dma_start3A_661, %dma_start3A_662, %dma_start3A_663] : memref<6x1x100xi32, #tpu.memory_space<vmem>> -> memref<1x1x100xi32, #tpu.memory_space<vmem>>
        %dma_start3A_665 = tpu.memref_squeeze %dma_start3A_664 : memref<1x1x100xi32, #tpu.memory_space<vmem>> -> memref<1x100xi32, #tpu.memory_space<vmem>>
        %dma_start3A_666 = arith.constant 0 : i32
        %dma_start3A_667 = arith.constant 0 : i32
        %dma_start3A_668 = tpu.memref_slice %arg3[%add3A_660, %dma_start3A_666, %dma_start3A_667] : memref<3200x1x100xi32, #tpu.memory_space<hbm>> -> memref<1x1x100xi32, #tpu.memory_space<hbm>>
        %dma_start3A_669 = tpu.memref_squeeze %dma_start3A_668 : memref<1x1x100xi32, #tpu.memory_space<hbm>> -> memref<1x100xi32, #tpu.memory_space<hbm>>
        %dma_start3A_670 = arith.constant 0 : i32
        %dma_start3A_671 = arith.constant 0 : i32
        %dma_start3A_672 = tpu.memref_slice %arg7[%dma_start3A_661, %dma_start3A_670, %dma_start3A_671] : memref<6x1x100xi32, #tpu.memory_space<vmem>> -> memref<1x1x100xi32, #tpu.memory_space<vmem>>
        %dma_start3A_673 = tpu.memref_squeeze %dma_start3A_672 : memref<1x1x100xi32, #tpu.memory_space<vmem>> -> memref<1x100xi32, #tpu.memory_space<vmem>>
        %dma_start3A_674 = arith.constant 0 : i32
        %dma_start3A_675 = arith.constant 0 : i32
        %dma_start3A_676 = tpu.memref_slice %arg3[%add3A_660, %dma_start3A_674, %dma_start3A_675] : memref<3200x1x100xi32, #tpu.memory_space<hbm>> -> memref<1x1x100xi32, #tpu.memory_space<hbm>>
        %dma_start3A_677 = tpu.memref_squeeze %dma_start3A_676 : memref<1x1x100xi32, #tpu.memory_space<hbm>> -> memref<1x100xi32, #tpu.memory_space<hbm>>
        tpu.enqueue_dma source(%dma_start3A_677 : memref<1x100xi32, #tpu.memory_space<hbm>>) target(%dma_start3A_673 : memref<1x100xi32, #tpu.memory_space<vmem>>) target_semaphore(%arg13 : memref<!tpu.dma_semaphore, #tpu.memory_space<semaphore_mem>>)
        %add3A_678 = arith.addi %mul3A_2, %add3A_659 : i32
        %dma_start3A_679 = arith.constant 0 : i32
        %dma_start3A_680 = arith.constant 0 : i32
        %dma_start3A_681 = arith.constant 0 : i32
        %dma_start3A_682 = tpu.memref_slice %arg8[%dma_start3A_679, %dma_start3A_680, %dma_start3A_681] : memref<6x1x100xi32, #tpu.memory_space<vmem>> -> memref<1x1x100xi32, #tpu.memory_space<vmem>>
        %dma_start3A_683 = tpu.memref_squeeze %dma_start3A_682 : memref<1x1x100xi32, #tpu.memory_space<vmem>> -> memref<1x100xi32, #tpu.memory_space<vmem>>
        %dma_start3A_684 = arith.constant 0 : i32
        %dma_start3A_685 = arith.constant 0 : i32
        %dma_start3A_686 = tpu.memref_slice %arg4[%add3A_678, %dma_start3A_684, %dma_start3A_685] : memref<3200x1x100xi32, #tpu.memory_space<hbm>> -> memref<1x1x100xi32, #tpu.memory_space<hbm>>
        %dma_start3A_687 = tpu.memref_squeeze %dma_start3A_686 : memref<1x1x100xi32, #tpu.memory_space<hbm>> -> memref<1x100xi32, #tpu.memory_space<hbm>>
        %dma_start3A_688 = arith.constant 0 : i32
        %dma_start3A_689 = arith.constant 0 : i32
        %dma_start3A_690 = tpu.memref_slice %arg8[%dma_start3A_679, %dma_start3A_688, %dma_start3A_689] : memref<6x1x100xi32, #tpu.memory_space<vmem>> -> memref<1x1x100xi32, #tpu.memory_space<vmem>>
        %dma_start3A_691 = tpu.memref_squeeze %dma_start3A_690 : memref<1x1x100xi32, #tpu.memory_space<vmem>> -> memref<1x100xi32, #tpu.memory_space<vmem>>
        %dma_start3A_692 = arith.constant 0 : i32
        %dma_start3A_693 = arith.constant 0 : i32
        %dma_start3A_694 = tpu.memref_slice %arg4[%add3A_678, %dma_start3A_692, %dma_start3A_693] : memref<3200x1x100xi32, #tpu.memory_space<hbm>> -> memref<1x1x100xi32, #tpu.memory_space<hbm>>
        %dma_start3A_695 = tpu.memref_squeeze %dma_start3A_694 : memref<1x1x100xi32, #tpu.memory_space<hbm>> -> memref<1x100xi32, #tpu.memory_space<hbm>>
        tpu.enqueue_dma source(%dma_start3A_695 : memref<1x100xi32, #tpu.memory_space<hbm>>) target(%dma_start3A_691 : memref<1x100xi32, #tpu.memory_space<vmem>>) target_semaphore(%arg13 : memref<!tpu.dma_semaphore, #tpu.memory_space<semaphore_mem>>)
      } else {
      }
      %add3A_534 = arith.constant 2 : i32
      %add3A_535 = arith.addi %add3A_505, %add3A_534 : i32
      %lt3A_536 = arith.constant 100 : i32
      %lt3A_537 = arith.cmpi slt, %add3A_535, %lt3A_536 : i32
      %convert_element_type3A_538 = arith.extui %lt3A_537 : i1 to i32
      %cond3A_539 = arith.constant 0 : i32
      %cond3A_540 = arith.cmpi ne, %convert_element_type3A_538, %cond3A_539 : i32
      scf.if %cond3A_540 {
        %add3A_658 = arith.constant 2 : i32
        %add3A_659 = arith.addi %add3A_505, %add3A_658 : i32
        %add3A_660 = arith.addi %mul3A_2, %add3A_659 : i32
        %dma_wait3A_661 = arith.constant 4 : i32
        %dma_wait3A_662 = arith.constant 0 : i32
        %dma_wait3A_663 = arith.constant 0 : i32
        %dma_wait3A_664 = tpu.memref_slice %arg7[%dma_wait3A_661, %dma_wait3A_662, %dma_wait3A_663] : memref<6x1x100xi32, #tpu.memory_space<vmem>> -> memref<1x1x100xi32, #tpu.memory_space<vmem>>
        %dma_wait3A_665 = tpu.memref_squeeze %dma_wait3A_664 : memref<1x1x100xi32, #tpu.memory_space<vmem>> -> memref<1x100xi32, #tpu.memory_space<vmem>>
        %dma_wait3A_666 = arith.constant 0 : i32
        %dma_wait3A_667 = arith.constant 0 : i32
        %dma_wait3A_668 = tpu.memref_slice %arg3[%add3A_660, %dma_wait3A_666, %dma_wait3A_667] : memref<3200x1x100xi32, #tpu.memory_space<hbm>> -> memref<1x1x100xi32, #tpu.memory_space<hbm>>
        %dma_wait3A_669 = tpu.memref_squeeze %dma_wait3A_668 : memref<1x1x100xi32, #tpu.memory_space<hbm>> -> memref<1x100xi32, #tpu.memory_space<hbm>>
        %dma_wait3A_670 = arith.constant 0 : i32
        %dma_wait3A_671 = arith.constant 0 : i32
        %dma_wait3A_672 = tpu.memref_slice %arg7[%dma_wait3A_661, %dma_wait3A_670, %dma_wait3A_671] : memref<6x1x100xi32, #tpu.memory_space<vmem>> -> memref<1x1x100xi32, #tpu.memory_space<vmem>>
        %dma_wait3A_673 = tpu.memref_squeeze %dma_wait3A_672 : memref<1x1x100xi32, #tpu.memory_space<vmem>> -> memref<1x100xi32, #tpu.memory_space<vmem>>
        %dma_wait3A_674 = arith.constant 0 : i32
        %dma_wait3A_675 = arith.constant 0 : i32
        %dma_wait3A_676 = tpu.memref_slice %arg3[%add3A_660, %dma_wait3A_674, %dma_wait3A_675] : memref<3200x1x100xi32, #tpu.memory_space<hbm>> -> memref<1x1x100xi32, #tpu.memory_space<hbm>>
        %dma_wait3A_677 = tpu.memref_squeeze %dma_wait3A_676 : memref<1x1x100xi32, #tpu.memory_space<hbm>> -> memref<1x100xi32, #tpu.memory_space<hbm>>
        tpu.wait_dma2 semaphore(%arg17 : memref<!tpu.dma_semaphore, #tpu.memory_space<semaphore_mem>>) src(%dma_wait3A_677 : memref<1x100xi32, #tpu.memory_space<hbm>>) dst(%dma_wait3A_673 : memref<1x100xi32, #tpu.memory_space<vmem>>)
        %add3A_678 = arith.addi %mul3A_2, %add3A_659 : i32
        %dma_wait3A_679 = arith.constant 4 : i32
        %dma_wait3A_680 = arith.constant 0 : i32
        %dma_wait3A_681 = arith.constant 0 : i32
        %dma_wait3A_682 = tpu.memref_slice %arg8[%dma_wait3A_679, %dma_wait3A_680, %dma_wait3A_681] : memref<6x1x100xi32, #tpu.memory_space<vmem>> -> memref<1x1x100xi32, #tpu.memory_space<vmem>>
        %dma_wait3A_683 = tpu.memref_squeeze %dma_wait3A_682 : memref<1x1x100xi32, #tpu.memory_space<vmem>> -> memref<1x100xi32, #tpu.memory_space<vmem>>
        %dma_wait3A_684 = arith.constant 0 : i32
        %dma_wait3A_685 = arith.constant 0 : i32
        %dma_wait3A_686 = tpu.memref_slice %arg4[%add3A_678, %dma_wait3A_684, %dma_wait3A_685] : memref<3200x1x100xi32, #tpu.memory_space<hbm>> -> memref<1x1x100xi32, #tpu.memory_space<hbm>>
        %dma_wait3A_687 = tpu.memref_squeeze %dma_wait3A_686 : memref<1x1x100xi32, #tpu.memory_space<hbm>> -> memref<1x100xi32, #tpu.memory_space<hbm>>
        %dma_wait3A_688 = arith.constant 0 : i32
        %dma_wait3A_689 = arith.constant 0 : i32
        %dma_wait3A_690 = tpu.memref_slice %arg8[%dma_wait3A_679, %dma_wait3A_688, %dma_wait3A_689] : memref<6x1x100xi32, #tpu.memory_space<vmem>> -> memref<1x1x100xi32, #tpu.memory_space<vmem>>
        %dma_wait3A_691 = tpu.memref_squeeze %dma_wait3A_690 : memref<1x1x100xi32, #tpu.memory_space<vmem>> -> memref<1x100xi32, #tpu.memory_space<vmem>>
        %dma_wait3A_692 = arith.constant 0 : i32
        %dma_wait3A_693 = arith.constant 0 : i32
        %dma_wait3A_694 = tpu.memref_slice %arg4[%add3A_678, %dma_wait3A_692, %dma_wait3A_693] : memref<3200x1x100xi32, #tpu.memory_space<hbm>> -> memref<1x1x100xi32, #tpu.memory_space<hbm>>
        %dma_wait3A_695 = tpu.memref_squeeze %dma_wait3A_694 : memref<1x1x100xi32, #tpu.memory_space<hbm>> -> memref<1x100xi32, #tpu.memory_space<hbm>>
        tpu.wait_dma2 semaphore(%arg17 : memref<!tpu.dma_semaphore, #tpu.memory_space<semaphore_mem>>) src(%dma_wait3A_695 : memref<1x100xi32, #tpu.memory_space<hbm>>) dst(%dma_wait3A_691 : memref<1x100xi32, #tpu.memory_space<vmem>>)
        %dma_start3A_696 = arith.constant 4 : i32
        %dma_start3A_697 = arith.constant 0 : i32
        %dma_start3A_698 = arith.constant 0 : i32
        %dma_start3A_699 = tpu.memref_slice %arg7[%dma_start3A_696, %dma_start3A_697, %dma_start3A_698] : memref<6x1x100xi32, #tpu.memory_space<vmem>> -> memref<1x1x100xi32, #tpu.memory_space<vmem>>
        %dma_start3A_700 = tpu.memref_squeeze %dma_start3A_699 : memref<1x1x100xi32, #tpu.memory_space<vmem>> -> memref<100xi32, #tpu.memory_space<vmem>>
        %dma_start3A_701 = arith.constant 0 : i32
        %dma_start3A_702 = arith.constant 0 : i32
        %dma_start3A_703 = tpu.memref_slice %arg2[%dma_start3A_701, %dma_start3A_702] : memref<10000x128xf32, #tpu.memory_space<hbm>> -> memref<10000x128xf32, #tpu.memory_space<hbm>>
        tpu.enqueue_indirect_dma source(%dma_start3A_703 : memref<10000x128xf32, #tpu.memory_space<hbm>>) target(%arg10 : memref<100x128xf32, #tpu.memory_space<vmem>>) offsets(%dma_start3A_700 : memref<100xi32, #tpu.memory_space<vmem>>) semaphore(%arg20 : memref<!tpu.dma_semaphore, #tpu.memory_space<semaphore_mem>>)
      } else {
      }
      %mul3A_541 = arith.constant 6 : i32
      %mul3A_542 = arith.muli %scan3A_423, %mul3A_541 : i32
      %add3A_543 = arith.constant 3 : i32
      %add3A_544 = arith.addi %mul3A_542, %add3A_543 : i32
      %dma_wait3A_545 = arith.constant 3 : i32
      %dma_wait3A_546 = arith.constant 0 : i32
      %dma_wait3A_547 = arith.constant 0 : i32
      %dma_wait3A_548 = tpu.memref_slice %arg7[%dma_wait3A_545, %dma_wait3A_546, %dma_wait3A_547] : memref<6x1x100xi32, #tpu.memory_space<vmem>> -> memref<1x1x100xi32, #tpu.memory_space<vmem>>
      %dma_wait3A_549 = tpu.memref_squeeze %dma_wait3A_548 : memref<1x1x100xi32, #tpu.memory_space<vmem>> -> memref<100xi32, #tpu.memory_space<vmem>>
      %dma_wait3A_550 = arith.constant 0 : i32
      %dma_wait3A_551 = arith.constant 0 : i32
      %dma_wait3A_552 = tpu.memref_slice %arg2[%dma_wait3A_550, %dma_wait3A_551] : memref<10000x128xf32, #tpu.memory_space<hbm>> -> memref<10000x128xf32, #tpu.memory_space<hbm>>
      tpu.wait_indirect_dma semaphore(%arg19 : memref<!tpu.dma_semaphore, #tpu.memory_space<semaphore_mem>>) src(%dma_wait3A_552 : memref<10000x128xf32, #tpu.memory_space<hbm>>) dst(%arg9 : memref<100x128xf32, #tpu.memory_space<vmem>>)
      %gt3A_553 = arith.constant 0 : i32
      %gt3A_554 = arith.cmpi sgt, %add3A_544, %gt3A_553 : i32
      %convert_element_type3A_555 = arith.extui %gt3A_554 : i1 to i32
      %cond3A_556 = arith.constant 0 : i32
      %cond3A_557 = arith.cmpi ne, %convert_element_type3A_555, %cond3A_556 : i32
      scf.if %cond3A_557 {
        %dma_wait3A_658 = arith.constant 2 : i32
        %dma_wait3A_659 = arith.constant 0 : i32
        %dma_wait3A_660 = arith.constant 0 : i32
        %dma_wait3A_661 = tpu.memref_slice %arg8[%dma_wait3A_658, %dma_wait3A_659, %dma_wait3A_660] : memref<6x1x100xi32, #tpu.memory_space<vmem>> -> memref<1x1x100xi32, #tpu.memory_space<vmem>>
        %dma_wait3A_662 = tpu.memref_squeeze %dma_wait3A_661 : memref<1x1x100xi32, #tpu.memory_space<vmem>> -> memref<100xi32, #tpu.memory_space<vmem>>
        %dma_wait3A_663 = arith.constant 0 : i32
        %dma_wait3A_664 = arith.constant 0 : i32
        %dma_wait3A_665 = tpu.memref_slice %arg12[%dma_wait3A_663, %dma_wait3A_664] : memref<10112x128xf32, #tpu.memory_space<vmem_shared>> -> memref<10112x128xf32, #tpu.memory_space<vmem_shared>>
        tpu.wait_indirect_dma semaphore(%arg22 : memref<!tpu.dma_semaphore, #tpu.memory_space<semaphore_mem>>) src(%arg11 : memref<100x128xf32, #tpu.memory_space<vmem>>) dst(%dma_wait3A_665 : memref<10112x128xf32, #tpu.memory_space<vmem_shared>>)
      } else {
      }
      %dma_start3A_558 = arith.constant 3 : i32
      %dma_start3A_559 = arith.constant 0 : i32
      %dma_start3A_560 = arith.constant 0 : i32
      %dma_start3A_561 = tpu.memref_slice %arg8[%dma_start3A_558, %dma_start3A_559, %dma_start3A_560] : memref<6x1x100xi32, #tpu.memory_space<vmem>> -> memref<1x1x100xi32, #tpu.memory_space<vmem>>
      %dma_start3A_562 = tpu.memref_squeeze %dma_start3A_561 : memref<1x1x100xi32, #tpu.memory_space<vmem>> -> memref<100xi32, #tpu.memory_space<vmem>>
      %dma_start3A_563 = arith.constant 0 : i32
      %dma_start3A_564 = arith.constant 0 : i32
      %dma_start3A_565 = tpu.memref_slice %arg12[%dma_start3A_563, %dma_start3A_564] : memref<10112x128xf32, #tpu.memory_space<vmem_shared>> -> memref<10112x128xf32, #tpu.memory_space<vmem_shared>>
      tpu.enqueue_indirect_dma source(%arg9 : memref<100x128xf32, #tpu.memory_space<vmem>>) target(%dma_start3A_565 : memref<10112x128xf32, #tpu.memory_space<vmem_shared>>) offsets(%dma_start3A_562 : memref<100xi32, #tpu.memory_space<vmem>>) semaphore(%arg22 : memref<!tpu.dma_semaphore, #tpu.memory_space<semaphore_mem>>) {add = true}
      %add3A_566 = arith.constant 4 : i32
      %add3A_567 = arith.addi %add3A_544, %add3A_566 : i32
      %lt3A_568 = arith.constant 100 : i32
      %lt3A_569 = arith.cmpi slt, %add3A_567, %lt3A_568 : i32
      %convert_element_type3A_570 = arith.extui %lt3A_569 : i1 to i32
      %cond3A_571 = arith.constant 0 : i32
      %cond3A_572 = arith.cmpi ne, %convert_element_type3A_570, %cond3A_571 : i32
      scf.if %cond3A_572 {
        %add3A_658 = arith.constant 4 : i32
        %add3A_659 = arith.addi %add3A_544, %add3A_658 : i32
        %add3A_660 = arith.addi %mul3A_2, %add3A_659 : i32
        %dma_start3A_661 = arith.constant 1 : i32
        %dma_start3A_662 = arith.constant 0 : i32
        %dma_start3A_663 = arith.constant 0 : i32
        %dma_start3A_664 = tpu.memref_slice %arg7[%dma_start3A_661, %dma_start3A_662, %dma_start3A_663] : memref<6x1x100xi32, #tpu.memory_space<vmem>> -> memref<1x1x100xi32, #tpu.memory_space<vmem>>
        %dma_start3A_665 = tpu.memref_squeeze %dma_start3A_664 : memref<1x1x100xi32, #tpu.memory_space<vmem>> -> memref<1x100xi32, #tpu.memory_space<vmem>>
        %dma_start3A_666 = arith.constant 0 : i32
        %dma_start3A_667 = arith.constant 0 : i32
        %dma_start3A_668 = tpu.memref_slice %arg3[%add3A_660, %dma_start3A_666, %dma_start3A_667] : memref<3200x1x100xi32, #tpu.memory_space<hbm>> -> memref<1x1x100xi32, #tpu.memory_space<hbm>>
        %dma_start3A_669 = tpu.memref_squeeze %dma_start3A_668 : memref<1x1x100xi32, #tpu.memory_space<hbm>> -> memref<1x100xi32, #tpu.memory_space<hbm>>
        %dma_start3A_670 = arith.constant 0 : i32
        %dma_start3A_671 = arith.constant 0 : i32
        %dma_start3A_672 = tpu.memref_slice %arg7[%dma_start3A_661, %dma_start3A_670, %dma_start3A_671] : memref<6x1x100xi32, #tpu.memory_space<vmem>> -> memref<1x1x100xi32, #tpu.memory_space<vmem>>
        %dma_start3A_673 = tpu.memref_squeeze %dma_start3A_672 : memref<1x1x100xi32, #tpu.memory_space<vmem>> -> memref<1x100xi32, #tpu.memory_space<vmem>>
        %dma_start3A_674 = arith.constant 0 : i32
        %dma_start3A_675 = arith.constant 0 : i32
        %dma_start3A_676 = tpu.memref_slice %arg3[%add3A_660, %dma_start3A_674, %dma_start3A_675] : memref<3200x1x100xi32, #tpu.memory_space<hbm>> -> memref<1x1x100xi32, #tpu.memory_space<hbm>>
        %dma_start3A_677 = tpu.memref_squeeze %dma_start3A_676 : memref<1x1x100xi32, #tpu.memory_space<hbm>> -> memref<1x100xi32, #tpu.memory_space<hbm>>
        tpu.enqueue_dma source(%dma_start3A_677 : memref<1x100xi32, #tpu.memory_space<hbm>>) target(%dma_start3A_673 : memref<1x100xi32, #tpu.memory_space<vmem>>) target_semaphore(%arg14 : memref<!tpu.dma_semaphore, #tpu.memory_space<semaphore_mem>>)
        %add3A_678 = arith.addi %mul3A_2, %add3A_659 : i32
        %dma_start3A_679 = arith.constant 1 : i32
        %dma_start3A_680 = arith.constant 0 : i32
        %dma_start3A_681 = arith.constant 0 : i32
        %dma_start3A_682 = tpu.memref_slice %arg8[%dma_start3A_679, %dma_start3A_680, %dma_start3A_681] : memref<6x1x100xi32, #tpu.memory_space<vmem>> -> memref<1x1x100xi32, #tpu.memory_space<vmem>>
        %dma_start3A_683 = tpu.memref_squeeze %dma_start3A_682 : memref<1x1x100xi32, #tpu.memory_space<vmem>> -> memref<1x100xi32, #tpu.memory_space<vmem>>
        %dma_start3A_684 = arith.constant 0 : i32
        %dma_start3A_685 = arith.constant 0 : i32
        %dma_start3A_686 = tpu.memref_slice %arg4[%add3A_678, %dma_start3A_684, %dma_start3A_685] : memref<3200x1x100xi32, #tpu.memory_space<hbm>> -> memref<1x1x100xi32, #tpu.memory_space<hbm>>
        %dma_start3A_687 = tpu.memref_squeeze %dma_start3A_686 : memref<1x1x100xi32, #tpu.memory_space<hbm>> -> memref<1x100xi32, #tpu.memory_space<hbm>>
        %dma_start3A_688 = arith.constant 0 : i32
        %dma_start3A_689 = arith.constant 0 : i32
        %dma_start3A_690 = tpu.memref_slice %arg8[%dma_start3A_679, %dma_start3A_688, %dma_start3A_689] : memref<6x1x100xi32, #tpu.memory_space<vmem>> -> memref<1x1x100xi32, #tpu.memory_space<vmem>>
        %dma_start3A_691 = tpu.memref_squeeze %dma_start3A_690 : memref<1x1x100xi32, #tpu.memory_space<vmem>> -> memref<1x100xi32, #tpu.memory_space<vmem>>
        %dma_start3A_692 = arith.constant 0 : i32
        %dma_start3A_693 = arith.constant 0 : i32
        %dma_start3A_694 = tpu.memref_slice %arg4[%add3A_678, %dma_start3A_692, %dma_start3A_693] : memref<3200x1x100xi32, #tpu.memory_space<hbm>> -> memref<1x1x100xi32, #tpu.memory_space<hbm>>
        %dma_start3A_695 = tpu.memref_squeeze %dma_start3A_694 : memref<1x1x100xi32, #tpu.memory_space<hbm>> -> memref<1x100xi32, #tpu.memory_space<hbm>>
        tpu.enqueue_dma source(%dma_start3A_695 : memref<1x100xi32, #tpu.memory_space<hbm>>) target(%dma_start3A_691 : memref<1x100xi32, #tpu.memory_space<vmem>>) target_semaphore(%arg14 : memref<!tpu.dma_semaphore, #tpu.memory_space<semaphore_mem>>)
      } else {
      }
      %add3A_573 = arith.constant 2 : i32
      %add3A_574 = arith.addi %add3A_544, %add3A_573 : i32
      %lt3A_575 = arith.constant 100 : i32
      %lt3A_576 = arith.cmpi slt, %add3A_574, %lt3A_575 : i32
      %convert_element_type3A_577 = arith.extui %lt3A_576 : i1 to i32
      %cond3A_578 = arith.constant 0 : i32
      %cond3A_579 = arith.cmpi ne, %convert_element_type3A_577, %cond3A_578 : i32
      scf.if %cond3A_579 {
        %add3A_658 = arith.constant 2 : i32
        %add3A_659 = arith.addi %add3A_544, %add3A_658 : i32
        %add3A_660 = arith.addi %mul3A_2, %add3A_659 : i32
        %dma_wait3A_661 = arith.constant 5 : i32
        %dma_wait3A_662 = arith.constant 0 : i32
        %dma_wait3A_663 = arith.constant 0 : i32
        %dma_wait3A_664 = tpu.memref_slice %arg7[%dma_wait3A_661, %dma_wait3A_662, %dma_wait3A_663] : memref<6x1x100xi32, #tpu.memory_space<vmem>> -> memref<1x1x100xi32, #tpu.memory_space<vmem>>
        %dma_wait3A_665 = tpu.memref_squeeze %dma_wait3A_664 : memref<1x1x100xi32, #tpu.memory_space<vmem>> -> memref<1x100xi32, #tpu.memory_space<vmem>>
        %dma_wait3A_666 = arith.constant 0 : i32
        %dma_wait3A_667 = arith.constant 0 : i32
        %dma_wait3A_668 = tpu.memref_slice %arg3[%add3A_660, %dma_wait3A_666, %dma_wait3A_667] : memref<3200x1x100xi32, #tpu.memory_space<hbm>> -> memref<1x1x100xi32, #tpu.memory_space<hbm>>
        %dma_wait3A_669 = tpu.memref_squeeze %dma_wait3A_668 : memref<1x1x100xi32, #tpu.memory_space<hbm>> -> memref<1x100xi32, #tpu.memory_space<hbm>>
        %dma_wait3A_670 = arith.constant 0 : i32
        %dma_wait3A_671 = arith.constant 0 : i32
        %dma_wait3A_672 = tpu.memref_slice %arg7[%dma_wait3A_661, %dma_wait3A_670, %dma_wait3A_671] : memref<6x1x100xi32, #tpu.memory_space<vmem>> -> memref<1x1x100xi32, #tpu.memory_space<vmem>>
        %dma_wait3A_673 = tpu.memref_squeeze %dma_wait3A_672 : memref<1x1x100xi32, #tpu.memory_space<vmem>> -> memref<1x100xi32, #tpu.memory_space<vmem>>
        %dma_wait3A_674 = arith.constant 0 : i32
        %dma_wait3A_675 = arith.constant 0 : i32
        %dma_wait3A_676 = tpu.memref_slice %arg3[%add3A_660, %dma_wait3A_674, %dma_wait3A_675] : memref<3200x1x100xi32, #tpu.memory_space<hbm>> -> memref<1x1x100xi32, #tpu.memory_space<hbm>>
        %dma_wait3A_677 = tpu.memref_squeeze %dma_wait3A_676 : memref<1x1x100xi32, #tpu.memory_space<hbm>> -> memref<1x100xi32, #tpu.memory_space<hbm>>
        tpu.wait_dma2 semaphore(%arg18 : memref<!tpu.dma_semaphore, #tpu.memory_space<semaphore_mem>>) src(%dma_wait3A_677 : memref<1x100xi32, #tpu.memory_space<hbm>>) dst(%dma_wait3A_673 : memref<1x100xi32, #tpu.memory_space<vmem>>)
        %add3A_678 = arith.addi %mul3A_2, %add3A_659 : i32
        %dma_wait3A_679 = arith.constant 5 : i32
        %dma_wait3A_680 = arith.constant 0 : i32
        %dma_wait3A_681 = arith.constant 0 : i32
        %dma_wait3A_682 = tpu.memref_slice %arg8[%dma_wait3A_679, %dma_wait3A_680, %dma_wait3A_681] : memref<6x1x100xi32, #tpu.memory_space<vmem>> -> memref<1x1x100xi32, #tpu.memory_space<vmem>>
        %dma_wait3A_683 = tpu.memref_squeeze %dma_wait3A_682 : memref<1x1x100xi32, #tpu.memory_space<vmem>> -> memref<1x100xi32, #tpu.memory_space<vmem>>
        %dma_wait3A_684 = arith.constant 0 : i32
        %dma_wait3A_685 = arith.constant 0 : i32
        %dma_wait3A_686 = tpu.memref_slice %arg4[%add3A_678, %dma_wait3A_684, %dma_wait3A_685] : memref<3200x1x100xi32, #tpu.memory_space<hbm>> -> memref<1x1x100xi32, #tpu.memory_space<hbm>>
        %dma_wait3A_687 = tpu.memref_squeeze %dma_wait3A_686 : memref<1x1x100xi32, #tpu.memory_space<hbm>> -> memref<1x100xi32, #tpu.memory_space<hbm>>
        %dma_wait3A_688 = arith.constant 0 : i32
        %dma_wait3A_689 = arith.constant 0 : i32
        %dma_wait3A_690 = tpu.memref_slice %arg8[%dma_wait3A_679, %dma_wait3A_688, %dma_wait3A_689] : memref<6x1x100xi32, #tpu.memory_space<vmem>> -> memref<1x1x100xi32, #tpu.memory_space<vmem>>
        %dma_wait3A_691 = tpu.memref_squeeze %dma_wait3A_690 : memref<1x1x100xi32, #tpu.memory_space<vmem>> -> memref<1x100xi32, #tpu.memory_space<vmem>>
        %dma_wait3A_692 = arith.constant 0 : i32
        %dma_wait3A_693 = arith.constant 0 : i32
        %dma_wait3A_694 = tpu.memref_slice %arg4[%add3A_678, %dma_wait3A_692, %dma_wait3A_693] : memref<3200x1x100xi32, #tpu.memory_space<hbm>> -> memref<1x1x100xi32, #tpu.memory_space<hbm>>
        %dma_wait3A_695 = tpu.memref_squeeze %dma_wait3A_694 : memref<1x1x100xi32, #tpu.memory_space<hbm>> -> memref<1x100xi32, #tpu.memory_space<hbm>>
        tpu.wait_dma2 semaphore(%arg18 : memref<!tpu.dma_semaphore, #tpu.memory_space<semaphore_mem>>) src(%dma_wait3A_695 : memref<1x100xi32, #tpu.memory_space<hbm>>) dst(%dma_wait3A_691 : memref<1x100xi32, #tpu.memory_space<vmem>>)
        %dma_start3A_696 = arith.constant 5 : i32
        %dma_start3A_697 = arith.constant 0 : i32
        %dma_start3A_698 = arith.constant 0 : i32
        %dma_start3A_699 = tpu.memref_slice %arg7[%dma_start3A_696, %dma_start3A_697, %dma_start3A_698] : memref<6x1x100xi32, #tpu.memory_space<vmem>> -> memref<1x1x100xi32, #tpu.memory_space<vmem>>
        %dma_start3A_700 = tpu.memref_squeeze %dma_start3A_699 : memref<1x1x100xi32, #tpu.memory_space<vmem>> -> memref<100xi32, #tpu.memory_space<vmem>>
        %dma_start3A_701 = arith.constant 0 : i32
        %dma_start3A_702 = arith.constant 0 : i32
        %dma_start3A_703 = tpu.memref_slice %arg2[%dma_start3A_701, %dma_start3A_702] : memref<10000x128xf32, #tpu.memory_space<hbm>> -> memref<10000x128xf32, #tpu.memory_space<hbm>>
        tpu.enqueue_indirect_dma source(%dma_start3A_703 : memref<10000x128xf32, #tpu.memory_space<hbm>>) target(%arg11 : memref<100x128xf32, #tpu.memory_space<vmem>>) offsets(%dma_start3A_700 : memref<100xi32, #tpu.memory_space<vmem>>) semaphore(%arg21 : memref<!tpu.dma_semaphore, #tpu.memory_space<semaphore_mem>>)
      } else {
      }
      %mul3A_580 = arith.constant 6 : i32
      %mul3A_581 = arith.muli %scan3A_423, %mul3A_580 : i32
      %add3A_582 = arith.constant 4 : i32
      %add3A_583 = arith.addi %mul3A_581, %add3A_582 : i32
      %dma_wait3A_584 = arith.constant 4 : i32
      %dma_wait3A_585 = arith.constant 0 : i32
      %dma_wait3A_586 = arith.constant 0 : i32
      %dma_wait3A_587 = tpu.memref_slice %arg7[%dma_wait3A_584, %dma_wait3A_585, %dma_wait3A_586] : memref<6x1x100xi32, #tpu.memory_space<vmem>> -> memref<1x1x100xi32, #tpu.memory_space<vmem>>
      %dma_wait3A_588 = tpu.memref_squeeze %dma_wait3A_587 : memref<1x1x100xi32, #tpu.memory_space<vmem>> -> memref<100xi32, #tpu.memory_space<vmem>>
      %dma_wait3A_589 = arith.constant 0 : i32
      %dma_wait3A_590 = arith.constant 0 : i32
      %dma_wait3A_591 = tpu.memref_slice %arg2[%dma_wait3A_589, %dma_wait3A_590] : memref<10000x128xf32, #tpu.memory_space<hbm>> -> memref<10000x128xf32, #tpu.memory_space<hbm>>
      tpu.wait_indirect_dma semaphore(%arg20 : memref<!tpu.dma_semaphore, #tpu.memory_space<semaphore_mem>>) src(%dma_wait3A_591 : memref<10000x128xf32, #tpu.memory_space<hbm>>) dst(%arg10 : memref<100x128xf32, #tpu.memory_space<vmem>>)
      %gt3A_592 = arith.constant 0 : i32
      %gt3A_593 = arith.cmpi sgt, %add3A_583, %gt3A_592 : i32
      %convert_element_type3A_594 = arith.extui %gt3A_593 : i1 to i32
      %cond3A_595 = arith.constant 0 : i32
      %cond3A_596 = arith.cmpi ne, %convert_element_type3A_594, %cond3A_595 : i32
      scf.if %cond3A_596 {
        %dma_wait3A_658 = arith.constant 3 : i32
        %dma_wait3A_659 = arith.constant 0 : i32
        %dma_wait3A_660 = arith.constant 0 : i32
        %dma_wait3A_661 = tpu.memref_slice %arg8[%dma_wait3A_658, %dma_wait3A_659, %dma_wait3A_660] : memref<6x1x100xi32, #tpu.memory_space<vmem>> -> memref<1x1x100xi32, #tpu.memory_space<vmem>>
        %dma_wait3A_662 = tpu.memref_squeeze %dma_wait3A_661 : memref<1x1x100xi32, #tpu.memory_space<vmem>> -> memref<100xi32, #tpu.memory_space<vmem>>
        %dma_wait3A_663 = arith.constant 0 : i32
        %dma_wait3A_664 = arith.constant 0 : i32
        %dma_wait3A_665 = tpu.memref_slice %arg12[%dma_wait3A_663, %dma_wait3A_664] : memref<10112x128xf32, #tpu.memory_space<vmem_shared>> -> memref<10112x128xf32, #tpu.memory_space<vmem_shared>>
        tpu.wait_indirect_dma semaphore(%arg22 : memref<!tpu.dma_semaphore, #tpu.memory_space<semaphore_mem>>) src(%arg9 : memref<100x128xf32, #tpu.memory_space<vmem>>) dst(%dma_wait3A_665 : memref<10112x128xf32, #tpu.memory_space<vmem_shared>>)
      } else {
      }
      %dma_start3A_597 = arith.constant 4 : i32
      %dma_start3A_598 = arith.constant 0 : i32
      %dma_start3A_599 = arith.constant 0 : i32
      %dma_start3A_600 = tpu.memref_slice %arg8[%dma_start3A_597, %dma_start3A_598, %dma_start3A_599] : memref<6x1x100xi32, #tpu.memory_space<vmem>> -> memref<1x1x100xi32, #tpu.memory_space<vmem>>
      %dma_start3A_601 = tpu.memref_squeeze %dma_start3A_600 : memref<1x1x100xi32, #tpu.memory_space<vmem>> -> memref<100xi32, #tpu.memory_space<vmem>>
      %dma_start3A_602 = arith.constant 0 : i32
      %dma_start3A_603 = arith.constant 0 : i32
      %dma_start3A_604 = tpu.memref_slice %arg12[%dma_start3A_602, %dma_start3A_603] : memref<10112x128xf32, #tpu.memory_space<vmem_shared>> -> memref<10112x128xf32, #tpu.memory_space<vmem_shared>>
      tpu.enqueue_indirect_dma source(%arg10 : memref<100x128xf32, #tpu.memory_space<vmem>>) target(%dma_start3A_604 : memref<10112x128xf32, #tpu.memory_space<vmem_shared>>) offsets(%dma_start3A_601 : memref<100xi32, #tpu.memory_space<vmem>>) semaphore(%arg22 : memref<!tpu.dma_semaphore, #tpu.memory_space<semaphore_mem>>) {add = true}
      %add3A_605 = arith.constant 4 : i32
      %add3A_606 = arith.addi %add3A_583, %add3A_605 : i32
      %lt3A_607 = arith.constant 100 : i32
      %lt3A_608 = arith.cmpi slt, %add3A_606, %lt3A_607 : i32
      %convert_element_type3A_609 = arith.extui %lt3A_608 : i1 to i32
      %cond3A_610 = arith.constant 0 : i32
      %cond3A_611 = arith.cmpi ne, %convert_element_type3A_609, %cond3A_610 : i32
      scf.if %cond3A_611 {
        %add3A_658 = arith.constant 4 : i32
        %add3A_659 = arith.addi %add3A_583, %add3A_658 : i32
        %add3A_660 = arith.addi %mul3A_2, %add3A_659 : i32
        %dma_start3A_661 = arith.constant 2 : i32
        %dma_start3A_662 = arith.constant 0 : i32
        %dma_start3A_663 = arith.constant 0 : i32
        %dma_start3A_664 = tpu.memref_slice %arg7[%dma_start3A_661, %dma_start3A_662, %dma_start3A_663] : memref<6x1x100xi32, #tpu.memory_space<vmem>> -> memref<1x1x100xi32, #tpu.memory_space<vmem>>
        %dma_start3A_665 = tpu.memref_squeeze %dma_start3A_664 : memref<1x1x100xi32, #tpu.memory_space<vmem>> -> memref<1x100xi32, #tpu.memory_space<vmem>>
        %dma_start3A_666 = arith.constant 0 : i32
        %dma_start3A_667 = arith.constant 0 : i32
        %dma_start3A_668 = tpu.memref_slice %arg3[%add3A_660, %dma_start3A_666, %dma_start3A_667] : memref<3200x1x100xi32, #tpu.memory_space<hbm>> -> memref<1x1x100xi32, #tpu.memory_space<hbm>>
        %dma_start3A_669 = tpu.memref_squeeze %dma_start3A_668 : memref<1x1x100xi32, #tpu.memory_space<hbm>> -> memref<1x100xi32, #tpu.memory_space<hbm>>
        %dma_start3A_670 = arith.constant 0 : i32
        %dma_start3A_671 = arith.constant 0 : i32
        %dma_start3A_672 = tpu.memref_slice %arg7[%dma_start3A_661, %dma_start3A_670, %dma_start3A_671] : memref<6x1x100xi32, #tpu.memory_space<vmem>> -> memref<1x1x100xi32, #tpu.memory_space<vmem>>
        %dma_start3A_673 = tpu.memref_squeeze %dma_start3A_672 : memref<1x1x100xi32, #tpu.memory_space<vmem>> -> memref<1x100xi32, #tpu.memory_space<vmem>>
        %dma_start3A_674 = arith.constant 0 : i32
        %dma_start3A_675 = arith.constant 0 : i32
        %dma_start3A_676 = tpu.memref_slice %arg3[%add3A_660, %dma_start3A_674, %dma_start3A_675] : memref<3200x1x100xi32, #tpu.memory_space<hbm>> -> memref<1x1x100xi32, #tpu.memory_space<hbm>>
        %dma_start3A_677 = tpu.memref_squeeze %dma_start3A_676 : memref<1x1x100xi32, #tpu.memory_space<hbm>> -> memref<1x100xi32, #tpu.memory_space<hbm>>
        tpu.enqueue_dma source(%dma_start3A_677 : memref<1x100xi32, #tpu.memory_space<hbm>>) target(%dma_start3A_673 : memref<1x100xi32, #tpu.memory_space<vmem>>) target_semaphore(%arg15 : memref<!tpu.dma_semaphore, #tpu.memory_space<semaphore_mem>>)
        %add3A_678 = arith.addi %mul3A_2, %add3A_659 : i32
        %dma_start3A_679 = arith.constant 2 : i32
        %dma_start3A_680 = arith.constant 0 : i32
        %dma_start3A_681 = arith.constant 0 : i32
        %dma_start3A_682 = tpu.memref_slice %arg8[%dma_start3A_679, %dma_start3A_680, %dma_start3A_681] : memref<6x1x100xi32, #tpu.memory_space<vmem>> -> memref<1x1x100xi32, #tpu.memory_space<vmem>>
        %dma_start3A_683 = tpu.memref_squeeze %dma_start3A_682 : memref<1x1x100xi32, #tpu.memory_space<vmem>> -> memref<1x100xi32, #tpu.memory_space<vmem>>
        %dma_start3A_684 = arith.constant 0 : i32
        %dma_start3A_685 = arith.constant 0 : i32
        %dma_start3A_686 = tpu.memref_slice %arg4[%add3A_678, %dma_start3A_684, %dma_start3A_685] : memref<3200x1x100xi32, #tpu.memory_space<hbm>> -> memref<1x1x100xi32, #tpu.memory_space<hbm>>
        %dma_start3A_687 = tpu.memref_squeeze %dma_start3A_686 : memref<1x1x100xi32, #tpu.memory_space<hbm>> -> memref<1x100xi32, #tpu.memory_space<hbm>>
        %dma_start3A_688 = arith.constant 0 : i32
        %dma_start3A_689 = arith.constant 0 : i32
        %dma_start3A_690 = tpu.memref_slice %arg8[%dma_start3A_679, %dma_start3A_688, %dma_start3A_689] : memref<6x1x100xi32, #tpu.memory_space<vmem>> -> memref<1x1x100xi32, #tpu.memory_space<vmem>>
        %dma_start3A_691 = tpu.memref_squeeze %dma_start3A_690 : memref<1x1x100xi32, #tpu.memory_space<vmem>> -> memref<1x100xi32, #tpu.memory_space<vmem>>
        %dma_start3A_692 = arith.constant 0 : i32
        %dma_start3A_693 = arith.constant 0 : i32
        %dma_start3A_694 = tpu.memref_slice %arg4[%add3A_678, %dma_start3A_692, %dma_start3A_693] : memref<3200x1x100xi32, #tpu.memory_space<hbm>> -> memref<1x1x100xi32, #tpu.memory_space<hbm>>
        %dma_start3A_695 = tpu.memref_squeeze %dma_start3A_694 : memref<1x1x100xi32, #tpu.memory_space<hbm>> -> memref<1x100xi32, #tpu.memory_space<hbm>>
        tpu.enqueue_dma source(%dma_start3A_695 : memref<1x100xi32, #tpu.memory_space<hbm>>) target(%dma_start3A_691 : memref<1x100xi32, #tpu.memory_space<vmem>>) target_semaphore(%arg15 : memref<!tpu.dma_semaphore, #tpu.memory_space<semaphore_mem>>)
      } else {
      }
      %add3A_612 = arith.constant 2 : i32
      %add3A_613 = arith.addi %add3A_583, %add3A_612 : i32
      %lt3A_614 = arith.constant 100 : i32
      %lt3A_615 = arith.cmpi slt, %add3A_613, %lt3A_614 : i32
      %convert_element_type3A_616 = arith.extui %lt3A_615 : i1 to i32
      %cond3A_617 = arith.constant 0 : i32
      %cond3A_618 = arith.cmpi ne, %convert_element_type3A_616, %cond3A_617 : i32
      scf.if %cond3A_618 {
        %add3A_658 = arith.constant 2 : i32
        %add3A_659 = arith.addi %add3A_583, %add3A_658 : i32
        %add3A_660 = arith.addi %mul3A_2, %add3A_659 : i32
        %dma_wait3A_661 = arith.constant 0 : i32
        %dma_wait3A_662 = arith.constant 0 : i32
        %dma_wait3A_663 = arith.constant 0 : i32
        %dma_wait3A_664 = tpu.memref_slice %arg7[%dma_wait3A_661, %dma_wait3A_662, %dma_wait3A_663] : memref<6x1x100xi32, #tpu.memory_space<vmem>> -> memref<1x1x100xi32, #tpu.memory_space<vmem>>
        %dma_wait3A_665 = tpu.memref_squeeze %dma_wait3A_664 : memref<1x1x100xi32, #tpu.memory_space<vmem>> -> memref<1x100xi32, #tpu.memory_space<vmem>>
        %dma_wait3A_666 = arith.constant 0 : i32
        %dma_wait3A_667 = arith.constant 0 : i32
        %dma_wait3A_668 = tpu.memref_slice %arg3[%add3A_660, %dma_wait3A_666, %dma_wait3A_667] : memref<3200x1x100xi32, #tpu.memory_space<hbm>> -> memref<1x1x100xi32, #tpu.memory_space<hbm>>
        %dma_wait3A_669 = tpu.memref_squeeze %dma_wait3A_668 : memref<1x1x100xi32, #tpu.memory_space<hbm>> -> memref<1x100xi32, #tpu.memory_space<hbm>>
        %dma_wait3A_670 = arith.constant 0 : i32
        %dma_wait3A_671 = arith.constant 0 : i32
        %dma_wait3A_672 = tpu.memref_slice %arg7[%dma_wait3A_661, %dma_wait3A_670, %dma_wait3A_671] : memref<6x1x100xi32, #tpu.memory_space<vmem>> -> memref<1x1x100xi32, #tpu.memory_space<vmem>>
        %dma_wait3A_673 = tpu.memref_squeeze %dma_wait3A_672 : memref<1x1x100xi32, #tpu.memory_space<vmem>> -> memref<1x100xi32, #tpu.memory_space<vmem>>
        %dma_wait3A_674 = arith.constant 0 : i32
        %dma_wait3A_675 = arith.constant 0 : i32
        %dma_wait3A_676 = tpu.memref_slice %arg3[%add3A_660, %dma_wait3A_674, %dma_wait3A_675] : memref<3200x1x100xi32, #tpu.memory_space<hbm>> -> memref<1x1x100xi32, #tpu.memory_space<hbm>>
        %dma_wait3A_677 = tpu.memref_squeeze %dma_wait3A_676 : memref<1x1x100xi32, #tpu.memory_space<hbm>> -> memref<1x100xi32, #tpu.memory_space<hbm>>
        tpu.wait_dma2 semaphore(%arg13 : memref<!tpu.dma_semaphore, #tpu.memory_space<semaphore_mem>>) src(%dma_wait3A_677 : memref<1x100xi32, #tpu.memory_space<hbm>>) dst(%dma_wait3A_673 : memref<1x100xi32, #tpu.memory_space<vmem>>)
        %add3A_678 = arith.addi %mul3A_2, %add3A_659 : i32
        %dma_wait3A_679 = arith.constant 0 : i32
        %dma_wait3A_680 = arith.constant 0 : i32
        %dma_wait3A_681 = arith.constant 0 : i32
        %dma_wait3A_682 = tpu.memref_slice %arg8[%dma_wait3A_679, %dma_wait3A_680, %dma_wait3A_681] : memref<6x1x100xi32, #tpu.memory_space<vmem>> -> memref<1x1x100xi32, #tpu.memory_space<vmem>>
        %dma_wait3A_683 = tpu.memref_squeeze %dma_wait3A_682 : memref<1x1x100xi32, #tpu.memory_space<vmem>> -> memref<1x100xi32, #tpu.memory_space<vmem>>
        %dma_wait3A_684 = arith.constant 0 : i32
        %dma_wait3A_685 = arith.constant 0 : i32
        %dma_wait3A_686 = tpu.memref_slice %arg4[%add3A_678, %dma_wait3A_684, %dma_wait3A_685] : memref<3200x1x100xi32, #tpu.memory_space<hbm>> -> memref<1x1x100xi32, #tpu.memory_space<hbm>>
        %dma_wait3A_687 = tpu.memref_squeeze %dma_wait3A_686 : memref<1x1x100xi32, #tpu.memory_space<hbm>> -> memref<1x100xi32, #tpu.memory_space<hbm>>
        %dma_wait3A_688 = arith.constant 0 : i32
        %dma_wait3A_689 = arith.constant 0 : i32
        %dma_wait3A_690 = tpu.memref_slice %arg8[%dma_wait3A_679, %dma_wait3A_688, %dma_wait3A_689] : memref<6x1x100xi32, #tpu.memory_space<vmem>> -> memref<1x1x100xi32, #tpu.memory_space<vmem>>
        %dma_wait3A_691 = tpu.memref_squeeze %dma_wait3A_690 : memref<1x1x100xi32, #tpu.memory_space<vmem>> -> memref<1x100xi32, #tpu.memory_space<vmem>>
        %dma_wait3A_692 = arith.constant 0 : i32
        %dma_wait3A_693 = arith.constant 0 : i32
        %dma_wait3A_694 = tpu.memref_slice %arg4[%add3A_678, %dma_wait3A_692, %dma_wait3A_693] : memref<3200x1x100xi32, #tpu.memory_space<hbm>> -> memref<1x1x100xi32, #tpu.memory_space<hbm>>
        %dma_wait3A_695 = tpu.memref_squeeze %dma_wait3A_694 : memref<1x1x100xi32, #tpu.memory_space<hbm>> -> memref<1x100xi32, #tpu.memory_space<hbm>>
        tpu.wait_dma2 semaphore(%arg13 : memref<!tpu.dma_semaphore, #tpu.memory_space<semaphore_mem>>) src(%dma_wait3A_695 : memref<1x100xi32, #tpu.memory_space<hbm>>) dst(%dma_wait3A_691 : memref<1x100xi32, #tpu.memory_space<vmem>>)
        %dma_start3A_696 = arith.constant 0 : i32
        %dma_start3A_697 = arith.constant 0 : i32
        %dma_start3A_698 = arith.constant 0 : i32
        %dma_start3A_699 = tpu.memref_slice %arg7[%dma_start3A_696, %dma_start3A_697, %dma_start3A_698] : memref<6x1x100xi32, #tpu.memory_space<vmem>> -> memref<1x1x100xi32, #tpu.memory_space<vmem>>
        %dma_start3A_700 = tpu.memref_squeeze %dma_start3A_699 : memref<1x1x100xi32, #tpu.memory_space<vmem>> -> memref<100xi32, #tpu.memory_space<vmem>>
        %dma_start3A_701 = arith.constant 0 : i32
        %dma_start3A_702 = arith.constant 0 : i32
        %dma_start3A_703 = tpu.memref_slice %arg2[%dma_start3A_701, %dma_start3A_702] : memref<10000x128xf32, #tpu.memory_space<hbm>> -> memref<10000x128xf32, #tpu.memory_space<hbm>>
        tpu.enqueue_indirect_dma source(%dma_start3A_703 : memref<10000x128xf32, #tpu.memory_space<hbm>>) target(%arg9 : memref<100x128xf32, #tpu.memory_space<vmem>>) offsets(%dma_start3A_700 : memref<100xi32, #tpu.memory_space<vmem>>) semaphore(%arg19 : memref<!tpu.dma_semaphore, #tpu.memory_space<semaphore_mem>>)
      } else {
      }
      %mul3A_619 = arith.constant 6 : i32
      %mul3A_620 = arith.muli %scan3A_423, %mul3A_619 : i32
      %add3A_621 = arith.constant 5 : i32
      %add3A_622 = arith.addi %mul3A_620, %add3A_621 : i32
      %dma_wait3A_623 = arith.constant 5 : i32
      %dma_wait3A_624 = arith.constant 0 : i32
      %dma_wait3A_625 = arith.constant 0 : i32
      %dma_wait3A_626 = tpu.memref_slice %arg7[%dma_wait3A_623, %dma_wait3A_624, %dma_wait3A_625] : memref<6x1x100xi32, #tpu.memory_space<vmem>> -> memref<1x1x100xi32, #tpu.memory_space<vmem>>
      %dma_wait3A_627 = tpu.memref_squeeze %dma_wait3A_626 : memref<1x1x100xi32, #tpu.memory_space<vmem>> -> memref<100xi32, #tpu.memory_space<vmem>>
      %dma_wait3A_628 = arith.constant 0 : i32
      %dma_wait3A_629 = arith.constant 0 : i32
      %dma_wait3A_630 = tpu.memref_slice %arg2[%dma_wait3A_628, %dma_wait3A_629] : memref<10000x128xf32, #tpu.memory_space<hbm>> -> memref<10000x128xf32, #tpu.memory_space<hbm>>
      tpu.wait_indirect_dma semaphore(%arg21 : memref<!tpu.dma_semaphore, #tpu.memory_space<semaphore_mem>>) src(%dma_wait3A_630 : memref<10000x128xf32, #tpu.memory_space<hbm>>) dst(%arg11 : memref<100x128xf32, #tpu.memory_space<vmem>>)
      %gt3A_631 = arith.constant 0 : i32
      %gt3A_632 = arith.cmpi sgt, %add3A_622, %gt3A_631 : i32
      %convert_element_type3A_633 = arith.extui %gt3A_632 : i1 to i32
      %cond3A_634 = arith.constant 0 : i32
      %cond3A_635 = arith.cmpi ne, %convert_element_type3A_633, %cond3A_634 : i32
      scf.if %cond3A_635 {
        %dma_wait3A_658 = arith.constant 4 : i32
        %dma_wait3A_659 = arith.constant 0 : i32
        %dma_wait3A_660 = arith.constant 0 : i32
        %dma_wait3A_661 = tpu.memref_slice %arg8[%dma_wait3A_658, %dma_wait3A_659, %dma_wait3A_660] : memref<6x1x100xi32, #tpu.memory_space<vmem>> -> memref<1x1x100xi32, #tpu.memory_space<vmem>>
        %dma_wait3A_662 = tpu.memref_squeeze %dma_wait3A_661 : memref<1x1x100xi32, #tpu.memory_space<vmem>> -> memref<100xi32, #tpu.memory_space<vmem>>
        %dma_wait3A_663 = arith.constant 0 : i32
        %dma_wait3A_664 = arith.constant 0 : i32
        %dma_wait3A_665 = tpu.memref_slice %arg12[%dma_wait3A_663, %dma_wait3A_664] : memref<10112x128xf32, #tpu.memory_space<vmem_shared>> -> memref<10112x128xf32, #tpu.memory_space<vmem_shared>>
        tpu.wait_indirect_dma semaphore(%arg22 : memref<!tpu.dma_semaphore, #tpu.memory_space<semaphore_mem>>) src(%arg10 : memref<100x128xf32, #tpu.memory_space<vmem>>) dst(%dma_wait3A_665 : memref<10112x128xf32, #tpu.memory_space<vmem_shared>>)
      } else {
      }
      %dma_start3A_636 = arith.constant 5 : i32
      %dma_start3A_637 = arith.constant 0 : i32
      %dma_start3A_638 = arith.constant 0 : i32
      %dma_start3A_639 = tpu.memref_slice %arg8[%dma_start3A_636, %dma_start3A_637, %dma_start3A_638] : memref<6x1x100xi32, #tpu.memory_space<vmem>> -> memref<1x1x100xi32, #tpu.memory_space<vmem>>
      %dma_start3A_640 = tpu.memref_squeeze %dma_start3A_639 : memref<1x1x100xi32, #tpu.memory_space<vmem>> -> memref<100xi32, #tpu.memory_space<vmem>>
      %dma_start3A_641 = arith.constant 0 : i32
      %dma_start3A_642 = arith.constant 0 : i32
      %dma_start3A_643 = tpu.memref_slice %arg12[%dma_start3A_641, %dma_start3A_642] : memref<10112x128xf32, #tpu.memory_space<vmem_shared>> -> memref<10112x128xf32, #tpu.memory_space<vmem_shared>>
      tpu.enqueue_indirect_dma source(%arg11 : memref<100x128xf32, #tpu.memory_space<vmem>>) target(%dma_start3A_643 : memref<10112x128xf32, #tpu.memory_space<vmem_shared>>) offsets(%dma_start3A_640 : memref<100xi32, #tpu.memory_space<vmem>>) semaphore(%arg22 : memref<!tpu.dma_semaphore, #tpu.memory_space<semaphore_mem>>) {add = true}
      %add3A_644 = arith.constant 4 : i32
      %add3A_645 = arith.addi %add3A_622, %add3A_644 : i32
      %lt3A_646 = arith.constant 100 : i32
      %lt3A_647 = arith.cmpi slt, %add3A_645, %lt3A_646 : i32
      %convert_element_type3A_648 = arith.extui %lt3A_647 : i1 to i32
      %cond3A_649 = arith.constant 0 : i32
      %cond3A_650 = arith.cmpi ne, %convert_element_type3A_648, %cond3A_649 : i32
      scf.if %cond3A_650 {
        %add3A_658 = arith.constant 4 : i32
        %add3A_659 = arith.addi %add3A_622, %add3A_658 : i32
        %add3A_660 = arith.addi %mul3A_2, %add3A_659 : i32
        %dma_start3A_661 = arith.constant 3 : i32
        %dma_start3A_662 = arith.constant 0 : i32
        %dma_start3A_663 = arith.constant 0 : i32
        %dma_start3A_664 = tpu.memref_slice %arg7[%dma_start3A_661, %dma_start3A_662, %dma_start3A_663] : memref<6x1x100xi32, #tpu.memory_space<vmem>> -> memref<1x1x100xi32, #tpu.memory_space<vmem>>
        %dma_start3A_665 = tpu.memref_squeeze %dma_start3A_664 : memref<1x1x100xi32, #tpu.memory_space<vmem>> -> memref<1x100xi32, #tpu.memory_space<vmem>>
        %dma_start3A_666 = arith.constant 0 : i32
        %dma_start3A_667 = arith.constant 0 : i32
        %dma_start3A_668 = tpu.memref_slice %arg3[%add3A_660, %dma_start3A_666, %dma_start3A_667] : memref<3200x1x100xi32, #tpu.memory_space<hbm>> -> memref<1x1x100xi32, #tpu.memory_space<hbm>>
        %dma_start3A_669 = tpu.memref_squeeze %dma_start3A_668 : memref<1x1x100xi32, #tpu.memory_space<hbm>> -> memref<1x100xi32, #tpu.memory_space<hbm>>
        %dma_start3A_670 = arith.constant 0 : i32
        %dma_start3A_671 = arith.constant 0 : i32
        %dma_start3A_672 = tpu.memref_slice %arg7[%dma_start3A_661, %dma_start3A_670, %dma_start3A_671] : memref<6x1x100xi32, #tpu.memory_space<vmem>> -> memref<1x1x100xi32, #tpu.memory_space<vmem>>
        %dma_start3A_673 = tpu.memref_squeeze %dma_start3A_672 : memref<1x1x100xi32, #tpu.memory_space<vmem>> -> memref<1x100xi32, #tpu.memory_space<vmem>>
        %dma_start3A_674 = arith.constant 0 : i32
        %dma_start3A_675 = arith.constant 0 : i32
        %dma_start3A_676 = tpu.memref_slice %arg3[%add3A_660, %dma_start3A_674, %dma_start3A_675] : memref<3200x1x100xi32, #tpu.memory_space<hbm>> -> memref<1x1x100xi32, #tpu.memory_space<hbm>>
        %dma_start3A_677 = tpu.memref_squeeze %dma_start3A_676 : memref<1x1x100xi32, #tpu.memory_space<hbm>> -> memref<1x100xi32, #tpu.memory_space<hbm>>
        tpu.enqueue_dma source(%dma_start3A_677 : memref<1x100xi32, #tpu.memory_space<hbm>>) target(%dma_start3A_673 : memref<1x100xi32, #tpu.memory_space<vmem>>) target_semaphore(%arg16 : memref<!tpu.dma_semaphore, #tpu.memory_space<semaphore_mem>>)
        %add3A_678 = arith.addi %mul3A_2, %add3A_659 : i32
        %dma_start3A_679 = arith.constant 3 : i32
        %dma_start3A_680 = arith.constant 0 : i32
        %dma_start3A_681 = arith.constant 0 : i32
        %dma_start3A_682 = tpu.memref_slice %arg8[%dma_start3A_679, %dma_start3A_680, %dma_start3A_681] : memref<6x1x100xi32, #tpu.memory_space<vmem>> -> memref<1x1x100xi32, #tpu.memory_space<vmem>>
        %dma_start3A_683 = tpu.memref_squeeze %dma_start3A_682 : memref<1x1x100xi32, #tpu.memory_space<vmem>> -> memref<1x100xi32, #tpu.memory_space<vmem>>
        %dma_start3A_684 = arith.constant 0 : i32
        %dma_start3A_685 = arith.constant 0 : i32
        %dma_start3A_686 = tpu.memref_slice %arg4[%add3A_678, %dma_start3A_684, %dma_start3A_685] : memref<3200x1x100xi32, #tpu.memory_space<hbm>> -> memref<1x1x100xi32, #tpu.memory_space<hbm>>
        %dma_start3A_687 = tpu.memref_squeeze %dma_start3A_686 : memref<1x1x100xi32, #tpu.memory_space<hbm>> -> memref<1x100xi32, #tpu.memory_space<hbm>>
        %dma_start3A_688 = arith.constant 0 : i32
        %dma_start3A_689 = arith.constant 0 : i32
        %dma_start3A_690 = tpu.memref_slice %arg8[%dma_start3A_679, %dma_start3A_688, %dma_start3A_689] : memref<6x1x100xi32, #tpu.memory_space<vmem>> -> memref<1x1x100xi32, #tpu.memory_space<vmem>>
        %dma_start3A_691 = tpu.memref_squeeze %dma_start3A_690 : memref<1x1x100xi32, #tpu.memory_space<vmem>> -> memref<1x100xi32, #tpu.memory_space<vmem>>
        %dma_start3A_692 = arith.constant 0 : i32
        %dma_start3A_693 = arith.constant 0 : i32
        %dma_start3A_694 = tpu.memref_slice %arg4[%add3A_678, %dma_start3A_692, %dma_start3A_693] : memref<3200x1x100xi32, #tpu.memory_space<hbm>> -> memref<1x1x100xi32, #tpu.memory_space<hbm>>
        %dma_start3A_695 = tpu.memref_squeeze %dma_start3A_694 : memref<1x1x100xi32, #tpu.memory_space<hbm>> -> memref<1x100xi32, #tpu.memory_space<hbm>>
        tpu.enqueue_dma source(%dma_start3A_695 : memref<1x100xi32, #tpu.memory_space<hbm>>) target(%dma_start3A_691 : memref<1x100xi32, #tpu.memory_space<vmem>>) target_semaphore(%arg16 : memref<!tpu.dma_semaphore, #tpu.memory_space<semaphore_mem>>)
      } else {
      }
      %add3A_651 = arith.constant 2 : i32
      %add3A_652 = arith.addi %add3A_622, %add3A_651 : i32
      %lt3A_653 = arith.constant 100 : i32
      %lt3A_654 = arith.cmpi slt, %add3A_652, %lt3A_653 : i32
      %convert_element_type3A_655 = arith.extui %lt3A_654 : i1 to i32
      %cond3A_656 = arith.constant 0 : i32
      %cond3A_657 = arith.cmpi ne, %convert_element_type3A_655, %cond3A_656 : i32
      scf.if %cond3A_657 {
        %add3A_658 = arith.constant 2 : i32
        %add3A_659 = arith.addi %add3A_622, %add3A_658 : i32
        %add3A_660 = arith.addi %mul3A_2, %add3A_659 : i32
        %dma_wait3A_661 = arith.constant 1 : i32
        %dma_wait3A_662 = arith.constant 0 : i32
        %dma_wait3A_663 = arith.constant 0 : i32
        %dma_wait3A_664 = tpu.memref_slice %arg7[%dma_wait3A_661, %dma_wait3A_662, %dma_wait3A_663] : memref<6x1x100xi32, #tpu.memory_space<vmem>> -> memref<1x1x100xi32, #tpu.memory_space<vmem>>
        %dma_wait3A_665 = tpu.memref_squeeze %dma_wait3A_664 : memref<1x1x100xi32, #tpu.memory_space<vmem>> -> memref<1x100xi32, #tpu.memory_space<vmem>>
        %dma_wait3A_666 = arith.constant 0 : i32
        %dma_wait3A_667 = arith.constant 0 : i32
        %dma_wait3A_668 = tpu.memref_slice %arg3[%add3A_660, %dma_wait3A_666, %dma_wait3A_667] : memref<3200x1x100xi32, #tpu.memory_space<hbm>> -> memref<1x1x100xi32, #tpu.memory_space<hbm>>
        %dma_wait3A_669 = tpu.memref_squeeze %dma_wait3A_668 : memref<1x1x100xi32, #tpu.memory_space<hbm>> -> memref<1x100xi32, #tpu.memory_space<hbm>>
        %dma_wait3A_670 = arith.constant 0 : i32
        %dma_wait3A_671 = arith.constant 0 : i32
        %dma_wait3A_672 = tpu.memref_slice %arg7[%dma_wait3A_661, %dma_wait3A_670, %dma_wait3A_671] : memref<6x1x100xi32, #tpu.memory_space<vmem>> -> memref<1x1x100xi32, #tpu.memory_space<vmem>>
        %dma_wait3A_673 = tpu.memref_squeeze %dma_wait3A_672 : memref<1x1x100xi32, #tpu.memory_space<vmem>> -> memref<1x100xi32, #tpu.memory_space<vmem>>
        %dma_wait3A_674 = arith.constant 0 : i32
        %dma_wait3A_675 = arith.constant 0 : i32
        %dma_wait3A_676 = tpu.memref_slice %arg3[%add3A_660, %dma_wait3A_674, %dma_wait3A_675] : memref<3200x1x100xi32, #tpu.memory_space<hbm>> -> memref<1x1x100xi32, #tpu.memory_space<hbm>>
        %dma_wait3A_677 = tpu.memref_squeeze %dma_wait3A_676 : memref<1x1x100xi32, #tpu.memory_space<hbm>> -> memref<1x100xi32, #tpu.memory_space<hbm>>
        tpu.wait_dma2 semaphore(%arg14 : memref<!tpu.dma_semaphore, #tpu.memory_space<semaphore_mem>>) src(%dma_wait3A_677 : memref<1x100xi32, #tpu.memory_space<hbm>>) dst(%dma_wait3A_673 : memref<1x100xi32, #tpu.memory_space<vmem>>)
        %add3A_678 = arith.addi %mul3A_2, %add3A_659 : i32
        %dma_wait3A_679 = arith.constant 1 : i32
        %dma_wait3A_680 = arith.constant 0 : i32
        %dma_wait3A_681 = arith.constant 0 : i32
        %dma_wait3A_682 = tpu.memref_slice %arg8[%dma_wait3A_679, %dma_wait3A_680, %dma_wait3A_681] : memref<6x1x100xi32, #tpu.memory_space<vmem>> -> memref<1x1x100xi32, #tpu.memory_space<vmem>>
        %dma_wait3A_683 = tpu.memref_squeeze %dma_wait3A_682 : memref<1x1x100xi32, #tpu.memory_space<vmem>> -> memref<1x100xi32, #tpu.memory_space<vmem>>
        %dma_wait3A_684 = arith.constant 0 : i32
        %dma_wait3A_685 = arith.constant 0 : i32
        %dma_wait3A_686 = tpu.memref_slice %arg4[%add3A_678, %dma_wait3A_684, %dma_wait3A_685] : memref<3200x1x100xi32, #tpu.memory_space<hbm>> -> memref<1x1x100xi32, #tpu.memory_space<hbm>>
        %dma_wait3A_687 = tpu.memref_squeeze %dma_wait3A_686 : memref<1x1x100xi32, #tpu.memory_space<hbm>> -> memref<1x100xi32, #tpu.memory_space<hbm>>
        %dma_wait3A_688 = arith.constant 0 : i32
        %dma_wait3A_689 = arith.constant 0 : i32
        %dma_wait3A_690 = tpu.memref_slice %arg8[%dma_wait3A_679, %dma_wait3A_688, %dma_wait3A_689] : memref<6x1x100xi32, #tpu.memory_space<vmem>> -> memref<1x1x100xi32, #tpu.memory_space<vmem>>
        %dma_wait3A_691 = tpu.memref_squeeze %dma_wait3A_690 : memref<1x1x100xi32, #tpu.memory_space<vmem>> -> memref<1x100xi32, #tpu.memory_space<vmem>>
        %dma_wait3A_692 = arith.constant 0 : i32
        %dma_wait3A_693 = arith.constant 0 : i32
        %dma_wait3A_694 = tpu.memref_slice %arg4[%add3A_678, %dma_wait3A_692, %dma_wait3A_693] : memref<3200x1x100xi32, #tpu.memory_space<hbm>> -> memref<1x1x100xi32, #tpu.memory_space<hbm>>
        %dma_wait3A_695 = tpu.memref_squeeze %dma_wait3A_694 : memref<1x1x100xi32, #tpu.memory_space<hbm>> -> memref<1x100xi32, #tpu.memory_space<hbm>>
        tpu.wait_dma2 semaphore(%arg14 : memref<!tpu.dma_semaphore, #tpu.memory_space<semaphore_mem>>) src(%dma_wait3A_695 : memref<1x100xi32, #tpu.memory_space<hbm>>) dst(%dma_wait3A_691 : memref<1x100xi32, #tpu.memory_space<vmem>>)
        %dma_start3A_696 = arith.constant 1 : i32
        %dma_start3A_697 = arith.constant 0 : i32
        %dma_start3A_698 = arith.constant 0 : i32
        %dma_start3A_699 = tpu.memref_slice %arg7[%dma_start3A_696, %dma_start3A_697, %dma_start3A_698] : memref<6x1x100xi32, #tpu.memory_space<vmem>> -> memref<1x1x100xi32, #tpu.memory_space<vmem>>
        %dma_start3A_700 = tpu.memref_squeeze %dma_start3A_699 : memref<1x1x100xi32, #tpu.memory_space<vmem>> -> memref<100xi32, #tpu.memory_space<vmem>>
        %dma_start3A_701 = arith.constant 0 : i32
        %dma_start3A_702 = arith.constant 0 : i32
        %dma_start3A_703 = tpu.memref_slice %arg2[%dma_start3A_701, %dma_start3A_702] : memref<10000x128xf32, #tpu.memory_space<hbm>> -> memref<10000x128xf32, #tpu.memory_space<hbm>>
        tpu.enqueue_indirect_dma source(%dma_start3A_703 : memref<10000x128xf32, #tpu.memory_space<hbm>>) target(%arg10 : memref<100x128xf32, #tpu.memory_space<vmem>>) offsets(%dma_start3A_700 : memref<100xi32, #tpu.memory_space<vmem>>) semaphore(%arg20 : memref<!tpu.dma_semaphore, #tpu.memory_space<semaphore_mem>>)
      } else {
      }
    }
    %scan3A_253 = arith.constant 16 : i32
    %dma_wait3A_254 = arith.constant 0 : i32
    %dma_wait3A_255 = arith.constant 0 : i32
    %dma_wait3A_256 = arith.constant 0 : i32
    %dma_wait3A_257 = tpu.memref_slice %arg7[%dma_wait3A_254, %dma_wait3A_255, %dma_wait3A_256] : memref<6x1x100xi32, #tpu.memory_space<vmem>> -> memref<1x1x100xi32, #tpu.memory_space<vmem>>
    %dma_wait3A_258 = tpu.memref_squeeze %dma_wait3A_257 : memref<1x1x100xi32, #tpu.memory_space<vmem>> -> memref<100xi32, #tpu.memory_space<vmem>>
    %dma_wait3A_259 = arith.constant 0 : i32
    %dma_wait3A_260 = arith.constant 0 : i32
    %dma_wait3A_261 = tpu.memref_slice %arg2[%dma_wait3A_259, %dma_wait3A_260] : memref<10000x128xf32, #tpu.memory_space<hbm>> -> memref<10000x128xf32, #tpu.memory_space<hbm>>
    tpu.wait_indirect_dma semaphore(%arg19 : memref<!tpu.dma_semaphore, #tpu.memory_space<semaphore_mem>>) src(%dma_wait3A_261 : memref<10000x128xf32, #tpu.memory_space<hbm>>) dst(%arg9 : memref<100x128xf32, #tpu.memory_space<vmem>>)
    %gt3A = arith.constant 96 : i32
    %gt3A_262 = arith.constant 0 : i32
    %gt3A_263 = arith.cmpi sgt, %gt3A, %gt3A_262 : i32
    %convert_element_type3A = arith.extui %gt3A_263 : i1 to i32
    %cond3A = arith.constant 0 : i32
    %cond3A_264 = arith.cmpi ne, %convert_element_type3A, %cond3A : i32
    scf.if %cond3A_264 {
      %dma_wait3A_423 = arith.constant 5 : i32
      %dma_wait3A_424 = arith.constant 0 : i32
      %dma_wait3A_425 = arith.constant 0 : i32
      %dma_wait3A_426 = tpu.memref_slice %arg8[%dma_wait3A_423, %dma_wait3A_424, %dma_wait3A_425] : memref<6x1x100xi32, #tpu.memory_space<vmem>> -> memref<1x1x100xi32, #tpu.memory_space<vmem>>
      %dma_wait3A_427 = tpu.memref_squeeze %dma_wait3A_426 : memref<1x1x100xi32, #tpu.memory_space<vmem>> -> memref<100xi32, #tpu.memory_space<vmem>>
      %dma_wait3A_428 = arith.constant 0 : i32
      %dma_wait3A_429 = arith.constant 0 : i32
      %dma_wait3A_430 = tpu.memref_slice %arg12[%dma_wait3A_428, %dma_wait3A_429] : memref<10112x128xf32, #tpu.memory_space<vmem_shared>> -> memref<10112x128xf32, #tpu.memory_space<vmem_shared>>
      tpu.wait_indirect_dma semaphore(%arg22 : memref<!tpu.dma_semaphore, #tpu.memory_space<semaphore_mem>>) src(%arg11 : memref<100x128xf32, #tpu.memory_space<vmem>>) dst(%dma_wait3A_430 : memref<10112x128xf32, #tpu.memory_space<vmem_shared>>)
    } else {
    }
    %dma_start3A_265 = arith.constant 0 : i32
    %dma_start3A_266 = arith.constant 0 : i32
    %dma_start3A_267 = arith.constant 0 : i32
    %dma_start3A_268 = tpu.memref_slice %arg8[%dma_start3A_265, %dma_start3A_266, %dma_start3A_267] : memref<6x1x100xi32, #tpu.memory_space<vmem>> -> memref<1x1x100xi32, #tpu.memory_space<vmem>>
    %dma_start3A_269 = tpu.memref_squeeze %dma_start3A_268 : memref<1x1x100xi32, #tpu.memory_space<vmem>> -> memref<100xi32, #tpu.memory_space<vmem>>
    %dma_start3A_270 = arith.constant 0 : i32
    %dma_start3A_271 = arith.constant 0 : i32
    %dma_start3A_272 = tpu.memref_slice %arg12[%dma_start3A_270, %dma_start3A_271] : memref<10112x128xf32, #tpu.memory_space<vmem_shared>> -> memref<10112x128xf32, #tpu.memory_space<vmem_shared>>
    tpu.enqueue_indirect_dma source(%arg9 : memref<100x128xf32, #tpu.memory_space<vmem>>) target(%dma_start3A_272 : memref<10112x128xf32, #tpu.memory_space<vmem_shared>>) offsets(%dma_start3A_269 : memref<100xi32, #tpu.memory_space<vmem>>) semaphore(%arg22 : memref<!tpu.dma_semaphore, #tpu.memory_space<semaphore_mem>>) {add = true}
    %add3A_273 = arith.constant 96 : i32
    %add3A_274 = arith.constant 4 : i32
    %add3A_275 = arith.addi %add3A_273, %add3A_274 : i32
    %lt3A = arith.constant 100 : i32
    %lt3A_276 = arith.cmpi slt, %add3A_275, %lt3A : i32
    %convert_element_type3A_277 = arith.extui %lt3A_276 : i1 to i32
    %cond3A_278 = arith.constant 96 : i32
    %cond3A_279 = arith.constant 0 : i32
    %cond3A_280 = arith.cmpi ne, %convert_element_type3A_277, %cond3A_279 : i32
    scf.if %cond3A_280 {
      %add3A_423 = arith.constant 4 : i32
      %add3A_424 = arith.addi %cond3A_278, %add3A_423 : i32
      %add3A_425 = arith.addi %mul3A_2, %add3A_424 : i32
      %dma_start3A_426 = arith.constant 4 : i32
      %dma_start3A_427 = arith.constant 0 : i32
      %dma_start3A_428 = arith.constant 0 : i32
      %dma_start3A_429 = tpu.memref_slice %arg7[%dma_start3A_426, %dma_start3A_427, %dma_start3A_428] : memref<6x1x100xi32, #tpu.memory_space<vmem>> -> memref<1x1x100xi32, #tpu.memory_space<vmem>>
      %dma_start3A_430 = tpu.memref_squeeze %dma_start3A_429 : memref<1x1x100xi32, #tpu.memory_space<vmem>> -> memref<1x100xi32, #tpu.memory_space<vmem>>
      %dma_start3A_431 = arith.constant 0 : i32
      %dma_start3A_432 = arith.constant 0 : i32
      %dma_start3A_433 = tpu.memref_slice %arg3[%add3A_425, %dma_start3A_431, %dma_start3A_432] : memref<3200x1x100xi32, #tpu.memory_space<hbm>> -> memref<1x1x100xi32, #tpu.memory_space<hbm>>
      %dma_start3A_434 = tpu.memref_squeeze %dma_start3A_433 : memref<1x1x100xi32, #tpu.memory_space<hbm>> -> memref<1x100xi32, #tpu.memory_space<hbm>>
      %dma_start3A_435 = arith.constant 0 : i32
      %dma_start3A_436 = arith.constant 0 : i32
      %dma_start3A_437 = tpu.memref_slice %arg7[%dma_start3A_426, %dma_start3A_435, %dma_start3A_436] : memref<6x1x100xi32, #tpu.memory_space<vmem>> -> memref<1x1x100xi32, #tpu.memory_space<vmem>>
      %dma_start3A_438 = tpu.memref_squeeze %dma_start3A_437 : memref<1x1x100xi32, #tpu.memory_space<vmem>> -> memref<1x100xi32, #tpu.memory_space<vmem>>
      %dma_start3A_439 = arith.constant 0 : i32
      %dma_start3A_440 = arith.constant 0 : i32
      %dma_start3A_441 = tpu.memref_slice %arg3[%add3A_425, %dma_start3A_439, %dma_start3A_440] : memref<3200x1x100xi32, #tpu.memory_space<hbm>> -> memref<1x1x100xi32, #tpu.memory_space<hbm>>
      %dma_start3A_442 = tpu.memref_squeeze %dma_start3A_441 : memref<1x1x100xi32, #tpu.memory_space<hbm>> -> memref<1x100xi32, #tpu.memory_space<hbm>>
      tpu.enqueue_dma source(%dma_start3A_442 : memref<1x100xi32, #tpu.memory_space<hbm>>) target(%dma_start3A_438 : memref<1x100xi32, #tpu.memory_space<vmem>>) target_semaphore(%arg17 : memref<!tpu.dma_semaphore, #tpu.memory_space<semaphore_mem>>)
      %add3A_443 = arith.addi %mul3A_2, %add3A_424 : i32
      %dma_start3A_444 = arith.constant 4 : i32
      %dma_start3A_445 = arith.constant 0 : i32
      %dma_start3A_446 = arith.constant 0 : i32
      %dma_start3A_447 = tpu.memref_slice %arg8[%dma_start3A_444, %dma_start3A_445, %dma_start3A_446] : memref<6x1x100xi32, #tpu.memory_space<vmem>> -> memref<1x1x100xi32, #tpu.memory_space<vmem>>
      %dma_start3A_448 = tpu.memref_squeeze %dma_start3A_447 : memref<1x1x100xi32, #tpu.memory_space<vmem>> -> memref<1x100xi32, #tpu.memory_space<vmem>>
      %dma_start3A_449 = arith.constant 0 : i32
      %dma_start3A_450 = arith.constant 0 : i32
      %dma_start3A_451 = tpu.memref_slice %arg4[%add3A_443, %dma_start3A_449, %dma_start3A_450] : memref<3200x1x100xi32, #tpu.memory_space<hbm>> -> memref<1x1x100xi32, #tpu.memory_space<hbm>>
      %dma_start3A_452 = tpu.memref_squeeze %dma_start3A_451 : memref<1x1x100xi32, #tpu.memory_space<hbm>> -> memref<1x100xi32, #tpu.memory_space<hbm>>
      %dma_start3A_453 = arith.constant 0 : i32
      %dma_start3A_454 = arith.constant 0 : i32
      %dma_start3A_455 = tpu.memref_slice %arg8[%dma_start3A_444, %dma_start3A_453, %dma_start3A_454] : memref<6x1x100xi32, #tpu.memory_space<vmem>> -> memref<1x1x100xi32, #tpu.memory_space<vmem>>
      %dma_start3A_456 = tpu.memref_squeeze %dma_start3A_455 : memref<1x1x100xi32, #tpu.memory_space<vmem>> -> memref<1x100xi32, #tpu.memory_space<vmem>>
      %dma_start3A_457 = arith.constant 0 : i32
      %dma_start3A_458 = arith.constant 0 : i32
      %dma_start3A_459 = tpu.memref_slice %arg4[%add3A_443, %dma_start3A_457, %dma_start3A_458] : memref<3200x1x100xi32, #tpu.memory_space<hbm>> -> memref<1x1x100xi32, #tpu.memory_space<hbm>>
      %dma_start3A_460 = tpu.memref_squeeze %dma_start3A_459 : memref<1x1x100xi32, #tpu.memory_space<hbm>> -> memref<1x100xi32, #tpu.memory_space<hbm>>
      tpu.enqueue_dma source(%dma_start3A_460 : memref<1x100xi32, #tpu.memory_space<hbm>>) target(%dma_start3A_456 : memref<1x100xi32, #tpu.memory_space<vmem>>) target_semaphore(%arg17 : memref<!tpu.dma_semaphore, #tpu.memory_space<semaphore_mem>>)
    } else {
    }
    %add3A_281 = arith.constant 96 : i32
    %add3A_282 = arith.constant 2 : i32
    %add3A_283 = arith.addi %add3A_281, %add3A_282 : i32
    %lt3A_284 = arith.constant 100 : i32
    %lt3A_285 = arith.cmpi slt, %add3A_283, %lt3A_284 : i32
    %convert_element_type3A_286 = arith.extui %lt3A_285 : i1 to i32
    %cond3A_287 = arith.constant 96 : i32
    %cond3A_288 = arith.constant 0 : i32
    %cond3A_289 = arith.cmpi ne, %convert_element_type3A_286, %cond3A_288 : i32
    scf.if %cond3A_289 {
      %add3A_423 = arith.constant 2 : i32
      %add3A_424 = arith.addi %cond3A_287, %add3A_423 : i32
      %add3A_425 = arith.addi %mul3A_2, %add3A_424 : i32
      %dma_wait3A_426 = arith.constant 2 : i32
      %dma_wait3A_427 = arith.constant 0 : i32
      %dma_wait3A_428 = arith.constant 0 : i32
      %dma_wait3A_429 = tpu.memref_slice %arg7[%dma_wait3A_426, %dma_wait3A_427, %dma_wait3A_428] : memref<6x1x100xi32, #tpu.memory_space<vmem>> -> memref<1x1x100xi32, #tpu.memory_space<vmem>>
      %dma_wait3A_430 = tpu.memref_squeeze %dma_wait3A_429 : memref<1x1x100xi32, #tpu.memory_space<vmem>> -> memref<1x100xi32, #tpu.memory_space<vmem>>
      %dma_wait3A_431 = arith.constant 0 : i32
      %dma_wait3A_432 = arith.constant 0 : i32
      %dma_wait3A_433 = tpu.memref_slice %arg3[%add3A_425, %dma_wait3A_431, %dma_wait3A_432] : memref<3200x1x100xi32, #tpu.memory_space<hbm>> -> memref<1x1x100xi32, #tpu.memory_space<hbm>>
      %dma_wait3A_434 = tpu.memref_squeeze %dma_wait3A_433 : memref<1x1x100xi32, #tpu.memory_space<hbm>> -> memref<1x100xi32, #tpu.memory_space<hbm>>
      %dma_wait3A_435 = arith.constant 0 : i32
      %dma_wait3A_436 = arith.constant 0 : i32
      %dma_wait3A_437 = tpu.memref_slice %arg7[%dma_wait3A_426, %dma_wait3A_435, %dma_wait3A_436] : memref<6x1x100xi32, #tpu.memory_space<vmem>> -> memref<1x1x100xi32, #tpu.memory_space<vmem>>
      %dma_wait3A_438 = tpu.memref_squeeze %dma_wait3A_437 : memref<1x1x100xi32, #tpu.memory_space<vmem>> -> memref<1x100xi32, #tpu.memory_space<vmem>>
      %dma_wait3A_439 = arith.constant 0 : i32
      %dma_wait3A_440 = arith.constant 0 : i32
      %dma_wait3A_441 = tpu.memref_slice %arg3[%add3A_425, %dma_wait3A_439, %dma_wait3A_440] : memref<3200x1x100xi32, #tpu.memory_space<hbm>> -> memref<1x1x100xi32, #tpu.memory_space<hbm>>
      %dma_wait3A_442 = tpu.memref_squeeze %dma_wait3A_441 : memref<1x1x100xi32, #tpu.memory_space<hbm>> -> memref<1x100xi32, #tpu.memory_space<hbm>>
      tpu.wait_dma2 semaphore(%arg15 : memref<!tpu.dma_semaphore, #tpu.memory_space<semaphore_mem>>) src(%dma_wait3A_442 : memref<1x100xi32, #tpu.memory_space<hbm>>) dst(%dma_wait3A_438 : memref<1x100xi32, #tpu.memory_space<vmem>>)
      %add3A_443 = arith.addi %mul3A_2, %add3A_424 : i32
      %dma_wait3A_444 = arith.constant 2 : i32
      %dma_wait3A_445 = arith.constant 0 : i32
      %dma_wait3A_446 = arith.constant 0 : i32
      %dma_wait3A_447 = tpu.memref_slice %arg8[%dma_wait3A_444, %dma_wait3A_445, %dma_wait3A_446] : memref<6x1x100xi32, #tpu.memory_space<vmem>> -> memref<1x1x100xi32, #tpu.memory_space<vmem>>
      %dma_wait3A_448 = tpu.memref_squeeze %dma_wait3A_447 : memref<1x1x100xi32, #tpu.memory_space<vmem>> -> memref<1x100xi32, #tpu.memory_space<vmem>>
      %dma_wait3A_449 = arith.constant 0 : i32
      %dma_wait3A_450 = arith.constant 0 : i32
      %dma_wait3A_451 = tpu.memref_slice %arg4[%add3A_443, %dma_wait3A_449, %dma_wait3A_450] : memref<3200x1x100xi32, #tpu.memory_space<hbm>> -> memref<1x1x100xi32, #tpu.memory_space<hbm>>
      %dma_wait3A_452 = tpu.memref_squeeze %dma_wait3A_451 : memref<1x1x100xi32, #tpu.memory_space<hbm>> -> memref<1x100xi32, #tpu.memory_space<hbm>>
      %dma_wait3A_453 = arith.constant 0 : i32
      %dma_wait3A_454 = arith.constant 0 : i32
      %dma_wait3A_455 = tpu.memref_slice %arg8[%dma_wait3A_444, %dma_wait3A_453, %dma_wait3A_454] : memref<6x1x100xi32, #tpu.memory_space<vmem>> -> memref<1x1x100xi32, #tpu.memory_space<vmem>>
      %dma_wait3A_456 = tpu.memref_squeeze %dma_wait3A_455 : memref<1x1x100xi32, #tpu.memory_space<vmem>> -> memref<1x100xi32, #tpu.memory_space<vmem>>
      %dma_wait3A_457 = arith.constant 0 : i32
      %dma_wait3A_458 = arith.constant 0 : i32
      %dma_wait3A_459 = tpu.memref_slice %arg4[%add3A_443, %dma_wait3A_457, %dma_wait3A_458] : memref<3200x1x100xi32, #tpu.memory_space<hbm>> -> memref<1x1x100xi32, #tpu.memory_space<hbm>>
      %dma_wait3A_460 = tpu.memref_squeeze %dma_wait3A_459 : memref<1x1x100xi32, #tpu.memory_space<hbm>> -> memref<1x100xi32, #tpu.memory_space<hbm>>
      tpu.wait_dma2 semaphore(%arg15 : memref<!tpu.dma_semaphore, #tpu.memory_space<semaphore_mem>>) src(%dma_wait3A_460 : memref<1x100xi32, #tpu.memory_space<hbm>>) dst(%dma_wait3A_456 : memref<1x100xi32, #tpu.memory_space<vmem>>)
      %dma_start3A_461 = arith.constant 2 : i32
      %dma_start3A_462 = arith.constant 0 : i32
      %dma_start3A_463 = arith.constant 0 : i32
      %dma_start3A_464 = tpu.memref_slice %arg7[%dma_start3A_461, %dma_start3A_462, %dma_start3A_463] : memref<6x1x100xi32, #tpu.memory_space<vmem>> -> memref<1x1x100xi32, #tpu.memory_space<vmem>>
      %dma_start3A_465 = tpu.memref_squeeze %dma_start3A_464 : memref<1x1x100xi32, #tpu.memory_space<vmem>> -> memref<100xi32, #tpu.memory_space<vmem>>
      %dma_start3A_466 = arith.constant 0 : i32
      %dma_start3A_467 = arith.constant 0 : i32
      %dma_start3A_468 = tpu.memref_slice %arg2[%dma_start3A_466, %dma_start3A_467] : memref<10000x128xf32, #tpu.memory_space<hbm>> -> memref<10000x128xf32, #tpu.memory_space<hbm>>
      tpu.enqueue_indirect_dma source(%dma_start3A_468 : memref<10000x128xf32, #tpu.memory_space<hbm>>) target(%arg11 : memref<100x128xf32, #tpu.memory_space<vmem>>) offsets(%dma_start3A_465 : memref<100xi32, #tpu.memory_space<vmem>>) semaphore(%arg21 : memref<!tpu.dma_semaphore, #tpu.memory_space<semaphore_mem>>)
    } else {
    }
    %dma_wait3A_290 = arith.constant 1 : i32
    %dma_wait3A_291 = arith.constant 0 : i32
    %dma_wait3A_292 = arith.constant 0 : i32
    %dma_wait3A_293 = tpu.memref_slice %arg7[%dma_wait3A_290, %dma_wait3A_291, %dma_wait3A_292] : memref<6x1x100xi32, #tpu.memory_space<vmem>> -> memref<1x1x100xi32, #tpu.memory_space<vmem>>
    %dma_wait3A_294 = tpu.memref_squeeze %dma_wait3A_293 : memref<1x1x100xi32, #tpu.memory_space<vmem>> -> memref<100xi32, #tpu.memory_space<vmem>>
    %dma_wait3A_295 = arith.constant 0 : i32
    %dma_wait3A_296 = arith.constant 0 : i32
    %dma_wait3A_297 = tpu.memref_slice %arg2[%dma_wait3A_295, %dma_wait3A_296] : memref<10000x128xf32, #tpu.memory_space<hbm>> -> memref<10000x128xf32, #tpu.memory_space<hbm>>
    tpu.wait_indirect_dma semaphore(%arg20 : memref<!tpu.dma_semaphore, #tpu.memory_space<semaphore_mem>>) src(%dma_wait3A_297 : memref<10000x128xf32, #tpu.memory_space<hbm>>) dst(%arg10 : memref<100x128xf32, #tpu.memory_space<vmem>>)
    %gt3A_298 = arith.constant 97 : i32
    %gt3A_299 = arith.constant 0 : i32
    %gt3A_300 = arith.cmpi sgt, %gt3A_298, %gt3A_299 : i32
    %convert_element_type3A_301 = arith.extui %gt3A_300 : i1 to i32
    %cond3A_302 = arith.constant 0 : i32
    %cond3A_303 = arith.cmpi ne, %convert_element_type3A_301, %cond3A_302 : i32
    scf.if %cond3A_303 {
      %dma_wait3A_423 = arith.constant 0 : i32
      %dma_wait3A_424 = arith.constant 0 : i32
      %dma_wait3A_425 = arith.constant 0 : i32
      %dma_wait3A_426 = tpu.memref_slice %arg8[%dma_wait3A_423, %dma_wait3A_424, %dma_wait3A_425] : memref<6x1x100xi32, #tpu.memory_space<vmem>> -> memref<1x1x100xi32, #tpu.memory_space<vmem>>
      %dma_wait3A_427 = tpu.memref_squeeze %dma_wait3A_426 : memref<1x1x100xi32, #tpu.memory_space<vmem>> -> memref<100xi32, #tpu.memory_space<vmem>>
      %dma_wait3A_428 = arith.constant 0 : i32
      %dma_wait3A_429 = arith.constant 0 : i32
      %dma_wait3A_430 = tpu.memref_slice %arg12[%dma_wait3A_428, %dma_wait3A_429] : memref<10112x128xf32, #tpu.memory_space<vmem_shared>> -> memref<10112x128xf32, #tpu.memory_space<vmem_shared>>
      tpu.wait_indirect_dma semaphore(%arg22 : memref<!tpu.dma_semaphore, #tpu.memory_space<semaphore_mem>>) src(%arg9 : memref<100x128xf32, #tpu.memory_space<vmem>>) dst(%dma_wait3A_430 : memref<10112x128xf32, #tpu.memory_space<vmem_shared>>)
    } else {
    }
    %dma_start3A_304 = arith.constant 1 : i32
    %dma_start3A_305 = arith.constant 0 : i32
    %dma_start3A_306 = arith.constant 0 : i32
    %dma_start3A_307 = tpu.memref_slice %arg8[%dma_start3A_304, %dma_start3A_305, %dma_start3A_306] : memref<6x1x100xi32, #tpu.memory_space<vmem>> -> memref<1x1x100xi32, #tpu.memory_space<vmem>>
    %dma_start3A_308 = tpu.memref_squeeze %dma_start3A_307 : memref<1x1x100xi32, #tpu.memory_space<vmem>> -> memref<100xi32, #tpu.memory_space<vmem>>
    %dma_start3A_309 = arith.constant 0 : i32
    %dma_start3A_310 = arith.constant 0 : i32
    %dma_start3A_311 = tpu.memref_slice %arg12[%dma_start3A_309, %dma_start3A_310] : memref<10112x128xf32, #tpu.memory_space<vmem_shared>> -> memref<10112x128xf32, #tpu.memory_space<vmem_shared>>
    tpu.enqueue_indirect_dma source(%arg10 : memref<100x128xf32, #tpu.memory_space<vmem>>) target(%dma_start3A_311 : memref<10112x128xf32, #tpu.memory_space<vmem_shared>>) offsets(%dma_start3A_308 : memref<100xi32, #tpu.memory_space<vmem>>) semaphore(%arg22 : memref<!tpu.dma_semaphore, #tpu.memory_space<semaphore_mem>>) {add = true}
    %add3A_312 = arith.constant 97 : i32
    %add3A_313 = arith.constant 4 : i32
    %add3A_314 = arith.addi %add3A_312, %add3A_313 : i32
    %lt3A_315 = arith.constant 100 : i32
    %lt3A_316 = arith.cmpi slt, %add3A_314, %lt3A_315 : i32
    %convert_element_type3A_317 = arith.extui %lt3A_316 : i1 to i32
    %cond3A_318 = arith.constant 97 : i32
    %cond3A_319 = arith.constant 0 : i32
    %cond3A_320 = arith.cmpi ne, %convert_element_type3A_317, %cond3A_319 : i32
    scf.if %cond3A_320 {
      %add3A_423 = arith.constant 4 : i32
      %add3A_424 = arith.addi %cond3A_318, %add3A_423 : i32
      %add3A_425 = arith.addi %mul3A_2, %add3A_424 : i32
      %dma_start3A_426 = arith.constant 5 : i32
      %dma_start3A_427 = arith.constant 0 : i32
      %dma_start3A_428 = arith.constant 0 : i32
      %dma_start3A_429 = tpu.memref_slice %arg7[%dma_start3A_426, %dma_start3A_427, %dma_start3A_428] : memref<6x1x100xi32, #tpu.memory_space<vmem>> -> memref<1x1x100xi32, #tpu.memory_space<vmem>>
      %dma_start3A_430 = tpu.memref_squeeze %dma_start3A_429 : memref<1x1x100xi32, #tpu.memory_space<vmem>> -> memref<1x100xi32, #tpu.memory_space<vmem>>
      %dma_start3A_431 = arith.constant 0 : i32
      %dma_start3A_432 = arith.constant 0 : i32
      %dma_start3A_433 = tpu.memref_slice %arg3[%add3A_425, %dma_start3A_431, %dma_start3A_432] : memref<3200x1x100xi32, #tpu.memory_space<hbm>> -> memref<1x1x100xi32, #tpu.memory_space<hbm>>
      %dma_start3A_434 = tpu.memref_squeeze %dma_start3A_433 : memref<1x1x100xi32, #tpu.memory_space<hbm>> -> memref<1x100xi32, #tpu.memory_space<hbm>>
      %dma_start3A_435 = arith.constant 0 : i32
      %dma_start3A_436 = arith.constant 0 : i32
      %dma_start3A_437 = tpu.memref_slice %arg7[%dma_start3A_426, %dma_start3A_435, %dma_start3A_436] : memref<6x1x100xi32, #tpu.memory_space<vmem>> -> memref<1x1x100xi32, #tpu.memory_space<vmem>>
      %dma_start3A_438 = tpu.memref_squeeze %dma_start3A_437 : memref<1x1x100xi32, #tpu.memory_space<vmem>> -> memref<1x100xi32, #tpu.memory_space<vmem>>
      %dma_start3A_439 = arith.constant 0 : i32
      %dma_start3A_440 = arith.constant 0 : i32
      %dma_start3A_441 = tpu.memref_slice %arg3[%add3A_425, %dma_start3A_439, %dma_start3A_440] : memref<3200x1x100xi32, #tpu.memory_space<hbm>> -> memref<1x1x100xi32, #tpu.memory_space<hbm>>
      %dma_start3A_442 = tpu.memref_squeeze %dma_start3A_441 : memref<1x1x100xi32, #tpu.memory_space<hbm>> -> memref<1x100xi32, #tpu.memory_space<hbm>>
      tpu.enqueue_dma source(%dma_start3A_442 : memref<1x100xi32, #tpu.memory_space<hbm>>) target(%dma_start3A_438 : memref<1x100xi32, #tpu.memory_space<vmem>>) target_semaphore(%arg18 : memref<!tpu.dma_semaphore, #tpu.memory_space<semaphore_mem>>)
      %add3A_443 = arith.addi %mul3A_2, %add3A_424 : i32
      %dma_start3A_444 = arith.constant 5 : i32
      %dma_start3A_445 = arith.constant 0 : i32
      %dma_start3A_446 = arith.constant 0 : i32
      %dma_start3A_447 = tpu.memref_slice %arg8[%dma_start3A_444, %dma_start3A_445, %dma_start3A_446] : memref<6x1x100xi32, #tpu.memory_space<vmem>> -> memref<1x1x100xi32, #tpu.memory_space<vmem>>
      %dma_start3A_448 = tpu.memref_squeeze %dma_start3A_447 : memref<1x1x100xi32, #tpu.memory_space<vmem>> -> memref<1x100xi32, #tpu.memory_space<vmem>>
      %dma_start3A_449 = arith.constant 0 : i32
      %dma_start3A_450 = arith.constant 0 : i32
      %dma_start3A_451 = tpu.memref_slice %arg4[%add3A_443, %dma_start3A_449, %dma_start3A_450] : memref<3200x1x100xi32, #tpu.memory_space<hbm>> -> memref<1x1x100xi32, #tpu.memory_space<hbm>>
      %dma_start3A_452 = tpu.memref_squeeze %dma_start3A_451 : memref<1x1x100xi32, #tpu.memory_space<hbm>> -> memref<1x100xi32, #tpu.memory_space<hbm>>
      %dma_start3A_453 = arith.constant 0 : i32
      %dma_start3A_454 = arith.constant 0 : i32
      %dma_start3A_455 = tpu.memref_slice %arg8[%dma_start3A_444, %dma_start3A_453, %dma_start3A_454] : memref<6x1x100xi32, #tpu.memory_space<vmem>> -> memref<1x1x100xi32, #tpu.memory_space<vmem>>
      %dma_start3A_456 = tpu.memref_squeeze %dma_start3A_455 : memref<1x1x100xi32, #tpu.memory_space<vmem>> -> memref<1x100xi32, #tpu.memory_space<vmem>>
      %dma_start3A_457 = arith.constant 0 : i32
      %dma_start3A_458 = arith.constant 0 : i32
      %dma_start3A_459 = tpu.memref_slice %arg4[%add3A_443, %dma_start3A_457, %dma_start3A_458] : memref<3200x1x100xi32, #tpu.memory_space<hbm>> -> memref<1x1x100xi32, #tpu.memory_space<hbm>>
      %dma_start3A_460 = tpu.memref_squeeze %dma_start3A_459 : memref<1x1x100xi32, #tpu.memory_space<hbm>> -> memref<1x100xi32, #tpu.memory_space<hbm>>
      tpu.enqueue_dma source(%dma_start3A_460 : memref<1x100xi32, #tpu.memory_space<hbm>>) target(%dma_start3A_456 : memref<1x100xi32, #tpu.memory_space<vmem>>) target_semaphore(%arg18 : memref<!tpu.dma_semaphore, #tpu.memory_space<semaphore_mem>>)
    } else {
    }
    %add3A_321 = arith.constant 97 : i32
    %add3A_322 = arith.constant 2 : i32
    %add3A_323 = arith.addi %add3A_321, %add3A_322 : i32
    %lt3A_324 = arith.constant 100 : i32
    %lt3A_325 = arith.cmpi slt, %add3A_323, %lt3A_324 : i32
    %convert_element_type3A_326 = arith.extui %lt3A_325 : i1 to i32
    %cond3A_327 = arith.constant 97 : i32
    %cond3A_328 = arith.constant 0 : i32
    %cond3A_329 = arith.cmpi ne, %convert_element_type3A_326, %cond3A_328 : i32
    scf.if %cond3A_329 {
      %add3A_423 = arith.constant 2 : i32
      %add3A_424 = arith.addi %cond3A_327, %add3A_423 : i32
      %add3A_425 = arith.addi %mul3A_2, %add3A_424 : i32
      %dma_wait3A_426 = arith.constant 3 : i32
      %dma_wait3A_427 = arith.constant 0 : i32
      %dma_wait3A_428 = arith.constant 0 : i32
      %dma_wait3A_429 = tpu.memref_slice %arg7[%dma_wait3A_426, %dma_wait3A_427, %dma_wait3A_428] : memref<6x1x100xi32, #tpu.memory_space<vmem>> -> memref<1x1x100xi32, #tpu.memory_space<vmem>>
      %dma_wait3A_430 = tpu.memref_squeeze %dma_wait3A_429 : memref<1x1x100xi32, #tpu.memory_space<vmem>> -> memref<1x100xi32, #tpu.memory_space<vmem>>
      %dma_wait3A_431 = arith.constant 0 : i32
      %dma_wait3A_432 = arith.constant 0 : i32
      %dma_wait3A_433 = tpu.memref_slice %arg3[%add3A_425, %dma_wait3A_431, %dma_wait3A_432] : memref<3200x1x100xi32, #tpu.memory_space<hbm>> -> memref<1x1x100xi32, #tpu.memory_space<hbm>>
      %dma_wait3A_434 = tpu.memref_squeeze %dma_wait3A_433 : memref<1x1x100xi32, #tpu.memory_space<hbm>> -> memref<1x100xi32, #tpu.memory_space<hbm>>
      %dma_wait3A_435 = arith.constant 0 : i32
      %dma_wait3A_436 = arith.constant 0 : i32
      %dma_wait3A_437 = tpu.memref_slice %arg7[%dma_wait3A_426, %dma_wait3A_435, %dma_wait3A_436] : memref<6x1x100xi32, #tpu.memory_space<vmem>> -> memref<1x1x100xi32, #tpu.memory_space<vmem>>
      %dma_wait3A_438 = tpu.memref_squeeze %dma_wait3A_437 : memref<1x1x100xi32, #tpu.memory_space<vmem>> -> memref<1x100xi32, #tpu.memory_space<vmem>>
      %dma_wait3A_439 = arith.constant 0 : i32
      %dma_wait3A_440 = arith.constant 0 : i32
      %dma_wait3A_441 = tpu.memref_slice %arg3[%add3A_425, %dma_wait3A_439, %dma_wait3A_440] : memref<3200x1x100xi32, #tpu.memory_space<hbm>> -> memref<1x1x100xi32, #tpu.memory_space<hbm>>
      %dma_wait3A_442 = tpu.memref_squeeze %dma_wait3A_441 : memref<1x1x100xi32, #tpu.memory_space<hbm>> -> memref<1x100xi32, #tpu.memory_space<hbm>>
      tpu.wait_dma2 semaphore(%arg16 : memref<!tpu.dma_semaphore, #tpu.memory_space<semaphore_mem>>) src(%dma_wait3A_442 : memref<1x100xi32, #tpu.memory_space<hbm>>) dst(%dma_wait3A_438 : memref<1x100xi32, #tpu.memory_space<vmem>>)
      %add3A_443 = arith.addi %mul3A_2, %add3A_424 : i32
      %dma_wait3A_444 = arith.constant 3 : i32
      %dma_wait3A_445 = arith.constant 0 : i32
      %dma_wait3A_446 = arith.constant 0 : i32
      %dma_wait3A_447 = tpu.memref_slice %arg8[%dma_wait3A_444, %dma_wait3A_445, %dma_wait3A_446] : memref<6x1x100xi32, #tpu.memory_space<vmem>> -> memref<1x1x100xi32, #tpu.memory_space<vmem>>
      %dma_wait3A_448 = tpu.memref_squeeze %dma_wait3A_447 : memref<1x1x100xi32, #tpu.memory_space<vmem>> -> memref<1x100xi32, #tpu.memory_space<vmem>>
      %dma_wait3A_449 = arith.constant 0 : i32
      %dma_wait3A_450 = arith.constant 0 : i32
      %dma_wait3A_451 = tpu.memref_slice %arg4[%add3A_443, %dma_wait3A_449, %dma_wait3A_450] : memref<3200x1x100xi32, #tpu.memory_space<hbm>> -> memref<1x1x100xi32, #tpu.memory_space<hbm>>
      %dma_wait3A_452 = tpu.memref_squeeze %dma_wait3A_451 : memref<1x1x100xi32, #tpu.memory_space<hbm>> -> memref<1x100xi32, #tpu.memory_space<hbm>>
      %dma_wait3A_453 = arith.constant 0 : i32
      %dma_wait3A_454 = arith.constant 0 : i32
      %dma_wait3A_455 = tpu.memref_slice %arg8[%dma_wait3A_444, %dma_wait3A_453, %dma_wait3A_454] : memref<6x1x100xi32, #tpu.memory_space<vmem>> -> memref<1x1x100xi32, #tpu.memory_space<vmem>>
      %dma_wait3A_456 = tpu.memref_squeeze %dma_wait3A_455 : memref<1x1x100xi32, #tpu.memory_space<vmem>> -> memref<1x100xi32, #tpu.memory_space<vmem>>
      %dma_wait3A_457 = arith.constant 0 : i32
      %dma_wait3A_458 = arith.constant 0 : i32
      %dma_wait3A_459 = tpu.memref_slice %arg4[%add3A_443, %dma_wait3A_457, %dma_wait3A_458] : memref<3200x1x100xi32, #tpu.memory_space<hbm>> -> memref<1x1x100xi32, #tpu.memory_space<hbm>>
      %dma_wait3A_460 = tpu.memref_squeeze %dma_wait3A_459 : memref<1x1x100xi32, #tpu.memory_space<hbm>> -> memref<1x100xi32, #tpu.memory_space<hbm>>
      tpu.wait_dma2 semaphore(%arg16 : memref<!tpu.dma_semaphore, #tpu.memory_space<semaphore_mem>>) src(%dma_wait3A_460 : memref<1x100xi32, #tpu.memory_space<hbm>>) dst(%dma_wait3A_456 : memref<1x100xi32, #tpu.memory_space<vmem>>)
      %dma_start3A_461 = arith.constant 3 : i32
      %dma_start3A_462 = arith.constant 0 : i32
      %dma_start3A_463 = arith.constant 0 : i32
      %dma_start3A_464 = tpu.memref_slice %arg7[%dma_start3A_461, %dma_start3A_462, %dma_start3A_463] : memref<6x1x100xi32, #tpu.memory_space<vmem>> -> memref<1x1x100xi32, #tpu.memory_space<vmem>>
      %dma_start3A_465 = tpu.memref_squeeze %dma_start3A_464 : memref<1x1x100xi32, #tpu.memory_space<vmem>> -> memref<100xi32, #tpu.memory_space<vmem>>
      %dma_start3A_466 = arith.constant 0 : i32
      %dma_start3A_467 = arith.constant 0 : i32
      %dma_start3A_468 = tpu.memref_slice %arg2[%dma_start3A_466, %dma_start3A_467] : memref<10000x128xf32, #tpu.memory_space<hbm>> -> memref<10000x128xf32, #tpu.memory_space<hbm>>
      tpu.enqueue_indirect_dma source(%dma_start3A_468 : memref<10000x128xf32, #tpu.memory_space<hbm>>) target(%arg9 : memref<100x128xf32, #tpu.memory_space<vmem>>) offsets(%dma_start3A_465 : memref<100xi32, #tpu.memory_space<vmem>>) semaphore(%arg19 : memref<!tpu.dma_semaphore, #tpu.memory_space<semaphore_mem>>)
    } else {
    }
    %dma_wait3A_330 = arith.constant 2 : i32
    %dma_wait3A_331 = arith.constant 0 : i32
    %dma_wait3A_332 = arith.constant 0 : i32
    %dma_wait3A_333 = tpu.memref_slice %arg7[%dma_wait3A_330, %dma_wait3A_331, %dma_wait3A_332] : memref<6x1x100xi32, #tpu.memory_space<vmem>> -> memref<1x1x100xi32, #tpu.memory_space<vmem>>
    %dma_wait3A_334 = tpu.memref_squeeze %dma_wait3A_333 : memref<1x1x100xi32, #tpu.memory_space<vmem>> -> memref<100xi32, #tpu.memory_space<vmem>>
    %dma_wait3A_335 = arith.constant 0 : i32
    %dma_wait3A_336 = arith.constant 0 : i32
    %dma_wait3A_337 = tpu.memref_slice %arg2[%dma_wait3A_335, %dma_wait3A_336] : memref<10000x128xf32, #tpu.memory_space<hbm>> -> memref<10000x128xf32, #tpu.memory_space<hbm>>
    tpu.wait_indirect_dma semaphore(%arg21 : memref<!tpu.dma_semaphore, #tpu.memory_space<semaphore_mem>>) src(%dma_wait3A_337 : memref<10000x128xf32, #tpu.memory_space<hbm>>) dst(%arg11 : memref<100x128xf32, #tpu.memory_space<vmem>>)
    %gt3A_338 = arith.constant 98 : i32
    %gt3A_339 = arith.constant 0 : i32
    %gt3A_340 = arith.cmpi sgt, %gt3A_338, %gt3A_339 : i32
    %convert_element_type3A_341 = arith.extui %gt3A_340 : i1 to i32
    %cond3A_342 = arith.constant 0 : i32
    %cond3A_343 = arith.cmpi ne, %convert_element_type3A_341, %cond3A_342 : i32
    scf.if %cond3A_343 {
      %dma_wait3A_423 = arith.constant 1 : i32
      %dma_wait3A_424 = arith.constant 0 : i32
      %dma_wait3A_425 = arith.constant 0 : i32
      %dma_wait3A_426 = tpu.memref_slice %arg8[%dma_wait3A_423, %dma_wait3A_424, %dma_wait3A_425] : memref<6x1x100xi32, #tpu.memory_space<vmem>> -> memref<1x1x100xi32, #tpu.memory_space<vmem>>
      %dma_wait3A_427 = tpu.memref_squeeze %dma_wait3A_426 : memref<1x1x100xi32, #tpu.memory_space<vmem>> -> memref<100xi32, #tpu.memory_space<vmem>>
      %dma_wait3A_428 = arith.constant 0 : i32
      %dma_wait3A_429 = arith.constant 0 : i32
      %dma_wait3A_430 = tpu.memref_slice %arg12[%dma_wait3A_428, %dma_wait3A_429] : memref<10112x128xf32, #tpu.memory_space<vmem_shared>> -> memref<10112x128xf32, #tpu.memory_space<vmem_shared>>
      tpu.wait_indirect_dma semaphore(%arg22 : memref<!tpu.dma_semaphore, #tpu.memory_space<semaphore_mem>>) src(%arg10 : memref<100x128xf32, #tpu.memory_space<vmem>>) dst(%dma_wait3A_430 : memref<10112x128xf32, #tpu.memory_space<vmem_shared>>)
    } else {
    }
    %dma_start3A_344 = arith.constant 2 : i32
    %dma_start3A_345 = arith.constant 0 : i32
    %dma_start3A_346 = arith.constant 0 : i32
    %dma_start3A_347 = tpu.memref_slice %arg8[%dma_start3A_344, %dma_start3A_345, %dma_start3A_346] : memref<6x1x100xi32, #tpu.memory_space<vmem>> -> memref<1x1x100xi32, #tpu.memory_space<vmem>>
    %dma_start3A_348 = tpu.memref_squeeze %dma_start3A_347 : memref<1x1x100xi32, #tpu.memory_space<vmem>> -> memref<100xi32, #tpu.memory_space<vmem>>
    %dma_start3A_349 = arith.constant 0 : i32
    %dma_start3A_350 = arith.constant 0 : i32
    %dma_start3A_351 = tpu.memref_slice %arg12[%dma_start3A_349, %dma_start3A_350] : memref<10112x128xf32, #tpu.memory_space<vmem_shared>> -> memref<10112x128xf32, #tpu.memory_space<vmem_shared>>
    tpu.enqueue_indirect_dma source(%arg11 : memref<100x128xf32, #tpu.memory_space<vmem>>) target(%dma_start3A_351 : memref<10112x128xf32, #tpu.memory_space<vmem_shared>>) offsets(%dma_start3A_348 : memref<100xi32, #tpu.memory_space<vmem>>) semaphore(%arg22 : memref<!tpu.dma_semaphore, #tpu.memory_space<semaphore_mem>>) {add = true}
    %add3A_352 = arith.constant 98 : i32
    %add3A_353 = arith.constant 4 : i32
    %add3A_354 = arith.addi %add3A_352, %add3A_353 : i32
    %lt3A_355 = arith.constant 100 : i32
    %lt3A_356 = arith.cmpi slt, %add3A_354, %lt3A_355 : i32
    %convert_element_type3A_357 = arith.extui %lt3A_356 : i1 to i32
    %cond3A_358 = arith.constant 98 : i32
    %cond3A_359 = arith.constant 0 : i32
    %cond3A_360 = arith.cmpi ne, %convert_element_type3A_357, %cond3A_359 : i32
    scf.if %cond3A_360 {
      %add3A_423 = arith.constant 4 : i32
      %add3A_424 = arith.addi %cond3A_358, %add3A_423 : i32
      %add3A_425 = arith.addi %mul3A_2, %add3A_424 : i32
      %dma_start3A_426 = arith.constant 0 : i32
      %dma_start3A_427 = arith.constant 0 : i32
      %dma_start3A_428 = arith.constant 0 : i32
      %dma_start3A_429 = tpu.memref_slice %arg7[%dma_start3A_426, %dma_start3A_427, %dma_start3A_428] : memref<6x1x100xi32, #tpu.memory_space<vmem>> -> memref<1x1x100xi32, #tpu.memory_space<vmem>>
      %dma_start3A_430 = tpu.memref_squeeze %dma_start3A_429 : memref<1x1x100xi32, #tpu.memory_space<vmem>> -> memref<1x100xi32, #tpu.memory_space<vmem>>
      %dma_start3A_431 = arith.constant 0 : i32
      %dma_start3A_432 = arith.constant 0 : i32
      %dma_start3A_433 = tpu.memref_slice %arg3[%add3A_425, %dma_start3A_431, %dma_start3A_432] : memref<3200x1x100xi32, #tpu.memory_space<hbm>> -> memref<1x1x100xi32, #tpu.memory_space<hbm>>
      %dma_start3A_434 = tpu.memref_squeeze %dma_start3A_433 : memref<1x1x100xi32, #tpu.memory_space<hbm>> -> memref<1x100xi32, #tpu.memory_space<hbm>>
      %dma_start3A_435 = arith.constant 0 : i32
      %dma_start3A_436 = arith.constant 0 : i32
      %dma_start3A_437 = tpu.memref_slice %arg7[%dma_start3A_426, %dma_start3A_435, %dma_start3A_436] : memref<6x1x100xi32, #tpu.memory_space<vmem>> -> memref<1x1x100xi32, #tpu.memory_space<vmem>>
      %dma_start3A_438 = tpu.memref_squeeze %dma_start3A_437 : memref<1x1x100xi32, #tpu.memory_space<vmem>> -> memref<1x100xi32, #tpu.memory_space<vmem>>
      %dma_start3A_439 = arith.constant 0 : i32
      %dma_start3A_440 = arith.constant 0 : i32
      %dma_start3A_441 = tpu.memref_slice %arg3[%add3A_425, %dma_start3A_439, %dma_start3A_440] : memref<3200x1x100xi32, #tpu.memory_space<hbm>> -> memref<1x1x100xi32, #tpu.memory_space<hbm>>
      %dma_start3A_442 = tpu.memref_squeeze %dma_start3A_441 : memref<1x1x100xi32, #tpu.memory_space<hbm>> -> memref<1x100xi32, #tpu.memory_space<hbm>>
      tpu.enqueue_dma source(%dma_start3A_442 : memref<1x100xi32, #tpu.memory_space<hbm>>) target(%dma_start3A_438 : memref<1x100xi32, #tpu.memory_space<vmem>>) target_semaphore(%arg13 : memref<!tpu.dma_semaphore, #tpu.memory_space<semaphore_mem>>)
      %add3A_443 = arith.addi %mul3A_2, %add3A_424 : i32
      %dma_start3A_444 = arith.constant 0 : i32
      %dma_start3A_445 = arith.constant 0 : i32
      %dma_start3A_446 = arith.constant 0 : i32
      %dma_start3A_447 = tpu.memref_slice %arg8[%dma_start3A_444, %dma_start3A_445, %dma_start3A_446] : memref<6x1x100xi32, #tpu.memory_space<vmem>> -> memref<1x1x100xi32, #tpu.memory_space<vmem>>
      %dma_start3A_448 = tpu.memref_squeeze %dma_start3A_447 : memref<1x1x100xi32, #tpu.memory_space<vmem>> -> memref<1x100xi32, #tpu.memory_space<vmem>>
      %dma_start3A_449 = arith.constant 0 : i32
      %dma_start3A_450 = arith.constant 0 : i32
      %dma_start3A_451 = tpu.memref_slice %arg4[%add3A_443, %dma_start3A_449, %dma_start3A_450] : memref<3200x1x100xi32, #tpu.memory_space<hbm>> -> memref<1x1x100xi32, #tpu.memory_space<hbm>>
      %dma_start3A_452 = tpu.memref_squeeze %dma_start3A_451 : memref<1x1x100xi32, #tpu.memory_space<hbm>> -> memref<1x100xi32, #tpu.memory_space<hbm>>
      %dma_start3A_453 = arith.constant 0 : i32
      %dma_start3A_454 = arith.constant 0 : i32
      %dma_start3A_455 = tpu.memref_slice %arg8[%dma_start3A_444, %dma_start3A_453, %dma_start3A_454] : memref<6x1x100xi32, #tpu.memory_space<vmem>> -> memref<1x1x100xi32, #tpu.memory_space<vmem>>
      %dma_start3A_456 = tpu.memref_squeeze %dma_start3A_455 : memref<1x1x100xi32, #tpu.memory_space<vmem>> -> memref<1x100xi32, #tpu.memory_space<vmem>>
      %dma_start3A_457 = arith.constant 0 : i32
      %dma_start3A_458 = arith.constant 0 : i32
      %dma_start3A_459 = tpu.memref_slice %arg4[%add3A_443, %dma_start3A_457, %dma_start3A_458] : memref<3200x1x100xi32, #tpu.memory_space<hbm>> -> memref<1x1x100xi32, #tpu.memory_space<hbm>>
      %dma_start3A_460 = tpu.memref_squeeze %dma_start3A_459 : memref<1x1x100xi32, #tpu.memory_space<hbm>> -> memref<1x100xi32, #tpu.memory_space<hbm>>
      tpu.enqueue_dma source(%dma_start3A_460 : memref<1x100xi32, #tpu.memory_space<hbm>>) target(%dma_start3A_456 : memref<1x100xi32, #tpu.memory_space<vmem>>) target_semaphore(%arg13 : memref<!tpu.dma_semaphore, #tpu.memory_space<semaphore_mem>>)
    } else {
    }
    %add3A_361 = arith.constant 98 : i32
    %add3A_362 = arith.constant 2 : i32
    %add3A_363 = arith.addi %add3A_361, %add3A_362 : i32
    %lt3A_364 = arith.constant 100 : i32
    %lt3A_365 = arith.cmpi slt, %add3A_363, %lt3A_364 : i32
    %convert_element_type3A_366 = arith.extui %lt3A_365 : i1 to i32
    %cond3A_367 = arith.constant 98 : i32
    %cond3A_368 = arith.constant 0 : i32
    %cond3A_369 = arith.cmpi ne, %convert_element_type3A_366, %cond3A_368 : i32
    scf.if %cond3A_369 {
      %add3A_423 = arith.constant 2 : i32
      %add3A_424 = arith.addi %cond3A_367, %add3A_423 : i32
      %add3A_425 = arith.addi %mul3A_2, %add3A_424 : i32
      %dma_wait3A_426 = arith.constant 4 : i32
      %dma_wait3A_427 = arith.constant 0 : i32
      %dma_wait3A_428 = arith.constant 0 : i32
      %dma_wait3A_429 = tpu.memref_slice %arg7[%dma_wait3A_426, %dma_wait3A_427, %dma_wait3A_428] : memref<6x1x100xi32, #tpu.memory_space<vmem>> -> memref<1x1x100xi32, #tpu.memory_space<vmem>>
      %dma_wait3A_430 = tpu.memref_squeeze %dma_wait3A_429 : memref<1x1x100xi32, #tpu.memory_space<vmem>> -> memref<1x100xi32, #tpu.memory_space<vmem>>
      %dma_wait3A_431 = arith.constant 0 : i32
      %dma_wait3A_432 = arith.constant 0 : i32
      %dma_wait3A_433 = tpu.memref_slice %arg3[%add3A_425, %dma_wait3A_431, %dma_wait3A_432] : memref<3200x1x100xi32, #tpu.memory_space<hbm>> -> memref<1x1x100xi32, #tpu.memory_space<hbm>>
      %dma_wait3A_434 = tpu.memref_squeeze %dma_wait3A_433 : memref<1x1x100xi32, #tpu.memory_space<hbm>> -> memref<1x100xi32, #tpu.memory_space<hbm>>
      %dma_wait3A_435 = arith.constant 0 : i32
      %dma_wait3A_436 = arith.constant 0 : i32
      %dma_wait3A_437 = tpu.memref_slice %arg7[%dma_wait3A_426, %dma_wait3A_435, %dma_wait3A_436] : memref<6x1x100xi32, #tpu.memory_space<vmem>> -> memref<1x1x100xi32, #tpu.memory_space<vmem>>
      %dma_wait3A_438 = tpu.memref_squeeze %dma_wait3A_437 : memref<1x1x100xi32, #tpu.memory_space<vmem>> -> memref<1x100xi32, #tpu.memory_space<vmem>>
      %dma_wait3A_439 = arith.constant 0 : i32
      %dma_wait3A_440 = arith.constant 0 : i32
      %dma_wait3A_441 = tpu.memref_slice %arg3[%add3A_425, %dma_wait3A_439, %dma_wait3A_440] : memref<3200x1x100xi32, #tpu.memory_space<hbm>> -> memref<1x1x100xi32, #tpu.memory_space<hbm>>
      %dma_wait3A_442 = tpu.memref_squeeze %dma_wait3A_441 : memref<1x1x100xi32, #tpu.memory_space<hbm>> -> memref<1x100xi32, #tpu.memory_space<hbm>>
      tpu.wait_dma2 semaphore(%arg17 : memref<!tpu.dma_semaphore, #tpu.memory_space<semaphore_mem>>) src(%dma_wait3A_442 : memref<1x100xi32, #tpu.memory_space<hbm>>) dst(%dma_wait3A_438 : memref<1x100xi32, #tpu.memory_space<vmem>>)
      %add3A_443 = arith.addi %mul3A_2, %add3A_424 : i32
      %dma_wait3A_444 = arith.constant 4 : i32
      %dma_wait3A_445 = arith.constant 0 : i32
      %dma_wait3A_446 = arith.constant 0 : i32
      %dma_wait3A_447 = tpu.memref_slice %arg8[%dma_wait3A_444, %dma_wait3A_445, %dma_wait3A_446] : memref<6x1x100xi32, #tpu.memory_space<vmem>> -> memref<1x1x100xi32, #tpu.memory_space<vmem>>
      %dma_wait3A_448 = tpu.memref_squeeze %dma_wait3A_447 : memref<1x1x100xi32, #tpu.memory_space<vmem>> -> memref<1x100xi32, #tpu.memory_space<vmem>>
      %dma_wait3A_449 = arith.constant 0 : i32
      %dma_wait3A_450 = arith.constant 0 : i32
      %dma_wait3A_451 = tpu.memref_slice %arg4[%add3A_443, %dma_wait3A_449, %dma_wait3A_450] : memref<3200x1x100xi32, #tpu.memory_space<hbm>> -> memref<1x1x100xi32, #tpu.memory_space<hbm>>
      %dma_wait3A_452 = tpu.memref_squeeze %dma_wait3A_451 : memref<1x1x100xi32, #tpu.memory_space<hbm>> -> memref<1x100xi32, #tpu.memory_space<hbm>>
      %dma_wait3A_453 = arith.constant 0 : i32
      %dma_wait3A_454 = arith.constant 0 : i32
      %dma_wait3A_455 = tpu.memref_slice %arg8[%dma_wait3A_444, %dma_wait3A_453, %dma_wait3A_454] : memref<6x1x100xi32, #tpu.memory_space<vmem>> -> memref<1x1x100xi32, #tpu.memory_space<vmem>>
      %dma_wait3A_456 = tpu.memref_squeeze %dma_wait3A_455 : memref<1x1x100xi32, #tpu.memory_space<vmem>> -> memref<1x100xi32, #tpu.memory_space<vmem>>
      %dma_wait3A_457 = arith.constant 0 : i32
      %dma_wait3A_458 = arith.constant 0 : i32
      %dma_wait3A_459 = tpu.memref_slice %arg4[%add3A_443, %dma_wait3A_457, %dma_wait3A_458] : memref<3200x1x100xi32, #tpu.memory_space<hbm>> -> memref<1x1x100xi32, #tpu.memory_space<hbm>>
      %dma_wait3A_460 = tpu.memref_squeeze %dma_wait3A_459 : memref<1x1x100xi32, #tpu.memory_space<hbm>> -> memref<1x100xi32, #tpu.memory_space<hbm>>
      tpu.wait_dma2 semaphore(%arg17 : memref<!tpu.dma_semaphore, #tpu.memory_space<semaphore_mem>>) src(%dma_wait3A_460 : memref<1x100xi32, #tpu.memory_space<hbm>>) dst(%dma_wait3A_456 : memref<1x100xi32, #tpu.memory_space<vmem>>)
      %dma_start3A_461 = arith.constant 4 : i32
      %dma_start3A_462 = arith.constant 0 : i32
      %dma_start3A_463 = arith.constant 0 : i32
      %dma_start3A_464 = tpu.memref_slice %arg7[%dma_start3A_461, %dma_start3A_462, %dma_start3A_463] : memref<6x1x100xi32, #tpu.memory_space<vmem>> -> memref<1x1x100xi32, #tpu.memory_space<vmem>>
      %dma_start3A_465 = tpu.memref_squeeze %dma_start3A_464 : memref<1x1x100xi32, #tpu.memory_space<vmem>> -> memref<100xi32, #tpu.memory_space<vmem>>
      %dma_start3A_466 = arith.constant 0 : i32
      %dma_start3A_467 = arith.constant 0 : i32
      %dma_start3A_468 = tpu.memref_slice %arg2[%dma_start3A_466, %dma_start3A_467] : memref<10000x128xf32, #tpu.memory_space<hbm>> -> memref<10000x128xf32, #tpu.memory_space<hbm>>
      tpu.enqueue_indirect_dma source(%dma_start3A_468 : memref<10000x128xf32, #tpu.memory_space<hbm>>) target(%arg10 : memref<100x128xf32, #tpu.memory_space<vmem>>) offsets(%dma_start3A_465 : memref<100xi32, #tpu.memory_space<vmem>>) semaphore(%arg20 : memref<!tpu.dma_semaphore, #tpu.memory_space<semaphore_mem>>)
    } else {
    }
    %dma_wait3A_370 = arith.constant 3 : i32
    %dma_wait3A_371 = arith.constant 0 : i32
    %dma_wait3A_372 = arith.constant 0 : i32
    %dma_wait3A_373 = tpu.memref_slice %arg7[%dma_wait3A_370, %dma_wait3A_371, %dma_wait3A_372] : memref<6x1x100xi32, #tpu.memory_space<vmem>> -> memref<1x1x100xi32, #tpu.memory_space<vmem>>
    %dma_wait3A_374 = tpu.memref_squeeze %dma_wait3A_373 : memref<1x1x100xi32, #tpu.memory_space<vmem>> -> memref<100xi32, #tpu.memory_space<vmem>>
    %dma_wait3A_375 = arith.constant 0 : i32
    %dma_wait3A_376 = arith.constant 0 : i32
    %dma_wait3A_377 = tpu.memref_slice %arg2[%dma_wait3A_375, %dma_wait3A_376] : memref<10000x128xf32, #tpu.memory_space<hbm>> -> memref<10000x128xf32, #tpu.memory_space<hbm>>
    tpu.wait_indirect_dma semaphore(%arg19 : memref<!tpu.dma_semaphore, #tpu.memory_space<semaphore_mem>>) src(%dma_wait3A_377 : memref<10000x128xf32, #tpu.memory_space<hbm>>) dst(%arg9 : memref<100x128xf32, #tpu.memory_space<vmem>>)
    %gt3A_378 = arith.constant 99 : i32
    %gt3A_379 = arith.constant 0 : i32
    %gt3A_380 = arith.cmpi sgt, %gt3A_378, %gt3A_379 : i32
    %convert_element_type3A_381 = arith.extui %gt3A_380 : i1 to i32
    %cond3A_382 = arith.constant 0 : i32
    %cond3A_383 = arith.cmpi ne, %convert_element_type3A_381, %cond3A_382 : i32
    scf.if %cond3A_383 {
      %dma_wait3A_423 = arith.constant 2 : i32
      %dma_wait3A_424 = arith.constant 0 : i32
      %dma_wait3A_425 = arith.constant 0 : i32
      %dma_wait3A_426 = tpu.memref_slice %arg8[%dma_wait3A_423, %dma_wait3A_424, %dma_wait3A_425] : memref<6x1x100xi32, #tpu.memory_space<vmem>> -> memref<1x1x100xi32, #tpu.memory_space<vmem>>
      %dma_wait3A_427 = tpu.memref_squeeze %dma_wait3A_426 : memref<1x1x100xi32, #tpu.memory_space<vmem>> -> memref<100xi32, #tpu.memory_space<vmem>>
      %dma_wait3A_428 = arith.constant 0 : i32
      %dma_wait3A_429 = arith.constant 0 : i32
      %dma_wait3A_430 = tpu.memref_slice %arg12[%dma_wait3A_428, %dma_wait3A_429] : memref<10112x128xf32, #tpu.memory_space<vmem_shared>> -> memref<10112x128xf32, #tpu.memory_space<vmem_shared>>
      tpu.wait_indirect_dma semaphore(%arg22 : memref<!tpu.dma_semaphore, #tpu.memory_space<semaphore_mem>>) src(%arg11 : memref<100x128xf32, #tpu.memory_space<vmem>>) dst(%dma_wait3A_430 : memref<10112x128xf32, #tpu.memory_space<vmem_shared>>)
    } else {
    }
    %dma_start3A_384 = arith.constant 3 : i32
    %dma_start3A_385 = arith.constant 0 : i32
    %dma_start3A_386 = arith.constant 0 : i32
    %dma_start3A_387 = tpu.memref_slice %arg8[%dma_start3A_384, %dma_start3A_385, %dma_start3A_386] : memref<6x1x100xi32, #tpu.memory_space<vmem>> -> memref<1x1x100xi32, #tpu.memory_space<vmem>>
    %dma_start3A_388 = tpu.memref_squeeze %dma_start3A_387 : memref<1x1x100xi32, #tpu.memory_space<vmem>> -> memref<100xi32, #tpu.memory_space<vmem>>
    %dma_start3A_389 = arith.constant 0 : i32
    %dma_start3A_390 = arith.constant 0 : i32
    %dma_start3A_391 = tpu.memref_slice %arg12[%dma_start3A_389, %dma_start3A_390] : memref<10112x128xf32, #tpu.memory_space<vmem_shared>> -> memref<10112x128xf32, #tpu.memory_space<vmem_shared>>
    tpu.enqueue_indirect_dma source(%arg9 : memref<100x128xf32, #tpu.memory_space<vmem>>) target(%dma_start3A_391 : memref<10112x128xf32, #tpu.memory_space<vmem_shared>>) offsets(%dma_start3A_388 : memref<100xi32, #tpu.memory_space<vmem>>) semaphore(%arg22 : memref<!tpu.dma_semaphore, #tpu.memory_space<semaphore_mem>>) {add = true}
    %add3A_392 = arith.constant 99 : i32
    %add3A_393 = arith.constant 4 : i32
    %add3A_394 = arith.addi %add3A_392, %add3A_393 : i32
    %lt3A_395 = arith.constant 100 : i32
    %lt3A_396 = arith.cmpi slt, %add3A_394, %lt3A_395 : i32
    %convert_element_type3A_397 = arith.extui %lt3A_396 : i1 to i32
    %cond3A_398 = arith.constant 99 : i32
    %cond3A_399 = arith.constant 0 : i32
    %cond3A_400 = arith.cmpi ne, %convert_element_type3A_397, %cond3A_399 : i32
    scf.if %cond3A_400 {
      %add3A_423 = arith.constant 4 : i32
      %add3A_424 = arith.addi %cond3A_398, %add3A_423 : i32
      %add3A_425 = arith.addi %mul3A_2, %add3A_424 : i32
      %dma_start3A_426 = arith.constant 1 : i32
      %dma_start3A_427 = arith.constant 0 : i32
      %dma_start3A_428 = arith.constant 0 : i32
      %dma_start3A_429 = tpu.memref_slice %arg7[%dma_start3A_426, %dma_start3A_427, %dma_start3A_428] : memref<6x1x100xi32, #tpu.memory_space<vmem>> -> memref<1x1x100xi32, #tpu.memory_space<vmem>>
      %dma_start3A_430 = tpu.memref_squeeze %dma_start3A_429 : memref<1x1x100xi32, #tpu.memory_space<vmem>> -> memref<1x100xi32, #tpu.memory_space<vmem>>
      %dma_start3A_431 = arith.constant 0 : i32
      %dma_start3A_432 = arith.constant 0 : i32
      %dma_start3A_433 = tpu.memref_slice %arg3[%add3A_425, %dma_start3A_431, %dma_start3A_432] : memref<3200x1x100xi32, #tpu.memory_space<hbm>> -> memref<1x1x100xi32, #tpu.memory_space<hbm>>
      %dma_start3A_434 = tpu.memref_squeeze %dma_start3A_433 : memref<1x1x100xi32, #tpu.memory_space<hbm>> -> memref<1x100xi32, #tpu.memory_space<hbm>>
      %dma_start3A_435 = arith.constant 0 : i32
      %dma_start3A_436 = arith.constant 0 : i32
      %dma_start3A_437 = tpu.memref_slice %arg7[%dma_start3A_426, %dma_start3A_435, %dma_start3A_436] : memref<6x1x100xi32, #tpu.memory_space<vmem>> -> memref<1x1x100xi32, #tpu.memory_space<vmem>>
      %dma_start3A_438 = tpu.memref_squeeze %dma_start3A_437 : memref<1x1x100xi32, #tpu.memory_space<vmem>> -> memref<1x100xi32, #tpu.memory_space<vmem>>
      %dma_start3A_439 = arith.constant 0 : i32
      %dma_start3A_440 = arith.constant 0 : i32
      %dma_start3A_441 = tpu.memref_slice %arg3[%add3A_425, %dma_start3A_439, %dma_start3A_440] : memref<3200x1x100xi32, #tpu.memory_space<hbm>> -> memref<1x1x100xi32, #tpu.memory_space<hbm>>
      %dma_start3A_442 = tpu.memref_squeeze %dma_start3A_441 : memref<1x1x100xi32, #tpu.memory_space<hbm>> -> memref<1x100xi32, #tpu.memory_space<hbm>>
      tpu.enqueue_dma source(%dma_start3A_442 : memref<1x100xi32, #tpu.memory_space<hbm>>) target(%dma_start3A_438 : memref<1x100xi32, #tpu.memory_space<vmem>>) target_semaphore(%arg14 : memref<!tpu.dma_semaphore, #tpu.memory_space<semaphore_mem>>)
      %add3A_443 = arith.addi %mul3A_2, %add3A_424 : i32
      %dma_start3A_444 = arith.constant 1 : i32
      %dma_start3A_445 = arith.constant 0 : i32
      %dma_start3A_446 = arith.constant 0 : i32
      %dma_start3A_447 = tpu.memref_slice %arg8[%dma_start3A_444, %dma_start3A_445, %dma_start3A_446] : memref<6x1x100xi32, #tpu.memory_space<vmem>> -> memref<1x1x100xi32, #tpu.memory_space<vmem>>
      %dma_start3A_448 = tpu.memref_squeeze %dma_start3A_447 : memref<1x1x100xi32, #tpu.memory_space<vmem>> -> memref<1x100xi32, #tpu.memory_space<vmem>>
      %dma_start3A_449 = arith.constant 0 : i32
      %dma_start3A_450 = arith.constant 0 : i32
      %dma_start3A_451 = tpu.memref_slice %arg4[%add3A_443, %dma_start3A_449, %dma_start3A_450] : memref<3200x1x100xi32, #tpu.memory_space<hbm>> -> memref<1x1x100xi32, #tpu.memory_space<hbm>>
      %dma_start3A_452 = tpu.memref_squeeze %dma_start3A_451 : memref<1x1x100xi32, #tpu.memory_space<hbm>> -> memref<1x100xi32, #tpu.memory_space<hbm>>
      %dma_start3A_453 = arith.constant 0 : i32
      %dma_start3A_454 = arith.constant 0 : i32
      %dma_start3A_455 = tpu.memref_slice %arg8[%dma_start3A_444, %dma_start3A_453, %dma_start3A_454] : memref<6x1x100xi32, #tpu.memory_space<vmem>> -> memref<1x1x100xi32, #tpu.memory_space<vmem>>
      %dma_start3A_456 = tpu.memref_squeeze %dma_start3A_455 : memref<1x1x100xi32, #tpu.memory_space<vmem>> -> memref<1x100xi32, #tpu.memory_space<vmem>>
      %dma_start3A_457 = arith.constant 0 : i32
      %dma_start3A_458 = arith.constant 0 : i32
      %dma_start3A_459 = tpu.memref_slice %arg4[%add3A_443, %dma_start3A_457, %dma_start3A_458] : memref<3200x1x100xi32, #tpu.memory_space<hbm>> -> memref<1x1x100xi32, #tpu.memory_space<hbm>>
      %dma_start3A_460 = tpu.memref_squeeze %dma_start3A_459 : memref<1x1x100xi32, #tpu.memory_space<hbm>> -> memref<1x100xi32, #tpu.memory_space<hbm>>
      tpu.enqueue_dma source(%dma_start3A_460 : memref<1x100xi32, #tpu.memory_space<hbm>>) target(%dma_start3A_456 : memref<1x100xi32, #tpu.memory_space<vmem>>) target_semaphore(%arg14 : memref<!tpu.dma_semaphore, #tpu.memory_space<semaphore_mem>>)
    } else {
    }
    %add3A_401 = arith.constant 99 : i32
    %add3A_402 = arith.constant 2 : i32
    %add3A_403 = arith.addi %add3A_401, %add3A_402 : i32
    %lt3A_404 = arith.constant 100 : i32
    %lt3A_405 = arith.cmpi slt, %add3A_403, %lt3A_404 : i32
    %convert_element_type3A_406 = arith.extui %lt3A_405 : i1 to i32
    %cond3A_407 = arith.constant 99 : i32
    %cond3A_408 = arith.constant 0 : i32
    %cond3A_409 = arith.cmpi ne, %convert_element_type3A_406, %cond3A_408 : i32
    scf.if %cond3A_409 {
      %add3A_423 = arith.constant 2 : i32
      %add3A_424 = arith.addi %cond3A_407, %add3A_423 : i32
      %add3A_425 = arith.addi %mul3A_2, %add3A_424 : i32
      %dma_wait3A_426 = arith.constant 5 : i32
      %dma_wait3A_427 = arith.constant 0 : i32
      %dma_wait3A_428 = arith.constant 0 : i32
      %dma_wait3A_429 = tpu.memref_slice %arg7[%dma_wait3A_426, %dma_wait3A_427, %dma_wait3A_428] : memref<6x1x100xi32, #tpu.memory_space<vmem>> -> memref<1x1x100xi32, #tpu.memory_space<vmem>>
      %dma_wait3A_430 = tpu.memref_squeeze %dma_wait3A_429 : memref<1x1x100xi32, #tpu.memory_space<vmem>> -> memref<1x100xi32, #tpu.memory_space<vmem>>
      %dma_wait3A_431 = arith.constant 0 : i32
      %dma_wait3A_432 = arith.constant 0 : i32
      %dma_wait3A_433 = tpu.memref_slice %arg3[%add3A_425, %dma_wait3A_431, %dma_wait3A_432] : memref<3200x1x100xi32, #tpu.memory_space<hbm>> -> memref<1x1x100xi32, #tpu.memory_space<hbm>>
      %dma_wait3A_434 = tpu.memref_squeeze %dma_wait3A_433 : memref<1x1x100xi32, #tpu.memory_space<hbm>> -> memref<1x100xi32, #tpu.memory_space<hbm>>
      %dma_wait3A_435 = arith.constant 0 : i32
      %dma_wait3A_436 = arith.constant 0 : i32
      %dma_wait3A_437 = tpu.memref_slice %arg7[%dma_wait3A_426, %dma_wait3A_435, %dma_wait3A_436] : memref<6x1x100xi32, #tpu.memory_space<vmem>> -> memref<1x1x100xi32, #tpu.memory_space<vmem>>
      %dma_wait3A_438 = tpu.memref_squeeze %dma_wait3A_437 : memref<1x1x100xi32, #tpu.memory_space<vmem>> -> memref<1x100xi32, #tpu.memory_space<vmem>>
      %dma_wait3A_439 = arith.constant 0 : i32
      %dma_wait3A_440 = arith.constant 0 : i32
      %dma_wait3A_441 = tpu.memref_slice %arg3[%add3A_425, %dma_wait3A_439, %dma_wait3A_440] : memref<3200x1x100xi32, #tpu.memory_space<hbm>> -> memref<1x1x100xi32, #tpu.memory_space<hbm>>
      %dma_wait3A_442 = tpu.memref_squeeze %dma_wait3A_441 : memref<1x1x100xi32, #tpu.memory_space<hbm>> -> memref<1x100xi32, #tpu.memory_space<hbm>>
      tpu.wait_dma2 semaphore(%arg18 : memref<!tpu.dma_semaphore, #tpu.memory_space<semaphore_mem>>) src(%dma_wait3A_442 : memref<1x100xi32, #tpu.memory_space<hbm>>) dst(%dma_wait3A_438 : memref<1x100xi32, #tpu.memory_space<vmem>>)
      %add3A_443 = arith.addi %mul3A_2, %add3A_424 : i32
      %dma_wait3A_444 = arith.constant 5 : i32
      %dma_wait3A_445 = arith.constant 0 : i32
      %dma_wait3A_446 = arith.constant 0 : i32
      %dma_wait3A_447 = tpu.memref_slice %arg8[%dma_wait3A_444, %dma_wait3A_445, %dma_wait3A_446] : memref<6x1x100xi32, #tpu.memory_space<vmem>> -> memref<1x1x100xi32, #tpu.memory_space<vmem>>
      %dma_wait3A_448 = tpu.memref_squeeze %dma_wait3A_447 : memref<1x1x100xi32, #tpu.memory_space<vmem>> -> memref<1x100xi32, #tpu.memory_space<vmem>>
      %dma_wait3A_449 = arith.constant 0 : i32
      %dma_wait3A_450 = arith.constant 0 : i32
      %dma_wait3A_451 = tpu.memref_slice %arg4[%add3A_443, %dma_wait3A_449, %dma_wait3A_450] : memref<3200x1x100xi32, #tpu.memory_space<hbm>> -> memref<1x1x100xi32, #tpu.memory_space<hbm>>
      %dma_wait3A_452 = tpu.memref_squeeze %dma_wait3A_451 : memref<1x1x100xi32, #tpu.memory_space<hbm>> -> memref<1x100xi32, #tpu.memory_space<hbm>>
      %dma_wait3A_453 = arith.constant 0 : i32
      %dma_wait3A_454 = arith.constant 0 : i32
      %dma_wait3A_455 = tpu.memref_slice %arg8[%dma_wait3A_444, %dma_wait3A_453, %dma_wait3A_454] : memref<6x1x100xi32, #tpu.memory_space<vmem>> -> memref<1x1x100xi32, #tpu.memory_space<vmem>>
      %dma_wait3A_456 = tpu.memref_squeeze %dma_wait3A_455 : memref<1x1x100xi32, #tpu.memory_space<vmem>> -> memref<1x100xi32, #tpu.memory_space<vmem>>
      %dma_wait3A_457 = arith.constant 0 : i32
      %dma_wait3A_458 = arith.constant 0 : i32
      %dma_wait3A_459 = tpu.memref_slice %arg4[%add3A_443, %dma_wait3A_457, %dma_wait3A_458] : memref<3200x1x100xi32, #tpu.memory_space<hbm>> -> memref<1x1x100xi32, #tpu.memory_space<hbm>>
      %dma_wait3A_460 = tpu.memref_squeeze %dma_wait3A_459 : memref<1x1x100xi32, #tpu.memory_space<hbm>> -> memref<1x100xi32, #tpu.memory_space<hbm>>
      tpu.wait_dma2 semaphore(%arg18 : memref<!tpu.dma_semaphore, #tpu.memory_space<semaphore_mem>>) src(%dma_wait3A_460 : memref<1x100xi32, #tpu.memory_space<hbm>>) dst(%dma_wait3A_456 : memref<1x100xi32, #tpu.memory_space<vmem>>)
      %dma_start3A_461 = arith.constant 5 : i32
      %dma_start3A_462 = arith.constant 0 : i32
      %dma_start3A_463 = arith.constant 0 : i32
      %dma_start3A_464 = tpu.memref_slice %arg7[%dma_start3A_461, %dma_start3A_462, %dma_start3A_463] : memref<6x1x100xi32, #tpu.memory_space<vmem>> -> memref<1x1x100xi32, #tpu.memory_space<vmem>>
      %dma_start3A_465 = tpu.memref_squeeze %dma_start3A_464 : memref<1x1x100xi32, #tpu.memory_space<vmem>> -> memref<100xi32, #tpu.memory_space<vmem>>
      %dma_start3A_466 = arith.constant 0 : i32
      %dma_start3A_467 = arith.constant 0 : i32
      %dma_start3A_468 = tpu.memref_slice %arg2[%dma_start3A_466, %dma_start3A_467] : memref<10000x128xf32, #tpu.memory_space<hbm>> -> memref<10000x128xf32, #tpu.memory_space<hbm>>
      tpu.enqueue_indirect_dma source(%dma_start3A_468 : memref<10000x128xf32, #tpu.memory_space<hbm>>) target(%arg11 : memref<100x128xf32, #tpu.memory_space<vmem>>) offsets(%dma_start3A_465 : memref<100xi32, #tpu.memory_space<vmem>>) semaphore(%arg21 : memref<!tpu.dma_semaphore, #tpu.memory_space<semaphore_mem>>)
    } else {
    }
    %dma_wait3A_410 = arith.constant 3 : i32
    %dma_wait3A_411 = arith.constant 0 : i32
    %dma_wait3A_412 = arith.constant 0 : i32
    %dma_wait3A_413 = tpu.memref_slice %arg8[%dma_wait3A_410, %dma_wait3A_411, %dma_wait3A_412] : memref<6x1x100xi32, #tpu.memory_space<vmem>> -> memref<1x1x100xi32, #tpu.memory_space<vmem>>
    %dma_wait3A_414 = tpu.memref_squeeze %dma_wait3A_413 : memref<1x1x100xi32, #tpu.memory_space<vmem>> -> memref<100xi32, #tpu.memory_space<vmem>>
    %dma_wait3A_415 = arith.constant 0 : i32
    %dma_wait3A_416 = arith.constant 0 : i32
    %dma_wait3A_417 = tpu.memref_slice %arg12[%dma_wait3A_415, %dma_wait3A_416] : memref<10112x128xf32, #tpu.memory_space<vmem_shared>> -> memref<10112x128xf32, #tpu.memory_space<vmem_shared>>
    tpu.wait_indirect_dma semaphore(%arg22 : memref<!tpu.dma_semaphore, #tpu.memory_space<semaphore_mem>>) src(%arg9 : memref<100x128xf32, #tpu.memory_space<vmem>>) dst(%dma_wait3A_417 : memref<10112x128xf32, #tpu.memory_space<vmem_shared>>)
    %barrier3A_418 = arith.constant 0 : index
    tpu.barrier barrier_id(%barrier3A_418)
    %mul3A_419 = arith.constant 632 : i32
    %mul3A_420 = arith.muli %arg1, %mul3A_419 : i32
    %mul3A_421 = arith.constant 632 : i32
    %mul3A_422 = arith.muli %arg1, %mul3A_421 : i32
    "tpu.region"() ({
      %run_scoped3A = tpu.sem_alloc : memref<!tpu.dma_semaphore, #tpu.memory_space<semaphore_mem>>
      %dma_start3A_423 = arith.constant 0 : i32
      %dma_start3A_424 = tpu.memref_slice %arg6[%arg0, %mul3A_422, %dma_start3A_423] : memref<2x10112x128xf32, #tpu.memory_space<hbm>> -> memref<1x632x128xf32, #tpu.memory_space<hbm>>
      %dma_start3A_425 = tpu.memref_squeeze %dma_start3A_424 : memref<1x632x128xf32, #tpu.memory_space<hbm>> -> memref<632x128xf32, #tpu.memory_space<hbm>>
      %dma_start3A_426 = arith.constant 0 : i32
      %dma_start3A_427 = tpu.memref_slice %arg12[%mul3A_420, %dma_start3A_426] : memref<10112x128xf32, #tpu.memory_space<vmem_shared>> -> memref<632x128xf32, #tpu.memory_space<vmem_shared>>
      tpu.enqueue_dma source(%dma_start3A_427 : memref<632x128xf32, #tpu.memory_space<vmem_shared>>) target(%dma_start3A_425 : memref<632x128xf32, #tpu.memory_space<hbm>>) target_semaphore(%run_scoped3A : memref<!tpu.dma_semaphore, #tpu.memory_space<semaphore_mem>>)
      %dma_wait3A_428 = arith.constant 0 : i32
      %dma_wait3A_429 = tpu.memref_slice %arg6[%arg0, %mul3A_422, %dma_wait3A_428] : memref<2x10112x128xf32, #tpu.memory_space<hbm>> -> memref<1x632x128xf32, #tpu.memory_space<hbm>>
      %dma_wait3A_430 = tpu.memref_squeeze %dma_wait3A_429 : memref<1x632x128xf32, #tpu.memory_space<hbm>> -> memref<632x128xf32, #tpu.memory_space<hbm>>
      %dma_wait3A_431 = arith.constant 0 : i32
      %dma_wait3A_432 = tpu.memref_slice %arg12[%mul3A_420, %dma_wait3A_431] : memref<10112x128xf32, #tpu.memory_space<vmem_shared>> -> memref<632x128xf32, #tpu.memory_space<vmem_shared>>
      tpu.wait_dma2 semaphore(%run_scoped3A : memref<!tpu.dma_semaphore, #tpu.memory_space<semaphore_mem>>) src(%dma_wait3A_432 : memref<632x128xf32, #tpu.memory_space<vmem_shared>>) dst(%dma_wait3A_430 : memref<632x128xf32, #tpu.memory_space<hbm>>)
      tpu.yield
    }) : () -> ()
    return
  }
}

#map = affine_map<(d0, d1) -> (0, 0)>
#map1 = affine_map<(d0, d1) -> (0, 0, 0)>
module attributes {stable_mosaic.version = 14 : i64} {
  func.func @agg(%arg0: i32, %arg1: i32, %arg2: memref<10000x128xf32, #tpu.memory_space<hbm>>, %arg3: memref<3200x1x100xi32, #tpu.memory_space<hbm>>, %arg4: memref<3200x1x100xi32, #tpu.memory_space<hbm>>, %arg5: memref<10112x128xf32, #tpu.memory_space<hbm>>, %arg6: memref<2x10112x128xf32, #tpu.memory_space<hbm>>, %arg7: memref<6x1x100xi32, #tpu.memory_space<vmem>>, %arg8: memref<6x1x100xi32, #tpu.memory_space<vmem>>, %arg9: memref<100x128xf32, #tpu.memory_space<vmem>>, %arg10: memref<100x128xf32, #tpu.memory_space<vmem>>, %arg11: memref<100x128xf32, #tpu.memory_space<vmem>>, %arg12: memref<10112x128xf32, #tpu.memory_space<vmem_shared>>, %arg13: memref<!tpu.dma_semaphore, #tpu.memory_space<semaphore_mem>>, %arg14: memref<!tpu.dma_semaphore, #tpu.memory_space<semaphore_mem>>, %arg15: memref<!tpu.dma_semaphore, #tpu.memory_space<semaphore_mem>>, %arg16: memref<!tpu.dma_semaphore, #tpu.memory_space<semaphore_mem>>, %arg17: memref<!tpu.dma_semaphore, #tpu.memory_space<semaphore_mem>>, %arg18: memref<!tpu.dma_semaphore, #tpu.memory_space<semaphore_mem>>, %arg19: memref<!tpu.dma_semaphore, #tpu.memory_space<semaphore_mem>>, %arg20: memref<!tpu.dma_semaphore, #tpu.memory_space<semaphore_mem>>, %arg21: memref<!tpu.dma_semaphore, #tpu.memory_space<semaphore_mem>>, %arg22: memref<!tpu.dma_semaphore, #tpu.memory_space<semaphore_mem>>) attributes {dimension_semantics = [#tpu.dimension_semantics<core_parallel>, #tpu.dimension_semantics<subcore_parallel>], iteration_bounds = array<i64: 2, 16>, scalar_prefetch = 0 : i64, scratch_operands = 16 : i64, tpu.core_type = #tpu.core_type<sc_vector_subcore>, window_params = [{transform_indices = #map}, {transform_indices = #map1}, {transform_indices = #map1}, {transform_indices = #map}, {transform_indices = #map1}]} {
    %mul3A = arith.constant 16 : i32
    %mul3A_0 = arith.muli %arg0, %mul3A : i32
    %add3A = arith.addi %mul3A_0, %arg1 : i32
    %mul3A_1 = arith.constant 100 : i32
    %mul3A_2 = arith.muli %add3A, %mul3A_1 : i32
    %add3A_3 = arith.constant 0 : i32
    %add3A_4 = arith.addi %mul3A_2, %add3A_3 : i32
    %dma_start3A = arith.constant 0 : i32
    %dma_start3A_5 = arith.constant 0 : i32
    %dma_start3A_6 = arith.constant 0 : i32
    %dma_start3A_7 = tpu.memref_slice %arg7[%dma_start3A, %dma_start3A_5, %dma_start3A_6] : memref<6x1x100xi32, #tpu.memory_space<vmem>> -> memref<1x1x100xi32, #tpu.memory_space<vmem>>
    %dma_start3A_8 = tpu.memref_squeeze %dma_start3A_7 : memref<1x1x100xi32, #tpu.memory_space<vmem>> -> memref<1x100xi32, #tpu.memory_space<vmem>>
    %dma_start3A_9 = arith.constant 0 : i32
    %dma_start3A_10 = arith.constant 0 : i32
    %dma_start3A_11 = tpu.memref_slice %arg3[%add3A_4, %dma_start3A_9, %dma_start3A_10] : memref<3200x1x100xi32, #tpu.memory_space<hbm>> -> memref<1x1x100xi32, #tpu.memory_space<hbm>>
    %dma_start3A_12 = tpu.memref_squeeze %dma_start3A_11 : memref<1x1x100xi32, #tpu.memory_space<hbm>> -> memref<1x100xi32, #tpu.memory_space<hbm>>
    %dma_start3A_13 = arith.constant 0 : i32
    %dma_start3A_14 = arith.constant 0 : i32
    %dma_start3A_15 = tpu.memref_slice %arg7[%dma_start3A, %dma_start3A_13, %dma_start3A_14] : memref<6x1x100xi32, #tpu.memory_space<vmem>> -> memref<1x1x100xi32, #tpu.memory_space<vmem>>
    %dma_start3A_16 = tpu.memref_squeeze %dma_start3A_15 : memref<1x1x100xi32, #tpu.memory_space<vmem>> -> memref<1x100xi32, #tpu.memory_space<vmem>>
    %dma_start3A_17 = arith.constant 0 : i32
    %dma_start3A_18 = arith.constant 0 : i32
    %dma_start3A_19 = tpu.memref_slice %arg3[%add3A_4, %dma_start3A_17, %dma_start3A_18] : memref<3200x1x100xi32, #tpu.memory_space<hbm>> -> memref<1x1x100xi32, #tpu.memory_space<hbm>>
    %dma_start3A_20 = tpu.memref_squeeze %dma_start3A_19 : memref<1x1x100xi32, #tpu.memory_space<hbm>> -> memref<1x100xi32, #tpu.memory_space<hbm>>
    tpu.enqueue_dma source(%dma_start3A_20 : memref<1x100xi32, #tpu.memory_space<hbm>>) target(%dma_start3A_16 : memref<1x100xi32, #tpu.memory_space<vmem>>) target_semaphore(%arg13 : memref<!tpu.dma_semaphore, #tpu.memory_space<semaphore_mem>>)
    %add3A_21 = arith.constant 0 : i32
    %add3A_22 = arith.addi %mul3A_2, %add3A_21 : i32
    %dma_start3A_23 = arith.constant 0 : i32
    %dma_start3A_24 = arith.constant 0 : i32
    %dma_start3A_25 = arith.constant 0 : i32
    %dma_start3A_26 = tpu.memref_slice %arg8[%dma_start3A_23, %dma_start3A_24, %dma_start3A_25] : memref<6x1x100xi32, #tpu.memory_space<vmem>> -> memref<1x1x100xi32, #tpu.memory_space<vmem>>
    %dma_start3A_27 = tpu.memref_squeeze %dma_start3A_26 : memref<1x1x100xi32, #tpu.memory_space<vmem>> -> memref<1x100xi32, #tpu.memory_space<vmem>>
    %dma_start3A_28 = arith.constant 0 : i32
    %dma_start3A_29 = arith.constant 0 : i32
    %dma_start3A_30 = tpu.memref_slice %arg4[%add3A_22, %dma_start3A_28, %dma_start3A_29] : memref<3200x1x100xi32, #tpu.memory_space<hbm>> -> memref<1x1x100xi32, #tpu.memory_space<hbm>>
    %dma_start3A_31 = tpu.memref_squeeze %dma_start3A_30 : memref<1x1x100xi32, #tpu.memory_space<hbm>> -> memref<1x100xi32, #tpu.memory_space<hbm>>
    %dma_start3A_32 = arith.constant 0 : i32
    %dma_start3A_33 = arith.constant 0 : i32
    %dma_start3A_34 = tpu.memref_slice %arg8[%dma_start3A_23, %dma_start3A_32, %dma_start3A_33] : memref<6x1x100xi32, #tpu.memory_space<vmem>> -> memref<1x1x100xi32, #tpu.memory_space<vmem>>
    %dma_start3A_35 = tpu.memref_squeeze %dma_start3A_34 : memref<1x1x100xi32, #tpu.memory_space<vmem>> -> memref<1x100xi32, #tpu.memory_space<vmem>>
    %dma_start3A_36 = arith.constant 0 : i32
    %dma_start3A_37 = arith.constant 0 : i32
    %dma_start3A_38 = tpu.memref_slice %arg4[%add3A_22, %dma_start3A_36, %dma_start3A_37] : memref<3200x1x100xi32, #tpu.memory_space<hbm>> -> memref<1x1x100xi32, #tpu.memory_space<hbm>>
    %dma_start3A_39 = tpu.memref_squeeze %dma_start3A_38 : memref<1x1x100xi32, #tpu.memory_space<hbm>> -> memref<1x100xi32, #tpu.memory_space<hbm>>
    tpu.enqueue_dma source(%dma_start3A_39 : memref<1x100xi32, #tpu.memory_space<hbm>>) target(%dma_start3A_35 : memref<1x100xi32, #tpu.memory_space<vmem>>) target_semaphore(%arg13 : memref<!tpu.dma_semaphore, #tpu.memory_space<semaphore_mem>>)
    %add3A_40 = arith.constant 1 : i32
    %add3A_41 = arith.addi %mul3A_2, %add3A_40 : i32
    %dma_start3A_42 = arith.constant 1 : i32
    %dma_start3A_43 = arith.constant 0 : i32
    %dma_start3A_44 = arith.constant 0 : i32
    %dma_start3A_45 = tpu.memref_slice %arg7[%dma_start3A_42, %dma_start3A_43, %dma_start3A_44] : memref<6x1x100xi32, #tpu.memory_space<vmem>> -> memref<1x1x100xi32, #tpu.memory_space<vmem>>
    %dma_start3A_46 = tpu.memref_squeeze %dma_start3A_45 : memref<1x1x100xi32, #tpu.memory_space<vmem>> -> memref<1x100xi32, #tpu.memory_space<vmem>>
    %dma_start3A_47 = arith.constant 0 : i32
    %dma_start3A_48 = arith.constant 0 : i32
    %dma_start3A_49 = tpu.memref_slice %arg3[%add3A_41, %dma_start3A_47, %dma_start3A_48] : memref<3200x1x100xi32, #tpu.memory_space<hbm>> -> memref<1x1x100xi32, #tpu.memory_space<hbm>>
    %dma_start3A_50 = tpu.memref_squeeze %dma_start3A_49 : memref<1x1x100xi32, #tpu.memory_space<hbm>> -> memref<1x100xi32, #tpu.memory_space<hbm>>
    %dma_start3A_51 = arith.constant 0 : i32
    %dma_start3A_52 = arith.constant 0 : i32
    %dma_start3A_53 = tpu.memref_slice %arg7[%dma_start3A_42, %dma_start3A_51, %dma_start3A_52] : memref<6x1x100xi32, #tpu.memory_space<vmem>> -> memref<1x1x100xi32, #tpu.memory_space<vmem>>
    %dma_start3A_54 = tpu.memref_squeeze %dma_start3A_53 : memref<1x1x100xi32, #tpu.memory_space<vmem>> -> memref<1x100xi32, #tpu.memory_space<vmem>>
    %dma_start3A_55 = arith.constant 0 : i32
    %dma_start3A_56 = arith.constant 0 : i32
    %dma_start3A_57 = tpu.memref_slice %arg3[%add3A_41, %dma_start3A_55, %dma_start3A_56] : memref<3200x1x100xi32, #tpu.memory_space<hbm>> -> memref<1x1x100xi32, #tpu.memory_space<hbm>>
    %dma_start3A_58 = tpu.memref_squeeze %dma_start3A_57 : memref<1x1x100xi32, #tpu.memory_space<hbm>> -> memref<1x100xi32, #tpu.memory_space<hbm>>
    tpu.enqueue_dma source(%dma_start3A_58 : memref<1x100xi32, #tpu.memory_space<hbm>>) target(%dma_start3A_54 : memref<1x100xi32, #tpu.memory_space<vmem>>) target_semaphore(%arg14 : memref<!tpu.dma_semaphore, #tpu.memory_space<semaphore_mem>>)
    %add3A_59 = arith.constant 1 : i32
    %add3A_60 = arith.addi %mul3A_2, %add3A_59 : i32
    %dma_start3A_61 = arith.constant 1 : i32
    %dma_start3A_62 = arith.constant 0 : i32
    %dma_start3A_63 = arith.constant 0 : i32
    %dma_start3A_64 = tpu.memref_slice %arg8[%dma_start3A_61, %dma_start3A_62, %dma_start3A_63] : memref<6x1x100xi32, #tpu.memory_space<vmem>> -> memref<1x1x100xi32, #tpu.memory_space<vmem>>
    %dma_start3A_65 = tpu.memref_squeeze %dma_start3A_64 : memref<1x1x100xi32, #tpu.memory_space<vmem>> -> memref<1x100xi32, #tpu.memory_space<vmem>>
    %dma_start3A_66 = arith.constant 0 : i32
    %dma_start3A_67 = arith.constant 0 : i32
    %dma_start3A_68 = tpu.memref_slice %arg4[%add3A_60, %dma_start3A_66, %dma_start3A_67] : memref<3200x1x100xi32, #tpu.memory_space<hbm>> -> memref<1x1x100xi32, #tpu.memory_space<hbm>>
    %dma_start3A_69 = tpu.memref_squeeze %dma_start3A_68 : memref<1x1x100xi32, #tpu.memory_space<hbm>> -> memref<1x100xi32, #tpu.memory_space<hbm>>
    %dma_start3A_70 = arith.constant 0 : i32
    %dma_start3A_71 = arith.constant 0 : i32
    %dma_start3A_72 = tpu.memref_slice %arg8[%dma_start3A_61, %dma_start3A_70, %dma_start3A_71] : memref<6x1x100xi32, #tpu.memory_space<vmem>> -> memref<1x1x100xi32, #tpu.memory_space<vmem>>
    %dma_start3A_73 = tpu.memref_squeeze %dma_start3A_72 : memref<1x1x100xi32, #tpu.memory_space<vmem>> -> memref<1x100xi32, #tpu.memory_space<vmem>>
    %dma_start3A_74 = arith.constant 0 : i32
    %dma_start3A_75 = arith.constant 0 : i32
    %dma_start3A_76 = tpu.memref_slice %arg4[%add3A_60, %dma_start3A_74, %dma_start3A_75] : memref<3200x1x100xi32, #tpu.memory_space<hbm>> -> memref<1x1x100xi32, #tpu.memory_space<hbm>>
    %dma_start3A_77 = tpu.memref_squeeze %dma_start3A_76 : memref<1x1x100xi32, #tpu.memory_space<hbm>> -> memref<1x100xi32, #tpu.memory_space<hbm>>
    tpu.enqueue_dma source(%dma_start3A_77 : memref<1x100xi32, #tpu.memory_space<hbm>>) target(%dma_start3A_73 : memref<1x100xi32, #tpu.memory_space<vmem>>) target_semaphore(%arg14 : memref<!tpu.dma_semaphore, #tpu.memory_space<semaphore_mem>>)
    %add3A_78 = arith.constant 2 : i32
    %add3A_79 = arith.addi %mul3A_2, %add3A_78 : i32
    %dma_start3A_80 = arith.constant 2 : i32
    %dma_start3A_81 = arith.constant 0 : i32
    %dma_start3A_82 = arith.constant 0 : i32
    %dma_start3A_83 = tpu.memref_slice %arg7[%dma_start3A_80, %dma_start3A_81, %dma_start3A_82] : memref<6x1x100xi32, #tpu.memory_space<vmem>> -> memref<1x1x100xi32, #tpu.memory_space<vmem>>
    %dma_start3A_84 = tpu.memref_squeeze %dma_start3A_83 : memref<1x1x100xi32, #tpu.memory_space<vmem>> -> memref<1x100xi32, #tpu.memory_space<vmem>>
    %dma_start3A_85 = arith.constant 0 : i32
    %dma_start3A_86 = arith.constant 0 : i32
    %dma_start3A_87 = tpu.memref_slice %arg3[%add3A_79, %dma_start3A_85, %dma_start3A_86] : memref<3200x1x100xi32, #tpu.memory_space<hbm>> -> memref<1x1x100xi32, #tpu.memory_space<hbm>>
    %dma_start3A_88 = tpu.memref_squeeze %dma_start3A_87 : memref<1x1x100xi32, #tpu.memory_space<hbm>> -> memref<1x100xi32, #tpu.memory_space<hbm>>
    %dma_start3A_89 = arith.constant 0 : i32
    %dma_start3A_90 = arith.constant 0 : i32
    %dma_start3A_91 = tpu.memref_slice %arg7[%dma_start3A_80, %dma_start3A_89, %dma_start3A_90] : memref<6x1x100xi32, #tpu.memory_space<vmem>> -> memref<1x1x100xi32, #tpu.memory_space<vmem>>
    %dma_start3A_92 = tpu.memref_squeeze %dma_start3A_91 : memref<1x1x100xi32, #tpu.memory_space<vmem>> -> memref<1x100xi32, #tpu.memory_space<vmem>>
    %dma_start3A_93 = arith.constant 0 : i32
    %dma_start3A_94 = arith.constant 0 : i32
    %dma_start3A_95 = tpu.memref_slice %arg3[%add3A_79, %dma_start3A_93, %dma_start3A_94] : memref<3200x1x100xi32, #tpu.memory_space<hbm>> -> memref<1x1x100xi32, #tpu.memory_space<hbm>>
    %dma_start3A_96 = tpu.memref_squeeze %dma_start3A_95 : memref<1x1x100xi32, #tpu.memory_space<hbm>> -> memref<1x100xi32, #tpu.memory_space<hbm>>
    tpu.enqueue_dma source(%dma_start3A_96 : memref<1x100xi32, #tpu.memory_space<hbm>>) target(%dma_start3A_92 : memref<1x100xi32, #tpu.memory_space<vmem>>) target_semaphore(%arg15 : memref<!tpu.dma_semaphore, #tpu.memory_space<semaphore_mem>>)
    %add3A_97 = arith.constant 2 : i32
    %add3A_98 = arith.addi %mul3A_2, %add3A_97 : i32
    %dma_start3A_99 = arith.constant 2 : i32
    %dma_start3A_100 = arith.constant 0 : i32
    %dma_start3A_101 = arith.constant 0 : i32
    %dma_start3A_102 = tpu.memref_slice %arg8[%dma_start3A_99, %dma_start3A_100, %dma_start3A_101] : memref<6x1x100xi32, #tpu.memory_space<vmem>> -> memref<1x1x100xi32, #tpu.memory_space<vmem>>
    %dma_start3A_103 = tpu.memref_squeeze %dma_start3A_102 : memref<1x1x100xi32, #tpu.memory_space<vmem>> -> memref<1x100xi32, #tpu.memory_space<vmem>>
    %dma_start3A_104 = arith.constant 0 : i32
    %dma_start3A_105 = arith.constant 0 : i32
    %dma_start3A_106 = tpu.memref_slice %arg4[%add3A_98, %dma_start3A_104, %dma_start3A_105] : memref<3200x1x100xi32, #tpu.memory_space<hbm>> -> memref<1x1x100xi32, #tpu.memory_space<hbm>>
    %dma_start3A_107 = tpu.memref_squeeze %dma_start3A_106 : memref<1x1x100xi32, #tpu.memory_space<hbm>> -> memref<1x100xi32, #tpu.memory_space<hbm>>
    %dma_start3A_108 = arith.constant 0 : i32
    %dma_start3A_109 = arith.constant 0 : i32
    %dma_start3A_110 = tpu.memref_slice %arg8[%dma_start3A_99, %dma_start3A_108, %dma_start3A_109] : memref<6x1x100xi32, #tpu.memory_space<vmem>> -> memref<1x1x100xi32, #tpu.memory_space<vmem>>
    %dma_start3A_111 = tpu.memref_squeeze %dma_start3A_110 : memref<1x1x100xi32, #tpu.memory_space<vmem>> -> memref<1x100xi32, #tpu.memory_space<vmem>>
    %dma_start3A_112 = arith.constant 0 : i32
    %dma_start3A_113 = arith.constant 0 : i32
    %dma_start3A_114 = tpu.memref_slice %arg4[%add3A_98, %dma_start3A_112, %dma_start3A_113] : memref<3200x1x100xi32, #tpu.memory_space<hbm>> -> memref<1x1x100xi32, #tpu.memory_space<hbm>>
    %dma_start3A_115 = tpu.memref_squeeze %dma_start3A_114 : memref<1x1x100xi32, #tpu.memory_space<hbm>> -> memref<1x100xi32, #tpu.memory_space<hbm>>
    tpu.enqueue_dma source(%dma_start3A_115 : memref<1x100xi32, #tpu.memory_space<hbm>>) target(%dma_start3A_111 : memref<1x100xi32, #tpu.memory_space<vmem>>) target_semaphore(%arg15 : memref<!tpu.dma_semaphore, #tpu.memory_space<semaphore_mem>>)
    %add3A_116 = arith.constant 3 : i32
    %add3A_117 = arith.addi %mul3A_2, %add3A_116 : i32
    %dma_start3A_118 = arith.constant 3 : i32
    %dma_start3A_119 = arith.constant 0 : i32
    %dma_start3A_120 = arith.constant 0 : i32
    %dma_start3A_121 = tpu.memref_slice %arg7[%dma_start3A_118, %dma_start3A_119, %dma_start3A_120] : memref<6x1x100xi32, #tpu.memory_space<vmem>> -> memref<1x1x100xi32, #tpu.memory_space<vmem>>
    %dma_start3A_122 = tpu.memref_squeeze %dma_start3A_121 : memref<1x1x100xi32, #tpu.memory_space<vmem>> -> memref<1x100xi32, #tpu.memory_space<vmem>>
    %dma_start3A_123 = arith.constant 0 : i32
    %dma_start3A_124 = arith.constant 0 : i32
    %dma_start3A_125 = tpu.memref_slice %arg3[%add3A_117, %dma_start3A_123, %dma_start3A_124] : memref<3200x1x100xi32, #tpu.memory_space<hbm>> -> memref<1x1x100xi32, #tpu.memory_space<hbm>>
    %dma_start3A_126 = tpu.memref_squeeze %dma_start3A_125 : memref<1x1x100xi32, #tpu.memory_space<hbm>> -> memref<1x100xi32, #tpu.memory_space<hbm>>
    %dma_start3A_127 = arith.constant 0 : i32
    %dma_start3A_128 = arith.constant 0 : i32
    %dma_start3A_129 = tpu.memref_slice %arg7[%dma_start3A_118, %dma_start3A_127, %dma_start3A_128] : memref<6x1x100xi32, #tpu.memory_space<vmem>> -> memref<1x1x100xi32, #tpu.memory_space<vmem>>
    %dma_start3A_130 = tpu.memref_squeeze %dma_start3A_129 : memref<1x1x100xi32, #tpu.memory_space<vmem>> -> memref<1x100xi32, #tpu.memory_space<vmem>>
    %dma_start3A_131 = arith.constant 0 : i32
    %dma_start3A_132 = arith.constant 0 : i32
    %dma_start3A_133 = tpu.memref_slice %arg3[%add3A_117, %dma_start3A_131, %dma_start3A_132] : memref<3200x1x100xi32, #tpu.memory_space<hbm>> -> memref<1x1x100xi32, #tpu.memory_space<hbm>>
    %dma_start3A_134 = tpu.memref_squeeze %dma_start3A_133 : memref<1x1x100xi32, #tpu.memory_space<hbm>> -> memref<1x100xi32, #tpu.memory_space<hbm>>
    tpu.enqueue_dma source(%dma_start3A_134 : memref<1x100xi32, #tpu.memory_space<hbm>>) target(%dma_start3A_130 : memref<1x100xi32, #tpu.memory_space<vmem>>) target_semaphore(%arg16 : memref<!tpu.dma_semaphore, #tpu.memory_space<semaphore_mem>>)
    %add3A_135 = arith.constant 3 : i32
    %add3A_136 = arith.addi %mul3A_2, %add3A_135 : i32
    %dma_start3A_137 = arith.constant 3 : i32
    %dma_start3A_138 = arith.constant 0 : i32
    %dma_start3A_139 = arith.constant 0 : i32
    %dma_start3A_140 = tpu.memref_slice %arg8[%dma_start3A_137, %dma_start3A_138, %dma_start3A_139] : memref<6x1x100xi32, #tpu.memory_space<vmem>> -> memref<1x1x100xi32, #tpu.memory_space<vmem>>
    %dma_start3A_141 = tpu.memref_squeeze %dma_start3A_140 : memref<1x1x100xi32, #tpu.memory_space<vmem>> -> memref<1x100xi32, #tpu.memory_space<vmem>>
    %dma_start3A_142 = arith.constant 0 : i32
    %dma_start3A_143 = arith.constant 0 : i32
    %dma_start3A_144 = tpu.memref_slice %arg4[%add3A_136, %dma_start3A_142, %dma_start3A_143] : memref<3200x1x100xi32, #tpu.memory_space<hbm>> -> memref<1x1x100xi32, #tpu.memory_space<hbm>>
    %dma_start3A_145 = tpu.memref_squeeze %dma_start3A_144 : memref<1x1x100xi32, #tpu.memory_space<hbm>> -> memref<1x100xi32, #tpu.memory_space<hbm>>
    %dma_start3A_146 = arith.constant 0 : i32
    %dma_start3A_147 = arith.constant 0 : i32
    %dma_start3A_148 = tpu.memref_slice %arg8[%dma_start3A_137, %dma_start3A_146, %dma_start3A_147] : memref<6x1x100xi32, #tpu.memory_space<vmem>> -> memref<1x1x100xi32, #tpu.memory_space<vmem>>
    %dma_start3A_149 = tpu.memref_squeeze %dma_start3A_148 : memref<1x1x100xi32, #tpu.memory_space<vmem>> -> memref<1x100xi32, #tpu.memory_space<vmem>>
    %dma_start3A_150 = arith.constant 0 : i32
    %dma_start3A_151 = arith.constant 0 : i32
    %dma_start3A_152 = tpu.memref_slice %arg4[%add3A_136, %dma_start3A_150, %dma_start3A_151] : memref<3200x1x100xi32, #tpu.memory_space<hbm>> -> memref<1x1x100xi32, #tpu.memory_space<hbm>>
    %dma_start3A_153 = tpu.memref_squeeze %dma_start3A_152 : memref<1x1x100xi32, #tpu.memory_space<hbm>> -> memref<1x100xi32, #tpu.memory_space<hbm>>
    tpu.enqueue_dma source(%dma_start3A_153 : memref<1x100xi32, #tpu.memory_space<hbm>>) target(%dma_start3A_149 : memref<1x100xi32, #tpu.memory_space<vmem>>) target_semaphore(%arg16 : memref<!tpu.dma_semaphore, #tpu.memory_space<semaphore_mem>>)
    %add3A_154 = arith.constant 0 : i32
    %add3A_155 = arith.addi %mul3A_2, %add3A_154 : i32
    %dma_wait3A = arith.constant 0 : i32
    %dma_wait3A_156 = arith.constant 0 : i32
    %dma_wait3A_157 = arith.constant 0 : i32
    %dma_wait3A_158 = tpu.memref_slice %arg7[%dma_wait3A, %dma_wait3A_156, %dma_wait3A_157] : memref<6x1x100xi32, #tpu.memory_space<vmem>> -> memref<1x1x100xi32, #tpu.memory_space<vmem>>
    %dma_wait3A_159 = tpu.memref_squeeze %dma_wait3A_158 : memref<1x1x100xi32, #tpu.memory_space<vmem>> -> memref<1x100xi32, #tpu.memory_space<vmem>>
    %dma_wait3A_160 = arith.constant 0 : i32
    %dma_wait3A_161 = arith.constant 0 : i32
    %dma_wait3A_162 = tpu.memref_slice %arg3[%add3A_155, %dma_wait3A_160, %dma_wait3A_161] : memref<3200x1x100xi32, #tpu.memory_space<hbm>> -> memref<1x1x100xi32, #tpu.memory_space<hbm>>
    %dma_wait3A_163 = tpu.memref_squeeze %dma_wait3A_162 : memref<1x1x100xi32, #tpu.memory_space<hbm>> -> memref<1x100xi32, #tpu.memory_space<hbm>>
    %dma_wait3A_164 = arith.constant 0 : i32
    %dma_wait3A_165 = arith.constant 0 : i32
    %dma_wait3A_166 = tpu.memref_slice %arg7[%dma_wait3A, %dma_wait3A_164, %dma_wait3A_165] : memref<6x1x100xi32, #tpu.memory_space<vmem>> -> memref<1x1x100xi32, #tpu.memory_space<vmem>>
    %dma_wait3A_167 = tpu.memref_squeeze %dma_wait3A_166 : memref<1x1x100xi32, #tpu.memory_space<vmem>> -> memref<1x100xi32, #tpu.memory_space<vmem>>
    %dma_wait3A_168 = arith.constant 0 : i32
    %dma_wait3A_169 = arith.constant 0 : i32
    %dma_wait3A_170 = tpu.memref_slice %arg3[%add3A_155, %dma_wait3A_168, %dma_wait3A_169] : memref<3200x1x100xi32, #tpu.memory_space<hbm>> -> memref<1x1x100xi32, #tpu.memory_space<hbm>>
    %dma_wait3A_171 = tpu.memref_squeeze %dma_wait3A_170 : memref<1x1x100xi32, #tpu.memory_space<hbm>> -> memref<1x100xi32, #tpu.memory_space<hbm>>
    tpu.wait_dma2 semaphore(%arg13 : memref<!tpu.dma_semaphore, #tpu.memory_space<semaphore_mem>>) src(%dma_wait3A_171 : memref<1x100xi32, #tpu.memory_space<hbm>>) dst(%dma_wait3A_167 : memref<1x100xi32, #tpu.memory_space<vmem>>)
    %add3A_172 = arith.constant 0 : i32
    %add3A_173 = arith.addi %mul3A_2, %add3A_172 : i32
    %dma_wait3A_174 = arith.constant 0 : i32
    %dma_wait3A_175 = arith.constant 0 : i32
    %dma_wait3A_176 = arith.constant 0 : i32
    %dma_wait3A_177 = tpu.memref_slice %arg8[%dma_wait3A_174, %dma_wait3A_175, %dma_wait3A_176] : memref<6x1x100xi32, #tpu.memory_space<vmem>> -> memref<1x1x100xi32, #tpu.memory_space<vmem>>
    %dma_wait3A_178 = tpu.memref_squeeze %dma_wait3A_177 : memref<1x1x100xi32, #tpu.memory_space<vmem>> -> memref<1x100xi32, #tpu.memory_space<vmem>>
    %dma_wait3A_179 = arith.constant 0 : i32
    %dma_wait3A_180 = arith.constant 0 : i32
    %dma_wait3A_181 = tpu.memref_slice %arg4[%add3A_173, %dma_wait3A_179, %dma_wait3A_180] : memref<3200x1x100xi32, #tpu.memory_space<hbm>> -> memref<1x1x100xi32, #tpu.memory_space<hbm>>
    %dma_wait3A_182 = tpu.memref_squeeze %dma_wait3A_181 : memref<1x1x100xi32, #tpu.memory_space<hbm>> -> memref<1x100xi32, #tpu.memory_space<hbm>>
    %dma_wait3A_183 = arith.constant 0 : i32
    %dma_wait3A_184 = arith.constant 0 : i32
    %dma_wait3A_185 = tpu.memref_slice %arg8[%dma_wait3A_174, %dma_wait3A_183, %dma_wait3A_184] : memref<6x1x100xi32, #tpu.memory_space<vmem>> -> memref<1x1x100xi32, #tpu.memory_space<vmem>>
    %dma_wait3A_186 = tpu.memref_squeeze %dma_wait3A_185 : memref<1x1x100xi32, #tpu.memory_space<vmem>> -> memref<1x100xi32, #tpu.memory_space<vmem>>
    %dma_wait3A_187 = arith.constant 0 : i32
    %dma_wait3A_188 = arith.constant 0 : i32
    %dma_wait3A_189 = tpu.memref_slice %arg4[%add3A_173, %dma_wait3A_187, %dma_wait3A_188] : memref<3200x1x100xi32, #tpu.memory_space<hbm>> -> memref<1x1x100xi32, #tpu.memory_space<hbm>>
    %dma_wait3A_190 = tpu.memref_squeeze %dma_wait3A_189 : memref<1x1x100xi32, #tpu.memory_space<hbm>> -> memref<1x100xi32, #tpu.memory_space<hbm>>
    tpu.wait_dma2 semaphore(%arg13 : memref<!tpu.dma_semaphore, #tpu.memory_space<semaphore_mem>>) src(%dma_wait3A_190 : memref<1x100xi32, #tpu.memory_space<hbm>>) dst(%dma_wait3A_186 : memref<1x100xi32, #tpu.memory_space<vmem>>)
    %dma_start3A_191 = arith.constant 0 : i32
    %dma_start3A_192 = arith.constant 0 : i32
    %dma_start3A_193 = arith.constant 0 : i32
    %dma_start3A_194 = tpu.memref_slice %arg7[%dma_start3A_191, %dma_start3A_192, %dma_start3A_193] : memref<6x1x100xi32, #tpu.memory_space<vmem>> -> memref<1x1x100xi32, #tpu.memory_space<vmem>>
    %dma_start3A_195 = tpu.memref_squeeze %dma_start3A_194 : memref<1x1x100xi32, #tpu.memory_space<vmem>> -> memref<100xi32, #tpu.memory_space<vmem>>
    %dma_start3A_196 = arith.constant 0 : i32
    %dma_start3A_197 = arith.constant 0 : i32
    %dma_start3A_198 = tpu.memref_slice %arg2[%dma_start3A_196, %dma_start3A_197] : memref<10000x128xf32, #tpu.memory_space<hbm>> -> memref<10000x128xf32, #tpu.memory_space<hbm>>
    tpu.enqueue_indirect_dma source(%dma_start3A_198 : memref<10000x128xf32, #tpu.memory_space<hbm>>) target(%arg9 : memref<100x128xf32, #tpu.memory_space<vmem>>) offsets(%dma_start3A_195 : memref<100xi32, #tpu.memory_space<vmem>>) semaphore(%arg19 : memref<!tpu.dma_semaphore, #tpu.memory_space<semaphore_mem>>)
    %add3A_199 = arith.constant 1 : i32
    %add3A_200 = arith.addi %mul3A_2, %add3A_199 : i32
    %dma_wait3A_201 = arith.constant 1 : i32
    %dma_wait3A_202 = arith.constant 0 : i32
    %dma_wait3A_203 = arith.constant 0 : i32
    %dma_wait3A_204 = tpu.memref_slice %arg7[%dma_wait3A_201, %dma_wait3A_202, %dma_wait3A_203] : memref<6x1x100xi32, #tpu.memory_space<vmem>> -> memref<1x1x100xi32, #tpu.memory_space<vmem>>
    %dma_wait3A_205 = tpu.memref_squeeze %dma_wait3A_204 : memref<1x1x100xi32, #tpu.memory_space<vmem>> -> memref<1x100xi32, #tpu.memory_space<vmem>>
    %dma_wait3A_206 = arith.constant 0 : i32
    %dma_wait3A_207 = arith.constant 0 : i32
    %dma_wait3A_208 = tpu.memref_slice %arg3[%add3A_200, %dma_wait3A_206, %dma_wait3A_207] : memref<3200x1x100xi32, #tpu.memory_space<hbm>> -> memref<1x1x100xi32, #tpu.memory_space<hbm>>
    %dma_wait3A_209 = tpu.memref_squeeze %dma_wait3A_208 : memref<1x1x100xi32, #tpu.memory_space<hbm>> -> memref<1x100xi32, #tpu.memory_space<hbm>>
    %dma_wait3A_210 = arith.constant 0 : i32
    %dma_wait3A_211 = arith.constant 0 : i32
    %dma_wait3A_212 = tpu.memref_slice %arg7[%dma_wait3A_201, %dma_wait3A_210, %dma_wait3A_211] : memref<6x1x100xi32, #tpu.memory_space<vmem>> -> memref<1x1x100xi32, #tpu.memory_space<vmem>>
    %dma_wait3A_213 = tpu.memref_squeeze %dma_wait3A_212 : memref<1x1x100xi32, #tpu.memory_space<vmem>> -> memref<1x100xi32, #tpu.memory_space<vmem>>
    %dma_wait3A_214 = arith.constant 0 : i32
    %dma_wait3A_215 = arith.constant 0 : i32
    %dma_wait3A_216 = tpu.memref_slice %arg3[%add3A_200, %dma_wait3A_214, %dma_wait3A_215] : memref<3200x1x100xi32, #tpu.memory_space<hbm>> -> memref<1x1x100xi32, #tpu.memory_space<hbm>>
    %dma_wait3A_217 = tpu.memref_squeeze %dma_wait3A_216 : memref<1x1x100xi32, #tpu.memory_space<hbm>> -> memref<1x100xi32, #tpu.memory_space<hbm>>
    tpu.wait_dma2 semaphore(%arg14 : memref<!tpu.dma_semaphore, #tpu.memory_space<semaphore_mem>>) src(%dma_wait3A_217 : memref<1x100xi32, #tpu.memory_space<hbm>>) dst(%dma_wait3A_213 : memref<1x100xi32, #tpu.memory_space<vmem>>)
    %add3A_218 = arith.constant 1 : i32
    %add3A_219 = arith.addi %mul3A_2, %add3A_218 : i32
    %dma_wait3A_220 = arith.constant 1 : i32
    %dma_wait3A_221 = arith.constant 0 : i32
    %dma_wait3A_222 = arith.constant 0 : i32
    %dma_wait3A_223 = tpu.memref_slice %arg8[%dma_wait3A_220, %dma_wait3A_221, %dma_wait3A_222] : memref<6x1x100xi32, #tpu.memory_space<vmem>> -> memref<1x1x100xi32, #tpu.memory_space<vmem>>
    %dma_wait3A_224 = tpu.memref_squeeze %dma_wait3A_223 : memref<1x1x100xi32, #tpu.memory_space<vmem>> -> memref<1x100xi32, #tpu.memory_space<vmem>>
    %dma_wait3A_225 = arith.constant 0 : i32
    %dma_wait3A_226 = arith.constant 0 : i32
    %dma_wait3A_227 = tpu.memref_slice %arg4[%add3A_219, %dma_wait3A_225, %dma_wait3A_226] : memref<3200x1x100xi32, #tpu.memory_space<hbm>> -> memref<1x1x100xi32, #tpu.memory_space<hbm>>
    %dma_wait3A_228 = tpu.memref_squeeze %dma_wait3A_227 : memref<1x1x100xi32, #tpu.memory_space<hbm>> -> memref<1x100xi32, #tpu.memory_space<hbm>>
    %dma_wait3A_229 = arith.constant 0 : i32
    %dma_wait3A_230 = arith.constant 0 : i32
    %dma_wait3A_231 = tpu.memref_slice %arg8[%dma_wait3A_220, %dma_wait3A_229, %dma_wait3A_230] : memref<6x1x100xi32, #tpu.memory_space<vmem>> -> memref<1x1x100xi32, #tpu.memory_space<vmem>>
    %dma_wait3A_232 = tpu.memref_squeeze %dma_wait3A_231 : memref<1x1x100xi32, #tpu.memory_space<vmem>> -> memref<1x100xi32, #tpu.memory_space<vmem>>
    %dma_wait3A_233 = arith.constant 0 : i32
    %dma_wait3A_234 = arith.constant 0 : i32
    %dma_wait3A_235 = tpu.memref_slice %arg4[%add3A_219, %dma_wait3A_233, %dma_wait3A_234] : memref<3200x1x100xi32, #tpu.memory_space<hbm>> -> memref<1x1x100xi32, #tpu.memory_space<hbm>>
    %dma_wait3A_236 = tpu.memref_squeeze %dma_wait3A_235 : memref<1x1x100xi32, #tpu.memory_space<hbm>> -> memref<1x100xi32, #tpu.memory_space<hbm>>
    tpu.wait_dma2 semaphore(%arg14 : memref<!tpu.dma_semaphore, #tpu.memory_space<semaphore_mem>>) src(%dma_wait3A_236 : memref<1x100xi32, #tpu.memory_space<hbm>>) dst(%dma_wait3A_232 : memref<1x100xi32, #tpu.memory_space<vmem>>)
    %dma_start3A_237 = arith.constant 1 : i32
    %dma_start3A_238 = arith.constant 0 : i32
    %dma_start3A_239 = arith.constant 0 : i32
    %dma_start3A_240 = tpu.memref_slice %arg7[%dma_start3A_237, %dma_start3A_238, %dma_start3A_239] : memref<6x1x100xi32, #tpu.memory_space<vmem>> -> memref<1x1x100xi32, #tpu.memory_space<vmem>>
    %dma_start3A_241 = tpu.memref_squeeze %dma_start3A_240 : memref<1x1x100xi32, #tpu.memory_space<vmem>> -> memref<100xi32, #tpu.memory_space<vmem>>
    %dma_start3A_242 = arith.constant 0 : i32
    %dma_start3A_243 = arith.constant 0 : i32
    %dma_start3A_244 = tpu.memref_slice %arg2[%dma_start3A_242, %dma_start3A_243] : memref<10000x128xf32, #tpu.memory_space<hbm>> -> memref<10000x128xf32, #tpu.memory_space<hbm>>
    tpu.enqueue_indirect_dma source(%dma_start3A_244 : memref<10000x128xf32, #tpu.memory_space<hbm>>) target(%arg10 : memref<100x128xf32, #tpu.memory_space<vmem>>) offsets(%dma_start3A_241 : memref<100xi32, #tpu.memory_space<vmem>>) semaphore(%arg20 : memref<!tpu.dma_semaphore, #tpu.memory_space<semaphore_mem>>)
    %mul3A_245 = arith.constant 632 : i32
    %mul3A_246 = arith.muli %arg1, %mul3A_245 : i32
    %mul3A_247 = arith.constant 632 : i32
    %mul3A_248 = arith.muli %arg1, %mul3A_247 : i32
    "tpu.region"() ({
      %run_scoped3A = tpu.sem_alloc : memref<!tpu.dma_semaphore, #tpu.memory_space<semaphore_mem>>
      %dma_start3A_423 = arith.constant 0 : i32
      %dma_start3A_424 = tpu.memref_slice %arg12[%mul3A_248, %dma_start3A_423] : memref<10112x128xf32, #tpu.memory_space<vmem_shared>> -> memref<632x128xf32, #tpu.memory_space<vmem_shared>>
      %dma_start3A_425 = arith.constant 0 : i32
      %dma_start3A_426 = tpu.memref_slice %arg5[%mul3A_246, %dma_start3A_425] : memref<10112x128xf32, #tpu.memory_space<hbm>> -> memref<632x128xf32, #tpu.memory_space<hbm>>
      tpu.enqueue_dma source(%dma_start3A_426 : memref<632x128xf32, #tpu.memory_space<hbm>>) target(%dma_start3A_424 : memref<632x128xf32, #tpu.memory_space<vmem_shared>>) target_semaphore(%run_scoped3A : memref<!tpu.dma_semaphore, #tpu.memory_space<semaphore_mem>>)
      %dma_wait3A_427 = arith.constant 0 : i32
      %dma_wait3A_428 = tpu.memref_slice %arg12[%mul3A_248, %dma_wait3A_427] : memref<10112x128xf32, #tpu.memory_space<vmem_shared>> -> memref<632x128xf32, #tpu.memory_space<vmem_shared>>
      %dma_wait3A_429 = arith.constant 0 : i32
      %dma_wait3A_430 = tpu.memref_slice %arg5[%mul3A_246, %dma_wait3A_429] : memref<10112x128xf32, #tpu.memory_space<hbm>> -> memref<632x128xf32, #tpu.memory_space<hbm>>
      tpu.wait_dma2 semaphore(%run_scoped3A : memref<!tpu.dma_semaphore, #tpu.memory_space<semaphore_mem>>) src(%dma_wait3A_430 : memref<632x128xf32, #tpu.memory_space<hbm>>) dst(%dma_wait3A_428 : memref<632x128xf32, #tpu.memory_space<vmem_shared>>)
      tpu.yield
    }) : () -> ()
    %barrier3A = arith.constant 0 : index
    tpu.barrier barrier_id(%barrier3A)
    %scan3A = arith.constant 0 : i32
    %scan3A_249 = arith.constant 0 : i32
    %scan3A_250 = arith.constant 16 : i32
    %scan3A_251 = arith.addi %scan3A_249, %scan3A_250 : i32
    %scan3A_252 = arith.constant 1 : i32
    scf.for %scan3A_423 = %scan3A_249 to %scan3A_251 step %scan3A_252  : i32 {
      %mul3A_424 = arith.constant 6 : i32
      %mul3A_425 = arith.muli %scan3A_423, %mul3A_424 : i32
      %add3A_426 = arith.constant 0 : i32
      %add3A_427 = arith.addi %mul3A_425, %add3A_426 : i32
      %dma_wait3A_428 = arith.constant 0 : i32
      %dma_wait3A_429 = arith.constant 0 : i32
      %dma_wait3A_430 = arith.constant 0 : i32
      %dma_wait3A_431 = tpu.memref_slice %arg7[%dma_wait3A_428, %dma_wait3A_429, %dma_wait3A_430] : memref<6x1x100xi32, #tpu.memory_space<vmem>> -> memref<1x1x100xi32, #tpu.memory_space<vmem>>
      %dma_wait3A_432 = tpu.memref_squeeze %dma_wait3A_431 : memref<1x1x100xi32, #tpu.memory_space<vmem>> -> memref<100xi32, #tpu.memory_space<vmem>>
      %dma_wait3A_433 = arith.constant 0 : i32
      %dma_wait3A_434 = arith.constant 0 : i32
      %dma_wait3A_435 = tpu.memref_slice %arg2[%dma_wait3A_433, %dma_wait3A_434] : memref<10000x128xf32, #tpu.memory_space<hbm>> -> memref<10000x128xf32, #tpu.memory_space<hbm>>
      tpu.wait_indirect_dma semaphore(%arg19 : memref<!tpu.dma_semaphore, #tpu.memory_space<semaphore_mem>>) src(%dma_wait3A_435 : memref<10000x128xf32, #tpu.memory_space<hbm>>) dst(%arg9 : memref<100x128xf32, #tpu.memory_space<vmem>>)
      %gt3A_436 = arith.constant 0 : i32
      %gt3A_437 = arith.cmpi sgt, %add3A_427, %gt3A_436 : i32
      %convert_element_type3A_438 = arith.extui %gt3A_437 : i1 to i32
      %cond3A_439 = arith.constant 0 : i32
      %cond3A_440 = arith.cmpi ne, %convert_element_type3A_438, %cond3A_439 : i32
      scf.if %cond3A_440 {
        %dma_wait3A_658 = arith.constant 5 : i32
        %dma_wait3A_659 = arith.constant 0 : i32
        %dma_wait3A_660 = arith.constant 0 : i32
        %dma_wait3A_661 = tpu.memref_slice %arg8[%dma_wait3A_658, %dma_wait3A_659, %dma_wait3A_660] : memref<6x1x100xi32, #tpu.memory_space<vmem>> -> memref<1x1x100xi32, #tpu.memory_space<vmem>>
        %dma_wait3A_662 = tpu.memref_squeeze %dma_wait3A_661 : memref<1x1x100xi32, #tpu.memory_space<vmem>> -> memref<100xi32, #tpu.memory_space<vmem>>
        %dma_wait3A_663 = arith.constant 0 : i32
        %dma_wait3A_664 = arith.constant 0 : i32
        %dma_wait3A_665 = tpu.memref_slice %arg12[%dma_wait3A_663, %dma_wait3A_664] : memref<10112x128xf32, #tpu.memory_space<vmem_shared>> -> memref<10112x128xf32, #tpu.memory_space<vmem_shared>>
        tpu.wait_indirect_dma semaphore(%arg22 : memref<!tpu.dma_semaphore, #tpu.memory_space<semaphore_mem>>) src(%arg11 : memref<100x128xf32, #tpu.memory_space<vmem>>) dst(%dma_wait3A_665 : memref<10112x128xf32, #tpu.memory_space<vmem_shared>>)
      } else {
      }
      %dma_start3A_441 = arith.constant 0 : i32
      %dma_start3A_442 = arith.constant 0 : i32
      %dma_start3A_443 = arith.constant 0 : i32
      %dma_start3A_444 = tpu.memref_slice %arg8[%dma_start3A_441, %dma_start3A_442, %dma_start3A_443] : memref<6x1x100xi32, #tpu.memory_space<vmem>> -> memref<1x1x100xi32, #tpu.memory_space<vmem>>
      %dma_start3A_445 = tpu.memref_squeeze %dma_start3A_444 : memref<1x1x100xi32, #tpu.memory_space<vmem>> -> memref<100xi32, #tpu.memory_space<vmem>>
      %dma_start3A_446 = arith.constant 0 : i32
      %dma_start3A_447 = arith.constant 0 : i32
      %dma_start3A_448 = tpu.memref_slice %arg12[%dma_start3A_446, %dma_start3A_447] : memref<10112x128xf32, #tpu.memory_space<vmem_shared>> -> memref<10112x128xf32, #tpu.memory_space<vmem_shared>>
      tpu.enqueue_indirect_dma source(%arg9 : memref<100x128xf32, #tpu.memory_space<vmem>>) target(%dma_start3A_448 : memref<10112x128xf32, #tpu.memory_space<vmem_shared>>) offsets(%dma_start3A_445 : memref<100xi32, #tpu.memory_space<vmem>>) semaphore(%arg22 : memref<!tpu.dma_semaphore, #tpu.memory_space<semaphore_mem>>) {add = true}
      %add3A_449 = arith.constant 4 : i32
      %add3A_450 = arith.addi %add3A_427, %add3A_449 : i32
      %lt3A_451 = arith.constant 100 : i32
      %lt3A_452 = arith.cmpi slt, %add3A_450, %lt3A_451 : i32
      %convert_element_type3A_453 = arith.extui %lt3A_452 : i1 to i32
      %cond3A_454 = arith.constant 0 : i32
      %cond3A_455 = arith.cmpi ne, %convert_element_type3A_453, %cond3A_454 : i32
      scf.if %cond3A_455 {
        %add3A_658 = arith.constant 4 : i32
        %add3A_659 = arith.addi %add3A_427, %add3A_658 : i32
        %add3A_660 = arith.addi %mul3A_2, %add3A_659 : i32
        %dma_start3A_661 = arith.constant 4 : i32
        %dma_start3A_662 = arith.constant 0 : i32
        %dma_start3A_663 = arith.constant 0 : i32
        %dma_start3A_664 = tpu.memref_slice %arg7[%dma_start3A_661, %dma_start3A_662, %dma_start3A_663] : memref<6x1x100xi32, #tpu.memory_space<vmem>> -> memref<1x1x100xi32, #tpu.memory_space<vmem>>
        %dma_start3A_665 = tpu.memref_squeeze %dma_start3A_664 : memref<1x1x100xi32, #tpu.memory_space<vmem>> -> memref<1x100xi32, #tpu.memory_space<vmem>>
        %dma_start3A_666 = arith.constant 0 : i32
        %dma_start3A_667 = arith.constant 0 : i32
        %dma_start3A_668 = tpu.memref_slice %arg3[%add3A_660, %dma_start3A_666, %dma_start3A_667] : memref<3200x1x100xi32, #tpu.memory_space<hbm>> -> memref<1x1x100xi32, #tpu.memory_space<hbm>>
        %dma_start3A_669 = tpu.memref_squeeze %dma_start3A_668 : memref<1x1x100xi32, #tpu.memory_space<hbm>> -> memref<1x100xi32, #tpu.memory_space<hbm>>
        %dma_start3A_670 = arith.constant 0 : i32
        %dma_start3A_671 = arith.constant 0 : i32
        %dma_start3A_672 = tpu.memref_slice %arg7[%dma_start3A_661, %dma_start3A_670, %dma_start3A_671] : memref<6x1x100xi32, #tpu.memory_space<vmem>> -> memref<1x1x100xi32, #tpu.memory_space<vmem>>
        %dma_start3A_673 = tpu.memref_squeeze %dma_start3A_672 : memref<1x1x100xi32, #tpu.memory_space<vmem>> -> memref<1x100xi32, #tpu.memory_space<vmem>>
        %dma_start3A_674 = arith.constant 0 : i32
        %dma_start3A_675 = arith.constant 0 : i32
        %dma_start3A_676 = tpu.memref_slice %arg3[%add3A_660, %dma_start3A_674, %dma_start3A_675] : memref<3200x1x100xi32, #tpu.memory_space<hbm>> -> memref<1x1x100xi32, #tpu.memory_space<hbm>>
        %dma_start3A_677 = tpu.memref_squeeze %dma_start3A_676 : memref<1x1x100xi32, #tpu.memory_space<hbm>> -> memref<1x100xi32, #tpu.memory_space<hbm>>
        tpu.enqueue_dma source(%dma_start3A_677 : memref<1x100xi32, #tpu.memory_space<hbm>>) target(%dma_start3A_673 : memref<1x100xi32, #tpu.memory_space<vmem>>) target_semaphore(%arg17 : memref<!tpu.dma_semaphore, #tpu.memory_space<semaphore_mem>>)
        %add3A_678 = arith.addi %mul3A_2, %add3A_659 : i32
        %dma_start3A_679 = arith.constant 4 : i32
        %dma_start3A_680 = arith.constant 0 : i32
        %dma_start3A_681 = arith.constant 0 : i32
        %dma_start3A_682 = tpu.memref_slice %arg8[%dma_start3A_679, %dma_start3A_680, %dma_start3A_681] : memref<6x1x100xi32, #tpu.memory_space<vmem>> -> memref<1x1x100xi32, #tpu.memory_space<vmem>>
        %dma_start3A_683 = tpu.memref_squeeze %dma_start3A_682 : memref<1x1x100xi32, #tpu.memory_space<vmem>> -> memref<1x100xi32, #tpu.memory_space<vmem>>
        %dma_start3A_684 = arith.constant 0 : i32
        %dma_start3A_685 = arith.constant 0 : i32
        %dma_start3A_686 = tpu.memref_slice %arg4[%add3A_678, %dma_start3A_684, %dma_start3A_685] : memref<3200x1x100xi32, #tpu.memory_space<hbm>> -> memref<1x1x100xi32, #tpu.memory_space<hbm>>
        %dma_start3A_687 = tpu.memref_squeeze %dma_start3A_686 : memref<1x1x100xi32, #tpu.memory_space<hbm>> -> memref<1x100xi32, #tpu.memory_space<hbm>>
        %dma_start3A_688 = arith.constant 0 : i32
        %dma_start3A_689 = arith.constant 0 : i32
        %dma_start3A_690 = tpu.memref_slice %arg8[%dma_start3A_679, %dma_start3A_688, %dma_start3A_689] : memref<6x1x100xi32, #tpu.memory_space<vmem>> -> memref<1x1x100xi32, #tpu.memory_space<vmem>>
        %dma_start3A_691 = tpu.memref_squeeze %dma_start3A_690 : memref<1x1x100xi32, #tpu.memory_space<vmem>> -> memref<1x100xi32, #tpu.memory_space<vmem>>
        %dma_start3A_692 = arith.constant 0 : i32
        %dma_start3A_693 = arith.constant 0 : i32
        %dma_start3A_694 = tpu.memref_slice %arg4[%add3A_678, %dma_start3A_692, %dma_start3A_693] : memref<3200x1x100xi32, #tpu.memory_space<hbm>> -> memref<1x1x100xi32, #tpu.memory_space<hbm>>
        %dma_start3A_695 = tpu.memref_squeeze %dma_start3A_694 : memref<1x1x100xi32, #tpu.memory_space<hbm>> -> memref<1x100xi32, #tpu.memory_space<hbm>>
        tpu.enqueue_dma source(%dma_start3A_695 : memref<1x100xi32, #tpu.memory_space<hbm>>) target(%dma_start3A_691 : memref<1x100xi32, #tpu.memory_space<vmem>>) target_semaphore(%arg17 : memref<!tpu.dma_semaphore, #tpu.memory_space<semaphore_mem>>)
      } else {
      }
      %add3A_456 = arith.constant 2 : i32
      %add3A_457 = arith.addi %add3A_427, %add3A_456 : i32
      %lt3A_458 = arith.constant 100 : i32
      %lt3A_459 = arith.cmpi slt, %add3A_457, %lt3A_458 : i32
      %convert_element_type3A_460 = arith.extui %lt3A_459 : i1 to i32
      %cond3A_461 = arith.constant 0 : i32
      %cond3A_462 = arith.cmpi ne, %convert_element_type3A_460, %cond3A_461 : i32
      scf.if %cond3A_462 {
        %add3A_658 = arith.constant 2 : i32
        %add3A_659 = arith.addi %add3A_427, %add3A_658 : i32
        %add3A_660 = arith.addi %mul3A_2, %add3A_659 : i32
        %dma_wait3A_661 = arith.constant 2 : i32
        %dma_wait3A_662 = arith.constant 0 : i32
        %dma_wait3A_663 = arith.constant 0 : i32
        %dma_wait3A_664 = tpu.memref_slice %arg7[%dma_wait3A_661, %dma_wait3A_662, %dma_wait3A_663] : memref<6x1x100xi32, #tpu.memory_space<vmem>> -> memref<1x1x100xi32, #tpu.memory_space<vmem>>
        %dma_wait3A_665 = tpu.memref_squeeze %dma_wait3A_664 : memref<1x1x100xi32, #tpu.memory_space<vmem>> -> memref<1x100xi32, #tpu.memory_space<vmem>>
        %dma_wait3A_666 = arith.constant 0 : i32
        %dma_wait3A_667 = arith.constant 0 : i32
        %dma_wait3A_668 = tpu.memref_slice %arg3[%add3A_660, %dma_wait3A_666, %dma_wait3A_667] : memref<3200x1x100xi32, #tpu.memory_space<hbm>> -> memref<1x1x100xi32, #tpu.memory_space<hbm>>
        %dma_wait3A_669 = tpu.memref_squeeze %dma_wait3A_668 : memref<1x1x100xi32, #tpu.memory_space<hbm>> -> memref<1x100xi32, #tpu.memory_space<hbm>>
        %dma_wait3A_670 = arith.constant 0 : i32
        %dma_wait3A_671 = arith.constant 0 : i32
        %dma_wait3A_672 = tpu.memref_slice %arg7[%dma_wait3A_661, %dma_wait3A_670, %dma_wait3A_671] : memref<6x1x100xi32, #tpu.memory_space<vmem>> -> memref<1x1x100xi32, #tpu.memory_space<vmem>>
        %dma_wait3A_673 = tpu.memref_squeeze %dma_wait3A_672 : memref<1x1x100xi32, #tpu.memory_space<vmem>> -> memref<1x100xi32, #tpu.memory_space<vmem>>
        %dma_wait3A_674 = arith.constant 0 : i32
        %dma_wait3A_675 = arith.constant 0 : i32
        %dma_wait3A_676 = tpu.memref_slice %arg3[%add3A_660, %dma_wait3A_674, %dma_wait3A_675] : memref<3200x1x100xi32, #tpu.memory_space<hbm>> -> memref<1x1x100xi32, #tpu.memory_space<hbm>>
        %dma_wait3A_677 = tpu.memref_squeeze %dma_wait3A_676 : memref<1x1x100xi32, #tpu.memory_space<hbm>> -> memref<1x100xi32, #tpu.memory_space<hbm>>
        tpu.wait_dma2 semaphore(%arg15 : memref<!tpu.dma_semaphore, #tpu.memory_space<semaphore_mem>>) src(%dma_wait3A_677 : memref<1x100xi32, #tpu.memory_space<hbm>>) dst(%dma_wait3A_673 : memref<1x100xi32, #tpu.memory_space<vmem>>)
        %add3A_678 = arith.addi %mul3A_2, %add3A_659 : i32
        %dma_wait3A_679 = arith.constant 2 : i32
        %dma_wait3A_680 = arith.constant 0 : i32
        %dma_wait3A_681 = arith.constant 0 : i32
        %dma_wait3A_682 = tpu.memref_slice %arg8[%dma_wait3A_679, %dma_wait3A_680, %dma_wait3A_681] : memref<6x1x100xi32, #tpu.memory_space<vmem>> -> memref<1x1x100xi32, #tpu.memory_space<vmem>>
        %dma_wait3A_683 = tpu.memref_squeeze %dma_wait3A_682 : memref<1x1x100xi32, #tpu.memory_space<vmem>> -> memref<1x100xi32, #tpu.memory_space<vmem>>
        %dma_wait3A_684 = arith.constant 0 : i32
        %dma_wait3A_685 = arith.constant 0 : i32
        %dma_wait3A_686 = tpu.memref_slice %arg4[%add3A_678, %dma_wait3A_684, %dma_wait3A_685] : memref<3200x1x100xi32, #tpu.memory_space<hbm>> -> memref<1x1x100xi32, #tpu.memory_space<hbm>>
        %dma_wait3A_687 = tpu.memref_squeeze %dma_wait3A_686 : memref<1x1x100xi32, #tpu.memory_space<hbm>> -> memref<1x100xi32, #tpu.memory_space<hbm>>
        %dma_wait3A_688 = arith.constant 0 : i32
        %dma_wait3A_689 = arith.constant 0 : i32
        %dma_wait3A_690 = tpu.memref_slice %arg8[%dma_wait3A_679, %dma_wait3A_688, %dma_wait3A_689] : memref<6x1x100xi32, #tpu.memory_space<vmem>> -> memref<1x1x100xi32, #tpu.memory_space<vmem>>
        %dma_wait3A_691 = tpu.memref_squeeze %dma_wait3A_690 : memref<1x1x100xi32, #tpu.memory_space<vmem>> -> memref<1x100xi32, #tpu.memory_space<vmem>>
        %dma_wait3A_692 = arith.constant 0 : i32
        %dma_wait3A_693 = arith.constant 0 : i32
        %dma_wait3A_694 = tpu.memref_slice %arg4[%add3A_678, %dma_wait3A_692, %dma_wait3A_693] : memref<3200x1x100xi32, #tpu.memory_space<hbm>> -> memref<1x1x100xi32, #tpu.memory_space<hbm>>
        %dma_wait3A_695 = tpu.memref_squeeze %dma_wait3A_694 : memref<1x1x100xi32, #tpu.memory_space<hbm>> -> memref<1x100xi32, #tpu.memory_space<hbm>>
        tpu.wait_dma2 semaphore(%arg15 : memref<!tpu.dma_semaphore, #tpu.memory_space<semaphore_mem>>) src(%dma_wait3A_695 : memref<1x100xi32, #tpu.memory_space<hbm>>) dst(%dma_wait3A_691 : memref<1x100xi32, #tpu.memory_space<vmem>>)
        %dma_start3A_696 = arith.constant 2 : i32
        %dma_start3A_697 = arith.constant 0 : i32
        %dma_start3A_698 = arith.constant 0 : i32
        %dma_start3A_699 = tpu.memref_slice %arg7[%dma_start3A_696, %dma_start3A_697, %dma_start3A_698] : memref<6x1x100xi32, #tpu.memory_space<vmem>> -> memref<1x1x100xi32, #tpu.memory_space<vmem>>
        %dma_start3A_700 = tpu.memref_squeeze %dma_start3A_699 : memref<1x1x100xi32, #tpu.memory_space<vmem>> -> memref<100xi32, #tpu.memory_space<vmem>>
        %dma_start3A_701 = arith.constant 0 : i32
        %dma_start3A_702 = arith.constant 0 : i32
        %dma_start3A_703 = tpu.memref_slice %arg2[%dma_start3A_701, %dma_start3A_702] : memref<10000x128xf32, #tpu.memory_space<hbm>> -> memref<10000x128xf32, #tpu.memory_space<hbm>>
        tpu.enqueue_indirect_dma source(%dma_start3A_703 : memref<10000x128xf32, #tpu.memory_space<hbm>>) target(%arg11 : memref<100x128xf32, #tpu.memory_space<vmem>>) offsets(%dma_start3A_700 : memref<100xi32, #tpu.memory_space<vmem>>) semaphore(%arg21 : memref<!tpu.dma_semaphore, #tpu.memory_space<semaphore_mem>>)
      } else {
      }
      %mul3A_463 = arith.constant 6 : i32
      %mul3A_464 = arith.muli %scan3A_423, %mul3A_463 : i32
      %add3A_465 = arith.constant 1 : i32
      %add3A_466 = arith.addi %mul3A_464, %add3A_465 : i32
      %dma_wait3A_467 = arith.constant 1 : i32
      %dma_wait3A_468 = arith.constant 0 : i32
      %dma_wait3A_469 = arith.constant 0 : i32
      %dma_wait3A_470 = tpu.memref_slice %arg7[%dma_wait3A_467, %dma_wait3A_468, %dma_wait3A_469] : memref<6x1x100xi32, #tpu.memory_space<vmem>> -> memref<1x1x100xi32, #tpu.memory_space<vmem>>
      %dma_wait3A_471 = tpu.memref_squeeze %dma_wait3A_470 : memref<1x1x100xi32, #tpu.memory_space<vmem>> -> memref<100xi32, #tpu.memory_space<vmem>>
      %dma_wait3A_472 = arith.constant 0 : i32
      %dma_wait3A_473 = arith.constant 0 : i32
      %dma_wait3A_474 = tpu.memref_slice %arg2[%dma_wait3A_472, %dma_wait3A_473] : memref<10000x128xf32, #tpu.memory_space<hbm>> -> memref<10000x128xf32, #tpu.memory_space<hbm>>
      tpu.wait_indirect_dma semaphore(%arg20 : memref<!tpu.dma_semaphore, #tpu.memory_space<semaphore_mem>>) src(%dma_wait3A_474 : memref<10000x128xf32, #tpu.memory_space<hbm>>) dst(%arg10 : memref<100x128xf32, #tpu.memory_space<vmem>>)
      %gt3A_475 = arith.constant 0 : i32
      %gt3A_476 = arith.cmpi sgt, %add3A_466, %gt3A_475 : i32
      %convert_element_type3A_477 = arith.extui %gt3A_476 : i1 to i32
      %cond3A_478 = arith.constant 0 : i32
      %cond3A_479 = arith.cmpi ne, %convert_element_type3A_477, %cond3A_478 : i32
      scf.if %cond3A_479 {
        %dma_wait3A_658 = arith.constant 0 : i32
        %dma_wait3A_659 = arith.constant 0 : i32
        %dma_wait3A_660 = arith.constant 0 : i32
        %dma_wait3A_661 = tpu.memref_slice %arg8[%dma_wait3A_658, %dma_wait3A_659, %dma_wait3A_660] : memref<6x1x100xi32, #tpu.memory_space<vmem>> -> memref<1x1x100xi32, #tpu.memory_space<vmem>>
        %dma_wait3A_662 = tpu.memref_squeeze %dma_wait3A_661 : memref<1x1x100xi32, #tpu.memory_space<vmem>> -> memref<100xi32, #tpu.memory_space<vmem>>
        %dma_wait3A_663 = arith.constant 0 : i32
        %dma_wait3A_664 = arith.constant 0 : i32
        %dma_wait3A_665 = tpu.memref_slice %arg12[%dma_wait3A_663, %dma_wait3A_664] : memref<10112x128xf32, #tpu.memory_space<vmem_shared>> -> memref<10112x128xf32, #tpu.memory_space<vmem_shared>>
        tpu.wait_indirect_dma semaphore(%arg22 : memref<!tpu.dma_semaphore, #tpu.memory_space<semaphore_mem>>) src(%arg9 : memref<100x128xf32, #tpu.memory_space<vmem>>) dst(%dma_wait3A_665 : memref<10112x128xf32, #tpu.memory_space<vmem_shared>>)
      } else {
      }
      %dma_start3A_480 = arith.constant 1 : i32
      %dma_start3A_481 = arith.constant 0 : i32
      %dma_start3A_482 = arith.constant 0 : i32
      %dma_start3A_483 = tpu.memref_slice %arg8[%dma_start3A_480, %dma_start3A_481, %dma_start3A_482] : memref<6x1x100xi32, #tpu.memory_space<vmem>> -> memref<1x1x100xi32, #tpu.memory_space<vmem>>
      %dma_start3A_484 = tpu.memref_squeeze %dma_start3A_483 : memref<1x1x100xi32, #tpu.memory_space<vmem>> -> memref<100xi32, #tpu.memory_space<vmem>>
      %dma_start3A_485 = arith.constant 0 : i32
      %dma_start3A_486 = arith.constant 0 : i32
      %dma_start3A_487 = tpu.memref_slice %arg12[%dma_start3A_485, %dma_start3A_486] : memref<10112x128xf32, #tpu.memory_space<vmem_shared>> -> memref<10112x128xf32, #tpu.memory_space<vmem_shared>>
      tpu.enqueue_indirect_dma source(%arg10 : memref<100x128xf32, #tpu.memory_space<vmem>>) target(%dma_start3A_487 : memref<10112x128xf32, #tpu.memory_space<vmem_shared>>) offsets(%dma_start3A_484 : memref<100xi32, #tpu.memory_space<vmem>>) semaphore(%arg22 : memref<!tpu.dma_semaphore, #tpu.memory_space<semaphore_mem>>) {add = true}
      %add3A_488 = arith.constant 4 : i32
      %add3A_489 = arith.addi %add3A_466, %add3A_488 : i32
      %lt3A_490 = arith.constant 100 : i32
      %lt3A_491 = arith.cmpi slt, %add3A_489, %lt3A_490 : i32
      %convert_element_type3A_492 = arith.extui %lt3A_491 : i1 to i32
      %cond3A_493 = arith.constant 0 : i32
      %cond3A_494 = arith.cmpi ne, %convert_element_type3A_492, %cond3A_493 : i32
      scf.if %cond3A_494 {
        %add3A_658 = arith.constant 4 : i32
        %add3A_659 = arith.addi %add3A_466, %add3A_658 : i32
        %add3A_660 = arith.addi %mul3A_2, %add3A_659 : i32
        %dma_start3A_661 = arith.constant 5 : i32
        %dma_start3A_662 = arith.constant 0 : i32
        %dma_start3A_663 = arith.constant 0 : i32
        %dma_start3A_664 = tpu.memref_slice %arg7[%dma_start3A_661, %dma_start3A_662, %dma_start3A_663] : memref<6x1x100xi32, #tpu.memory_space<vmem>> -> memref<1x1x100xi32, #tpu.memory_space<vmem>>
        %dma_start3A_665 = tpu.memref_squeeze %dma_start3A_664 : memref<1x1x100xi32, #tpu.memory_space<vmem>> -> memref<1x100xi32, #tpu.memory_space<vmem>>
        %dma_start3A_666 = arith.constant 0 : i32
        %dma_start3A_667 = arith.constant 0 : i32
        %dma_start3A_668 = tpu.memref_slice %arg3[%add3A_660, %dma_start3A_666, %dma_start3A_667] : memref<3200x1x100xi32, #tpu.memory_space<hbm>> -> memref<1x1x100xi32, #tpu.memory_space<hbm>>
        %dma_start3A_669 = tpu.memref_squeeze %dma_start3A_668 : memref<1x1x100xi32, #tpu.memory_space<hbm>> -> memref<1x100xi32, #tpu.memory_space<hbm>>
        %dma_start3A_670 = arith.constant 0 : i32
        %dma_start3A_671 = arith.constant 0 : i32
        %dma_start3A_672 = tpu.memref_slice %arg7[%dma_start3A_661, %dma_start3A_670, %dma_start3A_671] : memref<6x1x100xi32, #tpu.memory_space<vmem>> -> memref<1x1x100xi32, #tpu.memory_space<vmem>>
        %dma_start3A_673 = tpu.memref_squeeze %dma_start3A_672 : memref<1x1x100xi32, #tpu.memory_space<vmem>> -> memref<1x100xi32, #tpu.memory_space<vmem>>
        %dma_start3A_674 = arith.constant 0 : i32
        %dma_start3A_675 = arith.constant 0 : i32
        %dma_start3A_676 = tpu.memref_slice %arg3[%add3A_660, %dma_start3A_674, %dma_start3A_675] : memref<3200x1x100xi32, #tpu.memory_space<hbm>> -> memref<1x1x100xi32, #tpu.memory_space<hbm>>
        %dma_start3A_677 = tpu.memref_squeeze %dma_start3A_676 : memref<1x1x100xi32, #tpu.memory_space<hbm>> -> memref<1x100xi32, #tpu.memory_space<hbm>>
        tpu.enqueue_dma source(%dma_start3A_677 : memref<1x100xi32, #tpu.memory_space<hbm>>) target(%dma_start3A_673 : memref<1x100xi32, #tpu.memory_space<vmem>>) target_semaphore(%arg18 : memref<!tpu.dma_semaphore, #tpu.memory_space<semaphore_mem>>)
        %add3A_678 = arith.addi %mul3A_2, %add3A_659 : i32
        %dma_start3A_679 = arith.constant 5 : i32
        %dma_start3A_680 = arith.constant 0 : i32
        %dma_start3A_681 = arith.constant 0 : i32
        %dma_start3A_682 = tpu.memref_slice %arg8[%dma_start3A_679, %dma_start3A_680, %dma_start3A_681] : memref<6x1x100xi32, #tpu.memory_space<vmem>> -> memref<1x1x100xi32, #tpu.memory_space<vmem>>
        %dma_start3A_683 = tpu.memref_squeeze %dma_start3A_682 : memref<1x1x100xi32, #tpu.memory_space<vmem>> -> memref<1x100xi32, #tpu.memory_space<vmem>>
        %dma_start3A_684 = arith.constant 0 : i32
        %dma_start3A_685 = arith.constant 0 : i32
        %dma_start3A_686 = tpu.memref_slice %arg4[%add3A_678, %dma_start3A_684, %dma_start3A_685] : memref<3200x1x100xi32, #tpu.memory_space<hbm>> -> memref<1x1x100xi32, #tpu.memory_space<hbm>>
        %dma_start3A_687 = tpu.memref_squeeze %dma_start3A_686 : memref<1x1x100xi32, #tpu.memory_space<hbm>> -> memref<1x100xi32, #tpu.memory_space<hbm>>
        %dma_start3A_688 = arith.constant 0 : i32
        %dma_start3A_689 = arith.constant 0 : i32
        %dma_start3A_690 = tpu.memref_slice %arg8[%dma_start3A_679, %dma_start3A_688, %dma_start3A_689] : memref<6x1x100xi32, #tpu.memory_space<vmem>> -> memref<1x1x100xi32, #tpu.memory_space<vmem>>
        %dma_start3A_691 = tpu.memref_squeeze %dma_start3A_690 : memref<1x1x100xi32, #tpu.memory_space<vmem>> -> memref<1x100xi32, #tpu.memory_space<vmem>>
        %dma_start3A_692 = arith.constant 0 : i32
        %dma_start3A_693 = arith.constant 0 : i32
        %dma_start3A_694 = tpu.memref_slice %arg4[%add3A_678, %dma_start3A_692, %dma_start3A_693] : memref<3200x1x100xi32, #tpu.memory_space<hbm>> -> memref<1x1x100xi32, #tpu.memory_space<hbm>>
        %dma_start3A_695 = tpu.memref_squeeze %dma_start3A_694 : memref<1x1x100xi32, #tpu.memory_space<hbm>> -> memref<1x100xi32, #tpu.memory_space<hbm>>
        tpu.enqueue_dma source(%dma_start3A_695 : memref<1x100xi32, #tpu.memory_space<hbm>>) target(%dma_start3A_691 : memref<1x100xi32, #tpu.memory_space<vmem>>) target_semaphore(%arg18 : memref<!tpu.dma_semaphore, #tpu.memory_space<semaphore_mem>>)
      } else {
      }
      %add3A_495 = arith.constant 2 : i32
      %add3A_496 = arith.addi %add3A_466, %add3A_495 : i32
      %lt3A_497 = arith.constant 100 : i32
      %lt3A_498 = arith.cmpi slt, %add3A_496, %lt3A_497 : i32
      %convert_element_type3A_499 = arith.extui %lt3A_498 : i1 to i32
      %cond3A_500 = arith.constant 0 : i32
      %cond3A_501 = arith.cmpi ne, %convert_element_type3A_499, %cond3A_500 : i32
      scf.if %cond3A_501 {
        %add3A_658 = arith.constant 2 : i32
        %add3A_659 = arith.addi %add3A_466, %add3A_658 : i32
        %add3A_660 = arith.addi %mul3A_2, %add3A_659 : i32
        %dma_wait3A_661 = arith.constant 3 : i32
        %dma_wait3A_662 = arith.constant 0 : i32
        %dma_wait3A_663 = arith.constant 0 : i32
        %dma_wait3A_664 = tpu.memref_slice %arg7[%dma_wait3A_661, %dma_wait3A_662, %dma_wait3A_663] : memref<6x1x100xi32, #tpu.memory_space<vmem>> -> memref<1x1x100xi32, #tpu.memory_space<vmem>>
        %dma_wait3A_665 = tpu.memref_squeeze %dma_wait3A_664 : memref<1x1x100xi32, #tpu.memory_space<vmem>> -> memref<1x100xi32, #tpu.memory_space<vmem>>
        %dma_wait3A_666 = arith.constant 0 : i32
        %dma_wait3A_667 = arith.constant 0 : i32
        %dma_wait3A_668 = tpu.memref_slice %arg3[%add3A_660, %dma_wait3A_666, %dma_wait3A_667] : memref<3200x1x100xi32, #tpu.memory_space<hbm>> -> memref<1x1x100xi32, #tpu.memory_space<hbm>>
        %dma_wait3A_669 = tpu.memref_squeeze %dma_wait3A_668 : memref<1x1x100xi32, #tpu.memory_space<hbm>> -> memref<1x100xi32, #tpu.memory_space<hbm>>
        %dma_wait3A_670 = arith.constant 0 : i32
        %dma_wait3A_671 = arith.constant 0 : i32
        %dma_wait3A_672 = tpu.memref_slice %arg7[%dma_wait3A_661, %dma_wait3A_670, %dma_wait3A_671] : memref<6x1x100xi32, #tpu.memory_space<vmem>> -> memref<1x1x100xi32, #tpu.memory_space<vmem>>
        %dma_wait3A_673 = tpu.memref_squeeze %dma_wait3A_672 : memref<1x1x100xi32, #tpu.memory_space<vmem>> -> memref<1x100xi32, #tpu.memory_space<vmem>>
        %dma_wait3A_674 = arith.constant 0 : i32
        %dma_wait3A_675 = arith.constant 0 : i32
        %dma_wait3A_676 = tpu.memref_slice %arg3[%add3A_660, %dma_wait3A_674, %dma_wait3A_675] : memref<3200x1x100xi32, #tpu.memory_space<hbm>> -> memref<1x1x100xi32, #tpu.memory_space<hbm>>
        %dma_wait3A_677 = tpu.memref_squeeze %dma_wait3A_676 : memref<1x1x100xi32, #tpu.memory_space<hbm>> -> memref<1x100xi32, #tpu.memory_space<hbm>>
        tpu.wait_dma2 semaphore(%arg16 : memref<!tpu.dma_semaphore, #tpu.memory_space<semaphore_mem>>) src(%dma_wait3A_677 : memref<1x100xi32, #tpu.memory_space<hbm>>) dst(%dma_wait3A_673 : memref<1x100xi32, #tpu.memory_space<vmem>>)
        %add3A_678 = arith.addi %mul3A_2, %add3A_659 : i32
        %dma_wait3A_679 = arith.constant 3 : i32
        %dma_wait3A_680 = arith.constant 0 : i32
        %dma_wait3A_681 = arith.constant 0 : i32
        %dma_wait3A_682 = tpu.memref_slice %arg8[%dma_wait3A_679, %dma_wait3A_680, %dma_wait3A_681] : memref<6x1x100xi32, #tpu.memory_space<vmem>> -> memref<1x1x100xi32, #tpu.memory_space<vmem>>
        %dma_wait3A_683 = tpu.memref_squeeze %dma_wait3A_682 : memref<1x1x100xi32, #tpu.memory_space<vmem>> -> memref<1x100xi32, #tpu.memory_space<vmem>>
        %dma_wait3A_684 = arith.constant 0 : i32
        %dma_wait3A_685 = arith.constant 0 : i32
        %dma_wait3A_686 = tpu.memref_slice %arg4[%add3A_678, %dma_wait3A_684, %dma_wait3A_685] : memref<3200x1x100xi32, #tpu.memory_space<hbm>> -> memref<1x1x100xi32, #tpu.memory_space<hbm>>
        %dma_wait3A_687 = tpu.memref_squeeze %dma_wait3A_686 : memref<1x1x100xi32, #tpu.memory_space<hbm>> -> memref<1x100xi32, #tpu.memory_space<hbm>>
        %dma_wait3A_688 = arith.constant 0 : i32
        %dma_wait3A_689 = arith.constant 0 : i32
        %dma_wait3A_690 = tpu.memref_slice %arg8[%dma_wait3A_679, %dma_wait3A_688, %dma_wait3A_689] : memref<6x1x100xi32, #tpu.memory_space<vmem>> -> memref<1x1x100xi32, #tpu.memory_space<vmem>>
        %dma_wait3A_691 = tpu.memref_squeeze %dma_wait3A_690 : memref<1x1x100xi32, #tpu.memory_space<vmem>> -> memref<1x100xi32, #tpu.memory_space<vmem>>
        %dma_wait3A_692 = arith.constant 0 : i32
        %dma_wait3A_693 = arith.constant 0 : i32
        %dma_wait3A_694 = tpu.memref_slice %arg4[%add3A_678, %dma_wait3A_692, %dma_wait3A_693] : memref<3200x1x100xi32, #tpu.memory_space<hbm>> -> memref<1x1x100xi32, #tpu.memory_space<hbm>>
        %dma_wait3A_695 = tpu.memref_squeeze %dma_wait3A_694 : memref<1x1x100xi32, #tpu.memory_space<hbm>> -> memref<1x100xi32, #tpu.memory_space<hbm>>
        tpu.wait_dma2 semaphore(%arg16 : memref<!tpu.dma_semaphore, #tpu.memory_space<semaphore_mem>>) src(%dma_wait3A_695 : memref<1x100xi32, #tpu.memory_space<hbm>>) dst(%dma_wait3A_691 : memref<1x100xi32, #tpu.memory_space<vmem>>)
        %dma_start3A_696 = arith.constant 3 : i32
        %dma_start3A_697 = arith.constant 0 : i32
        %dma_start3A_698 = arith.constant 0 : i32
        %dma_start3A_699 = tpu.memref_slice %arg7[%dma_start3A_696, %dma_start3A_697, %dma_start3A_698] : memref<6x1x100xi32, #tpu.memory_space<vmem>> -> memref<1x1x100xi32, #tpu.memory_space<vmem>>
        %dma_start3A_700 = tpu.memref_squeeze %dma_start3A_699 : memref<1x1x100xi32, #tpu.memory_space<vmem>> -> memref<100xi32, #tpu.memory_space<vmem>>
        %dma_start3A_701 = arith.constant 0 : i32
        %dma_start3A_702 = arith.constant 0 : i32
        %dma_start3A_703 = tpu.memref_slice %arg2[%dma_start3A_701, %dma_start3A_702] : memref<10000x128xf32, #tpu.memory_space<hbm>> -> memref<10000x128xf32, #tpu.memory_space<hbm>>
        tpu.enqueue_indirect_dma source(%dma_start3A_703 : memref<10000x128xf32, #tpu.memory_space<hbm>>) target(%arg9 : memref<100x128xf32, #tpu.memory_space<vmem>>) offsets(%dma_start3A_700 : memref<100xi32, #tpu.memory_space<vmem>>) semaphore(%arg19 : memref<!tpu.dma_semaphore, #tpu.memory_space<semaphore_mem>>)
      } else {
      }
      %mul3A_502 = arith.constant 6 : i32
      %mul3A_503 = arith.muli %scan3A_423, %mul3A_502 : i32
      %add3A_504 = arith.constant 2 : i32
      %add3A_505 = arith.addi %mul3A_503, %add3A_504 : i32
      %dma_wait3A_506 = arith.constant 2 : i32
      %dma_wait3A_507 = arith.constant 0 : i32
      %dma_wait3A_508 = arith.constant 0 : i32
      %dma_wait3A_509 = tpu.memref_slice %arg7[%dma_wait3A_506, %dma_wait3A_507, %dma_wait3A_508] : memref<6x1x100xi32, #tpu.memory_space<vmem>> -> memref<1x1x100xi32, #tpu.memory_space<vmem>>
      %dma_wait3A_510 = tpu.memref_squeeze %dma_wait3A_509 : memref<1x1x100xi32, #tpu.memory_space<vmem>> -> memref<100xi32, #tpu.memory_space<vmem>>
      %dma_wait3A_511 = arith.constant 0 : i32
      %dma_wait3A_512 = arith.constant 0 : i32
      %dma_wait3A_513 = tpu.memref_slice %arg2[%dma_wait3A_511, %dma_wait3A_512] : memref<10000x128xf32, #tpu.memory_space<hbm>> -> memref<10000x128xf32, #tpu.memory_space<hbm>>
      tpu.wait_indirect_dma semaphore(%arg21 : memref<!tpu.dma_semaphore, #tpu.memory_space<semaphore_mem>>) src(%dma_wait3A_513 : memref<10000x128xf32, #tpu.memory_space<hbm>>) dst(%arg11 : memref<100x128xf32, #tpu.memory_space<vmem>>)
      %gt3A_514 = arith.constant 0 : i32
      %gt3A_515 = arith.cmpi sgt, %add3A_505, %gt3A_514 : i32
      %convert_element_type3A_516 = arith.extui %gt3A_515 : i1 to i32
      %cond3A_517 = arith.constant 0 : i32
      %cond3A_518 = arith.cmpi ne, %convert_element_type3A_516, %cond3A_517 : i32
      scf.if %cond3A_518 {
        %dma_wait3A_658 = arith.constant 1 : i32
        %dma_wait3A_659 = arith.constant 0 : i32
        %dma_wait3A_660 = arith.constant 0 : i32
        %dma_wait3A_661 = tpu.memref_slice %arg8[%dma_wait3A_658, %dma_wait3A_659, %dma_wait3A_660] : memref<6x1x100xi32, #tpu.memory_space<vmem>> -> memref<1x1x100xi32, #tpu.memory_space<vmem>>
        %dma_wait3A_662 = tpu.memref_squeeze %dma_wait3A_661 : memref<1x1x100xi32, #tpu.memory_space<vmem>> -> memref<100xi32, #tpu.memory_space<vmem>>
        %dma_wait3A_663 = arith.constant 0 : i32
        %dma_wait3A_664 = arith.constant 0 : i32
        %dma_wait3A_665 = tpu.memref_slice %arg12[%dma_wait3A_663, %dma_wait3A_664] : memref<10112x128xf32, #tpu.memory_space<vmem_shared>> -> memref<10112x128xf32, #tpu.memory_space<vmem_shared>>
        tpu.wait_indirect_dma semaphore(%arg22 : memref<!tpu.dma_semaphore, #tpu.memory_space<semaphore_mem>>) src(%arg10 : memref<100x128xf32, #tpu.memory_space<vmem>>) dst(%dma_wait3A_665 : memref<10112x128xf32, #tpu.memory_space<vmem_shared>>)
      } else {
      }
      %dma_start3A_519 = arith.constant 2 : i32
      %dma_start3A_520 = arith.constant 0 : i32
      %dma_start3A_521 = arith.constant 0 : i32
      %dma_start3A_522 = tpu.memref_slice %arg8[%dma_start3A_519, %dma_start3A_520, %dma_start3A_521] : memref<6x1x100xi32, #tpu.memory_space<vmem>> -> memref<1x1x100xi32, #tpu.memory_space<vmem>>
      %dma_start3A_523 = tpu.memref_squeeze %dma_start3A_522 : memref<1x1x100xi32, #tpu.memory_space<vmem>> -> memref<100xi32, #tpu.memory_space<vmem>>
      %dma_start3A_524 = arith.constant 0 : i32
      %dma_start3A_525 = arith.constant 0 : i32
      %dma_start3A_526 = tpu.memref_slice %arg12[%dma_start3A_524, %dma_start3A_525] : memref<10112x128xf32, #tpu.memory_space<vmem_shared>> -> memref<10112x128xf32, #tpu.memory_space<vmem_shared>>
      tpu.enqueue_indirect_dma source(%arg11 : memref<100x128xf32, #tpu.memory_space<vmem>>) target(%dma_start3A_526 : memref<10112x128xf32, #tpu.memory_space<vmem_shared>>) offsets(%dma_start3A_523 : memref<100xi32, #tpu.memory_space<vmem>>) semaphore(%arg22 : memref<!tpu.dma_semaphore, #tpu.memory_space<semaphore_mem>>) {add = true}
      %add3A_527 = arith.constant 4 : i32
      %add3A_528 = arith.addi %add3A_505, %add3A_527 : i32
      %lt3A_529 = arith.constant 100 : i32
      %lt3A_530 = arith.cmpi slt, %add3A_528, %lt3A_529 : i32
      %convert_element_type3A_531 = arith.extui %lt3A_530 : i1 to i32
      %cond3A_532 = arith.constant 0 : i32
      %cond3A_533 = arith.cmpi ne, %convert_element_type3A_531, %cond3A_532 : i32
      scf.if %cond3A_533 {
        %add3A_658 = arith.constant 4 : i32
        %add3A_659 = arith.addi %add3A_505, %add3A_658 : i32
        %add3A_660 = arith.addi %mul3A_2, %add3A_659 : i32
        %dma_start3A_661 = arith.constant 0 : i32
        %dma_start3A_662 = arith.constant 0 : i32
        %dma_start3A_663 = arith.constant 0 : i32
        %dma_start3A_664 = tpu.memref_slice %arg7[%dma_start3A_661, %dma_start3A_662, %dma_start3A_663] : memref<6x1x100xi32, #tpu.memory_space<vmem>> -> memref<1x1x100xi32, #tpu.memory_space<vmem>>
        %dma_start3A_665 = tpu.memref_squeeze %dma_start3A_664 : memref<1x1x100xi32, #tpu.memory_space<vmem>> -> memref<1x100xi32, #tpu.memory_space<vmem>>
        %dma_start3A_666 = arith.constant 0 : i32
        %dma_start3A_667 = arith.constant 0 : i32
        %dma_start3A_668 = tpu.memref_slice %arg3[%add3A_660, %dma_start3A_666, %dma_start3A_667] : memref<3200x1x100xi32, #tpu.memory_space<hbm>> -> memref<1x1x100xi32, #tpu.memory_space<hbm>>
        %dma_start3A_669 = tpu.memref_squeeze %dma_start3A_668 : memref<1x1x100xi32, #tpu.memory_space<hbm>> -> memref<1x100xi32, #tpu.memory_space<hbm>>
        %dma_start3A_670 = arith.constant 0 : i32
        %dma_start3A_671 = arith.constant 0 : i32
        %dma_start3A_672 = tpu.memref_slice %arg7[%dma_start3A_661, %dma_start3A_670, %dma_start3A_671] : memref<6x1x100xi32, #tpu.memory_space<vmem>> -> memref<1x1x100xi32, #tpu.memory_space<vmem>>
        %dma_start3A_673 = tpu.memref_squeeze %dma_start3A_672 : memref<1x1x100xi32, #tpu.memory_space<vmem>> -> memref<1x100xi32, #tpu.memory_space<vmem>>
        %dma_start3A_674 = arith.constant 0 : i32
        %dma_start3A_675 = arith.constant 0 : i32
        %dma_start3A_676 = tpu.memref_slice %arg3[%add3A_660, %dma_start3A_674, %dma_start3A_675] : memref<3200x1x100xi32, #tpu.memory_space<hbm>> -> memref<1x1x100xi32, #tpu.memory_space<hbm>>
        %dma_start3A_677 = tpu.memref_squeeze %dma_start3A_676 : memref<1x1x100xi32, #tpu.memory_space<hbm>> -> memref<1x100xi32, #tpu.memory_space<hbm>>
        tpu.enqueue_dma source(%dma_start3A_677 : memref<1x100xi32, #tpu.memory_space<hbm>>) target(%dma_start3A_673 : memref<1x100xi32, #tpu.memory_space<vmem>>) target_semaphore(%arg13 : memref<!tpu.dma_semaphore, #tpu.memory_space<semaphore_mem>>)
        %add3A_678 = arith.addi %mul3A_2, %add3A_659 : i32
        %dma_start3A_679 = arith.constant 0 : i32
        %dma_start3A_680 = arith.constant 0 : i32
        %dma_start3A_681 = arith.constant 0 : i32
        %dma_start3A_682 = tpu.memref_slice %arg8[%dma_start3A_679, %dma_start3A_680, %dma_start3A_681] : memref<6x1x100xi32, #tpu.memory_space<vmem>> -> memref<1x1x100xi32, #tpu.memory_space<vmem>>
        %dma_start3A_683 = tpu.memref_squeeze %dma_start3A_682 : memref<1x1x100xi32, #tpu.memory_space<vmem>> -> memref<1x100xi32, #tpu.memory_space<vmem>>
        %dma_start3A_684 = arith.constant 0 : i32
        %dma_start3A_685 = arith.constant 0 : i32
        %dma_start3A_686 = tpu.memref_slice %arg4[%add3A_678, %dma_start3A_684, %dma_start3A_685] : memref<3200x1x100xi32, #tpu.memory_space<hbm>> -> memref<1x1x100xi32, #tpu.memory_space<hbm>>
        %dma_start3A_687 = tpu.memref_squeeze %dma_start3A_686 : memref<1x1x100xi32, #tpu.memory_space<hbm>> -> memref<1x100xi32, #tpu.memory_space<hbm>>
        %dma_start3A_688 = arith.constant 0 : i32
        %dma_start3A_689 = arith.constant 0 : i32
        %dma_start3A_690 = tpu.memref_slice %arg8[%dma_start3A_679, %dma_start3A_688, %dma_start3A_689] : memref<6x1x100xi32, #tpu.memory_space<vmem>> -> memref<1x1x100xi32, #tpu.memory_space<vmem>>
        %dma_start3A_691 = tpu.memref_squeeze %dma_start3A_690 : memref<1x1x100xi32, #tpu.memory_space<vmem>> -> memref<1x100xi32, #tpu.memory_space<vmem>>
        %dma_start3A_692 = arith.constant 0 : i32
        %dma_start3A_693 = arith.constant 0 : i32
        %dma_start3A_694 = tpu.memref_slice %arg4[%add3A_678, %dma_start3A_692, %dma_start3A_693] : memref<3200x1x100xi32, #tpu.memory_space<hbm>> -> memref<1x1x100xi32, #tpu.memory_space<hbm>>
        %dma_start3A_695 = tpu.memref_squeeze %dma_start3A_694 : memref<1x1x100xi32, #tpu.memory_space<hbm>> -> memref<1x100xi32, #tpu.memory_space<hbm>>
        tpu.enqueue_dma source(%dma_start3A_695 : memref<1x100xi32, #tpu.memory_space<hbm>>) target(%dma_start3A_691 : memref<1x100xi32, #tpu.memory_space<vmem>>) target_semaphore(%arg13 : memref<!tpu.dma_semaphore, #tpu.memory_space<semaphore_mem>>)
      } else {
      }
      %add3A_534 = arith.constant 2 : i32
      %add3A_535 = arith.addi %add3A_505, %add3A_534 : i32
      %lt3A_536 = arith.constant 100 : i32
      %lt3A_537 = arith.cmpi slt, %add3A_535, %lt3A_536 : i32
      %convert_element_type3A_538 = arith.extui %lt3A_537 : i1 to i32
      %cond3A_539 = arith.constant 0 : i32
      %cond3A_540 = arith.cmpi ne, %convert_element_type3A_538, %cond3A_539 : i32
      scf.if %cond3A_540 {
        %add3A_658 = arith.constant 2 : i32
        %add3A_659 = arith.addi %add3A_505, %add3A_658 : i32
        %add3A_660 = arith.addi %mul3A_2, %add3A_659 : i32
        %dma_wait3A_661 = arith.constant 4 : i32
        %dma_wait3A_662 = arith.constant 0 : i32
        %dma_wait3A_663 = arith.constant 0 : i32
        %dma_wait3A_664 = tpu.memref_slice %arg7[%dma_wait3A_661, %dma_wait3A_662, %dma_wait3A_663] : memref<6x1x100xi32, #tpu.memory_space<vmem>> -> memref<1x1x100xi32, #tpu.memory_space<vmem>>
        %dma_wait3A_665 = tpu.memref_squeeze %dma_wait3A_664 : memref<1x1x100xi32, #tpu.memory_space<vmem>> -> memref<1x100xi32, #tpu.memory_space<vmem>>
        %dma_wait3A_666 = arith.constant 0 : i32
        %dma_wait3A_667 = arith.constant 0 : i32
        %dma_wait3A_668 = tpu.memref_slice %arg3[%add3A_660, %dma_wait3A_666, %dma_wait3A_667] : memref<3200x1x100xi32, #tpu.memory_space<hbm>> -> memref<1x1x100xi32, #tpu.memory_space<hbm>>
        %dma_wait3A_669 = tpu.memref_squeeze %dma_wait3A_668 : memref<1x1x100xi32, #tpu.memory_space<hbm>> -> memref<1x100xi32, #tpu.memory_space<hbm>>
        %dma_wait3A_670 = arith.constant 0 : i32
        %dma_wait3A_671 = arith.constant 0 : i32
        %dma_wait3A_672 = tpu.memref_slice %arg7[%dma_wait3A_661, %dma_wait3A_670, %dma_wait3A_671] : memref<6x1x100xi32, #tpu.memory_space<vmem>> -> memref<1x1x100xi32, #tpu.memory_space<vmem>>
        %dma_wait3A_673 = tpu.memref_squeeze %dma_wait3A_672 : memref<1x1x100xi32, #tpu.memory_space<vmem>> -> memref<1x100xi32, #tpu.memory_space<vmem>>
        %dma_wait3A_674 = arith.constant 0 : i32
        %dma_wait3A_675 = arith.constant 0 : i32
        %dma_wait3A_676 = tpu.memref_slice %arg3[%add3A_660, %dma_wait3A_674, %dma_wait3A_675] : memref<3200x1x100xi32, #tpu.memory_space<hbm>> -> memref<1x1x100xi32, #tpu.memory_space<hbm>>
        %dma_wait3A_677 = tpu.memref_squeeze %dma_wait3A_676 : memref<1x1x100xi32, #tpu.memory_space<hbm>> -> memref<1x100xi32, #tpu.memory_space<hbm>>
        tpu.wait_dma2 semaphore(%arg17 : memref<!tpu.dma_semaphore, #tpu.memory_space<semaphore_mem>>) src(%dma_wait3A_677 : memref<1x100xi32, #tpu.memory_space<hbm>>) dst(%dma_wait3A_673 : memref<1x100xi32, #tpu.memory_space<vmem>>)
        %add3A_678 = arith.addi %mul3A_2, %add3A_659 : i32
        %dma_wait3A_679 = arith.constant 4 : i32
        %dma_wait3A_680 = arith.constant 0 : i32
        %dma_wait3A_681 = arith.constant 0 : i32
        %dma_wait3A_682 = tpu.memref_slice %arg8[%dma_wait3A_679, %dma_wait3A_680, %dma_wait3A_681] : memref<6x1x100xi32, #tpu.memory_space<vmem>> -> memref<1x1x100xi32, #tpu.memory_space<vmem>>
        %dma_wait3A_683 = tpu.memref_squeeze %dma_wait3A_682 : memref<1x1x100xi32, #tpu.memory_space<vmem>> -> memref<1x100xi32, #tpu.memory_space<vmem>>
        %dma_wait3A_684 = arith.constant 0 : i32
        %dma_wait3A_685 = arith.constant 0 : i32
        %dma_wait3A_686 = tpu.memref_slice %arg4[%add3A_678, %dma_wait3A_684, %dma_wait3A_685] : memref<3200x1x100xi32, #tpu.memory_space<hbm>> -> memref<1x1x100xi32, #tpu.memory_space<hbm>>
        %dma_wait3A_687 = tpu.memref_squeeze %dma_wait3A_686 : memref<1x1x100xi32, #tpu.memory_space<hbm>> -> memref<1x100xi32, #tpu.memory_space<hbm>>
        %dma_wait3A_688 = arith.constant 0 : i32
        %dma_wait3A_689 = arith.constant 0 : i32
        %dma_wait3A_690 = tpu.memref_slice %arg8[%dma_wait3A_679, %dma_wait3A_688, %dma_wait3A_689] : memref<6x1x100xi32, #tpu.memory_space<vmem>> -> memref<1x1x100xi32, #tpu.memory_space<vmem>>
        %dma_wait3A_691 = tpu.memref_squeeze %dma_wait3A_690 : memref<1x1x100xi32, #tpu.memory_space<vmem>> -> memref<1x100xi32, #tpu.memory_space<vmem>>
        %dma_wait3A_692 = arith.constant 0 : i32
        %dma_wait3A_693 = arith.constant 0 : i32
        %dma_wait3A_694 = tpu.memref_slice %arg4[%add3A_678, %dma_wait3A_692, %dma_wait3A_693] : memref<3200x1x100xi32, #tpu.memory_space<hbm>> -> memref<1x1x100xi32, #tpu.memory_space<hbm>>
        %dma_wait3A_695 = tpu.memref_squeeze %dma_wait3A_694 : memref<1x1x100xi32, #tpu.memory_space<hbm>> -> memref<1x100xi32, #tpu.memory_space<hbm>>
        tpu.wait_dma2 semaphore(%arg17 : memref<!tpu.dma_semaphore, #tpu.memory_space<semaphore_mem>>) src(%dma_wait3A_695 : memref<1x100xi32, #tpu.memory_space<hbm>>) dst(%dma_wait3A_691 : memref<1x100xi32, #tpu.memory_space<vmem>>)
        %dma_start3A_696 = arith.constant 4 : i32
        %dma_start3A_697 = arith.constant 0 : i32
        %dma_start3A_698 = arith.constant 0 : i32
        %dma_start3A_699 = tpu.memref_slice %arg7[%dma_start3A_696, %dma_start3A_697, %dma_start3A_698] : memref<6x1x100xi32, #tpu.memory_space<vmem>> -> memref<1x1x100xi32, #tpu.memory_space<vmem>>
        %dma_start3A_700 = tpu.memref_squeeze %dma_start3A_699 : memref<1x1x100xi32, #tpu.memory_space<vmem>> -> memref<100xi32, #tpu.memory_space<vmem>>
        %dma_start3A_701 = arith.constant 0 : i32
        %dma_start3A_702 = arith.constant 0 : i32
        %dma_start3A_703 = tpu.memref_slice %arg2[%dma_start3A_701, %dma_start3A_702] : memref<10000x128xf32, #tpu.memory_space<hbm>> -> memref<10000x128xf32, #tpu.memory_space<hbm>>
        tpu.enqueue_indirect_dma source(%dma_start3A_703 : memref<10000x128xf32, #tpu.memory_space<hbm>>) target(%arg10 : memref<100x128xf32, #tpu.memory_space<vmem>>) offsets(%dma_start3A_700 : memref<100xi32, #tpu.memory_space<vmem>>) semaphore(%arg20 : memref<!tpu.dma_semaphore, #tpu.memory_space<semaphore_mem>>)
      } else {
      }
      %mul3A_541 = arith.constant 6 : i32
      %mul3A_542 = arith.muli %scan3A_423, %mul3A_541 : i32
      %add3A_543 = arith.constant 3 : i32
      %add3A_544 = arith.addi %mul3A_542, %add3A_543 : i32
      %dma_wait3A_545 = arith.constant 3 : i32
      %dma_wait3A_546 = arith.constant 0 : i32
      %dma_wait3A_547 = arith.constant 0 : i32
      %dma_wait3A_548 = tpu.memref_slice %arg7[%dma_wait3A_545, %dma_wait3A_546, %dma_wait3A_547] : memref<6x1x100xi32, #tpu.memory_space<vmem>> -> memref<1x1x100xi32, #tpu.memory_space<vmem>>
      %dma_wait3A_549 = tpu.memref_squeeze %dma_wait3A_548 : memref<1x1x100xi32, #tpu.memory_space<vmem>> -> memref<100xi32, #tpu.memory_space<vmem>>
      %dma_wait3A_550 = arith.constant 0 : i32
      %dma_wait3A_551 = arith.constant 0 : i32
      %dma_wait3A_552 = tpu.memref_slice %arg2[%dma_wait3A_550, %dma_wait3A_551] : memref<10000x128xf32, #tpu.memory_space<hbm>> -> memref<10000x128xf32, #tpu.memory_space<hbm>>
      tpu.wait_indirect_dma semaphore(%arg19 : memref<!tpu.dma_semaphore, #tpu.memory_space<semaphore_mem>>) src(%dma_wait3A_552 : memref<10000x128xf32, #tpu.memory_space<hbm>>) dst(%arg9 : memref<100x128xf32, #tpu.memory_space<vmem>>)
      %gt3A_553 = arith.constant 0 : i32
      %gt3A_554 = arith.cmpi sgt, %add3A_544, %gt3A_553 : i32
      %convert_element_type3A_555 = arith.extui %gt3A_554 : i1 to i32
      %cond3A_556 = arith.constant 0 : i32
      %cond3A_557 = arith.cmpi ne, %convert_element_type3A_555, %cond3A_556 : i32
      scf.if %cond3A_557 {
        %dma_wait3A_658 = arith.constant 2 : i32
        %dma_wait3A_659 = arith.constant 0 : i32
        %dma_wait3A_660 = arith.constant 0 : i32
        %dma_wait3A_661 = tpu.memref_slice %arg8[%dma_wait3A_658, %dma_wait3A_659, %dma_wait3A_660] : memref<6x1x100xi32, #tpu.memory_space<vmem>> -> memref<1x1x100xi32, #tpu.memory_space<vmem>>
        %dma_wait3A_662 = tpu.memref_squeeze %dma_wait3A_661 : memref<1x1x100xi32, #tpu.memory_space<vmem>> -> memref<100xi32, #tpu.memory_space<vmem>>
        %dma_wait3A_663 = arith.constant 0 : i32
        %dma_wait3A_664 = arith.constant 0 : i32
        %dma_wait3A_665 = tpu.memref_slice %arg12[%dma_wait3A_663, %dma_wait3A_664] : memref<10112x128xf32, #tpu.memory_space<vmem_shared>> -> memref<10112x128xf32, #tpu.memory_space<vmem_shared>>
        tpu.wait_indirect_dma semaphore(%arg22 : memref<!tpu.dma_semaphore, #tpu.memory_space<semaphore_mem>>) src(%arg11 : memref<100x128xf32, #tpu.memory_space<vmem>>) dst(%dma_wait3A_665 : memref<10112x128xf32, #tpu.memory_space<vmem_shared>>)
      } else {
      }
      %dma_start3A_558 = arith.constant 3 : i32
      %dma_start3A_559 = arith.constant 0 : i32
      %dma_start3A_560 = arith.constant 0 : i32
      %dma_start3A_561 = tpu.memref_slice %arg8[%dma_start3A_558, %dma_start3A_559, %dma_start3A_560] : memref<6x1x100xi32, #tpu.memory_space<vmem>> -> memref<1x1x100xi32, #tpu.memory_space<vmem>>
      %dma_start3A_562 = tpu.memref_squeeze %dma_start3A_561 : memref<1x1x100xi32, #tpu.memory_space<vmem>> -> memref<100xi32, #tpu.memory_space<vmem>>
      %dma_start3A_563 = arith.constant 0 : i32
      %dma_start3A_564 = arith.constant 0 : i32
      %dma_start3A_565 = tpu.memref_slice %arg12[%dma_start3A_563, %dma_start3A_564] : memref<10112x128xf32, #tpu.memory_space<vmem_shared>> -> memref<10112x128xf32, #tpu.memory_space<vmem_shared>>
      tpu.enqueue_indirect_dma source(%arg9 : memref<100x128xf32, #tpu.memory_space<vmem>>) target(%dma_start3A_565 : memref<10112x128xf32, #tpu.memory_space<vmem_shared>>) offsets(%dma_start3A_562 : memref<100xi32, #tpu.memory_space<vmem>>) semaphore(%arg22 : memref<!tpu.dma_semaphore, #tpu.memory_space<semaphore_mem>>) {add = true}
      %add3A_566 = arith.constant 4 : i32
      %add3A_567 = arith.addi %add3A_544, %add3A_566 : i32
      %lt3A_568 = arith.constant 100 : i32
      %lt3A_569 = arith.cmpi slt, %add3A_567, %lt3A_568 : i32
      %convert_element_type3A_570 = arith.extui %lt3A_569 : i1 to i32
      %cond3A_571 = arith.constant 0 : i32
      %cond3A_572 = arith.cmpi ne, %convert_element_type3A_570, %cond3A_571 : i32
      scf.if %cond3A_572 {
        %add3A_658 = arith.constant 4 : i32
        %add3A_659 = arith.addi %add3A_544, %add3A_658 : i32
        %add3A_660 = arith.addi %mul3A_2, %add3A_659 : i32
        %dma_start3A_661 = arith.constant 1 : i32
        %dma_start3A_662 = arith.constant 0 : i32
        %dma_start3A_663 = arith.constant 0 : i32
        %dma_start3A_664 = tpu.memref_slice %arg7[%dma_start3A_661, %dma_start3A_662, %dma_start3A_663] : memref<6x1x100xi32, #tpu.memory_space<vmem>> -> memref<1x1x100xi32, #tpu.memory_space<vmem>>
        %dma_start3A_665 = tpu.memref_squeeze %dma_start3A_664 : memref<1x1x100xi32, #tpu.memory_space<vmem>> -> memref<1x100xi32, #tpu.memory_space<vmem>>
        %dma_start3A_666 = arith.constant 0 : i32
        %dma_start3A_667 = arith.constant 0 : i32
        %dma_start3A_668 = tpu.memref_slice %arg3[%add3A_660, %dma_start3A_666, %dma_start3A_667] : memref<3200x1x100xi32, #tpu.memory_space<hbm>> -> memref<1x1x100xi32, #tpu.memory_space<hbm>>
        %dma_start3A_669 = tpu.memref_squeeze %dma_start3A_668 : memref<1x1x100xi32, #tpu.memory_space<hbm>> -> memref<1x100xi32, #tpu.memory_space<hbm>>
        %dma_start3A_670 = arith.constant 0 : i32
        %dma_start3A_671 = arith.constant 0 : i32
        %dma_start3A_672 = tpu.memref_slice %arg7[%dma_start3A_661, %dma_start3A_670, %dma_start3A_671] : memref<6x1x100xi32, #tpu.memory_space<vmem>> -> memref<1x1x100xi32, #tpu.memory_space<vmem>>
        %dma_start3A_673 = tpu.memref_squeeze %dma_start3A_672 : memref<1x1x100xi32, #tpu.memory_space<vmem>> -> memref<1x100xi32, #tpu.memory_space<vmem>>
        %dma_start3A_674 = arith.constant 0 : i32
        %dma_start3A_675 = arith.constant 0 : i32
        %dma_start3A_676 = tpu.memref_slice %arg3[%add3A_660, %dma_start3A_674, %dma_start3A_675] : memref<3200x1x100xi32, #tpu.memory_space<hbm>> -> memref<1x1x100xi32, #tpu.memory_space<hbm>>
        %dma_start3A_677 = tpu.memref_squeeze %dma_start3A_676 : memref<1x1x100xi32, #tpu.memory_space<hbm>> -> memref<1x100xi32, #tpu.memory_space<hbm>>
        tpu.enqueue_dma source(%dma_start3A_677 : memref<1x100xi32, #tpu.memory_space<hbm>>) target(%dma_start3A_673 : memref<1x100xi32, #tpu.memory_space<vmem>>) target_semaphore(%arg14 : memref<!tpu.dma_semaphore, #tpu.memory_space<semaphore_mem>>)
        %add3A_678 = arith.addi %mul3A_2, %add3A_659 : i32
        %dma_start3A_679 = arith.constant 1 : i32
        %dma_start3A_680 = arith.constant 0 : i32
        %dma_start3A_681 = arith.constant 0 : i32
        %dma_start3A_682 = tpu.memref_slice %arg8[%dma_start3A_679, %dma_start3A_680, %dma_start3A_681] : memref<6x1x100xi32, #tpu.memory_space<vmem>> -> memref<1x1x100xi32, #tpu.memory_space<vmem>>
        %dma_start3A_683 = tpu.memref_squeeze %dma_start3A_682 : memref<1x1x100xi32, #tpu.memory_space<vmem>> -> memref<1x100xi32, #tpu.memory_space<vmem>>
        %dma_start3A_684 = arith.constant 0 : i32
        %dma_start3A_685 = arith.constant 0 : i32
        %dma_start3A_686 = tpu.memref_slice %arg4[%add3A_678, %dma_start3A_684, %dma_start3A_685] : memref<3200x1x100xi32, #tpu.memory_space<hbm>> -> memref<1x1x100xi32, #tpu.memory_space<hbm>>
        %dma_start3A_687 = tpu.memref_squeeze %dma_start3A_686 : memref<1x1x100xi32, #tpu.memory_space<hbm>> -> memref<1x100xi32, #tpu.memory_space<hbm>>
        %dma_start3A_688 = arith.constant 0 : i32
        %dma_start3A_689 = arith.constant 0 : i32
        %dma_start3A_690 = tpu.memref_slice %arg8[%dma_start3A_679, %dma_start3A_688, %dma_start3A_689] : memref<6x1x100xi32, #tpu.memory_space<vmem>> -> memref<1x1x100xi32, #tpu.memory_space<vmem>>
        %dma_start3A_691 = tpu.memref_squeeze %dma_start3A_690 : memref<1x1x100xi32, #tpu.memory_space<vmem>> -> memref<1x100xi32, #tpu.memory_space<vmem>>
        %dma_start3A_692 = arith.constant 0 : i32
        %dma_start3A_693 = arith.constant 0 : i32
        %dma_start3A_694 = tpu.memref_slice %arg4[%add3A_678, %dma_start3A_692, %dma_start3A_693] : memref<3200x1x100xi32, #tpu.memory_space<hbm>> -> memref<1x1x100xi32, #tpu.memory_space<hbm>>
        %dma_start3A_695 = tpu.memref_squeeze %dma_start3A_694 : memref<1x1x100xi32, #tpu.memory_space<hbm>> -> memref<1x100xi32, #tpu.memory_space<hbm>>
        tpu.enqueue_dma source(%dma_start3A_695 : memref<1x100xi32, #tpu.memory_space<hbm>>) target(%dma_start3A_691 : memref<1x100xi32, #tpu.memory_space<vmem>>) target_semaphore(%arg14 : memref<!tpu.dma_semaphore, #tpu.memory_space<semaphore_mem>>)
      } else {
      }
      %add3A_573 = arith.constant 2 : i32
      %add3A_574 = arith.addi %add3A_544, %add3A_573 : i32
      %lt3A_575 = arith.constant 100 : i32
      %lt3A_576 = arith.cmpi slt, %add3A_574, %lt3A_575 : i32
      %convert_element_type3A_577 = arith.extui %lt3A_576 : i1 to i32
      %cond3A_578 = arith.constant 0 : i32
      %cond3A_579 = arith.cmpi ne, %convert_element_type3A_577, %cond3A_578 : i32
      scf.if %cond3A_579 {
        %add3A_658 = arith.constant 2 : i32
        %add3A_659 = arith.addi %add3A_544, %add3A_658 : i32
        %add3A_660 = arith.addi %mul3A_2, %add3A_659 : i32
        %dma_wait3A_661 = arith.constant 5 : i32
        %dma_wait3A_662 = arith.constant 0 : i32
        %dma_wait3A_663 = arith.constant 0 : i32
        %dma_wait3A_664 = tpu.memref_slice %arg7[%dma_wait3A_661, %dma_wait3A_662, %dma_wait3A_663] : memref<6x1x100xi32, #tpu.memory_space<vmem>> -> memref<1x1x100xi32, #tpu.memory_space<vmem>>
        %dma_wait3A_665 = tpu.memref_squeeze %dma_wait3A_664 : memref<1x1x100xi32, #tpu.memory_space<vmem>> -> memref<1x100xi32, #tpu.memory_space<vmem>>
        %dma_wait3A_666 = arith.constant 0 : i32
        %dma_wait3A_667 = arith.constant 0 : i32
        %dma_wait3A_668 = tpu.memref_slice %arg3[%add3A_660, %dma_wait3A_666, %dma_wait3A_667] : memref<3200x1x100xi32, #tpu.memory_space<hbm>> -> memref<1x1x100xi32, #tpu.memory_space<hbm>>
        %dma_wait3A_669 = tpu.memref_squeeze %dma_wait3A_668 : memref<1x1x100xi32, #tpu.memory_space<hbm>> -> memref<1x100xi32, #tpu.memory_space<hbm>>
        %dma_wait3A_670 = arith.constant 0 : i32
        %dma_wait3A_671 = arith.constant 0 : i32
        %dma_wait3A_672 = tpu.memref_slice %arg7[%dma_wait3A_661, %dma_wait3A_670, %dma_wait3A_671] : memref<6x1x100xi32, #tpu.memory_space<vmem>> -> memref<1x1x100xi32, #tpu.memory_space<vmem>>
        %dma_wait3A_673 = tpu.memref_squeeze %dma_wait3A_672 : memref<1x1x100xi32, #tpu.memory_space<vmem>> -> memref<1x100xi32, #tpu.memory_space<vmem>>
        %dma_wait3A_674 = arith.constant 0 : i32
        %dma_wait3A_675 = arith.constant 0 : i32
        %dma_wait3A_676 = tpu.memref_slice %arg3[%add3A_660, %dma_wait3A_674, %dma_wait3A_675] : memref<3200x1x100xi32, #tpu.memory_space<hbm>> -> memref<1x1x100xi32, #tpu.memory_space<hbm>>
        %dma_wait3A_677 = tpu.memref_squeeze %dma_wait3A_676 : memref<1x1x100xi32, #tpu.memory_space<hbm>> -> memref<1x100xi32, #tpu.memory_space<hbm>>
        tpu.wait_dma2 semaphore(%arg18 : memref<!tpu.dma_semaphore, #tpu.memory_space<semaphore_mem>>) src(%dma_wait3A_677 : memref<1x100xi32, #tpu.memory_space<hbm>>) dst(%dma_wait3A_673 : memref<1x100xi32, #tpu.memory_space<vmem>>)
        %add3A_678 = arith.addi %mul3A_2, %add3A_659 : i32
        %dma_wait3A_679 = arith.constant 5 : i32
        %dma_wait3A_680 = arith.constant 0 : i32
        %dma_wait3A_681 = arith.constant 0 : i32
        %dma_wait3A_682 = tpu.memref_slice %arg8[%dma_wait3A_679, %dma_wait3A_680, %dma_wait3A_681] : memref<6x1x100xi32, #tpu.memory_space<vmem>> -> memref<1x1x100xi32, #tpu.memory_space<vmem>>
        %dma_wait3A_683 = tpu.memref_squeeze %dma_wait3A_682 : memref<1x1x100xi32, #tpu.memory_space<vmem>> -> memref<1x100xi32, #tpu.memory_space<vmem>>
        %dma_wait3A_684 = arith.constant 0 : i32
        %dma_wait3A_685 = arith.constant 0 : i32
        %dma_wait3A_686 = tpu.memref_slice %arg4[%add3A_678, %dma_wait3A_684, %dma_wait3A_685] : memref<3200x1x100xi32, #tpu.memory_space<hbm>> -> memref<1x1x100xi32, #tpu.memory_space<hbm>>
        %dma_wait3A_687 = tpu.memref_squeeze %dma_wait3A_686 : memref<1x1x100xi32, #tpu.memory_space<hbm>> -> memref<1x100xi32, #tpu.memory_space<hbm>>
        %dma_wait3A_688 = arith.constant 0 : i32
        %dma_wait3A_689 = arith.constant 0 : i32
        %dma_wait3A_690 = tpu.memref_slice %arg8[%dma_wait3A_679, %dma_wait3A_688, %dma_wait3A_689] : memref<6x1x100xi32, #tpu.memory_space<vmem>> -> memref<1x1x100xi32, #tpu.memory_space<vmem>>
        %dma_wait3A_691 = tpu.memref_squeeze %dma_wait3A_690 : memref<1x1x100xi32, #tpu.memory_space<vmem>> -> memref<1x100xi32, #tpu.memory_space<vmem>>
        %dma_wait3A_692 = arith.constant 0 : i32
        %dma_wait3A_693 = arith.constant 0 : i32
        %dma_wait3A_694 = tpu.memref_slice %arg4[%add3A_678, %dma_wait3A_692, %dma_wait3A_693] : memref<3200x1x100xi32, #tpu.memory_space<hbm>> -> memref<1x1x100xi32, #tpu.memory_space<hbm>>
        %dma_wait3A_695 = tpu.memref_squeeze %dma_wait3A_694 : memref<1x1x100xi32, #tpu.memory_space<hbm>> -> memref<1x100xi32, #tpu.memory_space<hbm>>
        tpu.wait_dma2 semaphore(%arg18 : memref<!tpu.dma_semaphore, #tpu.memory_space<semaphore_mem>>) src(%dma_wait3A_695 : memref<1x100xi32, #tpu.memory_space<hbm>>) dst(%dma_wait3A_691 : memref<1x100xi32, #tpu.memory_space<vmem>>)
        %dma_start3A_696 = arith.constant 5 : i32
        %dma_start3A_697 = arith.constant 0 : i32
        %dma_start3A_698 = arith.constant 0 : i32
        %dma_start3A_699 = tpu.memref_slice %arg7[%dma_start3A_696, %dma_start3A_697, %dma_start3A_698] : memref<6x1x100xi32, #tpu.memory_space<vmem>> -> memref<1x1x100xi32, #tpu.memory_space<vmem>>
        %dma_start3A_700 = tpu.memref_squeeze %dma_start3A_699 : memref<1x1x100xi32, #tpu.memory_space<vmem>> -> memref<100xi32, #tpu.memory_space<vmem>>
        %dma_start3A_701 = arith.constant 0 : i32
        %dma_start3A_702 = arith.constant 0 : i32
        %dma_start3A_703 = tpu.memref_slice %arg2[%dma_start3A_701, %dma_start3A_702] : memref<10000x128xf32, #tpu.memory_space<hbm>> -> memref<10000x128xf32, #tpu.memory_space<hbm>>
        tpu.enqueue_indirect_dma source(%dma_start3A_703 : memref<10000x128xf32, #tpu.memory_space<hbm>>) target(%arg11 : memref<100x128xf32, #tpu.memory_space<vmem>>) offsets(%dma_start3A_700 : memref<100xi32, #tpu.memory_space<vmem>>) semaphore(%arg21 : memref<!tpu.dma_semaphore, #tpu.memory_space<semaphore_mem>>)
      } else {
      }
      %mul3A_580 = arith.constant 6 : i32
      %mul3A_581 = arith.muli %scan3A_423, %mul3A_580 : i32
      %add3A_582 = arith.constant 4 : i32
      %add3A_583 = arith.addi %mul3A_581, %add3A_582 : i32
      %dma_wait3A_584 = arith.constant 4 : i32
      %dma_wait3A_585 = arith.constant 0 : i32
      %dma_wait3A_586 = arith.constant 0 : i32
      %dma_wait3A_587 = tpu.memref_slice %arg7[%dma_wait3A_584, %dma_wait3A_585, %dma_wait3A_586] : memref<6x1x100xi32, #tpu.memory_space<vmem>> -> memref<1x1x100xi32, #tpu.memory_space<vmem>>
      %dma_wait3A_588 = tpu.memref_squeeze %dma_wait3A_587 : memref<1x1x100xi32, #tpu.memory_space<vmem>> -> memref<100xi32, #tpu.memory_space<vmem>>
      %dma_wait3A_589 = arith.constant 0 : i32
      %dma_wait3A_590 = arith.constant 0 : i32
      %dma_wait3A_591 = tpu.memref_slice %arg2[%dma_wait3A_589, %dma_wait3A_590] : memref<10000x128xf32, #tpu.memory_space<hbm>> -> memref<10000x128xf32, #tpu.memory_space<hbm>>
      tpu.wait_indirect_dma semaphore(%arg20 : memref<!tpu.dma_semaphore, #tpu.memory_space<semaphore_mem>>) src(%dma_wait3A_591 : memref<10000x128xf32, #tpu.memory_space<hbm>>) dst(%arg10 : memref<100x128xf32, #tpu.memory_space<vmem>>)
      %gt3A_592 = arith.constant 0 : i32
      %gt3A_593 = arith.cmpi sgt, %add3A_583, %gt3A_592 : i32
      %convert_element_type3A_594 = arith.extui %gt3A_593 : i1 to i32
      %cond3A_595 = arith.constant 0 : i32
      %cond3A_596 = arith.cmpi ne, %convert_element_type3A_594, %cond3A_595 : i32
      scf.if %cond3A_596 {
        %dma_wait3A_658 = arith.constant 3 : i32
        %dma_wait3A_659 = arith.constant 0 : i32
        %dma_wait3A_660 = arith.constant 0 : i32
        %dma_wait3A_661 = tpu.memref_slice %arg8[%dma_wait3A_658, %dma_wait3A_659, %dma_wait3A_660] : memref<6x1x100xi32, #tpu.memory_space<vmem>> -> memref<1x1x100xi32, #tpu.memory_space<vmem>>
        %dma_wait3A_662 = tpu.memref_squeeze %dma_wait3A_661 : memref<1x1x100xi32, #tpu.memory_space<vmem>> -> memref<100xi32, #tpu.memory_space<vmem>>
        %dma_wait3A_663 = arith.constant 0 : i32
        %dma_wait3A_664 = arith.constant 0 : i32
        %dma_wait3A_665 = tpu.memref_slice %arg12[%dma_wait3A_663, %dma_wait3A_664] : memref<10112x128xf32, #tpu.memory_space<vmem_shared>> -> memref<10112x128xf32, #tpu.memory_space<vmem_shared>>
        tpu.wait_indirect_dma semaphore(%arg22 : memref<!tpu.dma_semaphore, #tpu.memory_space<semaphore_mem>>) src(%arg9 : memref<100x128xf32, #tpu.memory_space<vmem>>) dst(%dma_wait3A_665 : memref<10112x128xf32, #tpu.memory_space<vmem_shared>>)
      } else {
      }
      %dma_start3A_597 = arith.constant 4 : i32
      %dma_start3A_598 = arith.constant 0 : i32
      %dma_start3A_599 = arith.constant 0 : i32
      %dma_start3A_600 = tpu.memref_slice %arg8[%dma_start3A_597, %dma_start3A_598, %dma_start3A_599] : memref<6x1x100xi32, #tpu.memory_space<vmem>> -> memref<1x1x100xi32, #tpu.memory_space<vmem>>
      %dma_start3A_601 = tpu.memref_squeeze %dma_start3A_600 : memref<1x1x100xi32, #tpu.memory_space<vmem>> -> memref<100xi32, #tpu.memory_space<vmem>>
      %dma_start3A_602 = arith.constant 0 : i32
      %dma_start3A_603 = arith.constant 0 : i32
      %dma_start3A_604 = tpu.memref_slice %arg12[%dma_start3A_602, %dma_start3A_603] : memref<10112x128xf32, #tpu.memory_space<vmem_shared>> -> memref<10112x128xf32, #tpu.memory_space<vmem_shared>>
      tpu.enqueue_indirect_dma source(%arg10 : memref<100x128xf32, #tpu.memory_space<vmem>>) target(%dma_start3A_604 : memref<10112x128xf32, #tpu.memory_space<vmem_shared>>) offsets(%dma_start3A_601 : memref<100xi32, #tpu.memory_space<vmem>>) semaphore(%arg22 : memref<!tpu.dma_semaphore, #tpu.memory_space<semaphore_mem>>) {add = true}
      %add3A_605 = arith.constant 4 : i32
      %add3A_606 = arith.addi %add3A_583, %add3A_605 : i32
      %lt3A_607 = arith.constant 100 : i32
      %lt3A_608 = arith.cmpi slt, %add3A_606, %lt3A_607 : i32
      %convert_element_type3A_609 = arith.extui %lt3A_608 : i1 to i32
      %cond3A_610 = arith.constant 0 : i32
      %cond3A_611 = arith.cmpi ne, %convert_element_type3A_609, %cond3A_610 : i32
      scf.if %cond3A_611 {
        %add3A_658 = arith.constant 4 : i32
        %add3A_659 = arith.addi %add3A_583, %add3A_658 : i32
        %add3A_660 = arith.addi %mul3A_2, %add3A_659 : i32
        %dma_start3A_661 = arith.constant 2 : i32
        %dma_start3A_662 = arith.constant 0 : i32
        %dma_start3A_663 = arith.constant 0 : i32
        %dma_start3A_664 = tpu.memref_slice %arg7[%dma_start3A_661, %dma_start3A_662, %dma_start3A_663] : memref<6x1x100xi32, #tpu.memory_space<vmem>> -> memref<1x1x100xi32, #tpu.memory_space<vmem>>
        %dma_start3A_665 = tpu.memref_squeeze %dma_start3A_664 : memref<1x1x100xi32, #tpu.memory_space<vmem>> -> memref<1x100xi32, #tpu.memory_space<vmem>>
        %dma_start3A_666 = arith.constant 0 : i32
        %dma_start3A_667 = arith.constant 0 : i32
        %dma_start3A_668 = tpu.memref_slice %arg3[%add3A_660, %dma_start3A_666, %dma_start3A_667] : memref<3200x1x100xi32, #tpu.memory_space<hbm>> -> memref<1x1x100xi32, #tpu.memory_space<hbm>>
        %dma_start3A_669 = tpu.memref_squeeze %dma_start3A_668 : memref<1x1x100xi32, #tpu.memory_space<hbm>> -> memref<1x100xi32, #tpu.memory_space<hbm>>
        %dma_start3A_670 = arith.constant 0 : i32
        %dma_start3A_671 = arith.constant 0 : i32
        %dma_start3A_672 = tpu.memref_slice %arg7[%dma_start3A_661, %dma_start3A_670, %dma_start3A_671] : memref<6x1x100xi32, #tpu.memory_space<vmem>> -> memref<1x1x100xi32, #tpu.memory_space<vmem>>
        %dma_start3A_673 = tpu.memref_squeeze %dma_start3A_672 : memref<1x1x100xi32, #tpu.memory_space<vmem>> -> memref<1x100xi32, #tpu.memory_space<vmem>>
        %dma_start3A_674 = arith.constant 0 : i32
        %dma_start3A_675 = arith.constant 0 : i32
        %dma_start3A_676 = tpu.memref_slice %arg3[%add3A_660, %dma_start3A_674, %dma_start3A_675] : memref<3200x1x100xi32, #tpu.memory_space<hbm>> -> memref<1x1x100xi32, #tpu.memory_space<hbm>>
        %dma_start3A_677 = tpu.memref_squeeze %dma_start3A_676 : memref<1x1x100xi32, #tpu.memory_space<hbm>> -> memref<1x100xi32, #tpu.memory_space<hbm>>
        tpu.enqueue_dma source(%dma_start3A_677 : memref<1x100xi32, #tpu.memory_space<hbm>>) target(%dma_start3A_673 : memref<1x100xi32, #tpu.memory_space<vmem>>) target_semaphore(%arg15 : memref<!tpu.dma_semaphore, #tpu.memory_space<semaphore_mem>>)
        %add3A_678 = arith.addi %mul3A_2, %add3A_659 : i32
        %dma_start3A_679 = arith.constant 2 : i32
        %dma_start3A_680 = arith.constant 0 : i32
        %dma_start3A_681 = arith.constant 0 : i32
        %dma_start3A_682 = tpu.memref_slice %arg8[%dma_start3A_679, %dma_start3A_680, %dma_start3A_681] : memref<6x1x100xi32, #tpu.memory_space<vmem>> -> memref<1x1x100xi32, #tpu.memory_space<vmem>>
        %dma_start3A_683 = tpu.memref_squeeze %dma_start3A_682 : memref<1x1x100xi32, #tpu.memory_space<vmem>> -> memref<1x100xi32, #tpu.memory_space<vmem>>
        %dma_start3A_684 = arith.constant 0 : i32
        %dma_start3A_685 = arith.constant 0 : i32
        %dma_start3A_686 = tpu.memref_slice %arg4[%add3A_678, %dma_start3A_684, %dma_start3A_685] : memref<3200x1x100xi32, #tpu.memory_space<hbm>> -> memref<1x1x100xi32, #tpu.memory_space<hbm>>
        %dma_start3A_687 = tpu.memref_squeeze %dma_start3A_686 : memref<1x1x100xi32, #tpu.memory_space<hbm>> -> memref<1x100xi32, #tpu.memory_space<hbm>>
        %dma_start3A_688 = arith.constant 0 : i32
        %dma_start3A_689 = arith.constant 0 : i32
        %dma_start3A_690 = tpu.memref_slice %arg8[%dma_start3A_679, %dma_start3A_688, %dma_start3A_689] : memref<6x1x100xi32, #tpu.memory_space<vmem>> -> memref<1x1x100xi32, #tpu.memory_space<vmem>>
        %dma_start3A_691 = tpu.memref_squeeze %dma_start3A_690 : memref<1x1x100xi32, #tpu.memory_space<vmem>> -> memref<1x100xi32, #tpu.memory_space<vmem>>
        %dma_start3A_692 = arith.constant 0 : i32
        %dma_start3A_693 = arith.constant 0 : i32
        %dma_start3A_694 = tpu.memref_slice %arg4[%add3A_678, %dma_start3A_692, %dma_start3A_693] : memref<3200x1x100xi32, #tpu.memory_space<hbm>> -> memref<1x1x100xi32, #tpu.memory_space<hbm>>
        %dma_start3A_695 = tpu.memref_squeeze %dma_start3A_694 : memref<1x1x100xi32, #tpu.memory_space<hbm>> -> memref<1x100xi32, #tpu.memory_space<hbm>>
        tpu.enqueue_dma source(%dma_start3A_695 : memref<1x100xi32, #tpu.memory_space<hbm>>) target(%dma_start3A_691 : memref<1x100xi32, #tpu.memory_space<vmem>>) target_semaphore(%arg15 : memref<!tpu.dma_semaphore, #tpu.memory_space<semaphore_mem>>)
      } else {
      }
      %add3A_612 = arith.constant 2 : i32
      %add3A_613 = arith.addi %add3A_583, %add3A_612 : i32
      %lt3A_614 = arith.constant 100 : i32
      %lt3A_615 = arith.cmpi slt, %add3A_613, %lt3A_614 : i32
      %convert_element_type3A_616 = arith.extui %lt3A_615 : i1 to i32
      %cond3A_617 = arith.constant 0 : i32
      %cond3A_618 = arith.cmpi ne, %convert_element_type3A_616, %cond3A_617 : i32
      scf.if %cond3A_618 {
        %add3A_658 = arith.constant 2 : i32
        %add3A_659 = arith.addi %add3A_583, %add3A_658 : i32
        %add3A_660 = arith.addi %mul3A_2, %add3A_659 : i32
        %dma_wait3A_661 = arith.constant 0 : i32
        %dma_wait3A_662 = arith.constant 0 : i32
        %dma_wait3A_663 = arith.constant 0 : i32
        %dma_wait3A_664 = tpu.memref_slice %arg7[%dma_wait3A_661, %dma_wait3A_662, %dma_wait3A_663] : memref<6x1x100xi32, #tpu.memory_space<vmem>> -> memref<1x1x100xi32, #tpu.memory_space<vmem>>
        %dma_wait3A_665 = tpu.memref_squeeze %dma_wait3A_664 : memref<1x1x100xi32, #tpu.memory_space<vmem>> -> memref<1x100xi32, #tpu.memory_space<vmem>>
        %dma_wait3A_666 = arith.constant 0 : i32
        %dma_wait3A_667 = arith.constant 0 : i32
        %dma_wait3A_668 = tpu.memref_slice %arg3[%add3A_660, %dma_wait3A_666, %dma_wait3A_667] : memref<3200x1x100xi32, #tpu.memory_space<hbm>> -> memref<1x1x100xi32, #tpu.memory_space<hbm>>
        %dma_wait3A_669 = tpu.memref_squeeze %dma_wait3A_668 : memref<1x1x100xi32, #tpu.memory_space<hbm>> -> memref<1x100xi32, #tpu.memory_space<hbm>>
        %dma_wait3A_670 = arith.constant 0 : i32
        %dma_wait3A_671 = arith.constant 0 : i32
        %dma_wait3A_672 = tpu.memref_slice %arg7[%dma_wait3A_661, %dma_wait3A_670, %dma_wait3A_671] : memref<6x1x100xi32, #tpu.memory_space<vmem>> -> memref<1x1x100xi32, #tpu.memory_space<vmem>>
        %dma_wait3A_673 = tpu.memref_squeeze %dma_wait3A_672 : memref<1x1x100xi32, #tpu.memory_space<vmem>> -> memref<1x100xi32, #tpu.memory_space<vmem>>
        %dma_wait3A_674 = arith.constant 0 : i32
        %dma_wait3A_675 = arith.constant 0 : i32
        %dma_wait3A_676 = tpu.memref_slice %arg3[%add3A_660, %dma_wait3A_674, %dma_wait3A_675] : memref<3200x1x100xi32, #tpu.memory_space<hbm>> -> memref<1x1x100xi32, #tpu.memory_space<hbm>>
        %dma_wait3A_677 = tpu.memref_squeeze %dma_wait3A_676 : memref<1x1x100xi32, #tpu.memory_space<hbm>> -> memref<1x100xi32, #tpu.memory_space<hbm>>
        tpu.wait_dma2 semaphore(%arg13 : memref<!tpu.dma_semaphore, #tpu.memory_space<semaphore_mem>>) src(%dma_wait3A_677 : memref<1x100xi32, #tpu.memory_space<hbm>>) dst(%dma_wait3A_673 : memref<1x100xi32, #tpu.memory_space<vmem>>)
        %add3A_678 = arith.addi %mul3A_2, %add3A_659 : i32
        %dma_wait3A_679 = arith.constant 0 : i32
        %dma_wait3A_680 = arith.constant 0 : i32
        %dma_wait3A_681 = arith.constant 0 : i32
        %dma_wait3A_682 = tpu.memref_slice %arg8[%dma_wait3A_679, %dma_wait3A_680, %dma_wait3A_681] : memref<6x1x100xi32, #tpu.memory_space<vmem>> -> memref<1x1x100xi32, #tpu.memory_space<vmem>>
        %dma_wait3A_683 = tpu.memref_squeeze %dma_wait3A_682 : memref<1x1x100xi32, #tpu.memory_space<vmem>> -> memref<1x100xi32, #tpu.memory_space<vmem>>
        %dma_wait3A_684 = arith.constant 0 : i32
        %dma_wait3A_685 = arith.constant 0 : i32
        %dma_wait3A_686 = tpu.memref_slice %arg4[%add3A_678, %dma_wait3A_684, %dma_wait3A_685] : memref<3200x1x100xi32, #tpu.memory_space<hbm>> -> memref<1x1x100xi32, #tpu.memory_space<hbm>>
        %dma_wait3A_687 = tpu.memref_squeeze %dma_wait3A_686 : memref<1x1x100xi32, #tpu.memory_space<hbm>> -> memref<1x100xi32, #tpu.memory_space<hbm>>
        %dma_wait3A_688 = arith.constant 0 : i32
        %dma_wait3A_689 = arith.constant 0 : i32
        %dma_wait3A_690 = tpu.memref_slice %arg8[%dma_wait3A_679, %dma_wait3A_688, %dma_wait3A_689] : memref<6x1x100xi32, #tpu.memory_space<vmem>> -> memref<1x1x100xi32, #tpu.memory_space<vmem>>
        %dma_wait3A_691 = tpu.memref_squeeze %dma_wait3A_690 : memref<1x1x100xi32, #tpu.memory_space<vmem>> -> memref<1x100xi32, #tpu.memory_space<vmem>>
        %dma_wait3A_692 = arith.constant 0 : i32
        %dma_wait3A_693 = arith.constant 0 : i32
        %dma_wait3A_694 = tpu.memref_slice %arg4[%add3A_678, %dma_wait3A_692, %dma_wait3A_693] : memref<3200x1x100xi32, #tpu.memory_space<hbm>> -> memref<1x1x100xi32, #tpu.memory_space<hbm>>
        %dma_wait3A_695 = tpu.memref_squeeze %dma_wait3A_694 : memref<1x1x100xi32, #tpu.memory_space<hbm>> -> memref<1x100xi32, #tpu.memory_space<hbm>>
        tpu.wait_dma2 semaphore(%arg13 : memref<!tpu.dma_semaphore, #tpu.memory_space<semaphore_mem>>) src(%dma_wait3A_695 : memref<1x100xi32, #tpu.memory_space<hbm>>) dst(%dma_wait3A_691 : memref<1x100xi32, #tpu.memory_space<vmem>>)
        %dma_start3A_696 = arith.constant 0 : i32
        %dma_start3A_697 = arith.constant 0 : i32
        %dma_start3A_698 = arith.constant 0 : i32
        %dma_start3A_699 = tpu.memref_slice %arg7[%dma_start3A_696, %dma_start3A_697, %dma_start3A_698] : memref<6x1x100xi32, #tpu.memory_space<vmem>> -> memref<1x1x100xi32, #tpu.memory_space<vmem>>
        %dma_start3A_700 = tpu.memref_squeeze %dma_start3A_699 : memref<1x1x100xi32, #tpu.memory_space<vmem>> -> memref<100xi32, #tpu.memory_space<vmem>>
        %dma_start3A_701 = arith.constant 0 : i32
        %dma_start3A_702 = arith.constant 0 : i32
        %dma_start3A_703 = tpu.memref_slice %arg2[%dma_start3A_701, %dma_start3A_702] : memref<10000x128xf32, #tpu.memory_space<hbm>> -> memref<10000x128xf32, #tpu.memory_space<hbm>>
        tpu.enqueue_indirect_dma source(%dma_start3A_703 : memref<10000x128xf32, #tpu.memory_space<hbm>>) target(%arg9 : memref<100x128xf32, #tpu.memory_space<vmem>>) offsets(%dma_start3A_700 : memref<100xi32, #tpu.memory_space<vmem>>) semaphore(%arg19 : memref<!tpu.dma_semaphore, #tpu.memory_space<semaphore_mem>>)
      } else {
      }
      %mul3A_619 = arith.constant 6 : i32
      %mul3A_620 = arith.muli %scan3A_423, %mul3A_619 : i32
      %add3A_621 = arith.constant 5 : i32
      %add3A_622 = arith.addi %mul3A_620, %add3A_621 : i32
      %dma_wait3A_623 = arith.constant 5 : i32
      %dma_wait3A_624 = arith.constant 0 : i32
      %dma_wait3A_625 = arith.constant 0 : i32
      %dma_wait3A_626 = tpu.memref_slice %arg7[%dma_wait3A_623, %dma_wait3A_624, %dma_wait3A_625] : memref<6x1x100xi32, #tpu.memory_space<vmem>> -> memref<1x1x100xi32, #tpu.memory_space<vmem>>
      %dma_wait3A_627 = tpu.memref_squeeze %dma_wait3A_626 : memref<1x1x100xi32, #tpu.memory_space<vmem>> -> memref<100xi32, #tpu.memory_space<vmem>>
      %dma_wait3A_628 = arith.constant 0 : i32
      %dma_wait3A_629 = arith.constant 0 : i32
      %dma_wait3A_630 = tpu.memref_slice %arg2[%dma_wait3A_628, %dma_wait3A_629] : memref<10000x128xf32, #tpu.memory_space<hbm>> -> memref<10000x128xf32, #tpu.memory_space<hbm>>
      tpu.wait_indirect_dma semaphore(%arg21 : memref<!tpu.dma_semaphore, #tpu.memory_space<semaphore_mem>>) src(%dma_wait3A_630 : memref<10000x128xf32, #tpu.memory_space<hbm>>) dst(%arg11 : memref<100x128xf32, #tpu.memory_space<vmem>>)
      %gt3A_631 = arith.constant 0 : i32
      %gt3A_632 = arith.cmpi sgt, %add3A_622, %gt3A_631 : i32
      %convert_element_type3A_633 = arith.extui %gt3A_632 : i1 to i32
      %cond3A_634 = arith.constant 0 : i32
      %cond3A_635 = arith.cmpi ne, %convert_element_type3A_633, %cond3A_634 : i32
      scf.if %cond3A_635 {
        %dma_wait3A_658 = arith.constant 4 : i32
        %dma_wait3A_659 = arith.constant 0 : i32
        %dma_wait3A_660 = arith.constant 0 : i32
        %dma_wait3A_661 = tpu.memref_slice %arg8[%dma_wait3A_658, %dma_wait3A_659, %dma_wait3A_660] : memref<6x1x100xi32, #tpu.memory_space<vmem>> -> memref<1x1x100xi32, #tpu.memory_space<vmem>>
        %dma_wait3A_662 = tpu.memref_squeeze %dma_wait3A_661 : memref<1x1x100xi32, #tpu.memory_space<vmem>> -> memref<100xi32, #tpu.memory_space<vmem>>
        %dma_wait3A_663 = arith.constant 0 : i32
        %dma_wait3A_664 = arith.constant 0 : i32
        %dma_wait3A_665 = tpu.memref_slice %arg12[%dma_wait3A_663, %dma_wait3A_664] : memref<10112x128xf32, #tpu.memory_space<vmem_shared>> -> memref<10112x128xf32, #tpu.memory_space<vmem_shared>>
        tpu.wait_indirect_dma semaphore(%arg22 : memref<!tpu.dma_semaphore, #tpu.memory_space<semaphore_mem>>) src(%arg10 : memref<100x128xf32, #tpu.memory_space<vmem>>) dst(%dma_wait3A_665 : memref<10112x128xf32, #tpu.memory_space<vmem_shared>>)
      } else {
      }
      %dma_start3A_636 = arith.constant 5 : i32
      %dma_start3A_637 = arith.constant 0 : i32
      %dma_start3A_638 = arith.constant 0 : i32
      %dma_start3A_639 = tpu.memref_slice %arg8[%dma_start3A_636, %dma_start3A_637, %dma_start3A_638] : memref<6x1x100xi32, #tpu.memory_space<vmem>> -> memref<1x1x100xi32, #tpu.memory_space<vmem>>
      %dma_start3A_640 = tpu.memref_squeeze %dma_start3A_639 : memref<1x1x100xi32, #tpu.memory_space<vmem>> -> memref<100xi32, #tpu.memory_space<vmem>>
      %dma_start3A_641 = arith.constant 0 : i32
      %dma_start3A_642 = arith.constant 0 : i32
      %dma_start3A_643 = tpu.memref_slice %arg12[%dma_start3A_641, %dma_start3A_642] : memref<10112x128xf32, #tpu.memory_space<vmem_shared>> -> memref<10112x128xf32, #tpu.memory_space<vmem_shared>>
      tpu.enqueue_indirect_dma source(%arg11 : memref<100x128xf32, #tpu.memory_space<vmem>>) target(%dma_start3A_643 : memref<10112x128xf32, #tpu.memory_space<vmem_shared>>) offsets(%dma_start3A_640 : memref<100xi32, #tpu.memory_space<vmem>>) semaphore(%arg22 : memref<!tpu.dma_semaphore, #tpu.memory_space<semaphore_mem>>) {add = true}
      %add3A_644 = arith.constant 4 : i32
      %add3A_645 = arith.addi %add3A_622, %add3A_644 : i32
      %lt3A_646 = arith.constant 100 : i32
      %lt3A_647 = arith.cmpi slt, %add3A_645, %lt3A_646 : i32
      %convert_element_type3A_648 = arith.extui %lt3A_647 : i1 to i32
      %cond3A_649 = arith.constant 0 : i32
      %cond3A_650 = arith.cmpi ne, %convert_element_type3A_648, %cond3A_649 : i32
      scf.if %cond3A_650 {
        %add3A_658 = arith.constant 4 : i32
        %add3A_659 = arith.addi %add3A_622, %add3A_658 : i32
        %add3A_660 = arith.addi %mul3A_2, %add3A_659 : i32
        %dma_start3A_661 = arith.constant 3 : i32
        %dma_start3A_662 = arith.constant 0 : i32
        %dma_start3A_663 = arith.constant 0 : i32
        %dma_start3A_664 = tpu.memref_slice %arg7[%dma_start3A_661, %dma_start3A_662, %dma_start3A_663] : memref<6x1x100xi32, #tpu.memory_space<vmem>> -> memref<1x1x100xi32, #tpu.memory_space<vmem>>
        %dma_start3A_665 = tpu.memref_squeeze %dma_start3A_664 : memref<1x1x100xi32, #tpu.memory_space<vmem>> -> memref<1x100xi32, #tpu.memory_space<vmem>>
        %dma_start3A_666 = arith.constant 0 : i32
        %dma_start3A_667 = arith.constant 0 : i32
        %dma_start3A_668 = tpu.memref_slice %arg3[%add3A_660, %dma_start3A_666, %dma_start3A_667] : memref<3200x1x100xi32, #tpu.memory_space<hbm>> -> memref<1x1x100xi32, #tpu.memory_space<hbm>>
        %dma_start3A_669 = tpu.memref_squeeze %dma_start3A_668 : memref<1x1x100xi32, #tpu.memory_space<hbm>> -> memref<1x100xi32, #tpu.memory_space<hbm>>
        %dma_start3A_670 = arith.constant 0 : i32
        %dma_start3A_671 = arith.constant 0 : i32
        %dma_start3A_672 = tpu.memref_slice %arg7[%dma_start3A_661, %dma_start3A_670, %dma_start3A_671] : memref<6x1x100xi32, #tpu.memory_space<vmem>> -> memref<1x1x100xi32, #tpu.memory_space<vmem>>
        %dma_start3A_673 = tpu.memref_squeeze %dma_start3A_672 : memref<1x1x100xi32, #tpu.memory_space<vmem>> -> memref<1x100xi32, #tpu.memory_space<vmem>>
        %dma_start3A_674 = arith.constant 0 : i32
        %dma_start3A_675 = arith.constant 0 : i32
        %dma_start3A_676 = tpu.memref_slice %arg3[%add3A_660, %dma_start3A_674, %dma_start3A_675] : memref<3200x1x100xi32, #tpu.memory_space<hbm>> -> memref<1x1x100xi32, #tpu.memory_space<hbm>>
        %dma_start3A_677 = tpu.memref_squeeze %dma_start3A_676 : memref<1x1x100xi32, #tpu.memory_space<hbm>> -> memref<1x100xi32, #tpu.memory_space<hbm>>
        tpu.enqueue_dma source(%dma_start3A_677 : memref<1x100xi32, #tpu.memory_space<hbm>>) target(%dma_start3A_673 : memref<1x100xi32, #tpu.memory_space<vmem>>) target_semaphore(%arg16 : memref<!tpu.dma_semaphore, #tpu.memory_space<semaphore_mem>>)
        %add3A_678 = arith.addi %mul3A_2, %add3A_659 : i32
        %dma_start3A_679 = arith.constant 3 : i32
        %dma_start3A_680 = arith.constant 0 : i32
        %dma_start3A_681 = arith.constant 0 : i32
        %dma_start3A_682 = tpu.memref_slice %arg8[%dma_start3A_679, %dma_start3A_680, %dma_start3A_681] : memref<6x1x100xi32, #tpu.memory_space<vmem>> -> memref<1x1x100xi32, #tpu.memory_space<vmem>>
        %dma_start3A_683 = tpu.memref_squeeze %dma_start3A_682 : memref<1x1x100xi32, #tpu.memory_space<vmem>> -> memref<1x100xi32, #tpu.memory_space<vmem>>
        %dma_start3A_684 = arith.constant 0 : i32
        %dma_start3A_685 = arith.constant 0 : i32
        %dma_start3A_686 = tpu.memref_slice %arg4[%add3A_678, %dma_start3A_684, %dma_start3A_685] : memref<3200x1x100xi32, #tpu.memory_space<hbm>> -> memref<1x1x100xi32, #tpu.memory_space<hbm>>
        %dma_start3A_687 = tpu.memref_squeeze %dma_start3A_686 : memref<1x1x100xi32, #tpu.memory_space<hbm>> -> memref<1x100xi32, #tpu.memory_space<hbm>>
        %dma_start3A_688 = arith.constant 0 : i32
        %dma_start3A_689 = arith.constant 0 : i32
        %dma_start3A_690 = tpu.memref_slice %arg8[%dma_start3A_679, %dma_start3A_688, %dma_start3A_689] : memref<6x1x100xi32, #tpu.memory_space<vmem>> -> memref<1x1x100xi32, #tpu.memory_space<vmem>>
        %dma_start3A_691 = tpu.memref_squeeze %dma_start3A_690 : memref<1x1x100xi32, #tpu.memory_space<vmem>> -> memref<1x100xi32, #tpu.memory_space<vmem>>
        %dma_start3A_692 = arith.constant 0 : i32
        %dma_start3A_693 = arith.constant 0 : i32
        %dma_start3A_694 = tpu.memref_slice %arg4[%add3A_678, %dma_start3A_692, %dma_start3A_693] : memref<3200x1x100xi32, #tpu.memory_space<hbm>> -> memref<1x1x100xi32, #tpu.memory_space<hbm>>
        %dma_start3A_695 = tpu.memref_squeeze %dma_start3A_694 : memref<1x1x100xi32, #tpu.memory_space<hbm>> -> memref<1x100xi32, #tpu.memory_space<hbm>>
        tpu.enqueue_dma source(%dma_start3A_695 : memref<1x100xi32, #tpu.memory_space<hbm>>) target(%dma_start3A_691 : memref<1x100xi32, #tpu.memory_space<vmem>>) target_semaphore(%arg16 : memref<!tpu.dma_semaphore, #tpu.memory_space<semaphore_mem>>)
      } else {
      }
      %add3A_651 = arith.constant 2 : i32
      %add3A_652 = arith.addi %add3A_622, %add3A_651 : i32
      %lt3A_653 = arith.constant 100 : i32
      %lt3A_654 = arith.cmpi slt, %add3A_652, %lt3A_653 : i32
      %convert_element_type3A_655 = arith.extui %lt3A_654 : i1 to i32
      %cond3A_656 = arith.constant 0 : i32
      %cond3A_657 = arith.cmpi ne, %convert_element_type3A_655, %cond3A_656 : i32
      scf.if %cond3A_657 {
        %add3A_658 = arith.constant 2 : i32
        %add3A_659 = arith.addi %add3A_622, %add3A_658 : i32
        %add3A_660 = arith.addi %mul3A_2, %add3A_659 : i32
        %dma_wait3A_661 = arith.constant 1 : i32
        %dma_wait3A_662 = arith.constant 0 : i32
        %dma_wait3A_663 = arith.constant 0 : i32
        %dma_wait3A_664 = tpu.memref_slice %arg7[%dma_wait3A_661, %dma_wait3A_662, %dma_wait3A_663] : memref<6x1x100xi32, #tpu.memory_space<vmem>> -> memref<1x1x100xi32, #tpu.memory_space<vmem>>
        %dma_wait3A_665 = tpu.memref_squeeze %dma_wait3A_664 : memref<1x1x100xi32, #tpu.memory_space<vmem>> -> memref<1x100xi32, #tpu.memory_space<vmem>>
        %dma_wait3A_666 = arith.constant 0 : i32
        %dma_wait3A_667 = arith.constant 0 : i32
        %dma_wait3A_668 = tpu.memref_slice %arg3[%add3A_660, %dma_wait3A_666, %dma_wait3A_667] : memref<3200x1x100xi32, #tpu.memory_space<hbm>> -> memref<1x1x100xi32, #tpu.memory_space<hbm>>
        %dma_wait3A_669 = tpu.memref_squeeze %dma_wait3A_668 : memref<1x1x100xi32, #tpu.memory_space<hbm>> -> memref<1x100xi32, #tpu.memory_space<hbm>>
        %dma_wait3A_670 = arith.constant 0 : i32
        %dma_wait3A_671 = arith.constant 0 : i32
        %dma_wait3A_672 = tpu.memref_slice %arg7[%dma_wait3A_661, %dma_wait3A_670, %dma_wait3A_671] : memref<6x1x100xi32, #tpu.memory_space<vmem>> -> memref<1x1x100xi32, #tpu.memory_space<vmem>>
        %dma_wait3A_673 = tpu.memref_squeeze %dma_wait3A_672 : memref<1x1x100xi32, #tpu.memory_space<vmem>> -> memref<1x100xi32, #tpu.memory_space<vmem>>
        %dma_wait3A_674 = arith.constant 0 : i32
        %dma_wait3A_675 = arith.constant 0 : i32
        %dma_wait3A_676 = tpu.memref_slice %arg3[%add3A_660, %dma_wait3A_674, %dma_wait3A_675] : memref<3200x1x100xi32, #tpu.memory_space<hbm>> -> memref<1x1x100xi32, #tpu.memory_space<hbm>>
        %dma_wait3A_677 = tpu.memref_squeeze %dma_wait3A_676 : memref<1x1x100xi32, #tpu.memory_space<hbm>> -> memref<1x100xi32, #tpu.memory_space<hbm>>
        tpu.wait_dma2 semaphore(%arg14 : memref<!tpu.dma_semaphore, #tpu.memory_space<semaphore_mem>>) src(%dma_wait3A_677 : memref<1x100xi32, #tpu.memory_space<hbm>>) dst(%dma_wait3A_673 : memref<1x100xi32, #tpu.memory_space<vmem>>)
        %add3A_678 = arith.addi %mul3A_2, %add3A_659 : i32
        %dma_wait3A_679 = arith.constant 1 : i32
        %dma_wait3A_680 = arith.constant 0 : i32
        %dma_wait3A_681 = arith.constant 0 : i32
        %dma_wait3A_682 = tpu.memref_slice %arg8[%dma_wait3A_679, %dma_wait3A_680, %dma_wait3A_681] : memref<6x1x100xi32, #tpu.memory_space<vmem>> -> memref<1x1x100xi32, #tpu.memory_space<vmem>>
        %dma_wait3A_683 = tpu.memref_squeeze %dma_wait3A_682 : memref<1x1x100xi32, #tpu.memory_space<vmem>> -> memref<1x100xi32, #tpu.memory_space<vmem>>
        %dma_wait3A_684 = arith.constant 0 : i32
        %dma_wait3A_685 = arith.constant 0 : i32
        %dma_wait3A_686 = tpu.memref_slice %arg4[%add3A_678, %dma_wait3A_684, %dma_wait3A_685] : memref<3200x1x100xi32, #tpu.memory_space<hbm>> -> memref<1x1x100xi32, #tpu.memory_space<hbm>>
        %dma_wait3A_687 = tpu.memref_squeeze %dma_wait3A_686 : memref<1x1x100xi32, #tpu.memory_space<hbm>> -> memref<1x100xi32, #tpu.memory_space<hbm>>
        %dma_wait3A_688 = arith.constant 0 : i32
        %dma_wait3A_689 = arith.constant 0 : i32
        %dma_wait3A_690 = tpu.memref_slice %arg8[%dma_wait3A_679, %dma_wait3A_688, %dma_wait3A_689] : memref<6x1x100xi32, #tpu.memory_space<vmem>> -> memref<1x1x100xi32, #tpu.memory_space<vmem>>
        %dma_wait3A_691 = tpu.memref_squeeze %dma_wait3A_690 : memref<1x1x100xi32, #tpu.memory_space<vmem>> -> memref<1x100xi32, #tpu.memory_space<vmem>>
        %dma_wait3A_692 = arith.constant 0 : i32
        %dma_wait3A_693 = arith.constant 0 : i32
        %dma_wait3A_694 = tpu.memref_slice %arg4[%add3A_678, %dma_wait3A_692, %dma_wait3A_693] : memref<3200x1x100xi32, #tpu.memory_space<hbm>> -> memref<1x1x100xi32, #tpu.memory_space<hbm>>
        %dma_wait3A_695 = tpu.memref_squeeze %dma_wait3A_694 : memref<1x1x100xi32, #tpu.memory_space<hbm>> -> memref<1x100xi32, #tpu.memory_space<hbm>>
        tpu.wait_dma2 semaphore(%arg14 : memref<!tpu.dma_semaphore, #tpu.memory_space<semaphore_mem>>) src(%dma_wait3A_695 : memref<1x100xi32, #tpu.memory_space<hbm>>) dst(%dma_wait3A_691 : memref<1x100xi32, #tpu.memory_space<vmem>>)
        %dma_start3A_696 = arith.constant 1 : i32
        %dma_start3A_697 = arith.constant 0 : i32
        %dma_start3A_698 = arith.constant 0 : i32
        %dma_start3A_699 = tpu.memref_slice %arg7[%dma_start3A_696, %dma_start3A_697, %dma_start3A_698] : memref<6x1x100xi32, #tpu.memory_space<vmem>> -> memref<1x1x100xi32, #tpu.memory_space<vmem>>
        %dma_start3A_700 = tpu.memref_squeeze %dma_start3A_699 : memref<1x1x100xi32, #tpu.memory_space<vmem>> -> memref<100xi32, #tpu.memory_space<vmem>>
        %dma_start3A_701 = arith.constant 0 : i32
        %dma_start3A_702 = arith.constant 0 : i32
        %dma_start3A_703 = tpu.memref_slice %arg2[%dma_start3A_701, %dma_start3A_702] : memref<10000x128xf32, #tpu.memory_space<hbm>> -> memref<10000x128xf32, #tpu.memory_space<hbm>>
        tpu.enqueue_indirect_dma source(%dma_start3A_703 : memref<10000x128xf32, #tpu.memory_space<hbm>>) target(%arg10 : memref<100x128xf32, #tpu.memory_space<vmem>>) offsets(%dma_start3A_700 : memref<100xi32, #tpu.memory_space<vmem>>) semaphore(%arg20 : memref<!tpu.dma_semaphore, #tpu.memory_space<semaphore_mem>>)
      } else {
      }
    }
    %scan3A_253 = arith.constant 16 : i32
    %dma_wait3A_254 = arith.constant 0 : i32
    %dma_wait3A_255 = arith.constant 0 : i32
    %dma_wait3A_256 = arith.constant 0 : i32
    %dma_wait3A_257 = tpu.memref_slice %arg7[%dma_wait3A_254, %dma_wait3A_255, %dma_wait3A_256] : memref<6x1x100xi32, #tpu.memory_space<vmem>> -> memref<1x1x100xi32, #tpu.memory_space<vmem>>
    %dma_wait3A_258 = tpu.memref_squeeze %dma_wait3A_257 : memref<1x1x100xi32, #tpu.memory_space<vmem>> -> memref<100xi32, #tpu.memory_space<vmem>>
    %dma_wait3A_259 = arith.constant 0 : i32
    %dma_wait3A_260 = arith.constant 0 : i32
    %dma_wait3A_261 = tpu.memref_slice %arg2[%dma_wait3A_259, %dma_wait3A_260] : memref<10000x128xf32, #tpu.memory_space<hbm>> -> memref<10000x128xf32, #tpu.memory_space<hbm>>
    tpu.wait_indirect_dma semaphore(%arg19 : memref<!tpu.dma_semaphore, #tpu.memory_space<semaphore_mem>>) src(%dma_wait3A_261 : memref<10000x128xf32, #tpu.memory_space<hbm>>) dst(%arg9 : memref<100x128xf32, #tpu.memory_space<vmem>>)
    %gt3A = arith.constant 96 : i32
    %gt3A_262 = arith.constant 0 : i32
    %gt3A_263 = arith.cmpi sgt, %gt3A, %gt3A_262 : i32
    %convert_element_type3A = arith.extui %gt3A_263 : i1 to i32
    %cond3A = arith.constant 0 : i32
    %cond3A_264 = arith.cmpi ne, %convert_element_type3A, %cond3A : i32
    scf.if %cond3A_264 {
      %dma_wait3A_423 = arith.constant 5 : i32
      %dma_wait3A_424 = arith.constant 0 : i32
      %dma_wait3A_425 = arith.constant 0 : i32
      %dma_wait3A_426 = tpu.memref_slice %arg8[%dma_wait3A_423, %dma_wait3A_424, %dma_wait3A_425] : memref<6x1x100xi32, #tpu.memory_space<vmem>> -> memref<1x1x100xi32, #tpu.memory_space<vmem>>
      %dma_wait3A_427 = tpu.memref_squeeze %dma_wait3A_426 : memref<1x1x100xi32, #tpu.memory_space<vmem>> -> memref<100xi32, #tpu.memory_space<vmem>>
      %dma_wait3A_428 = arith.constant 0 : i32
      %dma_wait3A_429 = arith.constant 0 : i32
      %dma_wait3A_430 = tpu.memref_slice %arg12[%dma_wait3A_428, %dma_wait3A_429] : memref<10112x128xf32, #tpu.memory_space<vmem_shared>> -> memref<10112x128xf32, #tpu.memory_space<vmem_shared>>
      tpu.wait_indirect_dma semaphore(%arg22 : memref<!tpu.dma_semaphore, #tpu.memory_space<semaphore_mem>>) src(%arg11 : memref<100x128xf32, #tpu.memory_space<vmem>>) dst(%dma_wait3A_430 : memref<10112x128xf32, #tpu.memory_space<vmem_shared>>)
    } else {
    }
    %dma_start3A_265 = arith.constant 0 : i32
    %dma_start3A_266 = arith.constant 0 : i32
    %dma_start3A_267 = arith.constant 0 : i32
    %dma_start3A_268 = tpu.memref_slice %arg8[%dma_start3A_265, %dma_start3A_266, %dma_start3A_267] : memref<6x1x100xi32, #tpu.memory_space<vmem>> -> memref<1x1x100xi32, #tpu.memory_space<vmem>>
    %dma_start3A_269 = tpu.memref_squeeze %dma_start3A_268 : memref<1x1x100xi32, #tpu.memory_space<vmem>> -> memref<100xi32, #tpu.memory_space<vmem>>
    %dma_start3A_270 = arith.constant 0 : i32
    %dma_start3A_271 = arith.constant 0 : i32
    %dma_start3A_272 = tpu.memref_slice %arg12[%dma_start3A_270, %dma_start3A_271] : memref<10112x128xf32, #tpu.memory_space<vmem_shared>> -> memref<10112x128xf32, #tpu.memory_space<vmem_shared>>
    tpu.enqueue_indirect_dma source(%arg9 : memref<100x128xf32, #tpu.memory_space<vmem>>) target(%dma_start3A_272 : memref<10112x128xf32, #tpu.memory_space<vmem_shared>>) offsets(%dma_start3A_269 : memref<100xi32, #tpu.memory_space<vmem>>) semaphore(%arg22 : memref<!tpu.dma_semaphore, #tpu.memory_space<semaphore_mem>>) {add = true}
    %add3A_273 = arith.constant 96 : i32
    %add3A_274 = arith.constant 4 : i32
    %add3A_275 = arith.addi %add3A_273, %add3A_274 : i32
    %lt3A = arith.constant 100 : i32
    %lt3A_276 = arith.cmpi slt, %add3A_275, %lt3A : i32
    %convert_element_type3A_277 = arith.extui %lt3A_276 : i1 to i32
    %cond3A_278 = arith.constant 96 : i32
    %cond3A_279 = arith.constant 0 : i32
    %cond3A_280 = arith.cmpi ne, %convert_element_type3A_277, %cond3A_279 : i32
    scf.if %cond3A_280 {
      %add3A_423 = arith.constant 4 : i32
      %add3A_424 = arith.addi %cond3A_278, %add3A_423 : i32
      %add3A_425 = arith.addi %mul3A_2, %add3A_424 : i32
      %dma_start3A_426 = arith.constant 4 : i32
      %dma_start3A_427 = arith.constant 0 : i32
      %dma_start3A_428 = arith.constant 0 : i32
      %dma_start3A_429 = tpu.memref_slice %arg7[%dma_start3A_426, %dma_start3A_427, %dma_start3A_428] : memref<6x1x100xi32, #tpu.memory_space<vmem>> -> memref<1x1x100xi32, #tpu.memory_space<vmem>>
      %dma_start3A_430 = tpu.memref_squeeze %dma_start3A_429 : memref<1x1x100xi32, #tpu.memory_space<vmem>> -> memref<1x100xi32, #tpu.memory_space<vmem>>
      %dma_start3A_431 = arith.constant 0 : i32
      %dma_start3A_432 = arith.constant 0 : i32
      %dma_start3A_433 = tpu.memref_slice %arg3[%add3A_425, %dma_start3A_431, %dma_start3A_432] : memref<3200x1x100xi32, #tpu.memory_space<hbm>> -> memref<1x1x100xi32, #tpu.memory_space<hbm>>
      %dma_start3A_434 = tpu.memref_squeeze %dma_start3A_433 : memref<1x1x100xi32, #tpu.memory_space<hbm>> -> memref<1x100xi32, #tpu.memory_space<hbm>>
      %dma_start3A_435 = arith.constant 0 : i32
      %dma_start3A_436 = arith.constant 0 : i32
      %dma_start3A_437 = tpu.memref_slice %arg7[%dma_start3A_426, %dma_start3A_435, %dma_start3A_436] : memref<6x1x100xi32, #tpu.memory_space<vmem>> -> memref<1x1x100xi32, #tpu.memory_space<vmem>>
      %dma_start3A_438 = tpu.memref_squeeze %dma_start3A_437 : memref<1x1x100xi32, #tpu.memory_space<vmem>> -> memref<1x100xi32, #tpu.memory_space<vmem>>
      %dma_start3A_439 = arith.constant 0 : i32
      %dma_start3A_440 = arith.constant 0 : i32
      %dma_start3A_441 = tpu.memref_slice %arg3[%add3A_425, %dma_start3A_439, %dma_start3A_440] : memref<3200x1x100xi32, #tpu.memory_space<hbm>> -> memref<1x1x100xi32, #tpu.memory_space<hbm>>
      %dma_start3A_442 = tpu.memref_squeeze %dma_start3A_441 : memref<1x1x100xi32, #tpu.memory_space<hbm>> -> memref<1x100xi32, #tpu.memory_space<hbm>>
      tpu.enqueue_dma source(%dma_start3A_442 : memref<1x100xi32, #tpu.memory_space<hbm>>) target(%dma_start3A_438 : memref<1x100xi32, #tpu.memory_space<vmem>>) target_semaphore(%arg17 : memref<!tpu.dma_semaphore, #tpu.memory_space<semaphore_mem>>)
      %add3A_443 = arith.addi %mul3A_2, %add3A_424 : i32
      %dma_start3A_444 = arith.constant 4 : i32
      %dma_start3A_445 = arith.constant 0 : i32
      %dma_start3A_446 = arith.constant 0 : i32
      %dma_start3A_447 = tpu.memref_slice %arg8[%dma_start3A_444, %dma_start3A_445, %dma_start3A_446] : memref<6x1x100xi32, #tpu.memory_space<vmem>> -> memref<1x1x100xi32, #tpu.memory_space<vmem>>
      %dma_start3A_448 = tpu.memref_squeeze %dma_start3A_447 : memref<1x1x100xi32, #tpu.memory_space<vmem>> -> memref<1x100xi32, #tpu.memory_space<vmem>>
      %dma_start3A_449 = arith.constant 0 : i32
      %dma_start3A_450 = arith.constant 0 : i32
      %dma_start3A_451 = tpu.memref_slice %arg4[%add3A_443, %dma_start3A_449, %dma_start3A_450] : memref<3200x1x100xi32, #tpu.memory_space<hbm>> -> memref<1x1x100xi32, #tpu.memory_space<hbm>>
      %dma_start3A_452 = tpu.memref_squeeze %dma_start3A_451 : memref<1x1x100xi32, #tpu.memory_space<hbm>> -> memref<1x100xi32, #tpu.memory_space<hbm>>
      %dma_start3A_453 = arith.constant 0 : i32
      %dma_start3A_454 = arith.constant 0 : i32
      %dma_start3A_455 = tpu.memref_slice %arg8[%dma_start3A_444, %dma_start3A_453, %dma_start3A_454] : memref<6x1x100xi32, #tpu.memory_space<vmem>> -> memref<1x1x100xi32, #tpu.memory_space<vmem>>
      %dma_start3A_456 = tpu.memref_squeeze %dma_start3A_455 : memref<1x1x100xi32, #tpu.memory_space<vmem>> -> memref<1x100xi32, #tpu.memory_space<vmem>>
      %dma_start3A_457 = arith.constant 0 : i32
      %dma_start3A_458 = arith.constant 0 : i32
      %dma_start3A_459 = tpu.memref_slice %arg4[%add3A_443, %dma_start3A_457, %dma_start3A_458] : memref<3200x1x100xi32, #tpu.memory_space<hbm>> -> memref<1x1x100xi32, #tpu.memory_space<hbm>>
      %dma_start3A_460 = tpu.memref_squeeze %dma_start3A_459 : memref<1x1x100xi32, #tpu.memory_space<hbm>> -> memref<1x100xi32, #tpu.memory_space<hbm>>
      tpu.enqueue_dma source(%dma_start3A_460 : memref<1x100xi32, #tpu.memory_space<hbm>>) target(%dma_start3A_456 : memref<1x100xi32, #tpu.memory_space<vmem>>) target_semaphore(%arg17 : memref<!tpu.dma_semaphore, #tpu.memory_space<semaphore_mem>>)
    } else {
    }
    %add3A_281 = arith.constant 96 : i32
    %add3A_282 = arith.constant 2 : i32
    %add3A_283 = arith.addi %add3A_281, %add3A_282 : i32
    %lt3A_284 = arith.constant 100 : i32
    %lt3A_285 = arith.cmpi slt, %add3A_283, %lt3A_284 : i32
    %convert_element_type3A_286 = arith.extui %lt3A_285 : i1 to i32
    %cond3A_287 = arith.constant 96 : i32
    %cond3A_288 = arith.constant 0 : i32
    %cond3A_289 = arith.cmpi ne, %convert_element_type3A_286, %cond3A_288 : i32
    scf.if %cond3A_289 {
      %add3A_423 = arith.constant 2 : i32
      %add3A_424 = arith.addi %cond3A_287, %add3A_423 : i32
      %add3A_425 = arith.addi %mul3A_2, %add3A_424 : i32
      %dma_wait3A_426 = arith.constant 2 : i32
      %dma_wait3A_427 = arith.constant 0 : i32
      %dma_wait3A_428 = arith.constant 0 : i32
      %dma_wait3A_429 = tpu.memref_slice %arg7[%dma_wait3A_426, %dma_wait3A_427, %dma_wait3A_428] : memref<6x1x100xi32, #tpu.memory_space<vmem>> -> memref<1x1x100xi32, #tpu.memory_space<vmem>>
      %dma_wait3A_430 = tpu.memref_squeeze %dma_wait3A_429 : memref<1x1x100xi32, #tpu.memory_space<vmem>> -> memref<1x100xi32, #tpu.memory_space<vmem>>
      %dma_wait3A_431 = arith.constant 0 : i32
      %dma_wait3A_432 = arith.constant 0 : i32
      %dma_wait3A_433 = tpu.memref_slice %arg3[%add3A_425, %dma_wait3A_431, %dma_wait3A_432] : memref<3200x1x100xi32, #tpu.memory_space<hbm>> -> memref<1x1x100xi32, #tpu.memory_space<hbm>>
      %dma_wait3A_434 = tpu.memref_squeeze %dma_wait3A_433 : memref<1x1x100xi32, #tpu.memory_space<hbm>> -> memref<1x100xi32, #tpu.memory_space<hbm>>
      %dma_wait3A_435 = arith.constant 0 : i32
      %dma_wait3A_436 = arith.constant 0 : i32
      %dma_wait3A_437 = tpu.memref_slice %arg7[%dma_wait3A_426, %dma_wait3A_435, %dma_wait3A_436] : memref<6x1x100xi32, #tpu.memory_space<vmem>> -> memref<1x1x100xi32, #tpu.memory_space<vmem>>
      %dma_wait3A_438 = tpu.memref_squeeze %dma_wait3A_437 : memref<1x1x100xi32, #tpu.memory_space<vmem>> -> memref<1x100xi32, #tpu.memory_space<vmem>>
      %dma_wait3A_439 = arith.constant 0 : i32
      %dma_wait3A_440 = arith.constant 0 : i32
      %dma_wait3A_441 = tpu.memref_slice %arg3[%add3A_425, %dma_wait3A_439, %dma_wait3A_440] : memref<3200x1x100xi32, #tpu.memory_space<hbm>> -> memref<1x1x100xi32, #tpu.memory_space<hbm>>
      %dma_wait3A_442 = tpu.memref_squeeze %dma_wait3A_441 : memref<1x1x100xi32, #tpu.memory_space<hbm>> -> memref<1x100xi32, #tpu.memory_space<hbm>>
      tpu.wait_dma2 semaphore(%arg15 : memref<!tpu.dma_semaphore, #tpu.memory_space<semaphore_mem>>) src(%dma_wait3A_442 : memref<1x100xi32, #tpu.memory_space<hbm>>) dst(%dma_wait3A_438 : memref<1x100xi32, #tpu.memory_space<vmem>>)
      %add3A_443 = arith.addi %mul3A_2, %add3A_424 : i32
      %dma_wait3A_444 = arith.constant 2 : i32
      %dma_wait3A_445 = arith.constant 0 : i32
      %dma_wait3A_446 = arith.constant 0 : i32
      %dma_wait3A_447 = tpu.memref_slice %arg8[%dma_wait3A_444, %dma_wait3A_445, %dma_wait3A_446] : memref<6x1x100xi32, #tpu.memory_space<vmem>> -> memref<1x1x100xi32, #tpu.memory_space<vmem>>
      %dma_wait3A_448 = tpu.memref_squeeze %dma_wait3A_447 : memref<1x1x100xi32, #tpu.memory_space<vmem>> -> memref<1x100xi32, #tpu.memory_space<vmem>>
      %dma_wait3A_449 = arith.constant 0 : i32
      %dma_wait3A_450 = arith.constant 0 : i32
      %dma_wait3A_451 = tpu.memref_slice %arg4[%add3A_443, %dma_wait3A_449, %dma_wait3A_450] : memref<3200x1x100xi32, #tpu.memory_space<hbm>> -> memref<1x1x100xi32, #tpu.memory_space<hbm>>
      %dma_wait3A_452 = tpu.memref_squeeze %dma_wait3A_451 : memref<1x1x100xi32, #tpu.memory_space<hbm>> -> memref<1x100xi32, #tpu.memory_space<hbm>>
      %dma_wait3A_453 = arith.constant 0 : i32
      %dma_wait3A_454 = arith.constant 0 : i32
      %dma_wait3A_455 = tpu.memref_slice %arg8[%dma_wait3A_444, %dma_wait3A_453, %dma_wait3A_454] : memref<6x1x100xi32, #tpu.memory_space<vmem>> -> memref<1x1x100xi32, #tpu.memory_space<vmem>>
      %dma_wait3A_456 = tpu.memref_squeeze %dma_wait3A_455 : memref<1x1x100xi32, #tpu.memory_space<vmem>> -> memref<1x100xi32, #tpu.memory_space<vmem>>
      %dma_wait3A_457 = arith.constant 0 : i32
      %dma_wait3A_458 = arith.constant 0 : i32
      %dma_wait3A_459 = tpu.memref_slice %arg4[%add3A_443, %dma_wait3A_457, %dma_wait3A_458] : memref<3200x1x100xi32, #tpu.memory_space<hbm>> -> memref<1x1x100xi32, #tpu.memory_space<hbm>>
      %dma_wait3A_460 = tpu.memref_squeeze %dma_wait3A_459 : memref<1x1x100xi32, #tpu.memory_space<hbm>> -> memref<1x100xi32, #tpu.memory_space<hbm>>
      tpu.wait_dma2 semaphore(%arg15 : memref<!tpu.dma_semaphore, #tpu.memory_space<semaphore_mem>>) src(%dma_wait3A_460 : memref<1x100xi32, #tpu.memory_space<hbm>>) dst(%dma_wait3A_456 : memref<1x100xi32, #tpu.memory_space<vmem>>)
      %dma_start3A_461 = arith.constant 2 : i32
      %dma_start3A_462 = arith.constant 0 : i32
      %dma_start3A_463 = arith.constant 0 : i32
      %dma_start3A_464 = tpu.memref_slice %arg7[%dma_start3A_461, %dma_start3A_462, %dma_start3A_463] : memref<6x1x100xi32, #tpu.memory_space<vmem>> -> memref<1x1x100xi32, #tpu.memory_space<vmem>>
      %dma_start3A_465 = tpu.memref_squeeze %dma_start3A_464 : memref<1x1x100xi32, #tpu.memory_space<vmem>> -> memref<100xi32, #tpu.memory_space<vmem>>
      %dma_start3A_466 = arith.constant 0 : i32
      %dma_start3A_467 = arith.constant 0 : i32
      %dma_start3A_468 = tpu.memref_slice %arg2[%dma_start3A_466, %dma_start3A_467] : memref<10000x128xf32, #tpu.memory_space<hbm>> -> memref<10000x128xf32, #tpu.memory_space<hbm>>
      tpu.enqueue_indirect_dma source(%dma_start3A_468 : memref<10000x128xf32, #tpu.memory_space<hbm>>) target(%arg11 : memref<100x128xf32, #tpu.memory_space<vmem>>) offsets(%dma_start3A_465 : memref<100xi32, #tpu.memory_space<vmem>>) semaphore(%arg21 : memref<!tpu.dma_semaphore, #tpu.memory_space<semaphore_mem>>)
    } else {
    }
    %dma_wait3A_290 = arith.constant 1 : i32
    %dma_wait3A_291 = arith.constant 0 : i32
    %dma_wait3A_292 = arith.constant 0 : i32
    %dma_wait3A_293 = tpu.memref_slice %arg7[%dma_wait3A_290, %dma_wait3A_291, %dma_wait3A_292] : memref<6x1x100xi32, #tpu.memory_space<vmem>> -> memref<1x1x100xi32, #tpu.memory_space<vmem>>
    %dma_wait3A_294 = tpu.memref_squeeze %dma_wait3A_293 : memref<1x1x100xi32, #tpu.memory_space<vmem>> -> memref<100xi32, #tpu.memory_space<vmem>>
    %dma_wait3A_295 = arith.constant 0 : i32
    %dma_wait3A_296 = arith.constant 0 : i32
    %dma_wait3A_297 = tpu.memref_slice %arg2[%dma_wait3A_295, %dma_wait3A_296] : memref<10000x128xf32, #tpu.memory_space<hbm>> -> memref<10000x128xf32, #tpu.memory_space<hbm>>
    tpu.wait_indirect_dma semaphore(%arg20 : memref<!tpu.dma_semaphore, #tpu.memory_space<semaphore_mem>>) src(%dma_wait3A_297 : memref<10000x128xf32, #tpu.memory_space<hbm>>) dst(%arg10 : memref<100x128xf32, #tpu.memory_space<vmem>>)
    %gt3A_298 = arith.constant 97 : i32
    %gt3A_299 = arith.constant 0 : i32
    %gt3A_300 = arith.cmpi sgt, %gt3A_298, %gt3A_299 : i32
    %convert_element_type3A_301 = arith.extui %gt3A_300 : i1 to i32
    %cond3A_302 = arith.constant 0 : i32
    %cond3A_303 = arith.cmpi ne, %convert_element_type3A_301, %cond3A_302 : i32
    scf.if %cond3A_303 {
      %dma_wait3A_423 = arith.constant 0 : i32
      %dma_wait3A_424 = arith.constant 0 : i32
      %dma_wait3A_425 = arith.constant 0 : i32
      %dma_wait3A_426 = tpu.memref_slice %arg8[%dma_wait3A_423, %dma_wait3A_424, %dma_wait3A_425] : memref<6x1x100xi32, #tpu.memory_space<vmem>> -> memref<1x1x100xi32, #tpu.memory_space<vmem>>
      %dma_wait3A_427 = tpu.memref_squeeze %dma_wait3A_426 : memref<1x1x100xi32, #tpu.memory_space<vmem>> -> memref<100xi32, #tpu.memory_space<vmem>>
      %dma_wait3A_428 = arith.constant 0 : i32
      %dma_wait3A_429 = arith.constant 0 : i32
      %dma_wait3A_430 = tpu.memref_slice %arg12[%dma_wait3A_428, %dma_wait3A_429] : memref<10112x128xf32, #tpu.memory_space<vmem_shared>> -> memref<10112x128xf32, #tpu.memory_space<vmem_shared>>
      tpu.wait_indirect_dma semaphore(%arg22 : memref<!tpu.dma_semaphore, #tpu.memory_space<semaphore_mem>>) src(%arg9 : memref<100x128xf32, #tpu.memory_space<vmem>>) dst(%dma_wait3A_430 : memref<10112x128xf32, #tpu.memory_space<vmem_shared>>)
    } else {
    }
    %dma_start3A_304 = arith.constant 1 : i32
    %dma_start3A_305 = arith.constant 0 : i32
    %dma_start3A_306 = arith.constant 0 : i32
    %dma_start3A_307 = tpu.memref_slice %arg8[%dma_start3A_304, %dma_start3A_305, %dma_start3A_306] : memref<6x1x100xi32, #tpu.memory_space<vmem>> -> memref<1x1x100xi32, #tpu.memory_space<vmem>>
    %dma_start3A_308 = tpu.memref_squeeze %dma_start3A_307 : memref<1x1x100xi32, #tpu.memory_space<vmem>> -> memref<100xi32, #tpu.memory_space<vmem>>
    %dma_start3A_309 = arith.constant 0 : i32
    %dma_start3A_310 = arith.constant 0 : i32
    %dma_start3A_311 = tpu.memref_slice %arg12[%dma_start3A_309, %dma_start3A_310] : memref<10112x128xf32, #tpu.memory_space<vmem_shared>> -> memref<10112x128xf32, #tpu.memory_space<vmem_shared>>
    tpu.enqueue_indirect_dma source(%arg10 : memref<100x128xf32, #tpu.memory_space<vmem>>) target(%dma_start3A_311 : memref<10112x128xf32, #tpu.memory_space<vmem_shared>>) offsets(%dma_start3A_308 : memref<100xi32, #tpu.memory_space<vmem>>) semaphore(%arg22 : memref<!tpu.dma_semaphore, #tpu.memory_space<semaphore_mem>>) {add = true}
    %add3A_312 = arith.constant 97 : i32
    %add3A_313 = arith.constant 4 : i32
    %add3A_314 = arith.addi %add3A_312, %add3A_313 : i32
    %lt3A_315 = arith.constant 100 : i32
    %lt3A_316 = arith.cmpi slt, %add3A_314, %lt3A_315 : i32
    %convert_element_type3A_317 = arith.extui %lt3A_316 : i1 to i32
    %cond3A_318 = arith.constant 97 : i32
    %cond3A_319 = arith.constant 0 : i32
    %cond3A_320 = arith.cmpi ne, %convert_element_type3A_317, %cond3A_319 : i32
    scf.if %cond3A_320 {
      %add3A_423 = arith.constant 4 : i32
      %add3A_424 = arith.addi %cond3A_318, %add3A_423 : i32
      %add3A_425 = arith.addi %mul3A_2, %add3A_424 : i32
      %dma_start3A_426 = arith.constant 5 : i32
      %dma_start3A_427 = arith.constant 0 : i32
      %dma_start3A_428 = arith.constant 0 : i32
      %dma_start3A_429 = tpu.memref_slice %arg7[%dma_start3A_426, %dma_start3A_427, %dma_start3A_428] : memref<6x1x100xi32, #tpu.memory_space<vmem>> -> memref<1x1x100xi32, #tpu.memory_space<vmem>>
      %dma_start3A_430 = tpu.memref_squeeze %dma_start3A_429 : memref<1x1x100xi32, #tpu.memory_space<vmem>> -> memref<1x100xi32, #tpu.memory_space<vmem>>
      %dma_start3A_431 = arith.constant 0 : i32
      %dma_start3A_432 = arith.constant 0 : i32
      %dma_start3A_433 = tpu.memref_slice %arg3[%add3A_425, %dma_start3A_431, %dma_start3A_432] : memref<3200x1x100xi32, #tpu.memory_space<hbm>> -> memref<1x1x100xi32, #tpu.memory_space<hbm>>
      %dma_start3A_434 = tpu.memref_squeeze %dma_start3A_433 : memref<1x1x100xi32, #tpu.memory_space<hbm>> -> memref<1x100xi32, #tpu.memory_space<hbm>>
      %dma_start3A_435 = arith.constant 0 : i32
      %dma_start3A_436 = arith.constant 0 : i32
      %dma_start3A_437 = tpu.memref_slice %arg7[%dma_start3A_426, %dma_start3A_435, %dma_start3A_436] : memref<6x1x100xi32, #tpu.memory_space<vmem>> -> memref<1x1x100xi32, #tpu.memory_space<vmem>>
      %dma_start3A_438 = tpu.memref_squeeze %dma_start3A_437 : memref<1x1x100xi32, #tpu.memory_space<vmem>> -> memref<1x100xi32, #tpu.memory_space<vmem>>
      %dma_start3A_439 = arith.constant 0 : i32
      %dma_start3A_440 = arith.constant 0 : i32
      %dma_start3A_441 = tpu.memref_slice %arg3[%add3A_425, %dma_start3A_439, %dma_start3A_440] : memref<3200x1x100xi32, #tpu.memory_space<hbm>> -> memref<1x1x100xi32, #tpu.memory_space<hbm>>
      %dma_start3A_442 = tpu.memref_squeeze %dma_start3A_441 : memref<1x1x100xi32, #tpu.memory_space<hbm>> -> memref<1x100xi32, #tpu.memory_space<hbm>>
      tpu.enqueue_dma source(%dma_start3A_442 : memref<1x100xi32, #tpu.memory_space<hbm>>) target(%dma_start3A_438 : memref<1x100xi32, #tpu.memory_space<vmem>>) target_semaphore(%arg18 : memref<!tpu.dma_semaphore, #tpu.memory_space<semaphore_mem>>)
      %add3A_443 = arith.addi %mul3A_2, %add3A_424 : i32
      %dma_start3A_444 = arith.constant 5 : i32
      %dma_start3A_445 = arith.constant 0 : i32
      %dma_start3A_446 = arith.constant 0 : i32
      %dma_start3A_447 = tpu.memref_slice %arg8[%dma_start3A_444, %dma_start3A_445, %dma_start3A_446] : memref<6x1x100xi32, #tpu.memory_space<vmem>> -> memref<1x1x100xi32, #tpu.memory_space<vmem>>
      %dma_start3A_448 = tpu.memref_squeeze %dma_start3A_447 : memref<1x1x100xi32, #tpu.memory_space<vmem>> -> memref<1x100xi32, #tpu.memory_space<vmem>>
      %dma_start3A_449 = arith.constant 0 : i32
      %dma_start3A_450 = arith.constant 0 : i32
      %dma_start3A_451 = tpu.memref_slice %arg4[%add3A_443, %dma_start3A_449, %dma_start3A_450] : memref<3200x1x100xi32, #tpu.memory_space<hbm>> -> memref<1x1x100xi32, #tpu.memory_space<hbm>>
      %dma_start3A_452 = tpu.memref_squeeze %dma_start3A_451 : memref<1x1x100xi32, #tpu.memory_space<hbm>> -> memref<1x100xi32, #tpu.memory_space<hbm>>
      %dma_start3A_453 = arith.constant 0 : i32
      %dma_start3A_454 = arith.constant 0 : i32
      %dma_start3A_455 = tpu.memref_slice %arg8[%dma_start3A_444, %dma_start3A_453, %dma_start3A_454] : memref<6x1x100xi32, #tpu.memory_space<vmem>> -> memref<1x1x100xi32, #tpu.memory_space<vmem>>
      %dma_start3A_456 = tpu.memref_squeeze %dma_start3A_455 : memref<1x1x100xi32, #tpu.memory_space<vmem>> -> memref<1x100xi32, #tpu.memory_space<vmem>>
      %dma_start3A_457 = arith.constant 0 : i32
      %dma_start3A_458 = arith.constant 0 : i32
      %dma_start3A_459 = tpu.memref_slice %arg4[%add3A_443, %dma_start3A_457, %dma_start3A_458] : memref<3200x1x100xi32, #tpu.memory_space<hbm>> -> memref<1x1x100xi32, #tpu.memory_space<hbm>>
      %dma_start3A_460 = tpu.memref_squeeze %dma_start3A_459 : memref<1x1x100xi32, #tpu.memory_space<hbm>> -> memref<1x100xi32, #tpu.memory_space<hbm>>
      tpu.enqueue_dma source(%dma_start3A_460 : memref<1x100xi32, #tpu.memory_space<hbm>>) target(%dma_start3A_456 : memref<1x100xi32, #tpu.memory_space<vmem>>) target_semaphore(%arg18 : memref<!tpu.dma_semaphore, #tpu.memory_space<semaphore_mem>>)
    } else {
    }
    %add3A_321 = arith.constant 97 : i32
    %add3A_322 = arith.constant 2 : i32
    %add3A_323 = arith.addi %add3A_321, %add3A_322 : i32
    %lt3A_324 = arith.constant 100 : i32
    %lt3A_325 = arith.cmpi slt, %add3A_323, %lt3A_324 : i32
    %convert_element_type3A_326 = arith.extui %lt3A_325 : i1 to i32
    %cond3A_327 = arith.constant 97 : i32
    %cond3A_328 = arith.constant 0 : i32
    %cond3A_329 = arith.cmpi ne, %convert_element_type3A_326, %cond3A_328 : i32
    scf.if %cond3A_329 {
      %add3A_423 = arith.constant 2 : i32
      %add3A_424 = arith.addi %cond3A_327, %add3A_423 : i32
      %add3A_425 = arith.addi %mul3A_2, %add3A_424 : i32
      %dma_wait3A_426 = arith.constant 3 : i32
      %dma_wait3A_427 = arith.constant 0 : i32
      %dma_wait3A_428 = arith.constant 0 : i32
      %dma_wait3A_429 = tpu.memref_slice %arg7[%dma_wait3A_426, %dma_wait3A_427, %dma_wait3A_428] : memref<6x1x100xi32, #tpu.memory_space<vmem>> -> memref<1x1x100xi32, #tpu.memory_space<vmem>>
      %dma_wait3A_430 = tpu.memref_squeeze %dma_wait3A_429 : memref<1x1x100xi32, #tpu.memory_space<vmem>> -> memref<1x100xi32, #tpu.memory_space<vmem>>
      %dma_wait3A_431 = arith.constant 0 : i32
      %dma_wait3A_432 = arith.constant 0 : i32
      %dma_wait3A_433 = tpu.memref_slice %arg3[%add3A_425, %dma_wait3A_431, %dma_wait3A_432] : memref<3200x1x100xi32, #tpu.memory_space<hbm>> -> memref<1x1x100xi32, #tpu.memory_space<hbm>>
      %dma_wait3A_434 = tpu.memref_squeeze %dma_wait3A_433 : memref<1x1x100xi32, #tpu.memory_space<hbm>> -> memref<1x100xi32, #tpu.memory_space<hbm>>
      %dma_wait3A_435 = arith.constant 0 : i32
      %dma_wait3A_436 = arith.constant 0 : i32
      %dma_wait3A_437 = tpu.memref_slice %arg7[%dma_wait3A_426, %dma_wait3A_435, %dma_wait3A_436] : memref<6x1x100xi32, #tpu.memory_space<vmem>> -> memref<1x1x100xi32, #tpu.memory_space<vmem>>
      %dma_wait3A_438 = tpu.memref_squeeze %dma_wait3A_437 : memref<1x1x100xi32, #tpu.memory_space<vmem>> -> memref<1x100xi32, #tpu.memory_space<vmem>>
      %dma_wait3A_439 = arith.constant 0 : i32
      %dma_wait3A_440 = arith.constant 0 : i32
      %dma_wait3A_441 = tpu.memref_slice %arg3[%add3A_425, %dma_wait3A_439, %dma_wait3A_440] : memref<3200x1x100xi32, #tpu.memory_space<hbm>> -> memref<1x1x100xi32, #tpu.memory_space<hbm>>
      %dma_wait3A_442 = tpu.memref_squeeze %dma_wait3A_441 : memref<1x1x100xi32, #tpu.memory_space<hbm>> -> memref<1x100xi32, #tpu.memory_space<hbm>>
      tpu.wait_dma2 semaphore(%arg16 : memref<!tpu.dma_semaphore, #tpu.memory_space<semaphore_mem>>) src(%dma_wait3A_442 : memref<1x100xi32, #tpu.memory_space<hbm>>) dst(%dma_wait3A_438 : memref<1x100xi32, #tpu.memory_space<vmem>>)
      %add3A_443 = arith.addi %mul3A_2, %add3A_424 : i32
      %dma_wait3A_444 = arith.constant 3 : i32
      %dma_wait3A_445 = arith.constant 0 : i32
      %dma_wait3A_446 = arith.constant 0 : i32
      %dma_wait3A_447 = tpu.memref_slice %arg8[%dma_wait3A_444, %dma_wait3A_445, %dma_wait3A_446] : memref<6x1x100xi32, #tpu.memory_space<vmem>> -> memref<1x1x100xi32, #tpu.memory_space<vmem>>
      %dma_wait3A_448 = tpu.memref_squeeze %dma_wait3A_447 : memref<1x1x100xi32, #tpu.memory_space<vmem>> -> memref<1x100xi32, #tpu.memory_space<vmem>>
      %dma_wait3A_449 = arith.constant 0 : i32
      %dma_wait3A_450 = arith.constant 0 : i32
      %dma_wait3A_451 = tpu.memref_slice %arg4[%add3A_443, %dma_wait3A_449, %dma_wait3A_450] : memref<3200x1x100xi32, #tpu.memory_space<hbm>> -> memref<1x1x100xi32, #tpu.memory_space<hbm>>
      %dma_wait3A_452 = tpu.memref_squeeze %dma_wait3A_451 : memref<1x1x100xi32, #tpu.memory_space<hbm>> -> memref<1x100xi32, #tpu.memory_space<hbm>>
      %dma_wait3A_453 = arith.constant 0 : i32
      %dma_wait3A_454 = arith.constant 0 : i32
      %dma_wait3A_455 = tpu.memref_slice %arg8[%dma_wait3A_444, %dma_wait3A_453, %dma_wait3A_454] : memref<6x1x100xi32, #tpu.memory_space<vmem>> -> memref<1x1x100xi32, #tpu.memory_space<vmem>>
      %dma_wait3A_456 = tpu.memref_squeeze %dma_wait3A_455 : memref<1x1x100xi32, #tpu.memory_space<vmem>> -> memref<1x100xi32, #tpu.memory_space<vmem>>
      %dma_wait3A_457 = arith.constant 0 : i32
      %dma_wait3A_458 = arith.constant 0 : i32
      %dma_wait3A_459 = tpu.memref_slice %arg4[%add3A_443, %dma_wait3A_457, %dma_wait3A_458] : memref<3200x1x100xi32, #tpu.memory_space<hbm>> -> memref<1x1x100xi32, #tpu.memory_space<hbm>>
      %dma_wait3A_460 = tpu.memref_squeeze %dma_wait3A_459 : memref<1x1x100xi32, #tpu.memory_space<hbm>> -> memref<1x100xi32, #tpu.memory_space<hbm>>
      tpu.wait_dma2 semaphore(%arg16 : memref<!tpu.dma_semaphore, #tpu.memory_space<semaphore_mem>>) src(%dma_wait3A_460 : memref<1x100xi32, #tpu.memory_space<hbm>>) dst(%dma_wait3A_456 : memref<1x100xi32, #tpu.memory_space<vmem>>)
      %dma_start3A_461 = arith.constant 3 : i32
      %dma_start3A_462 = arith.constant 0 : i32
      %dma_start3A_463 = arith.constant 0 : i32
      %dma_start3A_464 = tpu.memref_slice %arg7[%dma_start3A_461, %dma_start3A_462, %dma_start3A_463] : memref<6x1x100xi32, #tpu.memory_space<vmem>> -> memref<1x1x100xi32, #tpu.memory_space<vmem>>
      %dma_start3A_465 = tpu.memref_squeeze %dma_start3A_464 : memref<1x1x100xi32, #tpu.memory_space<vmem>> -> memref<100xi32, #tpu.memory_space<vmem>>
      %dma_start3A_466 = arith.constant 0 : i32
      %dma_start3A_467 = arith.constant 0 : i32
      %dma_start3A_468 = tpu.memref_slice %arg2[%dma_start3A_466, %dma_start3A_467] : memref<10000x128xf32, #tpu.memory_space<hbm>> -> memref<10000x128xf32, #tpu.memory_space<hbm>>
      tpu.enqueue_indirect_dma source(%dma_start3A_468 : memref<10000x128xf32, #tpu.memory_space<hbm>>) target(%arg9 : memref<100x128xf32, #tpu.memory_space<vmem>>) offsets(%dma_start3A_465 : memref<100xi32, #tpu.memory_space<vmem>>) semaphore(%arg19 : memref<!tpu.dma_semaphore, #tpu.memory_space<semaphore_mem>>)
    } else {
    }
    %dma_wait3A_330 = arith.constant 2 : i32
    %dma_wait3A_331 = arith.constant 0 : i32
    %dma_wait3A_332 = arith.constant 0 : i32
    %dma_wait3A_333 = tpu.memref_slice %arg7[%dma_wait3A_330, %dma_wait3A_331, %dma_wait3A_332] : memref<6x1x100xi32, #tpu.memory_space<vmem>> -> memref<1x1x100xi32, #tpu.memory_space<vmem>>
    %dma_wait3A_334 = tpu.memref_squeeze %dma_wait3A_333 : memref<1x1x100xi32, #tpu.memory_space<vmem>> -> memref<100xi32, #tpu.memory_space<vmem>>
    %dma_wait3A_335 = arith.constant 0 : i32
    %dma_wait3A_336 = arith.constant 0 : i32
    %dma_wait3A_337 = tpu.memref_slice %arg2[%dma_wait3A_335, %dma_wait3A_336] : memref<10000x128xf32, #tpu.memory_space<hbm>> -> memref<10000x128xf32, #tpu.memory_space<hbm>>
    tpu.wait_indirect_dma semaphore(%arg21 : memref<!tpu.dma_semaphore, #tpu.memory_space<semaphore_mem>>) src(%dma_wait3A_337 : memref<10000x128xf32, #tpu.memory_space<hbm>>) dst(%arg11 : memref<100x128xf32, #tpu.memory_space<vmem>>)
    %gt3A_338 = arith.constant 98 : i32
    %gt3A_339 = arith.constant 0 : i32
    %gt3A_340 = arith.cmpi sgt, %gt3A_338, %gt3A_339 : i32
    %convert_element_type3A_341 = arith.extui %gt3A_340 : i1 to i32
    %cond3A_342 = arith.constant 0 : i32
    %cond3A_343 = arith.cmpi ne, %convert_element_type3A_341, %cond3A_342 : i32
    scf.if %cond3A_343 {
      %dma_wait3A_423 = arith.constant 1 : i32
      %dma_wait3A_424 = arith.constant 0 : i32
      %dma_wait3A_425 = arith.constant 0 : i32
      %dma_wait3A_426 = tpu.memref_slice %arg8[%dma_wait3A_423, %dma_wait3A_424, %dma_wait3A_425] : memref<6x1x100xi32, #tpu.memory_space<vmem>> -> memref<1x1x100xi32, #tpu.memory_space<vmem>>
      %dma_wait3A_427 = tpu.memref_squeeze %dma_wait3A_426 : memref<1x1x100xi32, #tpu.memory_space<vmem>> -> memref<100xi32, #tpu.memory_space<vmem>>
      %dma_wait3A_428 = arith.constant 0 : i32
      %dma_wait3A_429 = arith.constant 0 : i32
      %dma_wait3A_430 = tpu.memref_slice %arg12[%dma_wait3A_428, %dma_wait3A_429] : memref<10112x128xf32, #tpu.memory_space<vmem_shared>> -> memref<10112x128xf32, #tpu.memory_space<vmem_shared>>
      tpu.wait_indirect_dma semaphore(%arg22 : memref<!tpu.dma_semaphore, #tpu.memory_space<semaphore_mem>>) src(%arg10 : memref<100x128xf32, #tpu.memory_space<vmem>>) dst(%dma_wait3A_430 : memref<10112x128xf32, #tpu.memory_space<vmem_shared>>)
    } else {
    }
    %dma_start3A_344 = arith.constant 2 : i32
    %dma_start3A_345 = arith.constant 0 : i32
    %dma_start3A_346 = arith.constant 0 : i32
    %dma_start3A_347 = tpu.memref_slice %arg8[%dma_start3A_344, %dma_start3A_345, %dma_start3A_346] : memref<6x1x100xi32, #tpu.memory_space<vmem>> -> memref<1x1x100xi32, #tpu.memory_space<vmem>>
    %dma_start3A_348 = tpu.memref_squeeze %dma_start3A_347 : memref<1x1x100xi32, #tpu.memory_space<vmem>> -> memref<100xi32, #tpu.memory_space<vmem>>
    %dma_start3A_349 = arith.constant 0 : i32
    %dma_start3A_350 = arith.constant 0 : i32
    %dma_start3A_351 = tpu.memref_slice %arg12[%dma_start3A_349, %dma_start3A_350] : memref<10112x128xf32, #tpu.memory_space<vmem_shared>> -> memref<10112x128xf32, #tpu.memory_space<vmem_shared>>
    tpu.enqueue_indirect_dma source(%arg11 : memref<100x128xf32, #tpu.memory_space<vmem>>) target(%dma_start3A_351 : memref<10112x128xf32, #tpu.memory_space<vmem_shared>>) offsets(%dma_start3A_348 : memref<100xi32, #tpu.memory_space<vmem>>) semaphore(%arg22 : memref<!tpu.dma_semaphore, #tpu.memory_space<semaphore_mem>>) {add = true}
    %add3A_352 = arith.constant 98 : i32
    %add3A_353 = arith.constant 4 : i32
    %add3A_354 = arith.addi %add3A_352, %add3A_353 : i32
    %lt3A_355 = arith.constant 100 : i32
    %lt3A_356 = arith.cmpi slt, %add3A_354, %lt3A_355 : i32
    %convert_element_type3A_357 = arith.extui %lt3A_356 : i1 to i32
    %cond3A_358 = arith.constant 98 : i32
    %cond3A_359 = arith.constant 0 : i32
    %cond3A_360 = arith.cmpi ne, %convert_element_type3A_357, %cond3A_359 : i32
    scf.if %cond3A_360 {
      %add3A_423 = arith.constant 4 : i32
      %add3A_424 = arith.addi %cond3A_358, %add3A_423 : i32
      %add3A_425 = arith.addi %mul3A_2, %add3A_424 : i32
      %dma_start3A_426 = arith.constant 0 : i32
      %dma_start3A_427 = arith.constant 0 : i32
      %dma_start3A_428 = arith.constant 0 : i32
      %dma_start3A_429 = tpu.memref_slice %arg7[%dma_start3A_426, %dma_start3A_427, %dma_start3A_428] : memref<6x1x100xi32, #tpu.memory_space<vmem>> -> memref<1x1x100xi32, #tpu.memory_space<vmem>>
      %dma_start3A_430 = tpu.memref_squeeze %dma_start3A_429 : memref<1x1x100xi32, #tpu.memory_space<vmem>> -> memref<1x100xi32, #tpu.memory_space<vmem>>
      %dma_start3A_431 = arith.constant 0 : i32
      %dma_start3A_432 = arith.constant 0 : i32
      %dma_start3A_433 = tpu.memref_slice %arg3[%add3A_425, %dma_start3A_431, %dma_start3A_432] : memref<3200x1x100xi32, #tpu.memory_space<hbm>> -> memref<1x1x100xi32, #tpu.memory_space<hbm>>
      %dma_start3A_434 = tpu.memref_squeeze %dma_start3A_433 : memref<1x1x100xi32, #tpu.memory_space<hbm>> -> memref<1x100xi32, #tpu.memory_space<hbm>>
      %dma_start3A_435 = arith.constant 0 : i32
      %dma_start3A_436 = arith.constant 0 : i32
      %dma_start3A_437 = tpu.memref_slice %arg7[%dma_start3A_426, %dma_start3A_435, %dma_start3A_436] : memref<6x1x100xi32, #tpu.memory_space<vmem>> -> memref<1x1x100xi32, #tpu.memory_space<vmem>>
      %dma_start3A_438 = tpu.memref_squeeze %dma_start3A_437 : memref<1x1x100xi32, #tpu.memory_space<vmem>> -> memref<1x100xi32, #tpu.memory_space<vmem>>
      %dma_start3A_439 = arith.constant 0 : i32
      %dma_start3A_440 = arith.constant 0 : i32
      %dma_start3A_441 = tpu.memref_slice %arg3[%add3A_425, %dma_start3A_439, %dma_start3A_440] : memref<3200x1x100xi32, #tpu.memory_space<hbm>> -> memref<1x1x100xi32, #tpu.memory_space<hbm>>
      %dma_start3A_442 = tpu.memref_squeeze %dma_start3A_441 : memref<1x1x100xi32, #tpu.memory_space<hbm>> -> memref<1x100xi32, #tpu.memory_space<hbm>>
      tpu.enqueue_dma source(%dma_start3A_442 : memref<1x100xi32, #tpu.memory_space<hbm>>) target(%dma_start3A_438 : memref<1x100xi32, #tpu.memory_space<vmem>>) target_semaphore(%arg13 : memref<!tpu.dma_semaphore, #tpu.memory_space<semaphore_mem>>)
      %add3A_443 = arith.addi %mul3A_2, %add3A_424 : i32
      %dma_start3A_444 = arith.constant 0 : i32
      %dma_start3A_445 = arith.constant 0 : i32
      %dma_start3A_446 = arith.constant 0 : i32
      %dma_start3A_447 = tpu.memref_slice %arg8[%dma_start3A_444, %dma_start3A_445, %dma_start3A_446] : memref<6x1x100xi32, #tpu.memory_space<vmem>> -> memref<1x1x100xi32, #tpu.memory_space<vmem>>
      %dma_start3A_448 = tpu.memref_squeeze %dma_start3A_447 : memref<1x1x100xi32, #tpu.memory_space<vmem>> -> memref<1x100xi32, #tpu.memory_space<vmem>>
      %dma_start3A_449 = arith.constant 0 : i32
      %dma_start3A_450 = arith.constant 0 : i32
      %dma_start3A_451 = tpu.memref_slice %arg4[%add3A_443, %dma_start3A_449, %dma_start3A_450] : memref<3200x1x100xi32, #tpu.memory_space<hbm>> -> memref<1x1x100xi32, #tpu.memory_space<hbm>>
      %dma_start3A_452 = tpu.memref_squeeze %dma_start3A_451 : memref<1x1x100xi32, #tpu.memory_space<hbm>> -> memref<1x100xi32, #tpu.memory_space<hbm>>
      %dma_start3A_453 = arith.constant 0 : i32
      %dma_start3A_454 = arith.constant 0 : i32
      %dma_start3A_455 = tpu.memref_slice %arg8[%dma_start3A_444, %dma_start3A_453, %dma_start3A_454] : memref<6x1x100xi32, #tpu.memory_space<vmem>> -> memref<1x1x100xi32, #tpu.memory_space<vmem>>
      %dma_start3A_456 = tpu.memref_squeeze %dma_start3A_455 : memref<1x1x100xi32, #tpu.memory_space<vmem>> -> memref<1x100xi32, #tpu.memory_space<vmem>>
      %dma_start3A_457 = arith.constant 0 : i32
      %dma_start3A_458 = arith.constant 0 : i32
      %dma_start3A_459 = tpu.memref_slice %arg4[%add3A_443, %dma_start3A_457, %dma_start3A_458] : memref<3200x1x100xi32, #tpu.memory_space<hbm>> -> memref<1x1x100xi32, #tpu.memory_space<hbm>>
      %dma_start3A_460 = tpu.memref_squeeze %dma_start3A_459 : memref<1x1x100xi32, #tpu.memory_space<hbm>> -> memref<1x100xi32, #tpu.memory_space<hbm>>
      tpu.enqueue_dma source(%dma_start3A_460 : memref<1x100xi32, #tpu.memory_space<hbm>>) target(%dma_start3A_456 : memref<1x100xi32, #tpu.memory_space<vmem>>) target_semaphore(%arg13 : memref<!tpu.dma_semaphore, #tpu.memory_space<semaphore_mem>>)
    } else {
    }
    %add3A_361 = arith.constant 98 : i32
    %add3A_362 = arith.constant 2 : i32
    %add3A_363 = arith.addi %add3A_361, %add3A_362 : i32
    %lt3A_364 = arith.constant 100 : i32
    %lt3A_365 = arith.cmpi slt, %add3A_363, %lt3A_364 : i32
    %convert_element_type3A_366 = arith.extui %lt3A_365 : i1 to i32
    %cond3A_367 = arith.constant 98 : i32
    %cond3A_368 = arith.constant 0 : i32
    %cond3A_369 = arith.cmpi ne, %convert_element_type3A_366, %cond3A_368 : i32
    scf.if %cond3A_369 {
      %add3A_423 = arith.constant 2 : i32
      %add3A_424 = arith.addi %cond3A_367, %add3A_423 : i32
      %add3A_425 = arith.addi %mul3A_2, %add3A_424 : i32
      %dma_wait3A_426 = arith.constant 4 : i32
      %dma_wait3A_427 = arith.constant 0 : i32
      %dma_wait3A_428 = arith.constant 0 : i32
      %dma_wait3A_429 = tpu.memref_slice %arg7[%dma_wait3A_426, %dma_wait3A_427, %dma_wait3A_428] : memref<6x1x100xi32, #tpu.memory_space<vmem>> -> memref<1x1x100xi32, #tpu.memory_space<vmem>>
      %dma_wait3A_430 = tpu.memref_squeeze %dma_wait3A_429 : memref<1x1x100xi32, #tpu.memory_space<vmem>> -> memref<1x100xi32, #tpu.memory_space<vmem>>
      %dma_wait3A_431 = arith.constant 0 : i32
      %dma_wait3A_432 = arith.constant 0 : i32
      %dma_wait3A_433 = tpu.memref_slice %arg3[%add3A_425, %dma_wait3A_431, %dma_wait3A_432] : memref<3200x1x100xi32, #tpu.memory_space<hbm>> -> memref<1x1x100xi32, #tpu.memory_space<hbm>>
      %dma_wait3A_434 = tpu.memref_squeeze %dma_wait3A_433 : memref<1x1x100xi32, #tpu.memory_space<hbm>> -> memref<1x100xi32, #tpu.memory_space<hbm>>
      %dma_wait3A_435 = arith.constant 0 : i32
      %dma_wait3A_436 = arith.constant 0 : i32
      %dma_wait3A_437 = tpu.memref_slice %arg7[%dma_wait3A_426, %dma_wait3A_435, %dma_wait3A_436] : memref<6x1x100xi32, #tpu.memory_space<vmem>> -> memref<1x1x100xi32, #tpu.memory_space<vmem>>
      %dma_wait3A_438 = tpu.memref_squeeze %dma_wait3A_437 : memref<1x1x100xi32, #tpu.memory_space<vmem>> -> memref<1x100xi32, #tpu.memory_space<vmem>>
      %dma_wait3A_439 = arith.constant 0 : i32
      %dma_wait3A_440 = arith.constant 0 : i32
      %dma_wait3A_441 = tpu.memref_slice %arg3[%add3A_425, %dma_wait3A_439, %dma_wait3A_440] : memref<3200x1x100xi32, #tpu.memory_space<hbm>> -> memref<1x1x100xi32, #tpu.memory_space<hbm>>
      %dma_wait3A_442 = tpu.memref_squeeze %dma_wait3A_441 : memref<1x1x100xi32, #tpu.memory_space<hbm>> -> memref<1x100xi32, #tpu.memory_space<hbm>>
      tpu.wait_dma2 semaphore(%arg17 : memref<!tpu.dma_semaphore, #tpu.memory_space<semaphore_mem>>) src(%dma_wait3A_442 : memref<1x100xi32, #tpu.memory_space<hbm>>) dst(%dma_wait3A_438 : memref<1x100xi32, #tpu.memory_space<vmem>>)
      %add3A_443 = arith.addi %mul3A_2, %add3A_424 : i32
      %dma_wait3A_444 = arith.constant 4 : i32
      %dma_wait3A_445 = arith.constant 0 : i32
      %dma_wait3A_446 = arith.constant 0 : i32
      %dma_wait3A_447 = tpu.memref_slice %arg8[%dma_wait3A_444, %dma_wait3A_445, %dma_wait3A_446] : memref<6x1x100xi32, #tpu.memory_space<vmem>> -> memref<1x1x100xi32, #tpu.memory_space<vmem>>
      %dma_wait3A_448 = tpu.memref_squeeze %dma_wait3A_447 : memref<1x1x100xi32, #tpu.memory_space<vmem>> -> memref<1x100xi32, #tpu.memory_space<vmem>>
      %dma_wait3A_449 = arith.constant 0 : i32
      %dma_wait3A_450 = arith.constant 0 : i32
      %dma_wait3A_451 = tpu.memref_slice %arg4[%add3A_443, %dma_wait3A_449, %dma_wait3A_450] : memref<3200x1x100xi32, #tpu.memory_space<hbm>> -> memref<1x1x100xi32, #tpu.memory_space<hbm>>
      %dma_wait3A_452 = tpu.memref_squeeze %dma_wait3A_451 : memref<1x1x100xi32, #tpu.memory_space<hbm>> -> memref<1x100xi32, #tpu.memory_space<hbm>>
      %dma_wait3A_453 = arith.constant 0 : i32
      %dma_wait3A_454 = arith.constant 0 : i32
      %dma_wait3A_455 = tpu.memref_slice %arg8[%dma_wait3A_444, %dma_wait3A_453, %dma_wait3A_454] : memref<6x1x100xi32, #tpu.memory_space<vmem>> -> memref<1x1x100xi32, #tpu.memory_space<vmem>>
      %dma_wait3A_456 = tpu.memref_squeeze %dma_wait3A_455 : memref<1x1x100xi32, #tpu.memory_space<vmem>> -> memref<1x100xi32, #tpu.memory_space<vmem>>
      %dma_wait3A_457 = arith.constant 0 : i32
      %dma_wait3A_458 = arith.constant 0 : i32
      %dma_wait3A_459 = tpu.memref_slice %arg4[%add3A_443, %dma_wait3A_457, %dma_wait3A_458] : memref<3200x1x100xi32, #tpu.memory_space<hbm>> -> memref<1x1x100xi32, #tpu.memory_space<hbm>>
      %dma_wait3A_460 = tpu.memref_squeeze %dma_wait3A_459 : memref<1x1x100xi32, #tpu.memory_space<hbm>> -> memref<1x100xi32, #tpu.memory_space<hbm>>
      tpu.wait_dma2 semaphore(%arg17 : memref<!tpu.dma_semaphore, #tpu.memory_space<semaphore_mem>>) src(%dma_wait3A_460 : memref<1x100xi32, #tpu.memory_space<hbm>>) dst(%dma_wait3A_456 : memref<1x100xi32, #tpu.memory_space<vmem>>)
      %dma_start3A_461 = arith.constant 4 : i32
      %dma_start3A_462 = arith.constant 0 : i32
      %dma_start3A_463 = arith.constant 0 : i32
      %dma_start3A_464 = tpu.memref_slice %arg7[%dma_start3A_461, %dma_start3A_462, %dma_start3A_463] : memref<6x1x100xi32, #tpu.memory_space<vmem>> -> memref<1x1x100xi32, #tpu.memory_space<vmem>>
      %dma_start3A_465 = tpu.memref_squeeze %dma_start3A_464 : memref<1x1x100xi32, #tpu.memory_space<vmem>> -> memref<100xi32, #tpu.memory_space<vmem>>
      %dma_start3A_466 = arith.constant 0 : i32
      %dma_start3A_467 = arith.constant 0 : i32
      %dma_start3A_468 = tpu.memref_slice %arg2[%dma_start3A_466, %dma_start3A_467] : memref<10000x128xf32, #tpu.memory_space<hbm>> -> memref<10000x128xf32, #tpu.memory_space<hbm>>
      tpu.enqueue_indirect_dma source(%dma_start3A_468 : memref<10000x128xf32, #tpu.memory_space<hbm>>) target(%arg10 : memref<100x128xf32, #tpu.memory_space<vmem>>) offsets(%dma_start3A_465 : memref<100xi32, #tpu.memory_space<vmem>>) semaphore(%arg20 : memref<!tpu.dma_semaphore, #tpu.memory_space<semaphore_mem>>)
    } else {
    }
    %dma_wait3A_370 = arith.constant 3 : i32
    %dma_wait3A_371 = arith.constant 0 : i32
    %dma_wait3A_372 = arith.constant 0 : i32
    %dma_wait3A_373 = tpu.memref_slice %arg7[%dma_wait3A_370, %dma_wait3A_371, %dma_wait3A_372] : memref<6x1x100xi32, #tpu.memory_space<vmem>> -> memref<1x1x100xi32, #tpu.memory_space<vmem>>
    %dma_wait3A_374 = tpu.memref_squeeze %dma_wait3A_373 : memref<1x1x100xi32, #tpu.memory_space<vmem>> -> memref<100xi32, #tpu.memory_space<vmem>>
    %dma_wait3A_375 = arith.constant 0 : i32
    %dma_wait3A_376 = arith.constant 0 : i32
    %dma_wait3A_377 = tpu.memref_slice %arg2[%dma_wait3A_375, %dma_wait3A_376] : memref<10000x128xf32, #tpu.memory_space<hbm>> -> memref<10000x128xf32, #tpu.memory_space<hbm>>
    tpu.wait_indirect_dma semaphore(%arg19 : memref<!tpu.dma_semaphore, #tpu.memory_space<semaphore_mem>>) src(%dma_wait3A_377 : memref<10000x128xf32, #tpu.memory_space<hbm>>) dst(%arg9 : memref<100x128xf32, #tpu.memory_space<vmem>>)
    %gt3A_378 = arith.constant 99 : i32
    %gt3A_379 = arith.constant 0 : i32
    %gt3A_380 = arith.cmpi sgt, %gt3A_378, %gt3A_379 : i32
    %convert_element_type3A_381 = arith.extui %gt3A_380 : i1 to i32
    %cond3A_382 = arith.constant 0 : i32
    %cond3A_383 = arith.cmpi ne, %convert_element_type3A_381, %cond3A_382 : i32
    scf.if %cond3A_383 {
      %dma_wait3A_423 = arith.constant 2 : i32
      %dma_wait3A_424 = arith.constant 0 : i32
      %dma_wait3A_425 = arith.constant 0 : i32
      %dma_wait3A_426 = tpu.memref_slice %arg8[%dma_wait3A_423, %dma_wait3A_424, %dma_wait3A_425] : memref<6x1x100xi32, #tpu.memory_space<vmem>> -> memref<1x1x100xi32, #tpu.memory_space<vmem>>
      %dma_wait3A_427 = tpu.memref_squeeze %dma_wait3A_426 : memref<1x1x100xi32, #tpu.memory_space<vmem>> -> memref<100xi32, #tpu.memory_space<vmem>>
      %dma_wait3A_428 = arith.constant 0 : i32
      %dma_wait3A_429 = arith.constant 0 : i32
      %dma_wait3A_430 = tpu.memref_slice %arg12[%dma_wait3A_428, %dma_wait3A_429] : memref<10112x128xf32, #tpu.memory_space<vmem_shared>> -> memref<10112x128xf32, #tpu.memory_space<vmem_shared>>
      tpu.wait_indirect_dma semaphore(%arg22 : memref<!tpu.dma_semaphore, #tpu.memory_space<semaphore_mem>>) src(%arg11 : memref<100x128xf32, #tpu.memory_space<vmem>>) dst(%dma_wait3A_430 : memref<10112x128xf32, #tpu.memory_space<vmem_shared>>)
    } else {
    }
    %dma_start3A_384 = arith.constant 3 : i32
    %dma_start3A_385 = arith.constant 0 : i32
    %dma_start3A_386 = arith.constant 0 : i32
    %dma_start3A_387 = tpu.memref_slice %arg8[%dma_start3A_384, %dma_start3A_385, %dma_start3A_386] : memref<6x1x100xi32, #tpu.memory_space<vmem>> -> memref<1x1x100xi32, #tpu.memory_space<vmem>>
    %dma_start3A_388 = tpu.memref_squeeze %dma_start3A_387 : memref<1x1x100xi32, #tpu.memory_space<vmem>> -> memref<100xi32, #tpu.memory_space<vmem>>
    %dma_start3A_389 = arith.constant 0 : i32
    %dma_start3A_390 = arith.constant 0 : i32
    %dma_start3A_391 = tpu.memref_slice %arg12[%dma_start3A_389, %dma_start3A_390] : memref<10112x128xf32, #tpu.memory_space<vmem_shared>> -> memref<10112x128xf32, #tpu.memory_space<vmem_shared>>
    tpu.enqueue_indirect_dma source(%arg9 : memref<100x128xf32, #tpu.memory_space<vmem>>) target(%dma_start3A_391 : memref<10112x128xf32, #tpu.memory_space<vmem_shared>>) offsets(%dma_start3A_388 : memref<100xi32, #tpu.memory_space<vmem>>) semaphore(%arg22 : memref<!tpu.dma_semaphore, #tpu.memory_space<semaphore_mem>>) {add = true}
    %add3A_392 = arith.constant 99 : i32
    %add3A_393 = arith.constant 4 : i32
    %add3A_394 = arith.addi %add3A_392, %add3A_393 : i32
    %lt3A_395 = arith.constant 100 : i32
    %lt3A_396 = arith.cmpi slt, %add3A_394, %lt3A_395 : i32
    %convert_element_type3A_397 = arith.extui %lt3A_396 : i1 to i32
    %cond3A_398 = arith.constant 99 : i32
    %cond3A_399 = arith.constant 0 : i32
    %cond3A_400 = arith.cmpi ne, %convert_element_type3A_397, %cond3A_399 : i32
    scf.if %cond3A_400 {
      %add3A_423 = arith.constant 4 : i32
      %add3A_424 = arith.addi %cond3A_398, %add3A_423 : i32
      %add3A_425 = arith.addi %mul3A_2, %add3A_424 : i32
      %dma_start3A_426 = arith.constant 1 : i32
      %dma_start3A_427 = arith.constant 0 : i32
      %dma_start3A_428 = arith.constant 0 : i32
      %dma_start3A_429 = tpu.memref_slice %arg7[%dma_start3A_426, %dma_start3A_427, %dma_start3A_428] : memref<6x1x100xi32, #tpu.memory_space<vmem>> -> memref<1x1x100xi32, #tpu.memory_space<vmem>>
      %dma_start3A_430 = tpu.memref_squeeze %dma_start3A_429 : memref<1x1x100xi32, #tpu.memory_space<vmem>> -> memref<1x100xi32, #tpu.memory_space<vmem>>
      %dma_start3A_431 = arith.constant 0 : i32
      %dma_start3A_432 = arith.constant 0 : i32
      %dma_start3A_433 = tpu.memref_slice %arg3[%add3A_425, %dma_start3A_431, %dma_start3A_432] : memref<3200x1x100xi32, #tpu.memory_space<hbm>> -> memref<1x1x100xi32, #tpu.memory_space<hbm>>
      %dma_start3A_434 = tpu.memref_squeeze %dma_start3A_433 : memref<1x1x100xi32, #tpu.memory_space<hbm>> -> memref<1x100xi32, #tpu.memory_space<hbm>>
      %dma_start3A_435 = arith.constant 0 : i32
      %dma_start3A_436 = arith.constant 0 : i32
      %dma_start3A_437 = tpu.memref_slice %arg7[%dma_start3A_426, %dma_start3A_435, %dma_start3A_436] : memref<6x1x100xi32, #tpu.memory_space<vmem>> -> memref<1x1x100xi32, #tpu.memory_space<vmem>>
      %dma_start3A_438 = tpu.memref_squeeze %dma_start3A_437 : memref<1x1x100xi32, #tpu.memory_space<vmem>> -> memref<1x100xi32, #tpu.memory_space<vmem>>
      %dma_start3A_439 = arith.constant 0 : i32
      %dma_start3A_440 = arith.constant 0 : i32
      %dma_start3A_441 = tpu.memref_slice %arg3[%add3A_425, %dma_start3A_439, %dma_start3A_440] : memref<3200x1x100xi32, #tpu.memory_space<hbm>> -> memref<1x1x100xi32, #tpu.memory_space<hbm>>
      %dma_start3A_442 = tpu.memref_squeeze %dma_start3A_441 : memref<1x1x100xi32, #tpu.memory_space<hbm>> -> memref<1x100xi32, #tpu.memory_space<hbm>>
      tpu.enqueue_dma source(%dma_start3A_442 : memref<1x100xi32, #tpu.memory_space<hbm>>) target(%dma_start3A_438 : memref<1x100xi32, #tpu.memory_space<vmem>>) target_semaphore(%arg14 : memref<!tpu.dma_semaphore, #tpu.memory_space<semaphore_mem>>)
      %add3A_443 = arith.addi %mul3A_2, %add3A_424 : i32
      %dma_start3A_444 = arith.constant 1 : i32
      %dma_start3A_445 = arith.constant 0 : i32
      %dma_start3A_446 = arith.constant 0 : i32
      %dma_start3A_447 = tpu.memref_slice %arg8[%dma_start3A_444, %dma_start3A_445, %dma_start3A_446] : memref<6x1x100xi32, #tpu.memory_space<vmem>> -> memref<1x1x100xi32, #tpu.memory_space<vmem>>
      %dma_start3A_448 = tpu.memref_squeeze %dma_start3A_447 : memref<1x1x100xi32, #tpu.memory_space<vmem>> -> memref<1x100xi32, #tpu.memory_space<vmem>>
      %dma_start3A_449 = arith.constant 0 : i32
      %dma_start3A_450 = arith.constant 0 : i32
      %dma_start3A_451 = tpu.memref_slice %arg4[%add3A_443, %dma_start3A_449, %dma_start3A_450] : memref<3200x1x100xi32, #tpu.memory_space<hbm>> -> memref<1x1x100xi32, #tpu.memory_space<hbm>>
      %dma_start3A_452 = tpu.memref_squeeze %dma_start3A_451 : memref<1x1x100xi32, #tpu.memory_space<hbm>> -> memref<1x100xi32, #tpu.memory_space<hbm>>
      %dma_start3A_453 = arith.constant 0 : i32
      %dma_start3A_454 = arith.constant 0 : i32
      %dma_start3A_455 = tpu.memref_slice %arg8[%dma_start3A_444, %dma_start3A_453, %dma_start3A_454] : memref<6x1x100xi32, #tpu.memory_space<vmem>> -> memref<1x1x100xi32, #tpu.memory_space<vmem>>
      %dma_start3A_456 = tpu.memref_squeeze %dma_start3A_455 : memref<1x1x100xi32, #tpu.memory_space<vmem>> -> memref<1x100xi32, #tpu.memory_space<vmem>>
      %dma_start3A_457 = arith.constant 0 : i32
      %dma_start3A_458 = arith.constant 0 : i32
      %dma_start3A_459 = tpu.memref_slice %arg4[%add3A_443, %dma_start3A_457, %dma_start3A_458] : memref<3200x1x100xi32, #tpu.memory_space<hbm>> -> memref<1x1x100xi32, #tpu.memory_space<hbm>>
      %dma_start3A_460 = tpu.memref_squeeze %dma_start3A_459 : memref<1x1x100xi32, #tpu.memory_space<hbm>> -> memref<1x100xi32, #tpu.memory_space<hbm>>
      tpu.enqueue_dma source(%dma_start3A_460 : memref<1x100xi32, #tpu.memory_space<hbm>>) target(%dma_start3A_456 : memref<1x100xi32, #tpu.memory_space<vmem>>) target_semaphore(%arg14 : memref<!tpu.dma_semaphore, #tpu.memory_space<semaphore_mem>>)
    } else {
    }
    %add3A_401 = arith.constant 99 : i32
    %add3A_402 = arith.constant 2 : i32
    %add3A_403 = arith.addi %add3A_401, %add3A_402 : i32
    %lt3A_404 = arith.constant 100 : i32
    %lt3A_405 = arith.cmpi slt, %add3A_403, %lt3A_404 : i32
    %convert_element_type3A_406 = arith.extui %lt3A_405 : i1 to i32
    %cond3A_407 = arith.constant 99 : i32
    %cond3A_408 = arith.constant 0 : i32
    %cond3A_409 = arith.cmpi ne, %convert_element_type3A_406, %cond3A_408 : i32
    scf.if %cond3A_409 {
      %add3A_423 = arith.constant 2 : i32
      %add3A_424 = arith.addi %cond3A_407, %add3A_423 : i32
      %add3A_425 = arith.addi %mul3A_2, %add3A_424 : i32
      %dma_wait3A_426 = arith.constant 5 : i32
      %dma_wait3A_427 = arith.constant 0 : i32
      %dma_wait3A_428 = arith.constant 0 : i32
      %dma_wait3A_429 = tpu.memref_slice %arg7[%dma_wait3A_426, %dma_wait3A_427, %dma_wait3A_428] : memref<6x1x100xi32, #tpu.memory_space<vmem>> -> memref<1x1x100xi32, #tpu.memory_space<vmem>>
      %dma_wait3A_430 = tpu.memref_squeeze %dma_wait3A_429 : memref<1x1x100xi32, #tpu.memory_space<vmem>> -> memref<1x100xi32, #tpu.memory_space<vmem>>
      %dma_wait3A_431 = arith.constant 0 : i32
      %dma_wait3A_432 = arith.constant 0 : i32
      %dma_wait3A_433 = tpu.memref_slice %arg3[%add3A_425, %dma_wait3A_431, %dma_wait3A_432] : memref<3200x1x100xi32, #tpu.memory_space<hbm>> -> memref<1x1x100xi32, #tpu.memory_space<hbm>>
      %dma_wait3A_434 = tpu.memref_squeeze %dma_wait3A_433 : memref<1x1x100xi32, #tpu.memory_space<hbm>> -> memref<1x100xi32, #tpu.memory_space<hbm>>
      %dma_wait3A_435 = arith.constant 0 : i32
      %dma_wait3A_436 = arith.constant 0 : i32
      %dma_wait3A_437 = tpu.memref_slice %arg7[%dma_wait3A_426, %dma_wait3A_435, %dma_wait3A_436] : memref<6x1x100xi32, #tpu.memory_space<vmem>> -> memref<1x1x100xi32, #tpu.memory_space<vmem>>
      %dma_wait3A_438 = tpu.memref_squeeze %dma_wait3A_437 : memref<1x1x100xi32, #tpu.memory_space<vmem>> -> memref<1x100xi32, #tpu.memory_space<vmem>>
      %dma_wait3A_439 = arith.constant 0 : i32
      %dma_wait3A_440 = arith.constant 0 : i32
      %dma_wait3A_441 = tpu.memref_slice %arg3[%add3A_425, %dma_wait3A_439, %dma_wait3A_440] : memref<3200x1x100xi32, #tpu.memory_space<hbm>> -> memref<1x1x100xi32, #tpu.memory_space<hbm>>
      %dma_wait3A_442 = tpu.memref_squeeze %dma_wait3A_441 : memref<1x1x100xi32, #tpu.memory_space<hbm>> -> memref<1x100xi32, #tpu.memory_space<hbm>>
      tpu.wait_dma2 semaphore(%arg18 : memref<!tpu.dma_semaphore, #tpu.memory_space<semaphore_mem>>) src(%dma_wait3A_442 : memref<1x100xi32, #tpu.memory_space<hbm>>) dst(%dma_wait3A_438 : memref<1x100xi32, #tpu.memory_space<vmem>>)
      %add3A_443 = arith.addi %mul3A_2, %add3A_424 : i32
      %dma_wait3A_444 = arith.constant 5 : i32
      %dma_wait3A_445 = arith.constant 0 : i32
      %dma_wait3A_446 = arith.constant 0 : i32
      %dma_wait3A_447 = tpu.memref_slice %arg8[%dma_wait3A_444, %dma_wait3A_445, %dma_wait3A_446] : memref<6x1x100xi32, #tpu.memory_space<vmem>> -> memref<1x1x100xi32, #tpu.memory_space<vmem>>
      %dma_wait3A_448 = tpu.memref_squeeze %dma_wait3A_447 : memref<1x1x100xi32, #tpu.memory_space<vmem>> -> memref<1x100xi32, #tpu.memory_space<vmem>>
      %dma_wait3A_449 = arith.constant 0 : i32
      %dma_wait3A_450 = arith.constant 0 : i32
      %dma_wait3A_451 = tpu.memref_slice %arg4[%add3A_443, %dma_wait3A_449, %dma_wait3A_450] : memref<3200x1x100xi32, #tpu.memory_space<hbm>> -> memref<1x1x100xi32, #tpu.memory_space<hbm>>
      %dma_wait3A_452 = tpu.memref_squeeze %dma_wait3A_451 : memref<1x1x100xi32, #tpu.memory_space<hbm>> -> memref<1x100xi32, #tpu.memory_space<hbm>>
      %dma_wait3A_453 = arith.constant 0 : i32
      %dma_wait3A_454 = arith.constant 0 : i32
      %dma_wait3A_455 = tpu.memref_slice %arg8[%dma_wait3A_444, %dma_wait3A_453, %dma_wait3A_454] : memref<6x1x100xi32, #tpu.memory_space<vmem>> -> memref<1x1x100xi32, #tpu.memory_space<vmem>>
      %dma_wait3A_456 = tpu.memref_squeeze %dma_wait3A_455 : memref<1x1x100xi32, #tpu.memory_space<vmem>> -> memref<1x100xi32, #tpu.memory_space<vmem>>
      %dma_wait3A_457 = arith.constant 0 : i32
      %dma_wait3A_458 = arith.constant 0 : i32
      %dma_wait3A_459 = tpu.memref_slice %arg4[%add3A_443, %dma_wait3A_457, %dma_wait3A_458] : memref<3200x1x100xi32, #tpu.memory_space<hbm>> -> memref<1x1x100xi32, #tpu.memory_space<hbm>>
      %dma_wait3A_460 = tpu.memref_squeeze %dma_wait3A_459 : memref<1x1x100xi32, #tpu.memory_space<hbm>> -> memref<1x100xi32, #tpu.memory_space<hbm>>
      tpu.wait_dma2 semaphore(%arg18 : memref<!tpu.dma_semaphore, #tpu.memory_space<semaphore_mem>>) src(%dma_wait3A_460 : memref<1x100xi32, #tpu.memory_space<hbm>>) dst(%dma_wait3A_456 : memref<1x100xi32, #tpu.memory_space<vmem>>)
      %dma_start3A_461 = arith.constant 5 : i32
      %dma_start3A_462 = arith.constant 0 : i32
      %dma_start3A_463 = arith.constant 0 : i32
      %dma_start3A_464 = tpu.memref_slice %arg7[%dma_start3A_461, %dma_start3A_462, %dma_start3A_463] : memref<6x1x100xi32, #tpu.memory_space<vmem>> -> memref<1x1x100xi32, #tpu.memory_space<vmem>>
      %dma_start3A_465 = tpu.memref_squeeze %dma_start3A_464 : memref<1x1x100xi32, #tpu.memory_space<vmem>> -> memref<100xi32, #tpu.memory_space<vmem>>
      %dma_start3A_466 = arith.constant 0 : i32
      %dma_start3A_467 = arith.constant 0 : i32
      %dma_start3A_468 = tpu.memref_slice %arg2[%dma_start3A_466, %dma_start3A_467] : memref<10000x128xf32, #tpu.memory_space<hbm>> -> memref<10000x128xf32, #tpu.memory_space<hbm>>
      tpu.enqueue_indirect_dma source(%dma_start3A_468 : memref<10000x128xf32, #tpu.memory_space<hbm>>) target(%arg11 : memref<100x128xf32, #tpu.memory_space<vmem>>) offsets(%dma_start3A_465 : memref<100xi32, #tpu.memory_space<vmem>>) semaphore(%arg21 : memref<!tpu.dma_semaphore, #tpu.memory_space<semaphore_mem>>)
    } else {
    }
    %dma_wait3A_410 = arith.constant 3 : i32
    %dma_wait3A_411 = arith.constant 0 : i32
    %dma_wait3A_412 = arith.constant 0 : i32
    %dma_wait3A_413 = tpu.memref_slice %arg8[%dma_wait3A_410, %dma_wait3A_411, %dma_wait3A_412] : memref<6x1x100xi32, #tpu.memory_space<vmem>> -> memref<1x1x100xi32, #tpu.memory_space<vmem>>
    %dma_wait3A_414 = tpu.memref_squeeze %dma_wait3A_413 : memref<1x1x100xi32, #tpu.memory_space<vmem>> -> memref<100xi32, #tpu.memory_space<vmem>>
    %dma_wait3A_415 = arith.constant 0 : i32
    %dma_wait3A_416 = arith.constant 0 : i32
    %dma_wait3A_417 = tpu.memref_slice %arg12[%dma_wait3A_415, %dma_wait3A_416] : memref<10112x128xf32, #tpu.memory_space<vmem_shared>> -> memref<10112x128xf32, #tpu.memory_space<vmem_shared>>
    tpu.wait_indirect_dma semaphore(%arg22 : memref<!tpu.dma_semaphore, #tpu.memory_space<semaphore_mem>>) src(%arg9 : memref<100x128xf32, #tpu.memory_space<vmem>>) dst(%dma_wait3A_417 : memref<10112x128xf32, #tpu.memory_space<vmem_shared>>)
    %barrier3A_418 = arith.constant 0 : index
    tpu.barrier barrier_id(%barrier3A_418)
    %mul3A_419 = arith.constant 632 : i32
    %mul3A_420 = arith.muli %arg1, %mul3A_419 : i32
    %mul3A_421 = arith.constant 632 : i32
    %mul3A_422 = arith.muli %arg1, %mul3A_421 : i32
    "tpu.region"() ({
      %run_scoped3A = tpu.sem_alloc : memref<!tpu.dma_semaphore, #tpu.memory_space<semaphore_mem>>
      %dma_start3A_423 = arith.constant 0 : i32
      %dma_start3A_424 = tpu.memref_slice %arg6[%arg0, %mul3A_422, %dma_start3A_423] : memref<2x10112x128xf32, #tpu.memory_space<hbm>> -> memref<1x632x128xf32, #tpu.memory_space<hbm>>
      %dma_start3A_425 = tpu.memref_squeeze %dma_start3A_424 : memref<1x632x128xf32, #tpu.memory_space<hbm>> -> memref<632x128xf32, #tpu.memory_space<hbm>>
      %dma_start3A_426 = arith.constant 0 : i32
      %dma_start3A_427 = tpu.memref_slice %arg12[%mul3A_420, %dma_start3A_426] : memref<10112x128xf32, #tpu.memory_space<vmem_shared>> -> memref<632x128xf32, #tpu.memory_space<vmem_shared>>
      tpu.enqueue_dma source(%dma_start3A_427 : memref<632x128xf32, #tpu.memory_space<vmem_shared>>) target(%dma_start3A_425 : memref<632x128xf32, #tpu.memory_space<hbm>>) target_semaphore(%run_scoped3A : memref<!tpu.dma_semaphore, #tpu.memory_space<semaphore_mem>>)
      %dma_wait3A_428 = arith.constant 0 : i32
      %dma_wait3A_429 = tpu.memref_slice %arg6[%arg0, %mul3A_422, %dma_wait3A_428] : memref<2x10112x128xf32, #tpu.memory_space<hbm>> -> memref<1x632x128xf32, #tpu.memory_space<hbm>>
      %dma_wait3A_430 = tpu.memref_squeeze %dma_wait3A_429 : memref<1x632x128xf32, #tpu.memory_space<hbm>> -> memref<632x128xf32, #tpu.memory_space<hbm>>
      %dma_wait3A_431 = arith.constant 0 : i32
      %dma_wait3A_432 = tpu.memref_slice %arg12[%mul3A_420, %dma_wait3A_431] : memref<10112x128xf32, #tpu.memory_space<vmem_shared>> -> memref<632x128xf32, #tpu.memory_space<vmem_shared>>
      tpu.wait_dma2 semaphore(%run_scoped3A : memref<!tpu.dma_semaphore, #tpu.memory_space<semaphore_mem>>) src(%dma_wait3A_432 : memref<632x128xf32, #tpu.memory_space<vmem_shared>>) dst(%dma_wait3A_430 : memref<632x128xf32, #tpu.memory_space<hbm>>)
      tpu.yield
    }) : () -> ()
    return
  }
}

#map = affine_map<(d0, d1) -> (0, 0, 0)>
#map1 = affine_map<(d0, d1) -> (0)>
#map2 = affine_map<(d0, d1) -> (0, 0)>
module attributes {stable_mosaic.version = 14 : i64} {
  func.func @_deg_hist(%arg0: i32, %arg1: i32, %arg2: memref<3200x1x100xi32, #tpu.memory_space<hbm>>, %arg3: memref<10240xf32, #tpu.memory_space<hbm>>, %arg4: memref<2x10240xf32, #tpu.memory_space<hbm>>, %arg5: memref<100x1x100xi32, #tpu.memory_space<vmem>>, %arg6: memref<128xf32, #tpu.memory_space<vmem>>, %arg7: memref<10240xf32, #tpu.memory_space<vmem_shared>>) attributes {dimension_semantics = [#tpu.dimension_semantics<core_parallel>, #tpu.dimension_semantics<subcore_parallel>], iteration_bounds = array<i64: 2, 16>, scalar_prefetch = 0 : i64, scratch_operands = 3 : i64, tpu.core_type = #tpu.core_type<sc_vector_subcore>, window_params = [{transform_indices = #map}, {transform_indices = #map1}, {transform_indices = #map2}]} {
    %mul3A = arith.constant 16 : i32
    %mul3A_0 = arith.muli %arg0, %mul3A : i32
    %add3A = arith.addi %mul3A_0, %arg1 : i32
    %mul3A_1 = arith.constant 100 : i32
    %mul3A_2 = arith.muli %add3A, %mul3A_1 : i32
    "tpu.region"() ({
      %run_scoped3A = tpu.sem_alloc : memref<!tpu.dma_semaphore, #tpu.memory_space<semaphore_mem>>
      %dma_start3A = arith.constant 0 : i32
      %dma_start3A_63 = arith.constant 0 : i32
      %dma_start3A_64 = tpu.memref_slice %arg2[%mul3A_2, %dma_start3A, %dma_start3A_63] : memref<3200x1x100xi32, #tpu.memory_space<hbm>> -> memref<100x1x100xi32, #tpu.memory_space<hbm>>
      %dma_start3A_65 = arith.constant 0 : i32
      %dma_start3A_66 = arith.constant 0 : i32
      %dma_start3A_67 = tpu.memref_slice %arg2[%mul3A_2, %dma_start3A_65, %dma_start3A_66] : memref<3200x1x100xi32, #tpu.memory_space<hbm>> -> memref<100x1x100xi32, #tpu.memory_space<hbm>>
      tpu.enqueue_dma source(%dma_start3A_67 : memref<100x1x100xi32, #tpu.memory_space<hbm>>) target(%arg5 : memref<100x1x100xi32, #tpu.memory_space<vmem>>) target_semaphore(%run_scoped3A : memref<!tpu.dma_semaphore, #tpu.memory_space<semaphore_mem>>)
      %dma_wait3A = arith.constant 0 : i32
      %dma_wait3A_68 = arith.constant 0 : i32
      %dma_wait3A_69 = tpu.memref_slice %arg2[%mul3A_2, %dma_wait3A, %dma_wait3A_68] : memref<3200x1x100xi32, #tpu.memory_space<hbm>> -> memref<100x1x100xi32, #tpu.memory_space<hbm>>
      %dma_wait3A_70 = arith.constant 0 : i32
      %dma_wait3A_71 = arith.constant 0 : i32
      %dma_wait3A_72 = tpu.memref_slice %arg2[%mul3A_2, %dma_wait3A_70, %dma_wait3A_71] : memref<3200x1x100xi32, #tpu.memory_space<hbm>> -> memref<100x1x100xi32, #tpu.memory_space<hbm>>
      tpu.wait_dma2 semaphore(%run_scoped3A : memref<!tpu.dma_semaphore, #tpu.memory_space<semaphore_mem>>) src(%dma_wait3A_72 : memref<100x1x100xi32, #tpu.memory_space<hbm>>) dst(%arg5 : memref<100x1x100xi32, #tpu.memory_space<vmem>>)
      tpu.yield
    }) : () -> ()
    %mul3A_3 = arith.constant 640 : i32
    %mul3A_4 = arith.muli %arg1, %mul3A_3 : i32
    %mul3A_5 = arith.constant 640 : i32
    %mul3A_6 = arith.muli %arg1, %mul3A_5 : i32
    "tpu.region"() ({
      %run_scoped3A = tpu.sem_alloc : memref<!tpu.dma_semaphore, #tpu.memory_space<semaphore_mem>>
      %dma_start3A = tpu.memref_slice %arg7[%mul3A_6] : memref<10240xf32, #tpu.memory_space<vmem_shared>> -> memref<640xf32, #tpu.memory_space<vmem_shared>>
      %dma_start3A_63 = tpu.memref_slice %arg3[%mul3A_4] : memref<10240xf32, #tpu.memory_space<hbm>> -> memref<640xf32, #tpu.memory_space<hbm>>
      tpu.enqueue_dma source(%dma_start3A_63 : memref<640xf32, #tpu.memory_space<hbm>>) target(%dma_start3A : memref<640xf32, #tpu.memory_space<vmem_shared>>) target_semaphore(%run_scoped3A : memref<!tpu.dma_semaphore, #tpu.memory_space<semaphore_mem>>)
      %dma_wait3A = tpu.memref_slice %arg7[%mul3A_6] : memref<10240xf32, #tpu.memory_space<vmem_shared>> -> memref<640xf32, #tpu.memory_space<vmem_shared>>
      %dma_wait3A_64 = tpu.memref_slice %arg3[%mul3A_4] : memref<10240xf32, #tpu.memory_space<hbm>> -> memref<640xf32, #tpu.memory_space<hbm>>
      tpu.wait_dma2 semaphore(%run_scoped3A : memref<!tpu.dma_semaphore, #tpu.memory_space<semaphore_mem>>) src(%dma_wait3A_64 : memref<640xf32, #tpu.memory_space<hbm>>) dst(%dma_wait3A : memref<640xf32, #tpu.memory_space<vmem_shared>>)
      tpu.yield
    }) : () -> ()
    %broadcast_in_dim3A = arith.constant 1.000000e+00 : f32
    %broadcast_in_dim3A_7 = vector.broadcast %broadcast_in_dim3A : f32 to vector<16xf32>
    %swap3A = arith.constant 0 : index
    %swap3A_8 = tpu.vector_load %arg6[%swap3A] {strides = array<i32>} : memref<128xf32, #tpu.memory_space<vmem>>, vector<16xf32>,
    %swap3A_9 = vector.shape_cast %swap3A_8 : vector<16xf32> to vector<16xf32>
    %swap3A_10 = vector.shape_cast %broadcast_in_dim3A_7 : vector<16xf32> to vector<16xf32>
    tpu.vector_store %arg6[%swap3A], %swap3A_10 {strides = array<i32>} : memref<128xf32, #tpu.memory_space<vmem>>, vector<16xf32>,
    %broadcast_in_dim3A_11 = arith.constant 1.000000e+00 : f32
    %broadcast_in_dim3A_12 = vector.broadcast %broadcast_in_dim3A_11 : f32 to vector<16xf32>
    %swap3A_13 = arith.constant 16 : index
    %swap3A_14 = tpu.vector_load %arg6[%swap3A_13] {strides = array<i32>} : memref<128xf32, #tpu.memory_space<vmem>>, vector<16xf32>,
    %swap3A_15 = vector.shape_cast %swap3A_14 : vector<16xf32> to vector<16xf32>
    %swap3A_16 = vector.shape_cast %broadcast_in_dim3A_12 : vector<16xf32> to vector<16xf32>
    tpu.vector_store %arg6[%swap3A_13], %swap3A_16 {strides = array<i32>} : memref<128xf32, #tpu.memory_space<vmem>>, vector<16xf32>,
    %broadcast_in_dim3A_17 = arith.constant 1.000000e+00 : f32
    %broadcast_in_dim3A_18 = vector.broadcast %broadcast_in_dim3A_17 : f32 to vector<16xf32>
    %swap3A_19 = arith.constant 32 : index
    %swap3A_20 = tpu.vector_load %arg6[%swap3A_19] {strides = array<i32>} : memref<128xf32, #tpu.memory_space<vmem>>, vector<16xf32>,
    %swap3A_21 = vector.shape_cast %swap3A_20 : vector<16xf32> to vector<16xf32>
    %swap3A_22 = vector.shape_cast %broadcast_in_dim3A_18 : vector<16xf32> to vector<16xf32>
    tpu.vector_store %arg6[%swap3A_19], %swap3A_22 {strides = array<i32>} : memref<128xf32, #tpu.memory_space<vmem>>, vector<16xf32>,
    %broadcast_in_dim3A_23 = arith.constant 1.000000e+00 : f32
    %broadcast_in_dim3A_24 = vector.broadcast %broadcast_in_dim3A_23 : f32 to vector<16xf32>
    %swap3A_25 = arith.constant 48 : index
    %swap3A_26 = tpu.vector_load %arg6[%swap3A_25] {strides = array<i32>} : memref<128xf32, #tpu.memory_space<vmem>>, vector<16xf32>,
    %swap3A_27 = vector.shape_cast %swap3A_26 : vector<16xf32> to vector<16xf32>
    %swap3A_28 = vector.shape_cast %broadcast_in_dim3A_24 : vector<16xf32> to vector<16xf32>
    tpu.vector_store %arg6[%swap3A_25], %swap3A_28 {strides = array<i32>} : memref<128xf32, #tpu.memory_space<vmem>>, vector<16xf32>,
    %broadcast_in_dim3A_29 = arith.constant 1.000000e+00 : f32
    %broadcast_in_dim3A_30 = vector.broadcast %broadcast_in_dim3A_29 : f32 to vector<16xf32>
    %swap3A_31 = arith.constant 64 : index
    %swap3A_32 = tpu.vector_load %arg6[%swap3A_31] {strides = array<i32>} : memref<128xf32, #tpu.memory_space<vmem>>, vector<16xf32>,
    %swap3A_33 = vector.shape_cast %swap3A_32 : vector<16xf32> to vector<16xf32>
    %swap3A_34 = vector.shape_cast %broadcast_in_dim3A_30 : vector<16xf32> to vector<16xf32>
    tpu.vector_store %arg6[%swap3A_31], %swap3A_34 {strides = array<i32>} : memref<128xf32, #tpu.memory_space<vmem>>, vector<16xf32>,
    %broadcast_in_dim3A_35 = arith.constant 1.000000e+00 : f32
    %broadcast_in_dim3A_36 = vector.broadcast %broadcast_in_dim3A_35 : f32 to vector<16xf32>
    %swap3A_37 = arith.constant 80 : index
    %swap3A_38 = tpu.vector_load %arg6[%swap3A_37] {strides = array<i32>} : memref<128xf32, #tpu.memory_space<vmem>>, vector<16xf32>,
    %swap3A_39 = vector.shape_cast %swap3A_38 : vector<16xf32> to vector<16xf32>
    %swap3A_40 = vector.shape_cast %broadcast_in_dim3A_36 : vector<16xf32> to vector<16xf32>
    tpu.vector_store %arg6[%swap3A_37], %swap3A_40 {strides = array<i32>} : memref<128xf32, #tpu.memory_space<vmem>>, vector<16xf32>,
    %broadcast_in_dim3A_41 = arith.constant 1.000000e+00 : f32
    %broadcast_in_dim3A_42 = vector.broadcast %broadcast_in_dim3A_41 : f32 to vector<16xf32>
    %swap3A_43 = arith.constant 96 : index
    %swap3A_44 = tpu.vector_load %arg6[%swap3A_43] {strides = array<i32>} : memref<128xf32, #tpu.memory_space<vmem>>, vector<16xf32>,
    %swap3A_45 = vector.shape_cast %swap3A_44 : vector<16xf32> to vector<16xf32>
    %swap3A_46 = vector.shape_cast %broadcast_in_dim3A_42 : vector<16xf32> to vector<16xf32>
    tpu.vector_store %arg6[%swap3A_43], %swap3A_46 {strides = array<i32>} : memref<128xf32, #tpu.memory_space<vmem>>, vector<16xf32>,
    %broadcast_in_dim3A_47 = arith.constant 1.000000e+00 : f32
    %broadcast_in_dim3A_48 = vector.broadcast %broadcast_in_dim3A_47 : f32 to vector<16xf32>
    %swap3A_49 = arith.constant 112 : index
    %swap3A_50 = tpu.vector_load %arg6[%swap3A_49] {strides = array<i32>} : memref<128xf32, #tpu.memory_space<vmem>>, vector<16xf32>,
    %swap3A_51 = vector.shape_cast %swap3A_50 : vector<16xf32> to vector<16xf32>
    %swap3A_52 = vector.shape_cast %broadcast_in_dim3A_48 : vector<16xf32> to vector<16xf32>
    tpu.vector_store %arg6[%swap3A_49], %swap3A_52 {strides = array<i32>} : memref<128xf32, #tpu.memory_space<vmem>>, vector<16xf32>,
    %barrier3A = arith.constant 0 : index
    tpu.barrier barrier_id(%barrier3A)
    %scan3A = arith.constant 0 : i32
    %scan3A_53 = arith.constant 0 : i32
    %scan3A_54 = arith.constant 100 : i32
    %scan3A_55 = arith.addi %scan3A_53, %scan3A_54 : i32
    %scan3A_56 = arith.constant 1 : i32
    scf.for %scan3A_63 = %scan3A_53 to %scan3A_55 step %scan3A_56  : i32 {
      %run_scoped3A = arith.constant 0 : i32
      "tpu.region"() ({
        %run_scoped3A_64 = tpu.sem_alloc : memref<!tpu.dma_semaphore, #tpu.memory_space<semaphore_mem>>
        %dma_start3A = arith.constant 0 : i32
        %dma_start3A_65 = tpu.memref_slice %arg6[%dma_start3A] : memref<128xf32, #tpu.memory_space<vmem>> -> memref<100xf32, #tpu.memory_space<vmem>>
        %dma_start3A_66 = arith.constant 0 : i32
        %dma_start3A_67 = tpu.memref_slice %arg5[%scan3A_63, %run_scoped3A, %dma_start3A_66] : memref<100x1x100xi32, #tpu.memory_space<vmem>> -> memref<1x1x100xi32, #tpu.memory_space<vmem>>
        %dma_start3A_68 = tpu.memref_squeeze %dma_start3A_67 : memref<1x1x100xi32, #tpu.memory_space<vmem>> -> memref<100xi32, #tpu.memory_space<vmem>>
        %dma_start3A_69 = arith.constant 0 : i32
        %dma_start3A_70 = tpu.memref_slice %arg7[%dma_start3A_69] : memref<10240xf32, #tpu.memory_space<vmem_shared>> -> memref<10240xf32, #tpu.memory_space<vmem_shared>>
        tpu.enqueue_indirect_dma source(%dma_start3A_65 : memref<100xf32, #tpu.memory_space<vmem>>) target(%dma_start3A_70 : memref<10240xf32, #tpu.memory_space<vmem_shared>>) offsets(%dma_start3A_68 : memref<100xi32, #tpu.memory_space<vmem>>) semaphore(%run_scoped3A_64 : memref<!tpu.dma_semaphore, #tpu.memory_space<semaphore_mem>>) {add = true}
        %dma_wait3A = arith.constant 0 : i32
        %dma_wait3A_71 = tpu.memref_slice %arg6[%dma_wait3A] : memref<128xf32, #tpu.memory_space<vmem>> -> memref<100xf32, #tpu.memory_space<vmem>>
        %dma_wait3A_72 = arith.constant 0 : i32
        %dma_wait3A_73 = tpu.memref_slice %arg5[%scan3A_63, %run_scoped3A, %dma_wait3A_72] : memref<100x1x100xi32, #tpu.memory_space<vmem>> -> memref<1x1x100xi32, #tpu.memory_space<vmem>>
        %dma_wait3A_74 = tpu.memref_squeeze %dma_wait3A_73 : memref<1x1x100xi32, #tpu.memory_space<vmem>> -> memref<100xi32, #tpu.memory_space<vmem>>
        %dma_wait3A_75 = arith.constant 0 : i32
        %dma_wait3A_76 = tpu.memref_slice %arg7[%dma_wait3A_75] : memref<10240xf32, #tpu.memory_space<vmem_shared>> -> memref<10240xf32, #tpu.memory_space<vmem_shared>>
        tpu.wait_indirect_dma semaphore(%run_scoped3A_64 : memref<!tpu.dma_semaphore, #tpu.memory_space<semaphore_mem>>) src(%dma_wait3A_71 : memref<100xf32, #tpu.memory_space<vmem>>) dst(%dma_wait3A_76 : memref<10240xf32, #tpu.memory_space<vmem_shared>>)
        tpu.yield
      }) : () -> ()
    }
    %scan3A_57 = arith.constant 100 : i32
    %barrier3A_58 = arith.constant 0 : index
    tpu.barrier barrier_id(%barrier3A_58)
    %mul3A_59 = arith.constant 640 : i32
    %mul3A_60 = arith.muli %arg1, %mul3A_59 : i32
    %mul3A_61 = arith.constant 640 : i32
    %mul3A_62 = arith.muli %arg1, %mul3A_61 : i32
    "tpu.region"() ({
      %run_scoped3A = tpu.sem_alloc : memref<!tpu.dma_semaphore, #tpu.memory_space<semaphore_mem>>
      %dma_start3A = tpu.memref_slice %arg4[%arg0, %mul3A_62] : memref<2x10240xf32, #tpu.memory_space<hbm>> -> memref<1x640xf32, #tpu.memory_space<hbm>>
      %dma_start3A_63 = tpu.memref_squeeze %dma_start3A : memref<1x640xf32, #tpu.memory_space<hbm>> -> memref<640xf32, #tpu.memory_space<hbm>>
      %dma_start3A_64 = tpu.memref_slice %arg7[%mul3A_60] : memref<10240xf32, #tpu.memory_space<vmem_shared>> -> memref<640xf32, #tpu.memory_space<vmem_shared>>
      tpu.enqueue_dma source(%dma_start3A_64 : memref<640xf32, #tpu.memory_space<vmem_shared>>) target(%dma_start3A_63 : memref<640xf32, #tpu.memory_space<hbm>>) target_semaphore(%run_scoped3A : memref<!tpu.dma_semaphore, #tpu.memory_space<semaphore_mem>>)
      %dma_wait3A = tpu.memref_slice %arg4[%arg0, %mul3A_62] : memref<2x10240xf32, #tpu.memory_space<hbm>> -> memref<1x640xf32, #tpu.memory_space<hbm>>
      %dma_wait3A_65 = tpu.memref_squeeze %dma_wait3A : memref<1x640xf32, #tpu.memory_space<hbm>> -> memref<640xf32, #tpu.memory_space<hbm>>
      %dma_wait3A_66 = tpu.memref_slice %arg7[%mul3A_60] : memref<10240xf32, #tpu.memory_space<vmem_shared>> -> memref<640xf32, #tpu.memory_space<vmem_shared>>
      tpu.wait_dma2 semaphore(%run_scoped3A : memref<!tpu.dma_semaphore, #tpu.memory_space<semaphore_mem>>) src(%dma_wait3A_66 : memref<640xf32, #tpu.memory_space<vmem_shared>>) dst(%dma_wait3A_65 : memref<640xf32, #tpu.memory_space<hbm>>)
      tpu.yield
    }) : () -> ()
    return
  }
}

module attributes {stable_mosaic.version = 14 : i64} {
  func.func @_mm(%arg0: i32, %arg1: memref<2000x128xf32, #tpu.memory_space<vmem>>, %arg2: memref<128x128xf32, #tpu.memory_space<vmem>>, %arg3: memref<2000x128xf32, #tpu.memory_space<vmem>>) attributes {dimension_semantics = [#tpu.dimension_semantics<arbitrary>], iteration_bounds = array<i64: 5>, scalar_prefetch = 0 : i64, scratch_operands = 0 : i64, tpu.core_type = #tpu.core_type<tc>, window_params = [{transform_indices = @transform_0, window_bounds = array<i64: 2000, 128>}, {pipeline_mode = #tpu.pipeline_mode<synchronous>, transform_indices = @transform_1, window_bounds = array<i64: 128, 128>}, {transform_indices = @transform_2, window_bounds = array<i64: 2000, 128>}]} {
    %get3A = arith.constant 0 : index
    %get3A_0 = arith.constant 0 : index
    %get3A_1 = vector.load %arg1[%get3A, %get3A_0] : memref<2000x128xf32, #tpu.memory_space<vmem>>, vector<2000x128xf32>
    %get3A_2 = arith.constant 0 : index
    %get3A_3 = arith.constant 0 : index
    %get3A_4 = vector.load %arg2[%get3A_2, %get3A_3] : memref<128x128xf32, #tpu.memory_space<vmem>>, vector<128x128xf32>
    %dot_general3A = arith.constant dense<0.000000e+00> : vector<2000x128xf32>
    %dot_general3A_5 = tpu.matmul %get3A_1, %get3A_4, %dot_general3A {dimension_numbers = #tpu.dot_dimension_numbers<[1], [0], [0], [1], [0, 0, 1, 1], [], []>, transpose_lhs_hint = false} : vector<2000x128xf32>, vector<128x128xf32>, vector<2000x128xf32> -> vector<2000x128xf32>
    %swap3A = arith.constant 0 : index
    %swap3A_6 = arith.constant 0 : index
    %swap3A_7 = vector.load %arg3[%swap3A, %swap3A_6] : memref<2000x128xf32, #tpu.memory_space<vmem>>, vector<2000x128xf32>
    tpu.vector_store %arg3[%swap3A, %swap3A_6], %dot_general3A_5 {strides = array<i32>} : memref<2000x128xf32, #tpu.memory_space<vmem>>, vector<2000x128xf32>,
    return
  }
  func.func @transform_0(%arg0: i32) -> (i32, i32) {
    %c0_i32 = arith.constant 0 : i32
    %c0_i32_0 = arith.constant 0 : i32
    return %arg0, %c0_i32 : i32, i32
  }
  func.func @transform_1(%arg0: i32) -> (i32, i32) {
    %c0_i32 = arith.constant 0 : i32
    %c0_i32_0 = arith.constant 0 : i32
    %c0_i32_1 = arith.constant 0 : i32
    return %c0_i32, %c0_i32_0 : i32, i32
  }
  func.func @transform_2(%arg0: i32) -> (i32, i32) {
    %c0_i32 = arith.constant 0 : i32
    %c0_i32_0 = arith.constant 0 : i32
    return %arg0, %c0_i32 : i32, i32
  }
}

module attributes {stable_mosaic.version = 14 : i64} {
  func.func @_dinv_col(%arg0: memref<2x10240xf32, #tpu.memory_space<vmem>>, %arg1: memref<10240x1xf32, #tpu.memory_space<vmem>>) attributes {dimension_semantics = [], scalar_prefetch = 0 : i64, scratch_operands = 0 : i64, tpu.core_type = #tpu.core_type<tc>} {
    %get3A = arith.constant 0 : index
    %get3A_0 = arith.constant 0 : index
    %get3A_1 = vector.load %arg0[%get3A, %get3A_0] : memref<2x10240xf32, #tpu.memory_space<vmem>>, vector<1x10240xf32>
    %get3A_2 = vector.shape_cast %get3A_1 : vector<1x10240xf32> to vector<10240xf32>
    %add3A = arith.constant 1.000000e+00 : f32
    %add3A_3 = vector.broadcast %add3A : f32 to vector<10240xf32>
    %add3A_4 = arith.addf %add3A_3, %get3A_2 : vector<10240xf32>
    %get3A_5 = arith.constant 1 : index
    %get3A_6 = arith.constant 0 : index
    %get3A_7 = vector.load %arg0[%get3A_5, %get3A_6] : memref<2x10240xf32, #tpu.memory_space<vmem>>, vector<1x10240xf32>
    %get3A_8 = vector.shape_cast %get3A_7 : vector<1x10240xf32> to vector<10240xf32>
    %add3A_9 = arith.addf %add3A_4, %get3A_8 : vector<10240xf32>
    %rsqrt3A = math.rsqrt %add3A_9 : vector<10240xf32>
    %reshape3A = vector.shape_cast %rsqrt3A : vector<10240xf32> to vector<10240x1xf32>
    %swap3A = arith.constant 0 : index
    %swap3A_10 = arith.constant 0 : index
    %swap3A_11 = vector.load %arg1[%swap3A, %swap3A_10] : memref<10240x1xf32, #tpu.memory_space<vmem>>, vector<10240x1xf32>
    tpu.vector_store %arg1[%swap3A, %swap3A_10], %reshape3A {strides = array<i32>} : memref<10240x1xf32, #tpu.memory_space<vmem>>, vector<10240x1xf32>,
    return
  }
}

module attributes {stable_mosaic.version = 14 : i64} {
  func.func @_scale(%arg0: i32, %arg1: memref<2000x128xf32, #tpu.memory_space<vmem>>, %arg2: memref<2000x1xf32, #tpu.memory_space<vmem>>, %arg3: memref<2000x128xf32, #tpu.memory_space<vmem>>) attributes {dimension_semantics = [#tpu.dimension_semantics<arbitrary>], iteration_bounds = array<i64: 5>, scalar_prefetch = 0 : i64, scratch_operands = 0 : i64, tpu.core_type = #tpu.core_type<tc>, window_params = [{transform_indices = @transform_0, window_bounds = array<i64: 2000, 128>}, {transform_indices = @transform_1, window_bounds = array<i64: 2000, 1>}, {transform_indices = @transform_2, window_bounds = array<i64: 2000, 128>}]} {
    %get3A = arith.constant 0 : index
    %get3A_0 = arith.constant 0 : index
    %get3A_1 = vector.load %arg1[%get3A, %get3A_0] : memref<2000x128xf32, #tpu.memory_space<vmem>>, vector<2000x128xf32>
    %get3A_2 = arith.constant 0 : index
    %get3A_3 = arith.constant 0 : index
    %get3A_4 = vector.load %arg2[%get3A_2, %get3A_3] : memref<2000x1xf32, #tpu.memory_space<vmem>>, vector<2000x1xf32>
    %mul3A = vector.broadcast %get3A_4 : vector<2000x1xf32> to vector<2000x128xf32>
    %mul3A_5 = arith.mulf %get3A_1, %mul3A : vector<2000x128xf32>
    %swap3A = arith.constant 0 : index
    %swap3A_6 = arith.constant 0 : index
    %swap3A_7 = vector.load %arg3[%swap3A, %swap3A_6] : memref<2000x128xf32, #tpu.memory_space<vmem>>, vector<2000x128xf32>
    tpu.vector_store %arg3[%swap3A, %swap3A_6], %mul3A_5 {strides = array<i32>} : memref<2000x128xf32, #tpu.memory_space<vmem>>, vector<2000x128xf32>,
    return
  }
  func.func @transform_0(%arg0: i32) -> (i32, i32) {
    %c0_i32 = arith.constant 0 : i32
    %c0_i32_0 = arith.constant 0 : i32
    return %arg0, %c0_i32 : i32, i32
  }
  func.func @transform_1(%arg0: i32) -> (i32, i32) {
    %c0_i32 = arith.constant 0 : i32
    %c0_i32_0 = arith.constant 0 : i32
    return %arg0, %c0_i32 : i32, i32
  }
  func.func @transform_2(%arg0: i32) -> (i32, i32) {
    %c0_i32 = arith.constant 0 : i32
    %c0_i32_0 = arith.constant 0 : i32
    return %arg0, %c0_i32 : i32, i32
  }
}

module attributes {stable_mosaic.version = 14 : i64} {
  func.func @_layer2(%arg0: i32, %arg1: memref<2x2000x128xf32, #tpu.memory_space<vmem>>, %arg2: memref<2000x128xf32, #tpu.memory_space<vmem>>, %arg3: memref<2000x1xf32, #tpu.memory_space<vmem>>, %arg4: memref<1x128xf32, #tpu.memory_space<vmem>>, %arg5: memref<2000x128xf32, #tpu.memory_space<vmem>>) attributes {dimension_semantics = [#tpu.dimension_semantics<arbitrary>], iteration_bounds = array<i64: 5>, scalar_prefetch = 0 : i64, scratch_operands = 0 : i64, tpu.core_type = #tpu.core_type<tc>, window_params = [{transform_indices = @transform_0, window_bounds = array<i64: 2, 2000, 128>}, {transform_indices = @transform_1, window_bounds = array<i64: 2000, 128>}, {transform_indices = @transform_2, window_bounds = array<i64: 2000, 1>}, {pipeline_mode = #tpu.pipeline_mode<synchronous>, transform_indices = @transform_3, window_bounds = array<i64: 1, 128>}, {transform_indices = @transform_4, window_bounds = array<i64: 2000, 128>}]} {
    %get3A = arith.constant 0 : index
    %get3A_0 = arith.constant 0 : index
    %get3A_1 = arith.constant 0 : index
    %get3A_2 = vector.load %arg1[%get3A, %get3A_0, %get3A_1] : memref<2x2000x128xf32, #tpu.memory_space<vmem>>, vector<1x2000x128xf32>
    %get3A_3 = vector.shape_cast %get3A_2 : vector<1x2000x128xf32> to vector<2000x128xf32>
    %get3A_4 = arith.constant 1 : index
    %get3A_5 = arith.constant 0 : index
    %get3A_6 = arith.constant 0 : index
    %get3A_7 = vector.load %arg1[%get3A_4, %get3A_5, %get3A_6] : memref<2x2000x128xf32, #tpu.memory_space<vmem>>, vector<1x2000x128xf32>
    %get3A_8 = vector.shape_cast %get3A_7 : vector<1x2000x128xf32> to vector<2000x128xf32>
    %add3A = arith.addf %get3A_3, %get3A_8 : vector<2000x128xf32>
    %get3A_9 = arith.constant 0 : index
    %get3A_10 = arith.constant 0 : index
    %get3A_11 = vector.load %arg2[%get3A_9, %get3A_10] : memref<2000x128xf32, #tpu.memory_space<vmem>>, vector<2000x128xf32>
    %add3A_12 = arith.addf %add3A, %get3A_11 : vector<2000x128xf32>
    %get3A_13 = arith.constant 0 : index
    %get3A_14 = arith.constant 0 : index
    %get3A_15 = vector.load %arg3[%get3A_13, %get3A_14] : memref<2000x1xf32, #tpu.memory_space<vmem>>, vector<2000x1xf32>
    %mul3A = vector.broadcast %get3A_15 : vector<2000x1xf32> to vector<2000x128xf32>
    %mul3A_16 = arith.mulf %add3A_12, %mul3A : vector<2000x128xf32>
    %get3A_17 = arith.constant 0 : index
    %get3A_18 = arith.constant 0 : index
    %get3A_19 = vector.load %arg4[%get3A_17, %get3A_18] : memref<1x128xf32, #tpu.memory_space<vmem>>, vector<1x128xf32>
    %add3A_20 = vector.broadcast %get3A_19 : vector<1x128xf32> to vector<2000x128xf32>
    %add3A_21 = arith.addf %mul3A_16, %add3A_20 : vector<2000x128xf32>
    %max3A = arith.constant 0.000000e+00 : f32
    %max3A_22 = vector.broadcast %max3A : f32 to vector<2000x128xf32>
    %max3A_23 = arith.maximumf %add3A_21, %max3A_22 : vector<2000x128xf32>
    %get3A_24 = arith.constant 0 : index
    %get3A_25 = arith.constant 0 : index
    %get3A_26 = vector.load %arg3[%get3A_24, %get3A_25] : memref<2000x1xf32, #tpu.memory_space<vmem>>, vector<2000x1xf32>
    %mul3A_27 = vector.broadcast %get3A_26 : vector<2000x1xf32> to vector<2000x128xf32>
    %mul3A_28 = arith.mulf %max3A_23, %mul3A_27 : vector<2000x128xf32>
    %swap3A = arith.constant 0 : index
    %swap3A_29 = arith.constant 0 : index
    %swap3A_30 = vector.load %arg5[%swap3A, %swap3A_29] : memref<2000x128xf32, #tpu.memory_space<vmem>>, vector<2000x128xf32>
    tpu.vector_store %arg5[%swap3A, %swap3A_29], %mul3A_28 {strides = array<i32>} : memref<2000x128xf32, #tpu.memory_space<vmem>>, vector<2000x128xf32>,
    return
  }
  func.func @transform_0(%arg0: i32) -> (i32, i32, i32) {
    %c0_i32 = arith.constant 0 : i32
    %c0_i32_0 = arith.constant 0 : i32
    %c0_i32_1 = arith.constant 0 : i32
    return %c0_i32, %arg0, %c0_i32_0 : i32, i32, i32
  }
  func.func @transform_1(%arg0: i32) -> (i32, i32) {
    %c0_i32 = arith.constant 0 : i32
    %c0_i32_0 = arith.constant 0 : i32
    return %arg0, %c0_i32 : i32, i32
  }
  func.func @transform_2(%arg0: i32) -> (i32, i32) {
    %c0_i32 = arith.constant 0 : i32
    %c0_i32_0 = arith.constant 0 : i32
    return %arg0, %c0_i32 : i32, i32
  }
  func.func @transform_3(%arg0: i32) -> (i32, i32) {
    %c0_i32 = arith.constant 0 : i32
    %c0_i32_0 = arith.constant 0 : i32
    %c0_i32_1 = arith.constant 0 : i32
    return %c0_i32, %c0_i32_0 : i32, i32
  }
  func.func @transform_4(%arg0: i32) -> (i32, i32) {
    %c0_i32 = arith.constant 0 : i32
    %c0_i32_0 = arith.constant 0 : i32
    return %arg0, %c0_i32 : i32, i32
  }
}

module attributes {stable_mosaic.version = 14 : i64} {
  func.func @_combine(%arg0: i32, %arg1: memref<2x2000x128xf32, #tpu.memory_space<vmem>>, %arg2: memref<2000x128xf32, #tpu.memory_space<vmem>>, %arg3: memref<2000x1xf32, #tpu.memory_space<vmem>>, %arg4: memref<128x40xf32, #tpu.memory_space<vmem>>, %arg5: memref<1x40xf32, #tpu.memory_space<vmem>>, %arg6: memref<2000x40xf32, #tpu.memory_space<vmem>>) attributes {dimension_semantics = [#tpu.dimension_semantics<arbitrary>], iteration_bounds = array<i64: 5>, scalar_prefetch = 0 : i64, scratch_operands = 0 : i64, tpu.core_type = #tpu.core_type<tc>, window_params = [{transform_indices = @transform_0, window_bounds = array<i64: 2, 2000, 128>}, {transform_indices = @transform_1, window_bounds = array<i64: 2000, 128>}, {transform_indices = @transform_2, window_bounds = array<i64: 2000, 1>}, {pipeline_mode = #tpu.pipeline_mode<synchronous>, transform_indices = @transform_3, window_bounds = array<i64: 128, 40>}, {pipeline_mode = #tpu.pipeline_mode<synchronous>, transform_indices = @transform_4, window_bounds = array<i64: 1, 40>}, {transform_indices = @transform_5, window_bounds = array<i64: 2000, 40>}]} {
    %get3A = arith.constant 0 : index
    %get3A_0 = arith.constant 0 : index
    %get3A_1 = arith.constant 0 : index
    %get3A_2 = vector.load %arg1[%get3A, %get3A_0, %get3A_1] : memref<2x2000x128xf32, #tpu.memory_space<vmem>>, vector<1x2000x128xf32>
    %get3A_3 = vector.shape_cast %get3A_2 : vector<1x2000x128xf32> to vector<2000x128xf32>
    %get3A_4 = arith.constant 1 : index
    %get3A_5 = arith.constant 0 : index
    %get3A_6 = arith.constant 0 : index
    %get3A_7 = vector.load %arg1[%get3A_4, %get3A_5, %get3A_6] : memref<2x2000x128xf32, #tpu.memory_space<vmem>>, vector<1x2000x128xf32>
    %get3A_8 = vector.shape_cast %get3A_7 : vector<1x2000x128xf32> to vector<2000x128xf32>
    %add3A = arith.addf %get3A_3, %get3A_8 : vector<2000x128xf32>
    %get3A_9 = arith.constant 0 : index
    %get3A_10 = arith.constant 0 : index
    %get3A_11 = vector.load %arg2[%get3A_9, %get3A_10] : memref<2000x128xf32, #tpu.memory_space<vmem>>, vector<2000x128xf32>
    %add3A_12 = arith.addf %add3A, %get3A_11 : vector<2000x128xf32>
    %get3A_13 = arith.constant 0 : index
    %get3A_14 = arith.constant 0 : index
    %get3A_15 = vector.load %arg3[%get3A_13, %get3A_14] : memref<2000x1xf32, #tpu.memory_space<vmem>>, vector<2000x1xf32>
    %mul3A = vector.broadcast %get3A_15 : vector<2000x1xf32> to vector<2000x128xf32>
    %mul3A_16 = arith.mulf %add3A_12, %mul3A : vector<2000x128xf32>
    %get3A_17 = arith.constant 0 : index
    %get3A_18 = arith.constant 0 : index
    %get3A_19 = vector.load %arg4[%get3A_17, %get3A_18] : memref<128x40xf32, #tpu.memory_space<vmem>>, vector<128x40xf32>
    %dot_general3A = arith.constant dense<0.000000e+00> : vector<2000x40xf32>
    %dot_general3A_20 = tpu.matmul %mul3A_16, %get3A_19, %dot_general3A {dimension_numbers = #tpu.dot_dimension_numbers<[1], [0], [0], [1], [0, 0, 1, 1], [], []>, transpose_lhs_hint = false} : vector<2000x128xf32>, vector<128x40xf32>, vector<2000x40xf32> -> vector<2000x40xf32>
    %get3A_21 = arith.constant 0 : index
    %get3A_22 = arith.constant 0 : index
    %get3A_23 = vector.load %arg5[%get3A_21, %get3A_22] : memref<1x40xf32, #tpu.memory_space<vmem>>, vector<1x40xf32>
    %add3A_24 = vector.broadcast %get3A_23 : vector<1x40xf32> to vector<2000x40xf32>
    %add3A_25 = arith.addf %dot_general3A_20, %add3A_24 : vector<2000x40xf32>
    %swap3A = arith.constant 0 : index
    %swap3A_26 = arith.constant 0 : index
    %swap3A_27 = vector.load %arg6[%swap3A, %swap3A_26] : memref<2000x40xf32, #tpu.memory_space<vmem>>, vector<2000x40xf32>
    tpu.vector_store %arg6[%swap3A, %swap3A_26], %add3A_25 {strides = array<i32>} : memref<2000x40xf32, #tpu.memory_space<vmem>>, vector<2000x40xf32>,
    return
  }
  func.func @transform_0(%arg0: i32) -> (i32, i32, i32) {
    %c0_i32 = arith.constant 0 : i32
    %c0_i32_0 = arith.constant 0 : i32
    %c0_i32_1 = arith.constant 0 : i32
    return %c0_i32, %arg0, %c0_i32_0 : i32, i32, i32
  }
  func.func @transform_1(%arg0: i32) -> (i32, i32) {
    %c0_i32 = arith.constant 0 : i32
    %c0_i32_0 = arith.constant 0 : i32
    return %arg0, %c0_i32 : i32, i32
  }
  func.func @transform_2(%arg0: i32) -> (i32, i32) {
    %c0_i32 = arith.constant 0 : i32
    %c0_i32_0 = arith.constant 0 : i32
    return %arg0, %c0_i32 : i32, i32
  }
  func.func @transform_3(%arg0: i32) -> (i32, i32) {
    %c0_i32 = arith.constant 0 : i32
    %c0_i32_0 = arith.constant 0 : i32
    %c0_i32_1 = arith.constant 0 : i32
    return %c0_i32, %c0_i32_0 : i32, i32
  }
  func.func @transform_4(%arg0: i32) -> (i32, i32) {
    %c0_i32 = arith.constant 0 : i32
    %c0_i32_0 = arith.constant 0 : i32
    %c0_i32_1 = arith.constant 0 : i32
    return %c0_i32, %c0_i32_0 : i32, i32
  }
  func.func @transform_5(%arg0: i32) -> (i32, i32) {
    %c0_i32 = arith.constant 0 : i32
    %c0_i32_0 = arith.constant 0 : i32
    return %arg0, %c0_i32 : i32, i32
  }
}

</mosaic_0001>

<sc_bundles>
// kernel: kernel.10.cloned.1.call-start
scs
__scs_entry_jumppad:
0x0: {  	(pc) =	sbr.rel $0x88, $3  }
0x1: {  	(tag) =	ssettag $0x0;
	lr =	simm.s32 $0x1  }
0x2: {  	[smem:$0x3F9B] =	sst lr;
	_ =	strace $0xD0000000  }
0x3: {  	_ = 	snop  }
0x4: {  	_ = 	snop  }
0x5: {  	_ = 	snop  }
0x6: {  	_ = 	snop  }
0x7: {  	_ = 	snop  }
__scs_overlays_trampoline_lowered:
0x8: {  	[smem:$0x3FAA] =	sst s0  }
0x9: {  	[smem:$0x3FAB] =	sst s1  }
0xa: {  	[smem:$0x3FAC] =	sst s2  }
0xb: {  	[smem:$0x3FAD] =	sst s3  }
0xc: {  	[smem:$0x3FAE] =	sst s4  }
0xd: {  	[smem:$0x3FAF] =	sst s5  }
0xe: {  	[smem:$0x3FB0] =	sst s6  }
0xf: {  	[smem:$0x3FB1] =	sst s7  }
0x10: {  	[smem:$0x3FB2] =	sst s8  }
0x11: {  	[smem:$0x3FB3] =	sst s9;
	s0 =	simm.s32 @!p0 $0x0  }
0x12: {  	s1 =	sld [smem:$0x3F99];
	s0 =	simm.s32 @p0 $0x1  }
0x13: {  	[smem:$0x3FB4] =	sst s0;
	s0 =	simm.s32 @!p1 $0x0  }
0x14: {  	s2 =	sld [smem:$0x3F98];
	s0 =	simm.s32 @p1 $0x1  }
0x15: {  	[smem:$0x3FB5] =	sst s0;
	s0 =	simm.s32 @!p2 $0x0  }
0x16: {  	s3 =	sld [smem:$0x3FDB];
	s0 =	simm.s32 @p2 $0x1  }
0x17: {  	s4 =	simm.s32 $0x1BF5;
	[smem:$0x3FB7] =	sst s0  }
0x18: {  	s0 =	sld [smem:$0x3F9A];
	_ =	swait.ge [sflag:s4], $0x0  }
0x19: {  	s7 =	sld [smem:$0x3F9B]  }
0x1a: {  	s8 =	sadd.s32 $0xFFFFE003, lr  }
0x1b: {  	s9 =	sadd.s32 $0xFFFFFEF7, lr;
	s5 =	simm.s32 $0xFFFFFFFF;
	p2 =	slt.u32 s8, $0xFFFFF086  }
0x1c: {  	p1 =	slt.u32 s9, $0xF7A;
	s5 =	simm.s32 @!p2 $0x0  }
0x1d: {  	s5 =	simm.s32 @p1 $0x1;
	p0 =	seq.s32 s7, s2  }
0x1e: {  	s7 =	smul.u32 @!p0 $0xF7A, s2;
	p2 =	seq.s32 @!p0 s5, $0x0  }
0x1f: {  	s9 =	smul.u32 $0xF7A, s1;
	s8 =	simm.s32 @!p0 $0x1BF5;
	p2 =	por !p2, p0  }
0x20: {  	[sflag:s8] =	ssyncset.s32 @!p0 $0xFFFFF086;
	s6 =	sadd.s32 @!p0 s3, s7;
	s7 =	simm.s32 @!p0 $0x108  }
0x21: {  	s3 =	sadd.s32 s3, s9;
	s6 =	sadd.s32 @!p0 $0x88, s6;
	s7 =	simm.s32 @p2 $0x1082  }
0x22: {  	[simem:s7], [sflag:s8] =	dma.local @!p0 [hbm:s6], $0xF7A  }
0x23: {  	s9 =	sor.u32 $0xD0000000, s2;
	s6 =	simm.s32 $0x108;
	_ =	swait.ge @!p0 [sflag:s8], $0x0  }
0x24: {  	s3 =	sadd.s32 $0x88, s3;
	s6 =	simm.s32 @!p1 $0x1082;
	[sflag:s4] =	ssyncset.s32 $0xFFFFF086  }
0x25: {  	[simem:s6], [sflag:s4] =	dma.local [hbm:s3], $0xF7A  }
0x26: {  	[smem:$0x3F9B] =	sst s1;
	(tag) =	ssettag s2;
	_ =	strace s9  }
0x27: {  	s1 =	sld [smem:$0x3FAB]  }
0x28: {  	s2 =	sld [smem:$0x3FAC]  }
0x29: {  	s4 =	sld [smem:$0x3FAE]  }
0x2a: {  	p0 =	seq.s32 s5, $0x0;
	s5 =	sld [smem:$0x3FAF]  }
0x2b: {  	s6 =	sld [smem:$0x3FB0]  }
0x2c: {  	s7 =	sld [smem:$0x3FB1]  }
0x2d: {  	s3 =	simm.s32 $0x108;
	s8 =	sld [smem:$0x3FB2]  }
0x2e: {  	s3 =	simm.s32 @!p0 $0x1082;
	s9 =	sld [smem:$0x3FB3]  }
0x2f: {  	lr =	sadd.s32 s0, s3;
	s0 =	sld [smem:$0x3FAA]  }
0x30: {  	s3 =	sld [smem:$0x3FAD]  }
0x31: {  	[smem:$0x3FB6] =	sst s10  }
0x32: {  	s10 =	sld [smem:$0x3FB4];
	_ =	sdelay $0x3  }
0x33: {  	p0 =	seq.s32 s10, $0x1;
	s10 =	sld [smem:$0x3FB6];
	_ =	sdelay $0x3  }
0x34: {  	[smem:$0x3FB6] =	sst s10  }
0x35: {  	s10 =	sld [smem:$0x3FB5];
	_ =	sdelay $0x3  }
0x36: {  	p1 =	seq.s32 s10, $0x1;
	s10 =	sld [smem:$0x3FB6];
	_ =	sdelay $0x3  }
0x37: {  	[smem:$0x3FB6] =	sst s10  }
0x38: {  	s10 =	sld [smem:$0x3FB7]  }
0x39: {  	_ = 	snop;
	(pc) =	sbr.ind lr, $3  }
0x3a: {  	_ = 	snop  }
0x3b: {  	_ = 	snop  }
0x3c: {  	p2 =	seq.s32 s10, $0x1;
	s10 =	sld [smem:$0x3FB6]  }
0x3d: {  	_ =	shalt  }
0x3e: {  	_ =	shalt  }
0x3f: {  	_ =	shalt  }
0x40: {  	_ =	shalt  }
0x41: {  	_ =	shalt  }
0x42: {  	_ =	shalt  }
0x43: {  	_ =	shalt  }
0x44: {  	_ =	shalt  }
0x45: {  	_ =	shalt  }
0x46: {  	_ =	shalt  }
0x47: {  	_ =	shalt  }
0x48: {  	_ =	shalt  }
0x49: {  	_ =	shalt  }
0x4a: {  	_ =	shalt  }
0x4b: {  	_ =	shalt  }
0x4c: {  	_ =	shalt  }
0x4d: {  	_ =	shalt  }
0x4e: {  	_ =	shalt  }
0x4f: {  	_ =	shalt  }
0x50: {  	_ =	shalt  }
0x51: {  	_ =	shalt  }
0x52: {  	_ =	shalt  }
0x53: {  	_ =	shalt  }
0x54: {  	_ =	shalt  }
0x55: {  	_ =	shalt  }
0x56: {  	_ =	shalt  }
0x57: {  	_ =	shalt  }
0x58: {  	_ =	shalt  }
0x59: {  	_ =	shalt  }
0x5a: {  	_ =	shalt  }
0x5b: {  	_ =	shalt  }
0x5c: {  	_ =	shalt  }
0x5d: {  	_ =	shalt  }
0x5e: {  	_ =	shalt  }
0x5f: {  	_ =	shalt  }
0x60: {  	_ =	shalt  }
0x61: {  	_ =	shalt  }
0x62: {  	_ =	shalt  }
0x63: {  	_ =	shalt  }
0x64: {  	_ =	shalt  }
0x65: {  	_ =	shalt  }
0x66: {  	_ =	shalt  }
0x67: {  	_ =	shalt  }
0x68: {  	_ =	shalt  }
0x69: {  	_ =	shalt  }
0x6a: {  	_ =	shalt  }
0x6b: {  	_ =	shalt  }
0x6c: {  	_ =	shalt  }
0x6d: {  	_ =	shalt  }
0x6e: {  	_ =	shalt  }
0x6f: {  	_ =	shalt  }
0x70: {  	_ =	shalt  }
0x71: {  	_ =	shalt  }
0x72: {  	_ =	shalt  }
0x73: {  	_ =	shalt  }
0x74: {  	_ =	shalt  }
0x75: {  	_ =	shalt  }
0x76: {  	_ =	shalt  }
0x77: {  	_ =	shalt  }
0x78: {  	_ =	shalt  }
0x79: {  	_ =	shalt  }
0x7a: {  	_ =	shalt  }
0x7b: {  	_ =	shalt  }
0x7c: {  	_ =	shalt  }
0x7d: {  	_ =	shalt  }
0x7e: {  	_ =	shalt  }
0x7f: {  	_ =	shalt  }
0x80: {  	_ =	shalt  }
0x81: {  	_ =	shalt  }
0x82: {  	_ =	shalt  }
0x83: {  	_ =	shalt  }
0x84: {  	_ =	shalt  }
0x85: {  	_ =	shalt  }
0x86: {  	_ =	shalt  }
0x87: {  	_ =	shalt  }
.Lfunc_end0:
.L_simem_size_0:
called_computation_lowered:
.L_overlay_start_0:
0x88: {  	s2 =	sld [smem:$0x3FD9]  }
0x89: {  	s3 =	sld [smem:$0x3FFE];
	_ =	sdelay $0x1  }
0x8a: {  	s1 =	srdreg.scid  }
0x8b: {  	s0 =	sand.u32 $0x1, s1  }
0x8c: {  	s17 =	sshll.u32 s0, $0xA;
	s2 =	sadd.s32 s3, s2  }
0x8d: {  	s2 =	sadd.s32 s2, s17  }
0x8e: {  	[smem:$0x3FC2] =	sst s2  }
0x8f: {  	_ = 	snop  }
0x90: {  	s2 =	sld [smem:$0x3FD0];
	(tm) =	ssettm $0x1  }
0x91: {  	s18 =	sld [smem:$0x3FFB];
	_ =	sdelay $0x3  }
0x92: {  	_ =	strace s18  }
0x93: {  	s3 =	sld [smem:$0x3FFC];
	_ =	sdelay $0x3  }
0x94: {  	_ =	strace s3  }
0x95: {  	s3 =	sld [smem:$0x3FFD];
	_ =	sdelay $0x3  }
0x96: {  	_ =	strace s3  }
0x97: {  	_ =	strace $0x8FFFFFFF  }
0x98: {  	s19 =	sld [smem:$0x3FDB];
	_ =	sdelay $0x1  }
0x99: {  	s4 =	simm.s32 $_scs_section_size  }
0x9a: {  	s5 =	simm.s32 $_size__tile_overlayer_lowered;
	s6 =	simm.s32 $_tile_overlayer_lowered  }
0x9b: {  	s22 =	simm.s32 $0x1BFF;
	s21 =	sshll.u32 s6, $0x1;
	s3 =	sadd.s32 s4, s19  }
0x9c: {  	s7 =	simm.s32 $0x0;
	s20 =	sshll.u32 s5, $0x1;
	s5 =	sadd.s32 s21, s3  }
0x9d: {  	[timem:s7], [sflag:s22] =	dma.local [hbm:s5], s20  }
0x9e: {  	_ =	swait.ge [sflag:s22], s20  }
0x9f: {  	s4 =	ssub.s32 $0x0, s20;
	[sflag:s22] =	ssyncset.done $0x0  }
0xa0: {  	[sflag:s22] =	ssyncadd.s32 s4;
	_ =	sdelay $0x1  }
0xa1: {  	s23 =	simm.s32 $0x1B8B  }
0xa2: {  	_ =	swait.ge [sflag:s23], $0x1  }
0xa3: {  	[sflag:s23] =	ssyncset.done $0x0  }
0xa4: {  	s25 =	simm.s32 $0x1B8E;
	s24 =	sld [smem:$0x3FFE];
	[sflag:s23] =	ssyncadd.s32 $0xFFFFFFFF  }
0xa5: {  	s26 =	simm.s32 $execute0_lowered;
	[smem:$0x3FD2] =	sst s25  }
0xa6: {  	s5 =	sshll.u32 s26, $0x1;
	_ =	strace $0x80000046;
	[dreg:$0x1] =	wrdreg $0xFFFFFFFF  }
0xa7: {  	s28 =	simm.s32 $_size_execute0_lowered;
	s3 =	sadd.s32 s3, s5;
	[dreg:$0x0] =	wrdreg $0x0  }
0xa8: {  	s5 =	sshll.u32 s28, $0x1;
	[dreg:$0x2] =	wrdreg s3  }
0xa9: {  	[dreg:$0x3] =	wrdreg s5  }
0xaa: {  	[dreg:$0x4] =	wrdreg $0xC0  }
0xab: {  	_ =	task [dreg:s7], $0x5FFFF  }
0xac: {  	[dreg:$0x1] =	wrdreg $0xFFFFFFFF  }
0xad: {  	[dreg:$0x0] =	wrdreg $0x60  }
0xae: {  	[dreg:$0x2] =	wrdreg s24  }
0xaf: {  	[dreg:$0x3] =	wrdreg s2  }
0xb0: {  	[dreg:$0x4] =	wrdreg $0x32800  }
0xb1: {  	[dreg:$0x5] =	wrdreg $0x9  }
0xb2: {  	_ =	task.clear_ibuf [dreg:s7], $0x6FFFF;
	_ =	strace $0x90000046  }
0xb3: {  	s29 =	simm.s32 $0x9;
	_ =	strace $0x80000048  }
0xb4: {  	_ =	swait.ge [sflag:s29], $0x1  }
0xb5: {  	[sflag:s29] =	ssyncadd.s32 $0xFFFFFFFF  }
0xb6: {  	_ =	strace $0x90000048  }
0xb7: {  	_ =	sfence  }
0xb8: {  	s30 =	sld [smem:$0x0];
	_ =	sdelay $0x2  }
0xb9: {  	s31 =	sshll.u32 s1, $0xD;
	s1 =	sshrl.u32 s1, $0x2  }
0xba: {  	s3 =	sand.u32 $0x4000, s31;
	s1 =	sadd.s32 s1, s30  }
0xbb: {  	s0 =	sor.u32 s3, s0;
	s1 =	sshll.u32 s1, $0x11  }
0xbc: {  	s0 =	sor.u32 s1, s0  }
0xbd: {  	s0 =	sadd.s32 $0x8F2B, s0  }
0xbe: {  	[sflag:s0] =	ssyncadd.remote.s32 $0x1  }
0xbf: {  	_ =	sfence.sel $0xFFFF  }
0xc0: {  	[dreg:$0x0] =	wrdreg $0xFFFFFFFF;
	(pc) =	sbr.abs _section_cstart, $3  }
0xc1: {  	[dreg:$0x1] =	wrdreg $0xFFFFFFFF  }
0xc2: {  	_ =	task.clear_ibuf [dreg:s7], $0x2FFFF;
	_ =	strace $0x9FFFFFFF  }
0xc3: {  	(tm) =	ssettm $0x7FFFFFFF  }
tec
execute0_lowered:
.L_overlay_start_1:
0x0: {  	(tag) =	ssettag $0x1  }
0x1: {  	s4 =	rddreg [dreg:$0x0]  }
0x2: {  	s0 =	srdreg.scid;
	s6 =	rddreg [dreg:$0x1]  }
0x3: {  	s2 =	rddreg [dreg:$0x2];
	s1 =	stileid.u32  }
0x4: {  	s3 =	simm.s32 $0x0;
	s13 =	simm.s32 $0x20;
	s14 =	simm.s32 $0x10  }
0x5: {  	s5 =	sand.u32 $0x1, s0;
	s0 =	rddreg [dreg:$0x3];
	s8 =	smul.u32 $0x280, s1  }
0x6: {  	s15 =	simm.s32 $0x0;
	[smem:$0x7FF] =	sst s3;
	s10 =	smul.u32 $0x500, s1  }
0x7: {  	s31 =	sshll.u32 s1, $0x6;
	s7 =	sshll.u32 s5, $0x4;
	_ =	strace $0x80000047  }
0x8: {  	s9 =	ssub.s32 $0x2, s5;
	s5 =	sshll.u32 s5, $0x7;
	s7 =	sor.u32 s1, s7  }
0x9: {  	s11 =	sshrl.u32 s8, $0x3;
	s12 =	sshrl.u32 s9, $0x1;
	s5 =	sor.u32 s5, s10  }
0xa: {  	s29 =	sadd.s32 s8, s2;
	s8 =	simm.s32 $0x1;
	s7 =	smul.u32 $0x640, s7  }
0xb: {  	s11 =	sadd.s32 s11, s4;
	s9 =	ssub.s32 s9, s12;
	s30 =	sshrl.u32 s5, $0x3  }
0xc: {  	s10 =	sshrl.u32 s29, $0x3;
	s12 =	simm.s32 $0x3200;
	s5 =	sadd.s32 $0xE600, s11  }
0xd: {  	s6 =	sadd.s32 s6, s30;
	s11 =	simm.s32 $0x64;
	s7 =	sadd.s32 s7, s4  }
0xe: {  	v0 =	vimm.f32 $1.000000000e+00;
	s4 =	sadd.s32 $0x1E00, s7;
	s7 =	smax.u32 s9, $0x1;
	s9 =	sor.u32 $0x1C01, s31  }
.LBB2_1:
0xf: {  	[tilespmem:s3], [sflag:$0x1] =	stream.linear.gather [hbm4b:s4+s3], $0x3200, $0x38;
	[tilespmem:$0x3500] =	vst v63  }
0x10: {  	_ =	swait.ge [sflag:s8], $0x3200  }
0x11: {  	[sflag:s8] =	ssyncset.done $0x0  }
0x12: {  	[sflag:s8] =	ssyncadd.s32 $0xFFFFCE00  }
0x13: {  	[spmem:s10], [sflag:s9] =	dma.local [hbm:s5], $0x50  }
0x14: {  	_ =	swait.ge [sflag:s8], $0x50  }
0x15: {  	[sflag:s8] =	ssyncset.done $0x0  }
0x16: {  	[sflag:s8] =	ssyncadd.s32 $0xFFFFFFB0  }
0x17: {  	[tilespmem:$0x3200] =	vst v0  }
0x18: {  	[tilespmem:$0x3210] =	vst v0  }
0x19: {  	[tilespmem:$0x3220] =	vst v0  }
0x1a: {  	[tilespmem:$0x3230] =	vst v0  }
0x1b: {  	[tilespmem:$0x3240] =	vst v0  }
0x1c: {  	[tilespmem:$0x3250] =	vst v0  }
0x1d: {  	[tilespmem:$0x3260] =	vst v0  }
0x1e: {  	[tilespmem:$0x3270] =	vst v0  }
0x1f: {  	s16 =	simm.s32 $0x0;
	[bflag:$0x0] =	sbarrier.arrive $0xFFFF  }
0x20: {  	[spmem:s2] =	stream.indirect.scatter.add.f32 [tilespmem:s12], [sflag:$0x1], $0x1, s16, s11, $0xb8;
	[tilespmem:$0x3500] =	vst v63  }
0x21: {  	_ =	swait.ge [sflag:s8], $0x64  }
0x22: {  	s16 =	simm.s32 $0x200;
	[sflag:s8] =	ssyncset.done $0x0  }
.LBB2_2:
0x23: {  	s17 =	sshra.s32 s16, $0x2;
	[sflag:s8] =	ssyncadd.s32 $0xFFFFFF9C;
	p0 =	sne.s32 s16, $0xC600  }
0x24: {  	[spmem:s2] =	stream.indirect.scatter.add.f32 [tilespmem:s12], [sflag:$0x1], $0x1, s17, s11, $0xb8;
	[tilespmem:$0x3500] =	vst v63  }
.Ltmp0:
0x25: {  	_ = 	snop;
	(pc) =	sbr.rel @p0 .LBB2_2-.Ltmp0, $4  }
0x26: {  	_ = 	snop  }
0x27: {  	s16 =	sadd.s32 $0x200, s16  }
0x28: {  	_ =	swait.ge [sflag:s8], $0x64  }
0x29: {  	[sflag:s8] =	ssyncset.done $0x0  }
0x2a: {  	s15 =	sadd.s32 $0x1, s15  }
0x2b: {  	[sflag:s8] =	ssyncadd.s32 $0xFFFFFF9C;
	p0 =	sne.s32 s15, s7  }
.Ltmp1:
0x2c: {  	[bflag:$0x0] =	sbarrier.arrive $0xFFFF;
	(pc) =	sbr.rel @p0 .LBB2_1-.Ltmp1, $4  }
0x2d: {  	[hbm:s6@s13], [sflag:s9] =	dma.strided [spmem:s10@s14], $0x50, s8, $0x10   }
0x2e: {  	_ =	swait.ge [sflag:s8], $0x50  }
0x2f: {  	[sflag:s8] =	ssyncset.done $0x0  }
0x30: {  	[sflag:s8] =	ssyncadd.s32 $0xFFFFFFB0  }
0x31: {  	_ =	sfence.sel $0x180000  }
0x32: {  	[bflag:$0x0] =	sbarrier.arrive $0xFFFF  }
0x33: {  	p0 =	sne.s32 s1, $0x0;
	_ =	strace $0x90000047  }
0x34: {  	s0 =	sadd.s32 @!p0 $0x100000, s0;
	[bflag:$0x2] =	sbarrier.arrive $0xFFFF  }
0x35: {  	[sflag:s0] =	ssyncadd.tile.s32 @!p0 $0x1;
	_ =	shalt  }
.Lfunc_end2:
_tile_overlayer_lowered:
.L_overlay_start_2:
0x36: {  	(tag) =	ssettag $0x2  }
0x37: {  	s0 =	rddreg [dreg:$0x0];
	s2 =	stileid.u32  }
0x38: {  	s1 =	rddreg [dreg:$0x1];
	p0 =	sne.s32 s2, $0x0  }
0x39: {  	s3 =	rddreg [dreg:$0x2];
	[bflag:$0x3] =	sbarrier.arrive $0xFFFF;
	s2 =	simm.s32 @!p0 $0x1C01  }
0x3a: {  	[timem:s3], [sflag:s2] =	dma.local @!p0 [hbm:s0], s1  }
0x3b: {  	s0 =	simm.s32 @!p0 $0x1  }
0x3c: {  	_ =	swait.ge @!p0 [sflag:s0], s1  }
0x3d: {  	s1 =	ssub.s32 @!p0 $0x0, s1;
	[sflag:s0] =	ssyncset.done @!p0 $0x0  }
0x3e: {  	[sflag:s0] =	ssyncadd.s32 @!p0 s1  }
0x3f: {  	[bflag:$0x3] =	sbarrier.arrive $0xFFFF  }
0x40: {  	_ =	shalt  }

// kernel: kernel.13.cloned.1.call-start
scs
__scs_entry_jumppad:
0x0: {  	(pc) =	sbr.rel $0x88, $3  }
0x1: {  	(tag) =	ssettag $0x0;
	lr =	simm.s32 $0x1  }
0x2: {  	[smem:$0x3F9B] =	sst lr;
	_ =	strace $0xD0000000  }
0x3: {  	_ = 	snop  }
0x4: {  	_ = 	snop  }
0x5: {  	_ = 	snop  }
0x6: {  	_ = 	snop  }
0x7: {  	_ = 	snop  }
__scs_overlays_trampoline_lowered:
0x8: {  	[smem:$0x3FAA] =	sst s0  }
0x9: {  	[smem:$0x3FAB] =	sst s1  }
0xa: {  	[smem:$0x3FAC] =	sst s2  }
0xb: {  	[smem:$0x3FAD] =	sst s3  }
0xc: {  	[smem:$0x3FAE] =	sst s4  }
0xd: {  	[smem:$0x3FAF] =	sst s5  }
0xe: {  	[smem:$0x3FB0] =	sst s6  }
0xf: {  	[smem:$0x3FB1] =	sst s7  }
0x10: {  	[smem:$0x3FB2] =	sst s8  }
0x11: {  	[smem:$0x3FB3] =	sst s9;
	s0 =	simm.s32 @!p0 $0x0  }
0x12: {  	s1 =	sld [smem:$0x3F99];
	s0 =	simm.s32 @p0 $0x1  }
0x13: {  	[smem:$0x3FB4] =	sst s0;
	s0 =	simm.s32 @!p1 $0x0  }
0x14: {  	s2 =	sld [smem:$0x3F98];
	s0 =	simm.s32 @p1 $0x1  }
0x15: {  	[smem:$0x3FB5] =	sst s0;
	s0 =	simm.s32 @!p2 $0x0  }
0x16: {  	s3 =	sld [smem:$0x3FDB];
	s0 =	simm.s32 @p2 $0x1  }
0x17: {  	s4 =	simm.s32 $0x1BF5;
	[smem:$0x3FB7] =	sst s0  }
0x18: {  	s0 =	sld [smem:$0x3F9A];
	_ =	swait.ge [sflag:s4], $0x0  }
0x19: {  	s7 =	sld [smem:$0x3F9B]  }
0x1a: {  	s8 =	sadd.s32 $0xFFFFE003, lr  }
0x1b: {  	s9 =	sadd.s32 $0xFFFFFEF7, lr;
	s5 =	simm.s32 $0xFFFFFFFF;
	p2 =	slt.u32 s8, $0xFFFFF086  }
0x1c: {  	p1 =	slt.u32 s9, $0xF7A;
	s5 =	simm.s32 @!p2 $0x0  }
0x1d: {  	s5 =	simm.s32 @p1 $0x1;
	p0 =	seq.s32 s7, s2  }
0x1e: {  	s7 =	smul.u32 @!p0 $0xF7A, s2;
	p2 =	seq.s32 @!p0 s5, $0x0  }
0x1f: {  	s9 =	smul.u32 $0xF7A, s1;
	s8 =	simm.s32 @!p0 $0x1BF5;
	p2 =	por !p2, p0  }
0x20: {  	[sflag:s8] =	ssyncset.s32 @!p0 $0xFFFFF086;
	s6 =	sadd.s32 @!p0 s3, s7;
	s7 =	simm.s32 @!p0 $0x108  }
0x21: {  	s3 =	sadd.s32 s3, s9;
	s6 =	sadd.s32 @!p0 $0x88, s6;
	s7 =	simm.s32 @p2 $0x1082  }
0x22: {  	[simem:s7], [sflag:s8] =	dma.local @!p0 [hbm:s6], $0xF7A  }
0x23: {  	s9 =	sor.u32 $0xD0000000, s2;
	s6 =	simm.s32 $0x108;
	_ =	swait.ge @!p0 [sflag:s8], $0x0  }
0x24: {  	s3 =	sadd.s32 $0x88, s3;
	s6 =	simm.s32 @!p1 $0x1082;
	[sflag:s4] =	ssyncset.s32 $0xFFFFF086  }
0x25: {  	[simem:s6], [sflag:s4] =	dma.local [hbm:s3], $0xF7A  }
0x26: {  	[smem:$0x3F9B] =	sst s1;
	(tag) =	ssettag s2;
	_ =	strace s9  }
0x27: {  	s1 =	sld [smem:$0x3FAB]  }
0x28: {  	s2 =	sld [smem:$0x3FAC]  }
0x29: {  	s4 =	sld [smem:$0x3FAE]  }
0x2a: {  	p0 =	seq.s32 s5, $0x0;
	s5 =	sld [smem:$0x3FAF]  }
0x2b: {  	s6 =	sld [smem:$0x3FB0]  }
0x2c: {  	s7 =	sld [smem:$0x3FB1]  }
0x2d: {  	s3 =	simm.s32 $0x108;
	s8 =	sld [smem:$0x3FB2]  }
0x2e: {  	s3 =	simm.s32 @!p0 $0x1082;
	s9 =	sld [smem:$0x3FB3]  }
0x2f: {  	lr =	sadd.s32 s0, s3;
	s0 =	sld [smem:$0x3FAA]  }
0x30: {  	s3 =	sld [smem:$0x3FAD]  }
0x31: {  	[smem:$0x3FB6] =	sst s10  }
0x32: {  	s10 =	sld [smem:$0x3FB4];
	_ =	sdelay $0x3  }
0x33: {  	p0 =	seq.s32 s10, $0x1;
	s10 =	sld [smem:$0x3FB6];
	_ =	sdelay $0x3  }
0x34: {  	[smem:$0x3FB6] =	sst s10  }
0x35: {  	s10 =	sld [smem:$0x3FB5];
	_ =	sdelay $0x3  }
0x36: {  	p1 =	seq.s32 s10, $0x1;
	s10 =	sld [smem:$0x3FB6];
	_ =	sdelay $0x3  }
0x37: {  	[smem:$0x3FB6] =	sst s10  }
0x38: {  	s10 =	sld [smem:$0x3FB7]  }
0x39: {  	_ = 	snop;
	(pc) =	sbr.ind lr, $3  }
0x3a: {  	_ = 	snop  }
0x3b: {  	_ = 	snop  }
0x3c: {  	p2 =	seq.s32 s10, $0x1;
	s10 =	sld [smem:$0x3FB6]  }
0x3d: {  	_ =	shalt  }
0x3e: {  	_ =	shalt  }
0x3f: {  	_ =	shalt  }
0x40: {  	_ =	shalt  }
0x41: {  	_ =	shalt  }
0x42: {  	_ =	shalt  }
0x43: {  	_ =	shalt  }
0x44: {  	_ =	shalt  }
0x45: {  	_ =	shalt  }
0x46: {  	_ =	shalt  }
0x47: {  	_ =	shalt  }
0x48: {  	_ =	shalt  }
0x49: {  	_ =	shalt  }
0x4a: {  	_ =	shalt  }
0x4b: {  	_ =	shalt  }
0x4c: {  	_ =	shalt  }
0x4d: {  	_ =	shalt  }
0x4e: {  	_ =	shalt  }
0x4f: {  	_ =	shalt  }
0x50: {  	_ =	shalt  }
0x51: {  	_ =	shalt  }
0x52: {  	_ =	shalt  }
0x53: {  	_ =	shalt  }
0x54: {  	_ =	shalt  }
0x55: {  	_ =	shalt  }
0x56: {  	_ =	shalt  }
0x57: {  	_ =	shalt  }
0x58: {  	_ =	shalt  }
0x59: {  	_ =	shalt  }
0x5a: {  	_ =	shalt  }
0x5b: {  	_ =	shalt  }
0x5c: {  	_ =	shalt  }
0x5d: {  	_ =	shalt  }
0x5e: {  	_ =	shalt  }
0x5f: {  	_ =	shalt  }
0x60: {  	_ =	shalt  }
0x61: {  	_ =	shalt  }
0x62: {  	_ =	shalt  }
0x63: {  	_ =	shalt  }
0x64: {  	_ =	shalt  }
0x65: {  	_ =	shalt  }
0x66: {  	_ =	shalt  }
0x67: {  	_ =	shalt  }
0x68: {  	_ =	shalt  }
0x69: {  	_ =	shalt  }
0x6a: {  	_ =	shalt  }
0x6b: {  	_ =	shalt  }
0x6c: {  	_ =	shalt  }
0x6d: {  	_ =	shalt  }
0x6e: {  	_ =	shalt  }
0x6f: {  	_ =	shalt  }
0x70: {  	_ =	shalt  }
0x71: {  	_ =	shalt  }
0x72: {  	_ =	shalt  }
0x73: {  	_ =	shalt  }
0x74: {  	_ =	shalt  }
0x75: {  	_ =	shalt  }
0x76: {  	_ =	shalt  }
0x77: {  	_ =	shalt  }
0x78: {  	_ =	shalt  }
0x79: {  	_ =	shalt  }
0x7a: {  	_ =	shalt  }
0x7b: {  	_ =	shalt  }
0x7c: {  	_ =	shalt  }
0x7d: {  	_ =	shalt  }
0x7e: {  	_ =	shalt  }
0x7f: {  	_ =	shalt  }
0x80: {  	_ =	shalt  }
0x81: {  	_ =	shalt  }
0x82: {  	_ =	shalt  }
0x83: {  	_ =	shalt  }
0x84: {  	_ =	shalt  }
0x85: {  	_ =	shalt  }
0x86: {  	_ =	shalt  }
0x87: {  	_ =	shalt  }
.Lfunc_end0:
.L_simem_size_0:
called_computation.1_lowered:
.L_overlay_start_0:
0x88: {  	s2 =	sld [smem:$0x3FD9]  }
0x89: {  	s3 =	sld [smem:$0x3FFE];
	_ =	sdelay $0x1  }
0x8a: {  	s1 =	srdreg.scid  }
0x8b: {  	s0 =	sand.u32 $0x1, s1  }
0x8c: {  	s16 =	sshll.u32 s0, $0xA;
	s2 =	sadd.s32 s3, s2  }
0x8d: {  	s2 =	sadd.s32 s2, s16  }
0x8e: {  	[smem:$0x3FC2] =	sst s2  }
0x8f: {  	_ = 	snop  }
0x90: {  	(tm) =	ssettm $0x1  }
0x91: {  	s17 =	sld [smem:$0x3FFB];
	_ =	sdelay $0x3  }
0x92: {  	_ =	strace s17  }
0x93: {  	s2 =	sld [smem:$0x3FFC];
	_ =	sdelay $0x3  }
0x94: {  	_ =	strace s2  }
0x95: {  	s2 =	sld [smem:$0x3FFD];
	_ =	sdelay $0x3  }
0x96: {  	_ =	strace s2  }
0x97: {  	_ =	strace $0x8FFFFFFF  }
0x98: {  	s18 =	sld [smem:$0x3FDB];
	_ =	sdelay $0x1  }
0x99: {  	s19 =	simm.s32 $_scs_section_size  }
0x9a: {  	s4 =	simm.s32 $_size__tile_overlayer_lowered;
	s5 =	simm.s32 $_tile_overlayer_lowered  }
0x9b: {  	s22 =	simm.s32 $0x1BFF;
	s21 =	sshll.u32 s5, $0x1;
	s2 =	sadd.s32 s19, s18  }
0x9c: {  	s6 =	simm.s32 $0x0;
	s20 =	sshll.u32 s4, $0x1;
	s4 =	sadd.s32 s21, s2  }
0x9d: {  	[timem:s6], [sflag:s22] =	dma.local [hbm:s4], s20  }
0x9e: {  	_ =	swait.ge [sflag:s22], s20  }
0x9f: {  	s3 =	ssub.s32 $0x0, s20;
	[sflag:s22] =	ssyncset.done $0x0  }
0xa0: {  	[sflag:s22] =	ssyncadd.s32 s3;
	_ =	sdelay $0x1  }
0xa1: {  	s23 =	simm.s32 $0x1B8B  }
0xa2: {  	_ =	swait.ge [sflag:s23], $0x1  }
0xa3: {  	[sflag:s23] =	ssyncset.done $0x0  }
0xa4: {  	s25 =	simm.s32 $0x1B8E;
	s24 =	sld [smem:$0x3FFE];
	[sflag:s23] =	ssyncadd.s32 $0xFFFFFFFF  }
0xa5: {  	s26 =	simm.s32 $execute0_lowered;
	[smem:$0x3FD2] =	sst s25  }
0xa6: {  	s4 =	sshll.u32 s26, $0x1;
	_ =	strace $0x80000049;
	[dreg:$0x1] =	wrdreg $0xFFFFFFFF  }
0xa7: {  	s28 =	simm.s32 $_size_execute0_lowered;
	s2 =	sadd.s32 s2, s4;
	[dreg:$0x0] =	wrdreg $0x0  }
0xa8: {  	s4 =	sshll.u32 s28, $0x1;
	[dreg:$0x2] =	wrdreg s2  }
0xa9: {  	[dreg:$0x3] =	wrdreg s4  }
0xaa: {  	[dreg:$0x4] =	wrdreg $0xC0  }
0xab: {  	_ =	task [dreg:s6], $0x5FFFF  }
0xac: {  	[dreg:$0x1] =	wrdreg $0xFFFFFFFF  }
0xad: {  	[dreg:$0x0] =	wrdreg $0x60  }
0xae: {  	[dreg:$0x2] =	wrdreg s24  }
0xaf: {  	[dreg:$0x3] =	wrdreg $0xA2000  }
0xb0: {  	[dreg:$0x4] =	wrdreg $0x9  }
0xb1: {  	_ =	task.clear_ibuf [dreg:s6], $0x5FFFF;
	_ =	strace $0x90000049  }
0xb2: {  	s29 =	simm.s32 $0x9;
	_ =	strace $0x8000004B  }
0xb3: {  	_ =	swait.ge [sflag:s29], $0x1  }
0xb4: {  	[sflag:s29] =	ssyncadd.s32 $0xFFFFFFFF  }
0xb5: {  	_ =	strace $0x9000004B  }
0xb6: {  	_ =	sfence  }
0xb7: {  	s30 =	sld [smem:$0x0];
	_ =	sdelay $0x2  }
0xb8: {  	s31 =	sshll.u32 s1, $0xD;
	s1 =	sshrl.u32 s1, $0x2  }
0xb9: {  	s3 =	sand.u32 $0x4000, s31;
	s1 =	sadd.s32 s1, s30  }
0xba: {  	s0 =	sor.u32 s3, s0;
	s1 =	sshll.u32 s1, $0x11  }
0xbb: {  	s0 =	sor.u32 s1, s0  }
0xbc: {  	s0 =	sadd.s32 $0x8F2B, s0  }
0xbd: {  	[sflag:s0] =	ssyncadd.remote.s32 $0x1  }
0xbe: {  	_ =	sfence.sel $0xFFFF  }
0xbf: {  	[dreg:$0x0] =	wrdreg $0xFFFFFFFF;
	(pc) =	sbr.abs _section_cstart, $3  }
0xc0: {  	[dreg:$0x1] =	wrdreg $0xFFFFFFFF  }
0xc1: {  	_ =	task.clear_ibuf [dreg:s6], $0x2FFFF;
	_ =	strace $0x9FFFFFFF  }
0xc2: {  	(tm) =	ssettm $0x7FFFFFFF  }
0xc3: {  	_ =	shalt  }
tec
execute0_lowered:
.L_overlay_start_1:
0x0: {  	(tag) =	ssettag $0x1  }
0x1: {  	s0 =	rddreg [dreg:$0x0]  }
0x2: {  	s2 =	rddreg [dreg:$0x1];
	s3 =	simm.s32 $0x0;
	s13 =	stileid.u32  }
0x3: {  	s5 =	srdreg.scid;
	s28 =	simm.s32 $0x64;
	s29 =	simm.s32 $0x200  }
0x4: {  	s31 =	simm.s32 $0x500;
	[smem:$0x7FF] =	sst s3;
	s1 =	smul.u32 $0x13C00, s13  }
0x5: {  	s4 =	sadd.s32 $0x1B400, s0;
	s6 =	sadd.s32 $0xEC00, s0;
	s24 =	smul.u32 $0x64, s13  }
0x6: {  	s5 =	sand.u32 $0x1, s5;
	s10 =	sadd.s32 $0x1E00, s0;
	s22 =	smul.u32 $0x4F000, s13  }
0x7: {  	_ =	strace $0x8000004A;
	s8 =	smul.u32 $0x13C000, s5;
	s9 =	sshll.u32 s5, $0x4  }
0x8: {  	s23 =	ssub.s32 $0x2, s5;
	s5 =	smul.u32 $0x640, s5;
	s7 =	sshrl.u32 s1, $0x3  }
0x9: {  	s9 =	sor.u32 s13, s9;
	s11 =	sshrl.u32 s23, $0x1;
	s13 =	simm.s32 $0xB  }
0xa: {  	s7 =	sadd.s32 s7, s0;
	s1 =	sadd.s32 s1, s8;
	s9 =	smul.u32 $0x640, s9  }
0xb: {  	s5 =	sadd.s32 s24, s5;
	s1 =	sshrl.u32 s1, $0x3;
	s7 =	sadd.s32 $0x42600, s7  }
0xc: {  	s5 =	sshll.u32 s5, $0x4;
	s25 =	sadd.s32 s6, s9;
	[dreg:$0x12] =	wrdreg s7  }
0xd: {  	s26 =	sadd.s32 s10, s9;
	s30 =	sor.u32 $0x10, s9;
	[dreg:$0x9] =	wrdreg s25  }
0xe: {  	s0 =	sadd.s32 s1, s0;
	[dreg:$0xa] =	wrdreg s26;
	s12 =	sadd.s32 s6, s30  }
0xf: {  	s14 =	sor.u32 $0x20, s9;
	s15 =	sadd.s32 s10, s30;
	[dreg:$0xb] =	wrdreg s12  }
0x10: {  	s1 =	ssub.s32 s23, s11;
	s16 =	sadd.s32 s6, s14;
	[dreg:$0xc] =	wrdreg s15  }
0x11: {  	s18 =	sor.u32 $0x30, s9;
	s17 =	sadd.s32 s10, s14;
	[dreg:$0xd] =	wrdreg s16  }
0x12: {  	s19 =	sadd.s32 $0x80, s5;
	s21 =	sadd.s32 s6, s18;
	[dreg:$0xe] =	wrdreg s17  }
0x13: {  	s24 =	sadd.s32 $0x40, s5;
	s8 =	sadd.s32 s10, s18;
	[dreg:$0xf] =	wrdreg s21  }
0x14: {  	s5 =	sadd.s32 $0x60, s5;
	s25 =	sadd.s32 s24, s6;
	[dreg:$0x10] =	wrdreg s8  }
0x15: {  	s20 =	sadd.s32 s19, s6;
	s26 =	sadd.s32 s24, s10;
	[dreg:$0x5] =	wrdreg s25  }
0x16: {  	s6 =	sadd.s32 s5, s6;
	s5 =	sadd.s32 s5, s10;
	[dreg:$0x6] =	wrdreg s26  }
0x17: {  	s0 =	sadd.s32 $0x69E00, s0;
	s30 =	smax.u32 s1, $0x1;
	[dreg:$0x7] =	wrdreg s6  }
0x18: {  	s14 =	simm.s32 $0x2;
	s18 =	simm.s32 $0x6;
	[dreg:$0x13] =	wrdreg s0  }
0x19: {  	s23 =	sadd.s32 $0x10, s20;
	s21 =	sadd.s32 s19, s10;
	[dreg:$0x14] =	wrdreg s30  }
0x1a: {  	s8 =	sshrl.u32 s22, $0x2;
	[dreg:$0x8] =	wrdreg s5;
	s10 =	simm.s32 $0xA  }
0x1b: {  	s19 =	simm.s32 $0x280;
	[dreg:$0x3] =	wrdreg s23;
	s9 =	sadd.s32 $0x10, s21  }
0x1c: {  	s17 =	simm.s32 $0x5;
	s8 =	sadd.s32 s8, s2;
	[dreg:$0x4] =	wrdreg s9  }
0x1d: {  	s5 =	simm.s32 $0x0;
	s2 =	simm.s32 $0x1;
	[dreg:$0x11] =	wrdreg s8  }
.LBB2_1:
0x1e: {  	[dreg:$0x15] =	wrdreg s5  }
0x1f: {  	s0 =	rddreg [dreg:$0x9]  }
0x20: {  	[tilespmem:s3], [sflag:$0x1] =	stream.linear.gather [hbm4b:s0+s3], $0x80, $0x38;
	[tilespmem:$0x1DE00] =	vst v63  }
0x21: {  	s23 =	rddreg [dreg:$0xa];
	s22 =	simm.s32 $0x300  }
0x22: {  	[tilespmem:s22], [sflag:$0x1] =	stream.linear.gather [hbm4b:s23+s3], $0x80, $0x38;
	[tilespmem:$0x1DE00] =	vst v63  }
0x23: {  	s24 =	rddreg [dreg:$0xb];
	s23 =	simm.s32 $0x80  }
0x24: {  	[tilespmem:s23], [sflag:$0x2] =	stream.linear.gather [hbm4b:s24+s3], $0x80, $0x38;
	[tilespmem:$0x1DE00] =	vst v63  }
0x25: {  	s25 =	rddreg [dreg:$0xc];
	s24 =	simm.s32 $0x380  }
0x26: {  	[tilespmem:s24], [sflag:$0x2] =	stream.linear.gather [hbm4b:s25+s3], $0x80, $0x38;
	[tilespmem:$0x1DE00] =	vst v63  }
0x27: {  	s26 =	rddreg [dreg:$0xd];
	s5 =	simm.s32 $0x100  }
0x28: {  	[tilespmem:s5], [sflag:$0x3] =	stream.linear.gather [hbm4b:s26+s3], $0x80, $0x38;
	[tilespmem:$0x1DE00] =	vst v63  }
0x29: {  	s1 =	rddreg [dreg:$0xe];
	s6 =	simm.s32 $0x400  }
0x2a: {  	[tilespmem:s6], [sflag:$0x3] =	stream.linear.gather [hbm4b:s1+s3], $0x80, $0x38;
	[tilespmem:$0x1DE00] =	vst v63  }
0x2b: {  	s7 =	rddreg [dreg:$0xf];
	s11 =	simm.s32 $0x180  }
0x2c: {  	[tilespmem:s11], [sflag:$0x4] =	stream.linear.gather [hbm4b:s7+s3], $0x80, $0x38;
	[tilespmem:$0x1DE00] =	vst v63  }
0x2d: {  	s8 =	rddreg [dreg:$0x10];
	s12 =	simm.s32 $0x480  }
0x2e: {  	[tilespmem:s12], [sflag:$0x4] =	stream.linear.gather [hbm4b:s8+s3], $0x80, $0x38;
	[tilespmem:$0x1DE00] =	vst v63  }
0x2f: {  	_ =	swait.ge [sflag:s2], $0x80  }
0x30: {  	[sflag:s2] =	ssyncset.done $0x0  }
0x31: {  	[sflag:s2] =	ssyncadd.s32 $0xFFFFFF80  }
0x32: {  	_ =	swait.ge [sflag:s2], $0x80  }
0x33: {  	[sflag:s2] =	ssyncset.done $0x0  }
0x34: {  	s25 =	simm.s32 $0x600;
	[sflag:s2] =	ssyncadd.s32 $0xFFFFFF80  }
0x35: {  	[tilespmem:s25], [sflag:$0x7] =	stream.indirect.gather [hbm4b:s4+s28], $0x80, s3, s28, $0xb8;
	[tilespmem:$0x1DE00] =	vst v63  }
0x36: {  	_ =	swait.ge [sflag:s14], $0x80  }
0x37: {  	[sflag:s14] =	ssyncset.done $0x0  }
0x38: {  	s9 =	stileid.u32;
	[sflag:s14] =	ssyncadd.s32 $0xFFFFFF80  }
0x39: {  	s0 =	sshll.u32 s9, $0x6;
	_ =	swait.ge [sflag:s14], $0x80  }
0x3a: {  	s8 =	simm.s32 $0x3A00;
	[sflag:s14] =	ssyncset.done $0x0;
	s15 =	rddreg [dreg:$0x11]  }
0x3b: {  	s26 =	rddreg [dreg:$0x12];
	[sflag:s14] =	ssyncadd.s32 $0xFFFFFF80;
	s14 =	sor.u32 $0x1C0B, s0  }
0x3c: {  	[tilespmem:s8], [sflag:$0x8] =	stream.indirect.gather [hbm4b:s4+s28], $0x80, s23, s28, $0xb8;
	[tilespmem:$0x1DE00] =	vst v63  }
0x3d: {  	s16 =	sshrl.u32 s15, $0x3;
	[dreg:$0x16] =	wrdreg s14  }
0x3e: {  	[dreg:$0x17] =	wrdreg s16  }
0x3f: {  	[spmem:s16], [sflag:s14] =	dma.local [hbm:s26], $0x2780  }
0x40: {  	_ =	swait.ge [sflag:s13], $0x2780  }
0x41: {  	[sflag:s13] =	ssyncset.done $0x0  }
0x42: {  	[sflag:s13] =	ssyncadd.s32 $0xFFFFD880  }
0x43: {  	s7 =	simm.s32 $0x7;
	[bflag:$0x0] =	sbarrier.arrive $0xFFFF  }
0x44: {  	_ =	swait.ge [sflag:s7], $0x3200  }
0x45: {  	p0 =	por $0x1, $0x1;
	[sflag:s7] =	ssyncset.done $0x0  }
0x46: {  	s0 =	simm.s32 @!p0 $0xA;
	[sflag:s7] =	ssyncadd.s32 $0xFFFFCE00  }
0x47: {  	_ =	swait.ge @!p0 [sflag:s0], $0x3200  }
0x48: {  	[sflag:s0] =	ssyncset.done @!p0 $0x0  }
0x49: {  	s1 =	rddreg [dreg:$0x5];
	[sflag:s0] =	ssyncadd.s32 @!p0 $0xFFFFCE00  }
0x4a: {  	s26 =	rddreg [dreg:$0x1]  }
0x4b: {  	[spmem:s26] =	stream.indirect.scatter.add.f32 [tilespmem:s25], [sflag:$0xA], $0x80, s22, s28, $0xb8;
	[tilespmem:$0x1DE00] =	vst v63  }
0x4c: {  	s2 =	rddreg [dreg:$0x6];
	s13 =	sadd.s32 $0x0, s1  }
0x4d: {  	[tilespmem:s29], [sflag:$0x5] =	stream.linear.gather [hbm4b:s13+s3], $0x80, $0x38;
	[tilespmem:$0x1DE00] =	vst v63  }
0x4e: {  	s0 =	sadd.s32 $0x0, s2;
	s1 =	simm.s32 $0x3  }
0x4f: {  	[tilespmem:s31], [sflag:$0x5] =	stream.linear.gather [hbm4b:s0+s3], $0x80, $0x38;
	[tilespmem:$0x1DE00] =	vst v63  }
0x50: {  	_ =	swait.ge [sflag:s1], $0x80  }
0x51: {  	[sflag:s1] =	ssyncset.done $0x0  }
0x52: {  	[sflag:s1] =	ssyncadd.s32 $0xFFFFFF80  }
0x53: {  	_ =	swait.ge [sflag:s1], $0x80  }
0x54: {  	[sflag:s1] =	ssyncset.done $0x0  }
0x55: {  	s15 =	simm.s32 $0x8;
	s2 =	simm.s32 $0x6E00;
	[sflag:s1] =	ssyncadd.s32 $0xFFFFFF80  }
0x56: {  	[tilespmem:s2], [sflag:$0x9] =	stream.indirect.gather [hbm4b:s4+s28], $0x80, s5, s28, $0xb8;
	[tilespmem:$0x1DE00] =	vst v63  }
0x57: {  	_ =	swait.ge [sflag:s15], $0x3200  }
0x58: {  	[sflag:s15] =	ssyncset.done $0x0  }
0x59: {  	[sflag:s15] =	ssyncadd.s32 $0xFFFFCE00  }
0x5a: {  	_ =	swait.ge [sflag:s10], $0x3200  }
0x5b: {  	[sflag:s10] =	ssyncset.done $0x0  }
0x5c: {  	[sflag:s10] =	ssyncadd.s32 $0xFFFFCE00  }
0x5d: {  	[spmem:s26] =	stream.indirect.scatter.add.f32 [tilespmem:s8], [sflag:$0xA], $0x80, s24, s28, $0xb8;
	[tilespmem:$0x1DE00] =	vst v63  }
0x5e: {  	s9 =	sadd.s32 $0x10, s13  }
0x5f: {  	[tilespmem:s19], [sflag:$0x6] =	stream.linear.gather [hbm4b:s9+s3], $0x80, $0x38;
	[tilespmem:$0x1DE00] =	vst v63  }
0x60: {  	s16 =	sadd.s32 $0x10, s0;
	s1 =	simm.s32 $0x580;
	s9 =	simm.s32 $0x4  }
0x61: {  	[tilespmem:s1], [sflag:$0x6] =	stream.linear.gather [hbm4b:s16+s3], $0x80, $0x38;
	[tilespmem:$0x1DE00] =	vst v63  }
0x62: {  	_ =	swait.ge [sflag:s9], $0x80  }
0x63: {  	[sflag:s9] =	ssyncset.done $0x0  }
0x64: {  	[sflag:s9] =	ssyncadd.s32 $0xFFFFFF80  }
0x65: {  	_ =	swait.ge [sflag:s9], $0x80  }
0x66: {  	[sflag:s9] =	ssyncset.done $0x0  }
0x67: {  	s16 =	simm.s32 $0x9;
	[sflag:s9] =	ssyncadd.s32 $0xFFFFFF80  }
0x68: {  	[tilespmem:s25], [sflag:$0x7] =	stream.indirect.gather [hbm4b:s4+s28], $0x80, s11, s28, $0xb8;
	[tilespmem:$0x1DE00] =	vst v63  }
0x69: {  	_ =	swait.ge [sflag:s16], $0x3200  }
0x6a: {  	[sflag:s16] =	ssyncset.done $0x0  }
0x6b: {  	[sflag:s16] =	ssyncadd.s32 $0xFFFFCE00  }
0x6c: {  	_ =	swait.ge [sflag:s10], $0x3200  }
0x6d: {  	[sflag:s10] =	ssyncset.done $0x0  }
0x6e: {  	s14 =	rddreg [dreg:$0x7];
	[sflag:s10] =	ssyncadd.s32 $0xFFFFCE00  }
0x6f: {  	[spmem:s26] =	stream.indirect.scatter.add.f32 [tilespmem:s2], [sflag:$0xA], $0x80, s6, s28, $0xb8;
	[tilespmem:$0x1DE00] =	vst v63  }
0x70: {  	s19 =	rddreg [dreg:$0x8];
	s14 =	sadd.s32 $0x0, s14  }
0x71: {  	[tilespmem:s3], [sflag:$0x1] =	stream.linear.gather [hbm4b:s14+s3], $0x80, $0x38;
	[tilespmem:$0x1DE00] =	vst v63  }
0x72: {  	s19 =	sadd.s32 $0x0, s19  }
0x73: {  	[tilespmem:s22], [sflag:$0x1] =	stream.linear.gather [hbm4b:s19+s3], $0x80, $0x38;
	[tilespmem:$0x1DE00] =	vst v63  }
0x74: {  	_ =	swait.ge [sflag:s17], $0x80  }
0x75: {  	[sflag:s17] =	ssyncset.done $0x0  }
0x76: {  	[sflag:s17] =	ssyncadd.s32 $0xFFFFFF80  }
0x77: {  	_ =	swait.ge [sflag:s17], $0x80  }
0x78: {  	[sflag:s17] =	ssyncset.done $0x0  }
0x79: {  	[sflag:s17] =	ssyncadd.s32 $0xFFFFFF80  }
0x7a: {  	[tilespmem:s8], [sflag:$0x8] =	stream.indirect.gather [hbm4b:s4+s28], $0x80, s29, s28, $0xb8;
	[tilespmem:$0x1DE00] =	vst v63  }
0x7b: {  	_ =	swait.ge [sflag:s7], $0x3200  }
0x7c: {  	[sflag:s7] =	ssyncset.done $0x0  }
0x7d: {  	[sflag:s7] =	ssyncadd.s32 $0xFFFFCE00  }
0x7e: {  	_ =	swait.ge [sflag:s10], $0x3200  }
0x7f: {  	[sflag:s10] =	ssyncset.done $0x0  }
0x80: {  	[sflag:s10] =	ssyncadd.s32 $0xFFFFCE00  }
0x81: {  	[spmem:s26] =	stream.indirect.scatter.add.f32 [tilespmem:s25], [sflag:$0xA], $0x80, s12, s28, $0xb8;
	[tilespmem:$0x1DE00] =	vst v63  }
0x82: {  	s13 =	sadd.s32 $0x30, s13  }
0x83: {  	[tilespmem:s23], [sflag:$0x2] =	stream.linear.gather [hbm4b:s13+s3], $0x80, $0x38;
	[tilespmem:$0x1DE00] =	vst v63  }
0x84: {  	s0 =	sadd.s32 $0x30, s0  }
0x85: {  	[tilespmem:s24], [sflag:$0x2] =	stream.linear.gather [hbm4b:s0+s3], $0x80, $0x38;
	[tilespmem:$0x1DE00] =	vst v63  }
0x86: {  	_ =	swait.ge [sflag:s18], $0x80  }
0x87: {  	[sflag:s18] =	ssyncset.done $0x0  }
0x88: {  	[sflag:s18] =	ssyncadd.s32 $0xFFFFFF80  }
0x89: {  	_ =	swait.ge [sflag:s18], $0x80  }
0x8a: {  	[sflag:s18] =	ssyncset.done $0x0  }
0x8b: {  	s9 =	simm.s32 $0x280;
	[sflag:s18] =	ssyncadd.s32 $0xFFFFFF80  }
0x8c: {  	[tilespmem:s2], [sflag:$0x9] =	stream.indirect.gather [hbm4b:s4+s28], $0x80, s9, s28, $0xb8;
	[tilespmem:$0x1DE00] =	vst v63  }
0x8d: {  	_ =	swait.ge [sflag:s15], $0x3200  }
0x8e: {  	[sflag:s15] =	ssyncset.done $0x0  }
0x8f: {  	[sflag:s15] =	ssyncadd.s32 $0xFFFFCE00  }
0x90: {  	_ =	swait.ge [sflag:s10], $0x3200  }
0x91: {  	[sflag:s10] =	ssyncset.done $0x0  }
0x92: {  	[sflag:s10] =	ssyncadd.s32 $0xFFFFCE00  }
0x93: {  	[spmem:s26] =	stream.indirect.scatter.add.f32 [tilespmem:s8], [sflag:$0xA], $0x80, s31, s28, $0xb8;
	[tilespmem:$0x1DE00] =	vst v63  }
0x94: {  	s22 =	sadd.s32 $0x0, s20  }
0x95: {  	[tilespmem:s5], [sflag:$0x3] =	stream.linear.gather [hbm4b:s22+s3], $0x80, $0x38;
	[tilespmem:$0x1DE00] =	vst v63  }
0x96: {  	s30 =	simm.s32 $0x1;
	s23 =	sadd.s32 $0x0, s21  }
0x97: {  	[tilespmem:s6], [sflag:$0x3] =	stream.linear.gather [hbm4b:s23+s3], $0x80, $0x38;
	[tilespmem:$0x1DE00] =	vst v63  }
0x98: {  	_ =	swait.ge [sflag:s30], $0x80  }
0x99: {  	[sflag:s30] =	ssyncset.done $0x0  }
0x9a: {  	[sflag:s30] =	ssyncadd.s32 $0xFFFFFF80  }
0x9b: {  	_ =	swait.ge [sflag:s30], $0x80  }
0x9c: {  	[sflag:s30] =	ssyncset.done $0x0  }
0x9d: {  	[sflag:s30] =	ssyncadd.s32 $0xFFFFFF80  }
0x9e: {  	[tilespmem:s25], [sflag:$0x7] =	stream.indirect.gather [hbm4b:s4+s28], $0x80, s3, s28, $0xb8;
	[tilespmem:$0x1DE00] =	vst v63  }
0x9f: {  	_ =	swait.ge [sflag:s16], $0x3200  }
0xa0: {  	[sflag:s16] =	ssyncset.done $0x0  }
0xa1: {  	[sflag:s16] =	ssyncadd.s32 $0xFFFFCE00  }
0xa2: {  	_ =	swait.ge [sflag:s10], $0x3200  }
0xa3: {  	[sflag:s10] =	ssyncset.done $0x0  }
0xa4: {  	s24 =	rddreg [dreg:$0x3];
	[sflag:s10] =	ssyncadd.s32 $0xFFFFCE00  }
0xa5: {  	[spmem:s26] =	stream.indirect.scatter.add.f32 [tilespmem:s2], [sflag:$0xA], $0x80, s1, s28, $0xb8;
	[tilespmem:$0x1DE00] =	vst v63  }
0xa6: {  	s25 =	rddreg [dreg:$0x4];
	s0 =	sadd.s32 $0x0, s24  }
0xa7: {  	[tilespmem:s11], [sflag:$0x4] =	stream.linear.gather [hbm4b:s0+s3], $0x80, $0x38;
	[tilespmem:$0x1DE00] =	vst v63  }
0xa8: {  	s19 =	simm.s32 $0x2;
	s31 =	sadd.s32 $0x0, s25  }
0xa9: {  	[tilespmem:s12], [sflag:$0x4] =	stream.linear.gather [hbm4b:s31+s3], $0x80, $0x38;
	[tilespmem:$0x1DE00] =	vst v63  }
0xaa: {  	_ =	swait.ge [sflag:s19], $0x80  }
0xab: {  	[sflag:s19] =	ssyncset.done $0x0  }
0xac: {  	[sflag:s19] =	ssyncadd.s32 $0xFFFFFF80  }
0xad: {  	_ =	swait.ge [sflag:s19], $0x80  }
0xae: {  	s18 =	simm.s32 $0x5;
	[sflag:s19] =	ssyncset.done $0x0  }
0xaf: {  	s30 =	simm.s32 $0x6;
	s0 =	simm.s32 $0x60;
	[sflag:s19] =	ssyncadd.s32 $0xFFFFFF80  }
.LBB2_2:
0xb0: {  	s25 =	simm.s32 $0x80;
	s8 =	simm.s32 $0x3A00;
	s7 =	simm.s32 $0x7  }
0xb1: {  	[tilespmem:s8], [sflag:$0x8] =	stream.indirect.gather [hbm4b:s4+s28], $0x80, s25, s28, $0xb8;
	[tilespmem:$0x1DE00] =	vst v63  }
0xb2: {  	s13 =	smov.u32 s0;
	_ =	swait.ge [sflag:s7], $0x3200  }
0xb3: {  	p1 =	seq.s32 s13, $0x0;
	[sflag:s7] =	ssyncset.done $0x0  }
0xb4: {  	s14 =	simm.s32 @!p1 $0xA;
	[sflag:s7] =	ssyncadd.s32 $0xFFFFCE00  }
0xb5: {  	_ =	swait.ge @!p1 [sflag:s14], $0x3200  }
0xb6: {  	[sflag:s14] =	ssyncset.done @!p1 $0x0  }
0xb7: {  	s19 =	rddreg [dreg:$0x5];
	[sflag:s14] =	ssyncadd.s32 @!p1 $0xFFFFCE00  }
0xb8: {  	s24 =	simm.s32 $0x300;
	s31 =	simm.s32 $0x600;
	s26 =	rddreg [dreg:$0x1]  }
0xb9: {  	[spmem:s26] =	stream.indirect.scatter.add.f32 [tilespmem:s31], [sflag:$0xA], $0x80, s24, s28, $0xb8;
	[tilespmem:$0x1DE00] =	vst v63  }
0xba: {  	s16 =	rddreg [dreg:$0x6];
	s14 =	sadd.s32 s13, s19  }
0xbb: {  	[tilespmem:s29], [sflag:$0x5] =	stream.linear.gather [hbm4b:s14+s3], $0x80, $0x38;
	[tilespmem:$0x1DE00] =	vst v63  }
0xbc: {  	s1 =	simm.s32 $0x3;
	s19 =	sadd.s32 s13, s16;
	s16 =	simm.s32 $0x500  }
0xbd: {  	[tilespmem:s16], [sflag:$0x5] =	stream.linear.gather [hbm4b:s19+s3], $0x80, $0x38;
	[tilespmem:$0x1DE00] =	vst v63  }
0xbe: {  	_ =	swait.ge [sflag:s1], $0x80  }
0xbf: {  	[sflag:s1] =	ssyncset.done $0x0  }
0xc0: {  	[sflag:s1] =	ssyncadd.s32 $0xFFFFFF80  }
0xc1: {  	_ =	swait.ge [sflag:s1], $0x80  }
0xc2: {  	s6 =	simm.s32 $0x100;
	[sflag:s1] =	ssyncset.done $0x0  }
0xc3: {  	s2 =	simm.s32 $0x6E00;
	s15 =	simm.s32 $0x8;
	[sflag:s1] =	ssyncadd.s32 $0xFFFFFF80  }
0xc4: {  	[tilespmem:s2], [sflag:$0x9] =	stream.indirect.gather [hbm4b:s4+s28], $0x80, s6, s28, $0xb8;
	[tilespmem:$0x1DE00] =	vst v63  }
0xc5: {  	_ =	swait.ge [sflag:s15], $0x3200  }
0xc6: {  	[sflag:s15] =	ssyncset.done $0x0  }
0xc7: {  	[sflag:s15] =	ssyncadd.s32 $0xFFFFCE00  }
0xc8: {  	_ =	swait.ge [sflag:s10], $0x3200  }
0xc9: {  	[sflag:s10] =	ssyncset.done $0x0  }
0xca: {  	s5 =	simm.s32 $0x380;
	[sflag:s10] =	ssyncadd.s32 $0xFFFFCE00  }
0xcb: {  	[spmem:s26] =	stream.indirect.scatter.add.f32 [tilespmem:s8], [sflag:$0xA], $0x80, s5, s28, $0xb8;
	[tilespmem:$0x1DE00] =	vst v63  }
0xcc: {  	s9 =	simm.s32 $0x280;
	s17 =	sadd.s32 $0x10, s14  }
0xcd: {  	[tilespmem:s9], [sflag:$0x6] =	stream.linear.gather [hbm4b:s17+s3], $0x80, $0x38;
	[tilespmem:$0x1DE00] =	vst v63  }
0xce: {  	s11 =	simm.s32 $0x4;
	s23 =	sadd.s32 $0x10, s19;
	s1 =	simm.s32 $0x580  }
0xcf: {  	[tilespmem:s1], [sflag:$0x6] =	stream.linear.gather [hbm4b:s23+s3], $0x80, $0x38;
	[tilespmem:$0x1DE00] =	vst v63  }
0xd0: {  	_ =	swait.ge [sflag:s11], $0x80  }
0xd1: {  	[sflag:s11] =	ssyncset.done $0x0  }
0xd2: {  	[sflag:s11] =	ssyncadd.s32 $0xFFFFFF80  }
0xd3: {  	_ =	swait.ge [sflag:s11], $0x80  }
0xd4: {  	[sflag:s11] =	ssyncset.done $0x0  }
0xd5: {  	s12 =	simm.s32 $0x180;
	s17 =	simm.s32 $0x9;
	[sflag:s11] =	ssyncadd.s32 $0xFFFFFF80  }
0xd6: {  	[tilespmem:s31], [sflag:$0x7] =	stream.indirect.gather [hbm4b:s4+s28], $0x80, s12, s28, $0xb8;
	[tilespmem:$0x1DE00] =	vst v63  }
0xd7: {  	_ =	swait.ge [sflag:s17], $0x3200  }
0xd8: {  	[sflag:s17] =	ssyncset.done $0x0  }
0xd9: {  	[sflag:s17] =	ssyncadd.s32 $0xFFFFCE00  }
0xda: {  	_ =	swait.ge [sflag:s10], $0x3200  }
0xdb: {  	s22 =	smov.u32 s20;
	[sflag:s10] =	ssyncset.done $0x0  }
0xdc: {  	s11 =	simm.s32 $0x400;
	s20 =	rddreg [dreg:$0x7];
	[sflag:s10] =	ssyncadd.s32 $0xFFFFCE00  }
0xdd: {  	[spmem:s26] =	stream.indirect.scatter.add.f32 [tilespmem:s2], [sflag:$0xA], $0x80, s11, s28, $0xb8;
	[tilespmem:$0x1DE00] =	vst v63  }
0xde: {  	s23 =	smov.u32 s21;
	s21 =	rddreg [dreg:$0x8];
	s20 =	sadd.s32 s13, s20  }
0xdf: {  	[tilespmem:s3], [sflag:$0x1] =	stream.linear.gather [hbm4b:s20+s3], $0x80, $0x38;
	[tilespmem:$0x1DE00] =	vst v63  }
0xe0: {  	s20 =	sadd.s32 s13, s21  }
0xe1: {  	[tilespmem:s24], [sflag:$0x1] =	stream.linear.gather [hbm4b:s20+s3], $0x80, $0x38;
	[tilespmem:$0x1DE00] =	vst v63  }
0xe2: {  	_ =	swait.ge [sflag:s18], $0x80  }
0xe3: {  	[sflag:s18] =	ssyncset.done $0x0  }
0xe4: {  	[sflag:s18] =	ssyncadd.s32 $0xFFFFFF80  }
0xe5: {  	_ =	swait.ge [sflag:s18], $0x80  }
0xe6: {  	[sflag:s18] =	ssyncset.done $0x0  }
0xe7: {  	[sflag:s18] =	ssyncadd.s32 $0xFFFFFF80  }
0xe8: {  	[tilespmem:s8], [sflag:$0x8] =	stream.indirect.gather [hbm4b:s4+s28], $0x80, s29, s28, $0xb8;
	[tilespmem:$0x1DE00] =	vst v63  }
0xe9: {  	_ =	swait.ge [sflag:s7], $0x3200  }
0xea: {  	[sflag:s7] =	ssyncset.done $0x0  }
0xeb: {  	[sflag:s7] =	ssyncadd.s32 $0xFFFFCE00  }
0xec: {  	_ =	swait.ge [sflag:s10], $0x3200  }
0xed: {  	[sflag:s10] =	ssyncset.done $0x0  }
0xee: {  	s29 =	simm.s32 $0x480;
	[sflag:s10] =	ssyncadd.s32 $0xFFFFCE00  }
0xef: {  	[spmem:s26] =	stream.indirect.scatter.add.f32 [tilespmem:s31], [sflag:$0xA], $0x80, s29, s28, $0xb8;
	[tilespmem:$0x1DE00] =	vst v63  }
0xf0: {  	s14 =	sadd.s32 $0x30, s14  }
0xf1: {  	[tilespmem:s25], [sflag:$0x2] =	stream.linear.gather [hbm4b:s14+s3], $0x80, $0x38;
	[tilespmem:$0x1DE00] =	vst v63  }
0xf2: {  	s7 =	sadd.s32 $0x30, s19  }
0xf3: {  	[tilespmem:s5], [sflag:$0x2] =	stream.linear.gather [hbm4b:s7+s3], $0x80, $0x38;
	[tilespmem:$0x1DE00] =	vst v63  }
0xf4: {  	_ =	swait.ge [sflag:s30], $0x80  }
0xf5: {  	[sflag:s30] =	ssyncset.done $0x0  }
0xf6: {  	[sflag:s30] =	ssyncadd.s32 $0xFFFFFF80  }
0xf7: {  	_ =	swait.ge [sflag:s30], $0x80  }
0xf8: {  	[sflag:s30] =	ssyncset.done $0x0  }
0xf9: {  	[sflag:s30] =	ssyncadd.s32 $0xFFFFFF80  }
0xfa: {  	[tilespmem:s2], [sflag:$0x9] =	stream.indirect.gather [hbm4b:s4+s28], $0x80, s9, s28, $0xb8;
	[tilespmem:$0x1DE00] =	vst v63  }
0xfb: {  	_ =	swait.ge [sflag:s15], $0x3200  }
0xfc: {  	[sflag:s15] =	ssyncset.done $0x0  }
0xfd: {  	[sflag:s15] =	ssyncadd.s32 $0xFFFFCE00  }
0xfe: {  	_ =	swait.ge [sflag:s10], $0x3200  }
0xff: {  	[sflag:s10] =	ssyncset.done $0x0  }
0x100: {  	s20 =	smov.u32 s22;
	[sflag:s10] =	ssyncadd.s32 $0xFFFFCE00  }
0x101: {  	[spmem:s26] =	stream.indirect.scatter.add.f32 [tilespmem:s8], [sflag:$0xA], $0x80, s16, s28, $0xb8;
	[tilespmem:$0x1DE00] =	vst v63  }
0x102: {  	s21 =	smov.u32 s23;
	s15 =	sadd.s32 s13, s20  }
0x103: {  	[tilespmem:s6], [sflag:$0x3] =	stream.linear.gather [hbm4b:s15+s3], $0x80, $0x38;
	[tilespmem:$0x1DE00] =	vst v63  }
0x104: {  	s19 =	simm.s32 $0x1;
	s16 =	sadd.s32 s13, s21  }
0x105: {  	[tilespmem:s11], [sflag:$0x3] =	stream.linear.gather [hbm4b:s16+s3], $0x80, $0x38;
	[tilespmem:$0x1DE00] =	vst v63  }
0x106: {  	_ =	swait.ge [sflag:s19], $0x80  }
0x107: {  	[sflag:s19] =	ssyncset.done $0x0  }
0x108: {  	[sflag:s19] =	ssyncadd.s32 $0xFFFFFF80  }
0x109: {  	_ =	swait.ge [sflag:s19], $0x80  }
0x10a: {  	[sflag:s19] =	ssyncset.done $0x0  }
0x10b: {  	[sflag:s19] =	ssyncadd.s32 $0xFFFFFF80  }
0x10c: {  	[tilespmem:s31], [sflag:$0x7] =	stream.indirect.gather [hbm4b:s4+s28], $0x80, s3, s28, $0xb8;
	[tilespmem:$0x1DE00] =	vst v63  }
0x10d: {  	_ =	swait.ge [sflag:s17], $0x3200  }
0x10e: {  	[sflag:s17] =	ssyncset.done $0x0  }
0x10f: {  	[sflag:s17] =	ssyncadd.s32 $0xFFFFCE00  }
0x110: {  	_ =	swait.ge [sflag:s10], $0x3200  }
0x111: {  	[sflag:s10] =	ssyncset.done $0x0  }
0x112: {  	s25 =	rddreg [dreg:$0x3];
	[sflag:s10] =	ssyncadd.s32 $0xFFFFCE00  }
0x113: {  	[spmem:s26] =	stream.indirect.scatter.add.f32 [tilespmem:s2], [sflag:$0xA], $0x80, s1, s28, $0xb8;
	[tilespmem:$0x1DE00] =	vst v63  }
0x114: {  	s31 =	rddreg [dreg:$0x4];
	s14 =	sadd.s32 s13, s25  }
0x115: {  	[tilespmem:s12], [sflag:$0x4] =	stream.linear.gather [hbm4b:s14+s3], $0x80, $0x38;
	[tilespmem:$0x1DE00] =	vst v63  }
0x116: {  	s0 =	sadd.s32 $0x60, s0;
	s13 =	sadd.s32 s13, s31;
	s14 =	simm.s32 $0x2  }
0x117: {  	[tilespmem:s29], [sflag:$0x4] =	stream.linear.gather [hbm4b:s13+s3], $0x80, $0x38;
	[tilespmem:$0x1DE00] =	vst v63  }
0x118: {  	p0 =	sne.s32 s0, $0x600;
	_ =	swait.ge [sflag:s14], $0x80  }
.Ltmp0:
0x119: {  	[sflag:s14] =	ssyncset.done $0x0;
	(pc) =	sbr.rel @p0 .LBB2_2-.Ltmp0, $4  }
0x11a: {  	s23 =	simm.s32 $0x300;
	s22 =	simm.s32 $0x80;
	[sflag:s14] =	ssyncadd.s32 $0xFFFFFF80  }
0x11b: {  	s24 =	simm.s32 $0x380;
	s5 =	simm.s32 $0x100;
	_ =	swait.ge [sflag:s14], $0x80  }
0x11c: {  	s6 =	simm.s32 $0x400;
	s11 =	simm.s32 $0x180;
	[sflag:s14] =	ssyncset.done $0x0  }
0x11d: {  	s12 =	simm.s32 $0x480;
	s29 =	simm.s32 $0x200;
	[sflag:s14] =	ssyncadd.s32 $0xFFFFFF80  }
0x11e: {  	s8 =	simm.s32 $0x3A00;
	s1 =	simm.s32 $0x7  }
0x11f: {  	[tilespmem:s8], [sflag:$0x8] =	stream.indirect.gather [hbm4b:s4+s28], $0x80, s22, s28, $0xb8;
	[tilespmem:$0x1DE00] =	vst v63  }
0x120: {  	_ =	swait.ge [sflag:s1], $0x3200  }
0x121: {  	[sflag:s1] =	ssyncset.done $0x0  }
0x122: {  	[sflag:s1] =	ssyncadd.s32 $0xFFFFCE00  }
0x123: {  	_ =	swait.ge [sflag:s10], $0x3200  }
0x124: {  	[sflag:s10] =	ssyncset.done $0x0  }
0x125: {  	[sflag:s10] =	ssyncadd.s32 $0xFFFFCE00  }
0x126: {  	s0 =	simm.s32 $0x600;
	s2 =	simm.s32 $0x3;
	s13 =	rddreg [dreg:$0x1]  }
0x127: {  	[spmem:s13] =	stream.indirect.scatter.add.f32 [tilespmem:s0], [sflag:$0xA], $0x80, s23, s28, $0xb8;
	[tilespmem:$0x1DE00] =	vst v63  }
0x128: {  	_ =	swait.ge [sflag:s2], $0x80  }
0x129: {  	[sflag:s2] =	ssyncset.done $0x0  }
0x12a: {  	[sflag:s2] =	ssyncadd.s32 $0xFFFFFF80  }
0x12b: {  	_ =	swait.ge [sflag:s2], $0x80  }
0x12c: {  	[sflag:s2] =	ssyncset.done $0x0  }
0x12d: {  	s17 =	simm.s32 $0x6E00;
	s18 =	simm.s32 $0x8;
	[sflag:s2] =	ssyncadd.s32 $0xFFFFFF80  }
0x12e: {  	[tilespmem:s17], [sflag:$0x9] =	stream.indirect.gather [hbm4b:s4+s28], $0x80, s5, s28, $0xb8;
	[tilespmem:$0x1DE00] =	vst v63  }
0x12f: {  	_ =	swait.ge [sflag:s18], $0x3200  }
0x130: {  	[sflag:s18] =	ssyncset.done $0x0  }
0x131: {  	[sflag:s18] =	ssyncadd.s32 $0xFFFFCE00  }
0x132: {  	_ =	swait.ge [sflag:s10], $0x3200  }
0x133: {  	[sflag:s10] =	ssyncset.done $0x0  }
0x134: {  	s19 =	simm.s32 $0x4;
	[sflag:s10] =	ssyncadd.s32 $0xFFFFCE00  }
0x135: {  	[spmem:s13] =	stream.indirect.scatter.add.f32 [tilespmem:s8], [sflag:$0xA], $0x80, s24, s28, $0xb8;
	[tilespmem:$0x1DE00] =	vst v63  }
0x136: {  	_ =	swait.ge [sflag:s19], $0x80  }
0x137: {  	[sflag:s19] =	ssyncset.done $0x0  }
0x138: {  	[sflag:s19] =	ssyncadd.s32 $0xFFFFFF80  }
0x139: {  	_ =	swait.ge [sflag:s19], $0x80  }
0x13a: {  	[sflag:s19] =	ssyncset.done $0x0  }
0x13b: {  	s22 =	simm.s32 $0x9;
	[sflag:s19] =	ssyncadd.s32 $0xFFFFFF80  }
0x13c: {  	[tilespmem:s0], [sflag:$0x7] =	stream.indirect.gather [hbm4b:s4+s28], $0x80, s11, s28, $0xb8;
	[tilespmem:$0x1DE00] =	vst v63  }
0x13d: {  	_ =	swait.ge [sflag:s22], $0x3200  }
0x13e: {  	[sflag:s22] =	ssyncset.done $0x0  }
0x13f: {  	[sflag:s22] =	ssyncadd.s32 $0xFFFFCE00  }
0x140: {  	_ =	swait.ge [sflag:s10], $0x3200  }
0x141: {  	[sflag:s10] =	ssyncset.done $0x0  }
0x142: {  	[sflag:s10] =	ssyncadd.s32 $0xFFFFCE00  }
0x143: {  	[spmem:s13] =	stream.indirect.scatter.add.f32 [tilespmem:s17], [sflag:$0xA], $0x80, s6, s28, $0xb8;
	[tilespmem:$0x1DE00] =	vst v63  }
0x144: {  	_ =	swait.ge [sflag:s1], $0x3200  }
0x145: {  	[sflag:s1] =	ssyncset.done $0x0  }
0x146: {  	[sflag:s1] =	ssyncadd.s32 $0xFFFFCE00  }
0x147: {  	_ =	swait.ge [sflag:s10], $0x3200  }
0x148: {  	[sflag:s10] =	ssyncset.done $0x0  }
0x149: {  	[sflag:s10] =	ssyncadd.s32 $0xFFFFCE00  }
0x14a: {  	[spmem:s13] =	stream.indirect.scatter.add.f32 [tilespmem:s0], [sflag:$0xA], $0x80, s12, s28, $0xb8;
	[tilespmem:$0x1DE00] =	vst v63  }
0x14b: {  	_ =	swait.ge [sflag:s10], $0x3200  }
0x14c: {  	[sflag:s10] =	ssyncset.done $0x0  }
0x14d: {  	[sflag:s10] =	ssyncadd.s32 $0xFFFFCE00  }
0x14e: {  	[bflag:$0x0] =	sbarrier.arrive $0xFFFF  }
0x14f: {  	s23 =	rddreg [dreg:$0x13]  }
0x150: {  	s24 =	rddreg [dreg:$0x16]  }
0x151: {  	s13 =	simm.s32 $0xB;
	s25 =	rddreg [dreg:$0x17]  }
0x152: {  	[hbm:s23], [sflag:s24] =	dma.local [spmem:s25], $0x2780  }
0x153: {  	_ =	swait.ge [sflag:s13], $0x2780  }
0x154: {  	s26 =	rddreg [dreg:$0x15]  }
0x155: {  	s30 =	rddreg [dreg:$0x14];
	s5 =	sadd.s32 $0x1, s26  }
0x156: {  	p0 =	sne.s32 s5, s30  }
.Ltmp1:
0x157: {  	_ = 	snop;
	(pc) =	sbr.rel @p0 .LBB2_1-.Ltmp1, $4  }
0x158: {  	_ = 	snop  }
0x159: {  	s31 =	simm.s32 $0x500  }
0x15a: {  	s2 =	simm.s32 $0x1;
	s18 =	simm.s32 $0x6;
	[sflag:s13] =	ssyncset.done $0x0  }
0x15b: {  	s19 =	simm.s32 $0x280;
	s17 =	simm.s32 $0x5;
	[sflag:s13] =	ssyncadd.s32 $0xFFFFD880  }
0x15c: {  	_ =	sfence.sel $0x180000  }
0x15d: {  	[bflag:$0x0] =	sbarrier.arrive $0xFFFF  }
0x15e: {  	_ =	strace $0x9000004A  }
0x15f: {  	s0 =	stileid.u32;
	[bflag:$0x2] =	sbarrier.arrive $0xFFFF  }
0x160: {  	p0 =	sne.s32 s0, $0x0;
	s0 =	rddreg [dreg:$0x2]  }
0x161: {  	s0 =	sadd.s32 @!p0 $0x100000, s0  }
0x162: {  	[sflag:s0] =	ssyncadd.tile.s32 @!p0 $0x1;
	_ =	shalt  }
.Lfunc_end2:
_tile_overlayer_lowered:
.L_overlay_start_2:
0x163: {  	(tag) =	ssettag $0x2  }
0x164: {  	s0 =	rddreg [dreg:$0x0];
	s2 =	stileid.u32  }
0x165: {  	s1 =	rddreg [dreg:$0x1];
	p0 =	sne.s32 s2, $0x0  }
0x166: {  	s3 =	rddreg [dreg:$0x2];
	[bflag:$0x3] =	sbarrier.arrive $0xFFFF;
	s2 =	simm.s32 @!p0 $0x1C0B  }
0x167: {  	[timem:s3], [sflag:s2] =	dma.local @!p0 [hbm:s0], s1  }
0x168: {  	s0 =	simm.s32 @!p0 $0xB  }
0x169: {  	_ =	swait.ge @!p0 [sflag:s0], s1  }
0x16a: {  	s1 =	ssub.s32 @!p0 $0x0, s1;
	[sflag:s0] =	ssyncset.done @!p0 $0x0  }
0x16b: {  	[sflag:s0] =	ssyncadd.s32 @!p0 s1  }
0x16c: {  	[bflag:$0x3] =	sbarrier.arrive $0xFFFF  }
0x16d: {  	_ =	shalt  }

// kernel: kernel.16.cloned.1.call-start
scs
__scs_entry_jumppad:
0x0: {  	(pc) =	sbr.rel $0x88, $3  }
0x1: {  	(tag) =	ssettag $0x0;
	lr =	simm.s32 $0x1  }
0x2: {  	[smem:$0x3F9B] =	sst lr;
	_ =	strace $0xD0000000  }
0x3: {  	_ = 	snop  }
0x4: {  	_ = 	snop  }
0x5: {  	_ = 	snop  }
0x6: {  	_ = 	snop  }
0x7: {  	_ = 	snop  }
__scs_overlays_trampoline_lowered:
0x8: {  	[smem:$0x3FAA] =	sst s0  }
0x9: {  	[smem:$0x3FAB] =	sst s1  }
0xa: {  	[smem:$0x3FAC] =	sst s2  }
0xb: {  	[smem:$0x3FAD] =	sst s3  }
0xc: {  	[smem:$0x3FAE] =	sst s4  }
0xd: {  	[smem:$0x3FAF] =	sst s5  }
0xe: {  	[smem:$0x3FB0] =	sst s6  }
0xf: {  	[smem:$0x3FB1] =	sst s7  }
0x10: {  	[smem:$0x3FB2] =	sst s8  }
0x11: {  	[smem:$0x3FB3] =	sst s9;
	s0 =	simm.s32 @!p0 $0x0  }
0x12: {  	s1 =	sld [smem:$0x3F99];
	s0 =	simm.s32 @p0 $0x1  }
0x13: {  	[smem:$0x3FB4] =	sst s0;
	s0 =	simm.s32 @!p1 $0x0  }
0x14: {  	s2 =	sld [smem:$0x3F98];
	s0 =	simm.s32 @p1 $0x1  }
0x15: {  	[smem:$0x3FB5] =	sst s0;
	s0 =	simm.s32 @!p2 $0x0  }
0x16: {  	s3 =	sld [smem:$0x3FDB];
	s0 =	simm.s32 @p2 $0x1  }
0x17: {  	s4 =	simm.s32 $0x1BF5;
	[smem:$0x3FB7] =	sst s0  }
0x18: {  	s0 =	sld [smem:$0x3F9A];
	_ =	swait.ge [sflag:s4], $0x0  }
0x19: {  	s7 =	sld [smem:$0x3F9B]  }
0x1a: {  	s8 =	sadd.s32 $0xFFFFE003, lr  }
0x1b: {  	s9 =	sadd.s32 $0xFFFFFEF7, lr;
	s5 =	simm.s32 $0xFFFFFFFF;
	p2 =	slt.u32 s8, $0xFFFFF086  }
0x1c: {  	p1 =	slt.u32 s9, $0xF7A;
	s5 =	simm.s32 @!p2 $0x0  }
0x1d: {  	s5 =	simm.s32 @p1 $0x1;
	p0 =	seq.s32 s7, s2  }
0x1e: {  	s7 =	smul.u32 @!p0 $0xF7A, s2;
	p2 =	seq.s32 @!p0 s5, $0x0  }
0x1f: {  	s9 =	smul.u32 $0xF7A, s1;
	s8 =	simm.s32 @!p0 $0x1BF5;
	p2 =	por !p2, p0  }
0x20: {  	[sflag:s8] =	ssyncset.s32 @!p0 $0xFFFFF086;
	s6 =	sadd.s32 @!p0 s3, s7;
	s7 =	simm.s32 @!p0 $0x108  }
0x21: {  	s3 =	sadd.s32 s3, s9;
	s6 =	sadd.s32 @!p0 $0x88, s6;
	s7 =	simm.s32 @p2 $0x1082  }
0x22: {  	[simem:s7], [sflag:s8] =	dma.local @!p0 [hbm:s6], $0xF7A  }
0x23: {  	s9 =	sor.u32 $0xD0000000, s2;
	s6 =	simm.s32 $0x108;
	_ =	swait.ge @!p0 [sflag:s8], $0x0  }
0x24: {  	s3 =	sadd.s32 $0x88, s3;
	s6 =	simm.s32 @!p1 $0x1082;
	[sflag:s4] =	ssyncset.s32 $0xFFFFF086  }
0x25: {  	[simem:s6], [sflag:s4] =	dma.local [hbm:s3], $0xF7A  }
0x26: {  	[smem:$0x3F9B] =	sst s1;
	(tag) =	ssettag s2;
	_ =	strace s9  }
0x27: {  	s1 =	sld [smem:$0x3FAB]  }
0x28: {  	s2 =	sld [smem:$0x3FAC]  }
0x29: {  	s4 =	sld [smem:$0x3FAE]  }
0x2a: {  	p0 =	seq.s32 s5, $0x0;
	s5 =	sld [smem:$0x3FAF]  }
0x2b: {  	s6 =	sld [smem:$0x3FB0]  }
0x2c: {  	s7 =	sld [smem:$0x3FB1]  }
0x2d: {  	s3 =	simm.s32 $0x108;
	s8 =	sld [smem:$0x3FB2]  }
0x2e: {  	s3 =	simm.s32 @!p0 $0x1082;
	s9 =	sld [smem:$0x3FB3]  }
0x2f: {  	lr =	sadd.s32 s0, s3;
	s0 =	sld [smem:$0x3FAA]  }
0x30: {  	s3 =	sld [smem:$0x3FAD]  }
0x31: {  	[smem:$0x3FB6] =	sst s10  }
0x32: {  	s10 =	sld [smem:$0x3FB4];
	_ =	sdelay $0x3  }
0x33: {  	p0 =	seq.s32 s10, $0x1;
	s10 =	sld [smem:$0x3FB6];
	_ =	sdelay $0x3  }
0x34: {  	[smem:$0x3FB6] =	sst s10  }
0x35: {  	s10 =	sld [smem:$0x3FB5];
	_ =	sdelay $0x3  }
0x36: {  	p1 =	seq.s32 s10, $0x1;
	s10 =	sld [smem:$0x3FB6];
	_ =	sdelay $0x3  }
0x37: {  	[smem:$0x3FB6] =	sst s10  }
0x38: {  	s10 =	sld [smem:$0x3FB7]  }
0x39: {  	_ = 	snop;
	(pc) =	sbr.ind lr, $3  }
0x3a: {  	_ = 	snop  }
0x3b: {  	_ = 	snop  }
0x3c: {  	p2 =	seq.s32 s10, $0x1;
	s10 =	sld [smem:$0x3FB6]  }
0x3d: {  	_ =	shalt  }
0x3e: {  	_ =	shalt  }
0x3f: {  	_ =	shalt  }
0x40: {  	_ =	shalt  }
0x41: {  	_ =	shalt  }
0x42: {  	_ =	shalt  }
0x43: {  	_ =	shalt  }
0x44: {  	_ =	shalt  }
0x45: {  	_ =	shalt  }
0x46: {  	_ =	shalt  }
0x47: {  	_ =	shalt  }
0x48: {  	_ =	shalt  }
0x49: {  	_ =	shalt  }
0x4a: {  	_ =	shalt  }
0x4b: {  	_ =	shalt  }
0x4c: {  	_ =	shalt  }
0x4d: {  	_ =	shalt  }
0x4e: {  	_ =	shalt  }
0x4f: {  	_ =	shalt  }
0x50: {  	_ =	shalt  }
0x51: {  	_ =	shalt  }
0x52: {  	_ =	shalt  }
0x53: {  	_ =	shalt  }
0x54: {  	_ =	shalt  }
0x55: {  	_ =	shalt  }
0x56: {  	_ =	shalt  }
0x57: {  	_ =	shalt  }
0x58: {  	_ =	shalt  }
0x59: {  	_ =	shalt  }
0x5a: {  	_ =	shalt  }
0x5b: {  	_ =	shalt  }
0x5c: {  	_ =	shalt  }
0x5d: {  	_ =	shalt  }
0x5e: {  	_ =	shalt  }
0x5f: {  	_ =	shalt  }
0x60: {  	_ =	shalt  }
0x61: {  	_ =	shalt  }
0x62: {  	_ =	shalt  }
0x63: {  	_ =	shalt  }
0x64: {  	_ =	shalt  }
0x65: {  	_ =	shalt  }
0x66: {  	_ =	shalt  }
0x67: {  	_ =	shalt  }
0x68: {  	_ =	shalt  }
0x69: {  	_ =	shalt  }
0x6a: {  	_ =	shalt  }
0x6b: {  	_ =	shalt  }
0x6c: {  	_ =	shalt  }
0x6d: {  	_ =	shalt  }
0x6e: {  	_ =	shalt  }
0x6f: {  	_ =	shalt  }
0x70: {  	_ =	shalt  }
0x71: {  	_ =	shalt  }
0x72: {  	_ =	shalt  }
0x73: {  	_ =	shalt  }
0x74: {  	_ =	shalt  }
0x75: {  	_ =	shalt  }
0x76: {  	_ =	shalt  }
0x77: {  	_ =	shalt  }
0x78: {  	_ =	shalt  }
0x79: {  	_ =	shalt  }
0x7a: {  	_ =	shalt  }
0x7b: {  	_ =	shalt  }
0x7c: {  	_ =	shalt  }
0x7d: {  	_ =	shalt  }
0x7e: {  	_ =	shalt  }
0x7f: {  	_ =	shalt  }
0x80: {  	_ =	shalt  }
0x81: {  	_ =	shalt  }
0x82: {  	_ =	shalt  }
0x83: {  	_ =	shalt  }
0x84: {  	_ =	shalt  }
0x85: {  	_ =	shalt  }
0x86: {  	_ =	shalt  }
0x87: {  	_ =	shalt  }
.Lfunc_end0:
.L_simem_size_0:
called_computation.2_lowered:
.L_overlay_start_0:
0x88: {  	s2 =	sld [smem:$0x3FD9]  }
0x89: {  	s3 =	sld [smem:$0x3FFE];
	_ =	sdelay $0x1  }
0x8a: {  	s1 =	srdreg.scid  }
0x8b: {  	s0 =	sand.u32 $0x1, s1  }
0x8c: {  	s16 =	sshll.u32 s0, $0xA;
	s2 =	sadd.s32 s3, s2  }
0x8d: {  	s2 =	sadd.s32 s2, s16  }
0x8e: {  	[smem:$0x3FC2] =	sst s2  }
0x8f: {  	_ = 	snop  }
0x90: {  	(tm) =	ssettm $0x1  }
0x91: {  	s17 =	sld [smem:$0x3FFB];
	_ =	sdelay $0x3  }
0x92: {  	_ =	strace s17  }
0x93: {  	s2 =	sld [smem:$0x3FFC];
	_ =	sdelay $0x3  }
0x94: {  	_ =	strace s2  }
0x95: {  	s2 =	sld [smem:$0x3FFD];
	_ =	sdelay $0x3  }
0x96: {  	_ =	strace s2  }
0x97: {  	_ =	strace $0x8FFFFFFF  }
0x98: {  	s18 =	sld [smem:$0x3FDB];
	_ =	sdelay $0x1  }
0x99: {  	s19 =	simm.s32 $_scs_section_size  }
0x9a: {  	s4 =	simm.s32 $_size__tile_overlayer_lowered;
	s5 =	simm.s32 $_tile_overlayer_lowered  }
0x9b: {  	s22 =	simm.s32 $0x1BFF;
	s21 =	sshll.u32 s5, $0x1;
	s2 =	sadd.s32 s19, s18  }
0x9c: {  	s6 =	simm.s32 $0x0;
	s20 =	sshll.u32 s4, $0x1;
	s4 =	sadd.s32 s21, s2  }
0x9d: {  	[timem:s6], [sflag:s22] =	dma.local [hbm:s4], s20  }
0x9e: {  	_ =	swait.ge [sflag:s22], s20  }
0x9f: {  	s3 =	ssub.s32 $0x0, s20;
	[sflag:s22] =	ssyncset.done $0x0  }
0xa0: {  	[sflag:s22] =	ssyncadd.s32 s3;
	_ =	sdelay $0x1  }
0xa1: {  	s23 =	simm.s32 $0x1B8B  }
0xa2: {  	_ =	swait.ge [sflag:s23], $0x1  }
0xa3: {  	[sflag:s23] =	ssyncset.done $0x0  }
0xa4: {  	s25 =	simm.s32 $0x1B8E;
	s24 =	sld [smem:$0x3FFE];
	[sflag:s23] =	ssyncadd.s32 $0xFFFFFFFF  }
0xa5: {  	s26 =	simm.s32 $execute0_lowered;
	[smem:$0x3FD2] =	sst s25  }
0xa6: {  	s4 =	sshll.u32 s26, $0x1;
	_ =	strace $0x8000004C;
	[dreg:$0x1] =	wrdreg $0xFFFFFFFF  }
0xa7: {  	s28 =	simm.s32 $_size_execute0_lowered;
	s2 =	sadd.s32 s2, s4;
	[dreg:$0x0] =	wrdreg $0x0  }
0xa8: {  	s4 =	sshll.u32 s28, $0x1;
	[dreg:$0x2] =	wrdreg s2  }
0xa9: {  	[dreg:$0x3] =	wrdreg s4  }
0xaa: {  	[dreg:$0x4] =	wrdreg $0xC0  }
0xab: {  	_ =	task [dreg:s6], $0x5FFFF  }
0xac: {  	[dreg:$0x1] =	wrdreg $0xFFFFFFFF  }
0xad: {  	[dreg:$0x0] =	wrdreg $0x60  }
0xae: {  	[dreg:$0x2] =	wrdreg s24  }
0xaf: {  	[dreg:$0x3] =	wrdreg $0xA2000  }
0xb0: {  	[dreg:$0x4] =	wrdreg $0x9  }
0xb1: {  	_ =	task.clear_ibuf [dreg:s6], $0x5FFFF;
	_ =	strace $0x9000004C  }
0xb2: {  	s29 =	simm.s32 $0x9;
	_ =	strace $0x8000004E  }
0xb3: {  	_ =	swait.ge [sflag:s29], $0x1  }
0xb4: {  	[sflag:s29] =	ssyncadd.s32 $0xFFFFFFFF  }
0xb5: {  	_ =	strace $0x9000004E  }
0xb6: {  	_ =	sfence  }
0xb7: {  	s30 =	sld [smem:$0x0];
	_ =	sdelay $0x2  }
0xb8: {  	s31 =	sshll.u32 s1, $0xD;
	s1 =	sshrl.u32 s1, $0x2  }
0xb9: {  	s3 =	sand.u32 $0x4000, s31;
	s1 =	sadd.s32 s1, s30  }
0xba: {  	s0 =	sor.u32 s3, s0;
	s1 =	sshll.u32 s1, $0x11  }
0xbb: {  	s0 =	sor.u32 s1, s0  }
0xbc: {  	s0 =	sadd.s32 $0x8F2B, s0  }
0xbd: {  	[sflag:s0] =	ssyncadd.remote.s32 $0x1  }
0xbe: {  	_ =	sfence.sel $0xFFFF  }
0xbf: {  	[dreg:$0x0] =	wrdreg $0xFFFFFFFF;
	(pc) =	sbr.abs _section_cstart, $3  }
0xc0: {  	[dreg:$0x1] =	wrdreg $0xFFFFFFFF  }
0xc1: {  	_ =	task.clear_ibuf [dreg:s6], $0x2FFFF;
	_ =	strace $0x9FFFFFFF  }
0xc2: {  	(tm) =	ssettm $0x7FFFFFFF  }
0xc3: {  	_ =	shalt  }
tec
execute0_lowered:
.L_overlay_start_1:
0x0: {  	(tag) =	ssettag $0x1  }
0x1: {  	s0 =	rddreg [dreg:$0x0]  }
0x2: {  	s2 =	rddreg [dreg:$0x1];
	s3 =	simm.s32 $0x0;
	s13 =	stileid.u32  }
0x3: {  	s5 =	srdreg.scid;
	s28 =	simm.s32 $0x64;
	s29 =	simm.s32 $0x200  }
0x4: {  	s31 =	simm.s32 $0x500;
	[smem:$0x7FF] =	sst s3;
	s1 =	smul.u32 $0x13C00, s13  }
0x5: {  	s4 =	sadd.s32 $0x1B400, s0;
	s6 =	sadd.s32 $0xEC00, s0;
	s24 =	smul.u32 $0x64, s13  }
0x6: {  	s5 =	sand.u32 $0x1, s5;
	s10 =	sadd.s32 $0x1E00, s0;
	s22 =	smul.u32 $0x4F000, s13  }
0x7: {  	_ =	strace $0x8000004D;
	s8 =	smul.u32 $0x13C000, s5;
	s9 =	sshll.u32 s5, $0x4  }
0x8: {  	s23 =	ssub.s32 $0x2, s5;
	s5 =	smul.u32 $0x640, s5;
	s7 =	sshrl.u32 s1, $0x3  }
0x9: {  	s9 =	sor.u32 s13, s9;
	s11 =	sshrl.u32 s23, $0x1;
	s13 =	simm.s32 $0xB  }
0xa: {  	s7 =	sadd.s32 s7, s0;
	s1 =	sadd.s32 s1, s8;
	s9 =	smul.u32 $0x640, s9  }
0xb: {  	s5 =	sadd.s32 s24, s5;
	s1 =	sshrl.u32 s1, $0x3;
	s7 =	sadd.s32 $0x42600, s7  }
0xc: {  	s5 =	sshll.u32 s5, $0x4;
	s25 =	sadd.s32 s6, s9;
	[dreg:$0x12] =	wrdreg s7  }
0xd: {  	s26 =	sadd.s32 s10, s9;
	s30 =	sor.u32 $0x10, s9;
	[dreg:$0x9] =	wrdreg s25  }
0xe: {  	s0 =	sadd.s32 s1, s0;
	[dreg:$0xa] =	wrdreg s26;
	s12 =	sadd.s32 s6, s30  }
0xf: {  	s14 =	sor.u32 $0x20, s9;
	s15 =	sadd.s32 s10, s30;
	[dreg:$0xb] =	wrdreg s12  }
0x10: {  	s1 =	ssub.s32 s23, s11;
	s16 =	sadd.s32 s6, s14;
	[dreg:$0xc] =	wrdreg s15  }
0x11: {  	s18 =	sor.u32 $0x30, s9;
	s17 =	sadd.s32 s10, s14;
	[dreg:$0xd] =	wrdreg s16  }
0x12: {  	s19 =	sadd.s32 $0x80, s5;
	s21 =	sadd.s32 s6, s18;
	[dreg:$0xe] =	wrdreg s17  }
0x13: {  	s24 =	sadd.s32 $0x40, s5;
	s8 =	sadd.s32 s10, s18;
	[dreg:$0xf] =	wrdreg s21  }
0x14: {  	s5 =	sadd.s32 $0x60, s5;
	s25 =	sadd.s32 s24, s6;
	[dreg:$0x10] =	wrdreg s8  }
0x15: {  	s20 =	sadd.s32 s19, s6;
	s26 =	sadd.s32 s24, s10;
	[dreg:$0x5] =	wrdreg s25  }
0x16: {  	s6 =	sadd.s32 s5, s6;
	s5 =	sadd.s32 s5, s10;
	[dreg:$0x6] =	wrdreg s26  }
0x17: {  	s0 =	sadd.s32 $0x69E00, s0;
	s30 =	smax.u32 s1, $0x1;
	[dreg:$0x7] =	wrdreg s6  }
0x18: {  	s14 =	simm.s32 $0x2;
	s18 =	simm.s32 $0x6;
	[dreg:$0x13] =	wrdreg s0  }
0x19: {  	s23 =	sadd.s32 $0x10, s20;
	s21 =	sadd.s32 s19, s10;
	[dreg:$0x14] =	wrdreg s30  }
0x1a: {  	s8 =	sshrl.u32 s22, $0x2;
	[dreg:$0x8] =	wrdreg s5;
	s10 =	simm.s32 $0xA  }
0x1b: {  	s19 =	simm.s32 $0x280;
	[dreg:$0x3] =	wrdreg s23;
	s9 =	sadd.s32 $0x10, s21  }
0x1c: {  	s17 =	simm.s32 $0x5;
	s8 =	sadd.s32 s8, s2;
	[dreg:$0x4] =	wrdreg s9  }
0x1d: {  	s5 =	simm.s32 $0x0;
	s2 =	simm.s32 $0x1;
	[dreg:$0x11] =	wrdreg s8  }
.LBB2_1:
0x1e: {  	[dreg:$0x15] =	wrdreg s5  }
0x1f: {  	s0 =	rddreg [dreg:$0x9]  }
0x20: {  	[tilespmem:s3], [sflag:$0x1] =	stream.linear.gather [hbm4b:s0+s3], $0x80, $0x38;
	[tilespmem:$0x1DE00] =	vst v63  }
0x21: {  	s23 =	rddreg [dreg:$0xa];
	s22 =	simm.s32 $0x300  }
0x22: {  	[tilespmem:s22], [sflag:$0x1] =	stream.linear.gather [hbm4b:s23+s3], $0x80, $0x38;
	[tilespmem:$0x1DE00] =	vst v63  }
0x23: {  	s24 =	rddreg [dreg:$0xb];
	s23 =	simm.s32 $0x80  }
0x24: {  	[tilespmem:s23], [sflag:$0x2] =	stream.linear.gather [hbm4b:s24+s3], $0x80, $0x38;
	[tilespmem:$0x1DE00] =	vst v63  }
0x25: {  	s25 =	rddreg [dreg:$0xc];
	s24 =	simm.s32 $0x380  }
0x26: {  	[tilespmem:s24], [sflag:$0x2] =	stream.linear.gather [hbm4b:s25+s3], $0x80, $0x38;
	[tilespmem:$0x1DE00] =	vst v63  }
0x27: {  	s26 =	rddreg [dreg:$0xd];
	s5 =	simm.s32 $0x100  }
0x28: {  	[tilespmem:s5], [sflag:$0x3] =	stream.linear.gather [hbm4b:s26+s3], $0x80, $0x38;
	[tilespmem:$0x1DE00] =	vst v63  }
0x29: {  	s1 =	rddreg [dreg:$0xe];
	s6 =	simm.s32 $0x400  }
0x2a: {  	[tilespmem:s6], [sflag:$0x3] =	stream.linear.gather [hbm4b:s1+s3], $0x80, $0x38;
	[tilespmem:$0x1DE00] =	vst v63  }
0x2b: {  	s7 =	rddreg [dreg:$0xf];
	s11 =	simm.s32 $0x180  }
0x2c: {  	[tilespmem:s11], [sflag:$0x4] =	stream.linear.gather [hbm4b:s7+s3], $0x80, $0x38;
	[tilespmem:$0x1DE00] =	vst v63  }
0x2d: {  	s8 =	rddreg [dreg:$0x10];
	s12 =	simm.s32 $0x480  }
0x2e: {  	[tilespmem:s12], [sflag:$0x4] =	stream.linear.gather [hbm4b:s8+s3], $0x80, $0x38;
	[tilespmem:$0x1DE00] =	vst v63  }
0x2f: {  	_ =	swait.ge [sflag:s2], $0x80  }
0x30: {  	[sflag:s2] =	ssyncset.done $0x0  }
0x31: {  	[sflag:s2] =	ssyncadd.s32 $0xFFFFFF80  }
0x32: {  	_ =	swait.ge [sflag:s2], $0x80  }
0x33: {  	[sflag:s2] =	ssyncset.done $0x0  }
0x34: {  	s25 =	simm.s32 $0x600;
	[sflag:s2] =	ssyncadd.s32 $0xFFFFFF80  }
0x35: {  	[tilespmem:s25], [sflag:$0x7] =	stream.indirect.gather [hbm4b:s4+s28], $0x80, s3, s28, $0xb8;
	[tilespmem:$0x1DE00] =	vst v63  }
0x36: {  	_ =	swait.ge [sflag:s14], $0x80  }
0x37: {  	[sflag:s14] =	ssyncset.done $0x0  }
0x38: {  	s9 =	stileid.u32;
	[sflag:s14] =	ssyncadd.s32 $0xFFFFFF80  }
0x39: {  	s0 =	sshll.u32 s9, $0x6;
	_ =	swait.ge [sflag:s14], $0x80  }
0x3a: {  	s8 =	simm.s32 $0x3A00;
	[sflag:s14] =	ssyncset.done $0x0;
	s15 =	rddreg [dreg:$0x11]  }
0x3b: {  	s26 =	rddreg [dreg:$0x12];
	[sflag:s14] =	ssyncadd.s32 $0xFFFFFF80;
	s14 =	sor.u32 $0x1C0B, s0  }
0x3c: {  	[tilespmem:s8], [sflag:$0x8] =	stream.indirect.gather [hbm4b:s4+s28], $0x80, s23, s28, $0xb8;
	[tilespmem:$0x1DE00] =	vst v63  }
0x3d: {  	s16 =	sshrl.u32 s15, $0x3;
	[dreg:$0x16] =	wrdreg s14  }
0x3e: {  	[dreg:$0x17] =	wrdreg s16  }
0x3f: {  	[spmem:s16], [sflag:s14] =	dma.local [hbm:s26], $0x2780  }
0x40: {  	_ =	swait.ge [sflag:s13], $0x2780  }
0x41: {  	[sflag:s13] =	ssyncset.done $0x0  }
0x42: {  	[sflag:s13] =	ssyncadd.s32 $0xFFFFD880  }
0x43: {  	s7 =	simm.s32 $0x7;
	[bflag:$0x0] =	sbarrier.arrive $0xFFFF  }
0x44: {  	_ =	swait.ge [sflag:s7], $0x3200  }
0x45: {  	p0 =	por $0x1, $0x1;
	[sflag:s7] =	ssyncset.done $0x0  }
0x46: {  	s0 =	simm.s32 @!p0 $0xA;
	[sflag:s7] =	ssyncadd.s32 $0xFFFFCE00  }
0x47: {  	_ =	swait.ge @!p0 [sflag:s0], $0x3200  }
0x48: {  	[sflag:s0] =	ssyncset.done @!p0 $0x0  }
0x49: {  	s1 =	rddreg [dreg:$0x5];
	[sflag:s0] =	ssyncadd.s32 @!p0 $0xFFFFCE00  }
0x4a: {  	s26 =	rddreg [dreg:$0x1]  }
0x4b: {  	[spmem:s26] =	stream.indirect.scatter.add.f32 [tilespmem:s25], [sflag:$0xA], $0x80, s22, s28, $0xb8;
	[tilespmem:$0x1DE00] =	vst v63  }
0x4c: {  	s2 =	rddreg [dreg:$0x6];
	s13 =	sadd.s32 $0x0, s1  }
0x4d: {  	[tilespmem:s29], [sflag:$0x5] =	stream.linear.gather [hbm4b:s13+s3], $0x80, $0x38;
	[tilespmem:$0x1DE00] =	vst v63  }
0x4e: {  	s0 =	sadd.s32 $0x0, s2;
	s1 =	simm.s32 $0x3  }
0x4f: {  	[tilespmem:s31], [sflag:$0x5] =	stream.linear.gather [hbm4b:s0+s3], $0x80, $0x38;
	[tilespmem:$0x1DE00] =	vst v63  }
0x50: {  	_ =	swait.ge [sflag:s1], $0x80  }
0x51: {  	[sflag:s1] =	ssyncset.done $0x0  }
0x52: {  	[sflag:s1] =	ssyncadd.s32 $0xFFFFFF80  }
0x53: {  	_ =	swait.ge [sflag:s1], $0x80  }
0x54: {  	[sflag:s1] =	ssyncset.done $0x0  }
0x55: {  	s15 =	simm.s32 $0x8;
	s2 =	simm.s32 $0x6E00;
	[sflag:s1] =	ssyncadd.s32 $0xFFFFFF80  }
0x56: {  	[tilespmem:s2], [sflag:$0x9] =	stream.indirect.gather [hbm4b:s4+s28], $0x80, s5, s28, $0xb8;
	[tilespmem:$0x1DE00] =	vst v63  }
0x57: {  	_ =	swait.ge [sflag:s15], $0x3200  }
0x58: {  	[sflag:s15] =	ssyncset.done $0x0  }
0x59: {  	[sflag:s15] =	ssyncadd.s32 $0xFFFFCE00  }
0x5a: {  	_ =	swait.ge [sflag:s10], $0x3200  }
0x5b: {  	[sflag:s10] =	ssyncset.done $0x0  }
0x5c: {  	[sflag:s10] =	ssyncadd.s32 $0xFFFFCE00  }
0x5d: {  	[spmem:s26] =	stream.indirect.scatter.add.f32 [tilespmem:s8], [sflag:$0xA], $0x80, s24, s28, $0xb8;
	[tilespmem:$0x1DE00] =	vst v63  }
0x5e: {  	s9 =	sadd.s32 $0x10, s13  }
0x5f: {  	[tilespmem:s19], [sflag:$0x6] =	stream.linear.gather [hbm4b:s9+s3], $0x80, $0x38;
	[tilespmem:$0x1DE00] =	vst v63  }
0x60: {  	s16 =	sadd.s32 $0x10, s0;
	s1 =	simm.s32 $0x580;
	s9 =	simm.s32 $0x4  }
0x61: {  	[tilespmem:s1], [sflag:$0x6] =	stream.linear.gather [hbm4b:s16+s3], $0x80, $0x38;
	[tilespmem:$0x1DE00] =	vst v63  }
0x62: {  	_ =	swait.ge [sflag:s9], $0x80  }
0x63: {  	[sflag:s9] =	ssyncset.done $0x0  }
0x64: {  	[sflag:s9] =	ssyncadd.s32 $0xFFFFFF80  }
0x65: {  	_ =	swait.ge [sflag:s9], $0x80  }
0x66: {  	[sflag:s9] =	ssyncset.done $0x0  }
0x67: {  	s16 =	simm.s32 $0x9;
	[sflag:s9] =	ssyncadd.s32 $0xFFFFFF80  }
0x68: {  	[tilespmem:s25], [sflag:$0x7] =	stream.indirect.gather [hbm4b:s4+s28], $0x80, s11, s28, $0xb8;
	[tilespmem:$0x1DE00] =	vst v63  }
0x69: {  	_ =	swait.ge [sflag:s16], $0x3200  }
0x6a: {  	[sflag:s16] =	ssyncset.done $0x0  }
0x6b: {  	[sflag:s16] =	ssyncadd.s32 $0xFFFFCE00  }
0x6c: {  	_ =	swait.ge [sflag:s10], $0x3200  }
0x6d: {  	[sflag:s10] =	ssyncset.done $0x0  }
0x6e: {  	s14 =	rddreg [dreg:$0x7];
	[sflag:s10] =	ssyncadd.s32 $0xFFFFCE00  }
0x6f: {  	[spmem:s26] =	stream.indirect.scatter.add.f32 [tilespmem:s2], [sflag:$0xA], $0x80, s6, s28, $0xb8;
	[tilespmem:$0x1DE00] =	vst v63  }
0x70: {  	s19 =	rddreg [dreg:$0x8];
	s14 =	sadd.s32 $0x0, s14  }
0x71: {  	[tilespmem:s3], [sflag:$0x1] =	stream.linear.gather [hbm4b:s14+s3], $0x80, $0x38;
	[tilespmem:$0x1DE00] =	vst v63  }
0x72: {  	s19 =	sadd.s32 $0x0, s19  }
0x73: {  	[tilespmem:s22], [sflag:$0x1] =	stream.linear.gather [hbm4b:s19+s3], $0x80, $0x38;
	[tilespmem:$0x1DE00] =	vst v63  }
0x74: {  	_ =	swait.ge [sflag:s17], $0x80  }
0x75: {  	[sflag:s17] =	ssyncset.done $0x0  }
0x76: {  	[sflag:s17] =	ssyncadd.s32 $0xFFFFFF80  }
0x77: {  	_ =	swait.ge [sflag:s17], $0x80  }
0x78: {  	[sflag:s17] =	ssyncset.done $0x0  }
0x79: {  	[sflag:s17] =	ssyncadd.s32 $0xFFFFFF80  }
0x7a: {  	[tilespmem:s8], [sflag:$0x8] =	stream.indirect.gather [hbm4b:s4+s28], $0x80, s29, s28, $0xb8;
	[tilespmem:$0x1DE00] =	vst v63  }
0x7b: {  	_ =	swait.ge [sflag:s7], $0x3200  }
0x7c: {  	[sflag:s7] =	ssyncset.done $0x0  }
0x7d: {  	[sflag:s7] =	ssyncadd.s32 $0xFFFFCE00  }
0x7e: {  	_ =	swait.ge [sflag:s10], $0x3200  }
0x7f: {  	[sflag:s10] =	ssyncset.done $0x0  }
0x80: {  	[sflag:s10] =	ssyncadd.s32 $0xFFFFCE00  }
0x81: {  	[spmem:s26] =	stream.indirect.scatter.add.f32 [tilespmem:s25], [sflag:$0xA], $0x80, s12, s28, $0xb8;
	[tilespmem:$0x1DE00] =	vst v63  }
0x82: {  	s13 =	sadd.s32 $0x30, s13  }
0x83: {  	[tilespmem:s23], [sflag:$0x2] =	stream.linear.gather [hbm4b:s13+s3], $0x80, $0x38;
	[tilespmem:$0x1DE00] =	vst v63  }
0x84: {  	s0 =	sadd.s32 $0x30, s0  }
0x85: {  	[tilespmem:s24], [sflag:$0x2] =	stream.linear.gather [hbm4b:s0+s3], $0x80, $0x38;
	[tilespmem:$0x1DE00] =	vst v63  }
0x86: {  	_ =	swait.ge [sflag:s18], $0x80  }
0x87: {  	[sflag:s18] =	ssyncset.done $0x0  }
0x88: {  	[sflag:s18] =	ssyncadd.s32 $0xFFFFFF80  }
0x89: {  	_ =	swait.ge [sflag:s18], $0x80  }
0x8a: {  	[sflag:s18] =	ssyncset.done $0x0  }
0x8b: {  	s9 =	simm.s32 $0x280;
	[sflag:s18] =	ssyncadd.s32 $0xFFFFFF80  }
0x8c: {  	[tilespmem:s2], [sflag:$0x9] =	stream.indirect.gather [hbm4b:s4+s28], $0x80, s9, s28, $0xb8;
	[tilespmem:$0x1DE00] =	vst v63  }
0x8d: {  	_ =	swait.ge [sflag:s15], $0x3200  }
0x8e: {  	[sflag:s15] =	ssyncset.done $0x0  }
0x8f: {  	[sflag:s15] =	ssyncadd.s32 $0xFFFFCE00  }
0x90: {  	_ =	swait.ge [sflag:s10], $0x3200  }
0x91: {  	[sflag:s10] =	ssyncset.done $0x0  }
0x92: {  	[sflag:s10] =	ssyncadd.s32 $0xFFFFCE00  }
0x93: {  	[spmem:s26] =	stream.indirect.scatter.add.f32 [tilespmem:s8], [sflag:$0xA], $0x80, s31, s28, $0xb8;
	[tilespmem:$0x1DE00] =	vst v63  }
0x94: {  	s22 =	sadd.s32 $0x0, s20  }
0x95: {  	[tilespmem:s5], [sflag:$0x3] =	stream.linear.gather [hbm4b:s22+s3], $0x80, $0x38;
	[tilespmem:$0x1DE00] =	vst v63  }
0x96: {  	s30 =	simm.s32 $0x1;
	s23 =	sadd.s32 $0x0, s21  }
0x97: {  	[tilespmem:s6], [sflag:$0x3] =	stream.linear.gather [hbm4b:s23+s3], $0x80, $0x38;
	[tilespmem:$0x1DE00] =	vst v63  }
0x98: {  	_ =	swait.ge [sflag:s30], $0x80  }
0x99: {  	[sflag:s30] =	ssyncset.done $0x0  }
0x9a: {  	[sflag:s30] =	ssyncadd.s32 $0xFFFFFF80  }
0x9b: {  	_ =	swait.ge [sflag:s30], $0x80  }
0x9c: {  	[sflag:s30] =	ssyncset.done $0x0  }
0x9d: {  	[sflag:s30] =	ssyncadd.s32 $0xFFFFFF80  }
0x9e: {  	[tilespmem:s25], [sflag:$0x7] =	stream.indirect.gather [hbm4b:s4+s28], $0x80, s3, s28, $0xb8;
	[tilespmem:$0x1DE00] =	vst v63  }
0x9f: {  	_ =	swait.ge [sflag:s16], $0x3200  }
0xa0: {  	[sflag:s16] =	ssyncset.done $0x0  }
0xa1: {  	[sflag:s16] =	ssyncadd.s32 $0xFFFFCE00  }
0xa2: {  	_ =	swait.ge [sflag:s10], $0x3200  }
0xa3: {  	[sflag:s10] =	ssyncset.done $0x0  }
0xa4: {  	s24 =	rddreg [dreg:$0x3];
	[sflag:s10] =	ssyncadd.s32 $0xFFFFCE00  }
0xa5: {  	[spmem:s26] =	stream.indirect.scatter.add.f32 [tilespmem:s2], [sflag:$0xA], $0x80, s1, s28, $0xb8;
	[tilespmem:$0x1DE00] =	vst v63  }
0xa6: {  	s25 =	rddreg [dreg:$0x4];
	s0 =	sadd.s32 $0x0, s24  }
0xa7: {  	[tilespmem:s11], [sflag:$0x4] =	stream.linear.gather [hbm4b:s0+s3], $0x80, $0x38;
	[tilespmem:$0x1DE00] =	vst v63  }
0xa8: {  	s19 =	simm.s32 $0x2;
	s31 =	sadd.s32 $0x0, s25  }
0xa9: {  	[tilespmem:s12], [sflag:$0x4] =	stream.linear.gather [hbm4b:s31+s3], $0x80, $0x38;
	[tilespmem:$0x1DE00] =	vst v63  }
0xaa: {  	_ =	swait.ge [sflag:s19], $0x80  }
0xab: {  	[sflag:s19] =	ssyncset.done $0x0  }
0xac: {  	[sflag:s19] =	ssyncadd.s32 $0xFFFFFF80  }
0xad: {  	_ =	swait.ge [sflag:s19], $0x80  }
0xae: {  	s18 =	simm.s32 $0x5;
	[sflag:s19] =	ssyncset.done $0x0  }
0xaf: {  	s30 =	simm.s32 $0x6;
	s0 =	simm.s32 $0x60;
	[sflag:s19] =	ssyncadd.s32 $0xFFFFFF80  }
.LBB2_2:
0xb0: {  	s25 =	simm.s32 $0x80;
	s8 =	simm.s32 $0x3A00;
	s7 =	simm.s32 $0x7  }
0xb1: {  	[tilespmem:s8], [sflag:$0x8] =	stream.indirect.gather [hbm4b:s4+s28], $0x80, s25, s28, $0xb8;
	[tilespmem:$0x1DE00] =	vst v63  }
0xb2: {  	s13 =	smov.u32 s0;
	_ =	swait.ge [sflag:s7], $0x3200  }
0xb3: {  	p1 =	seq.s32 s13, $0x0;
	[sflag:s7] =	ssyncset.done $0x0  }
0xb4: {  	s14 =	simm.s32 @!p1 $0xA;
	[sflag:s7] =	ssyncadd.s32 $0xFFFFCE00  }
0xb5: {  	_ =	swait.ge @!p1 [sflag:s14], $0x3200  }
0xb6: {  	[sflag:s14] =	ssyncset.done @!p1 $0x0  }
0xb7: {  	s19 =	rddreg [dreg:$0x5];
	[sflag:s14] =	ssyncadd.s32 @!p1 $0xFFFFCE00  }
0xb8: {  	s24 =	simm.s32 $0x300;
	s31 =	simm.s32 $0x600;
	s26 =	rddreg [dreg:$0x1]  }
0xb9: {  	[spmem:s26] =	stream.indirect.scatter.add.f32 [tilespmem:s31], [sflag:$0xA], $0x80, s24, s28, $0xb8;
	[tilespmem:$0x1DE00] =	vst v63  }
0xba: {  	s16 =	rddreg [dreg:$0x6];
	s14 =	sadd.s32 s13, s19  }
0xbb: {  	[tilespmem:s29], [sflag:$0x5] =	stream.linear.gather [hbm4b:s14+s3], $0x80, $0x38;
	[tilespmem:$0x1DE00] =	vst v63  }
0xbc: {  	s1 =	simm.s32 $0x3;
	s19 =	sadd.s32 s13, s16;
	s16 =	simm.s32 $0x500  }
0xbd: {  	[tilespmem:s16], [sflag:$0x5] =	stream.linear.gather [hbm4b:s19+s3], $0x80, $0x38;
	[tilespmem:$0x1DE00] =	vst v63  }
0xbe: {  	_ =	swait.ge [sflag:s1], $0x80  }
0xbf: {  	[sflag:s1] =	ssyncset.done $0x0  }
0xc0: {  	[sflag:s1] =	ssyncadd.s32 $0xFFFFFF80  }
0xc1: {  	_ =	swait.ge [sflag:s1], $0x80  }
0xc2: {  	s6 =	simm.s32 $0x100;
	[sflag:s1] =	ssyncset.done $0x0  }
0xc3: {  	s2 =	simm.s32 $0x6E00;
	s15 =	simm.s32 $0x8;
	[sflag:s1] =	ssyncadd.s32 $0xFFFFFF80  }
0xc4: {  	[tilespmem:s2], [sflag:$0x9] =	stream.indirect.gather [hbm4b:s4+s28], $0x80, s6, s28, $0xb8;
	[tilespmem:$0x1DE00] =	vst v63  }
0xc5: {  	_ =	swait.ge [sflag:s15], $0x3200  }
0xc6: {  	[sflag:s15] =	ssyncset.done $0x0  }
0xc7: {  	[sflag:s15] =	ssyncadd.s32 $0xFFFFCE00  }
0xc8: {  	_ =	swait.ge [sflag:s10], $0x3200  }
0xc9: {  	[sflag:s10] =	ssyncset.done $0x0  }
0xca: {  	s5 =	simm.s32 $0x380;
	[sflag:s10] =	ssyncadd.s32 $0xFFFFCE00  }
0xcb: {  	[spmem:s26] =	stream.indirect.scatter.add.f32 [tilespmem:s8], [sflag:$0xA], $0x80, s5, s28, $0xb8;
	[tilespmem:$0x1DE00] =	vst v63  }
0xcc: {  	s9 =	simm.s32 $0x280;
	s17 =	sadd.s32 $0x10, s14  }
0xcd: {  	[tilespmem:s9], [sflag:$0x6] =	stream.linear.gather [hbm4b:s17+s3], $0x80, $0x38;
	[tilespmem:$0x1DE00] =	vst v63  }
0xce: {  	s11 =	simm.s32 $0x4;
	s23 =	sadd.s32 $0x10, s19;
	s1 =	simm.s32 $0x580  }
0xcf: {  	[tilespmem:s1], [sflag:$0x6] =	stream.linear.gather [hbm4b:s23+s3], $0x80, $0x38;
	[tilespmem:$0x1DE00] =	vst v63  }
0xd0: {  	_ =	swait.ge [sflag:s11], $0x80  }
0xd1: {  	[sflag:s11] =	ssyncset.done $0x0  }
0xd2: {  	[sflag:s11] =	ssyncadd.s32 $0xFFFFFF80  }
0xd3: {  	_ =	swait.ge [sflag:s11], $0x80  }
0xd4: {  	[sflag:s11] =	ssyncset.done $0x0  }
0xd5: {  	s12 =	simm.s32 $0x180;
	s17 =	simm.s32 $0x9;
	[sflag:s11] =	ssyncadd.s32 $0xFFFFFF80  }
0xd6: {  	[tilespmem:s31], [sflag:$0x7] =	stream.indirect.gather [hbm4b:s4+s28], $0x80, s12, s28, $0xb8;
	[tilespmem:$0x1DE00] =	vst v63  }
0xd7: {  	_ =	swait.ge [sflag:s17], $0x3200  }
0xd8: {  	[sflag:s17] =	ssyncset.done $0x0  }
0xd9: {  	[sflag:s17] =	ssyncadd.s32 $0xFFFFCE00  }
0xda: {  	_ =	swait.ge [sflag:s10], $0x3200  }
0xdb: {  	s22 =	smov.u32 s20;
	[sflag:s10] =	ssyncset.done $0x0  }
0xdc: {  	s11 =	simm.s32 $0x400;
	s20 =	rddreg [dreg:$0x7];
	[sflag:s10] =	ssyncadd.s32 $0xFFFFCE00  }
0xdd: {  	[spmem:s26] =	stream.indirect.scatter.add.f32 [tilespmem:s2], [sflag:$0xA], $0x80, s11, s28, $0xb8;
	[tilespmem:$0x1DE00] =	vst v63  }
0xde: {  	s23 =	smov.u32 s21;
	s21 =	rddreg [dreg:$0x8];
	s20 =	sadd.s32 s13, s20  }
0xdf: {  	[tilespmem:s3], [sflag:$0x1] =	stream.linear.gather [hbm4b:s20+s3], $0x80, $0x38;
	[tilespmem:$0x1DE00] =	vst v63  }
0xe0: {  	s20 =	sadd.s32 s13, s21  }
0xe1: {  	[tilespmem:s24], [sflag:$0x1] =	stream.linear.gather [hbm4b:s20+s3], $0x80, $0x38;
	[tilespmem:$0x1DE00] =	vst v63  }
0xe2: {  	_ =	swait.ge [sflag:s18], $0x80  }
0xe3: {  	[sflag:s18] =	ssyncset.done $0x0  }
0xe4: {  	[sflag:s18] =	ssyncadd.s32 $0xFFFFFF80  }
0xe5: {  	_ =	swait.ge [sflag:s18], $0x80  }
0xe6: {  	[sflag:s18] =	ssyncset.done $0x0  }
0xe7: {  	[sflag:s18] =	ssyncadd.s32 $0xFFFFFF80  }
0xe8: {  	[tilespmem:s8], [sflag:$0x8] =	stream.indirect.gather [hbm4b:s4+s28], $0x80, s29, s28, $0xb8;
	[tilespmem:$0x1DE00] =	vst v63  }
0xe9: {  	_ =	swait.ge [sflag:s7], $0x3200  }
0xea: {  	[sflag:s7] =	ssyncset.done $0x0  }
0xeb: {  	[sflag:s7] =	ssyncadd.s32 $0xFFFFCE00  }
0xec: {  	_ =	swait.ge [sflag:s10], $0x3200  }
0xed: {  	[sflag:s10] =	ssyncset.done $0x0  }
0xee: {  	s29 =	simm.s32 $0x480;
	[sflag:s10] =	ssyncadd.s32 $0xFFFFCE00  }
0xef: {  	[spmem:s26] =	stream.indirect.scatter.add.f32 [tilespmem:s31], [sflag:$0xA], $0x80, s29, s28, $0xb8;
	[tilespmem:$0x1DE00] =	vst v63  }
0xf0: {  	s14 =	sadd.s32 $0x30, s14  }
0xf1: {  	[tilespmem:s25], [sflag:$0x2] =	stream.linear.gather [hbm4b:s14+s3], $0x80, $0x38;
	[tilespmem:$0x1DE00] =	vst v63  }
0xf2: {  	s7 =	sadd.s32 $0x30, s19  }
0xf3: {  	[tilespmem:s5], [sflag:$0x2] =	stream.linear.gather [hbm4b:s7+s3], $0x80, $0x38;
	[tilespmem:$0x1DE00] =	vst v63  }
0xf4: {  	_ =	swait.ge [sflag:s30], $0x80  }
0xf5: {  	[sflag:s30] =	ssyncset.done $0x0  }
0xf6: {  	[sflag:s30] =	ssyncadd.s32 $0xFFFFFF80  }
0xf7: {  	_ =	swait.ge [sflag:s30], $0x80  }
0xf8: {  	[sflag:s30] =	ssyncset.done $0x0  }
0xf9: {  	[sflag:s30] =	ssyncadd.s32 $0xFFFFFF80  }
0xfa: {  	[tilespmem:s2], [sflag:$0x9] =	stream.indirect.gather [hbm4b:s4+s28], $0x80, s9, s28, $0xb8;
	[tilespmem:$0x1DE00] =	vst v63  }
0xfb: {  	_ =	swait.ge [sflag:s15], $0x3200  }
0xfc: {  	[sflag:s15] =	ssyncset.done $0x0  }
0xfd: {  	[sflag:s15] =	ssyncadd.s32 $0xFFFFCE00  }
0xfe: {  	_ =	swait.ge [sflag:s10], $0x3200  }
0xff: {  	[sflag:s10] =	ssyncset.done $0x0  }
0x100: {  	s20 =	smov.u32 s22;
	[sflag:s10] =	ssyncadd.s32 $0xFFFFCE00  }
0x101: {  	[spmem:s26] =	stream.indirect.scatter.add.f32 [tilespmem:s8], [sflag:$0xA], $0x80, s16, s28, $0xb8;
	[tilespmem:$0x1DE00] =	vst v63  }
0x102: {  	s21 =	smov.u32 s23;
	s15 =	sadd.s32 s13, s20  }
0x103: {  	[tilespmem:s6], [sflag:$0x3] =	stream.linear.gather [hbm4b:s15+s3], $0x80, $0x38;
	[tilespmem:$0x1DE00] =	vst v63  }
0x104: {  	s19 =	simm.s32 $0x1;
	s16 =	sadd.s32 s13, s21  }
0x105: {  	[tilespmem:s11], [sflag:$0x3] =	stream.linear.gather [hbm4b:s16+s3], $0x80, $0x38;
	[tilespmem:$0x1DE00] =	vst v63  }
0x106: {  	_ =	swait.ge [sflag:s19], $0x80  }
0x107: {  	[sflag:s19] =	ssyncset.done $0x0  }
0x108: {  	[sflag:s19] =	ssyncadd.s32 $0xFFFFFF80  }
0x109: {  	_ =	swait.ge [sflag:s19], $0x80  }
0x10a: {  	[sflag:s19] =	ssyncset.done $0x0  }
0x10b: {  	[sflag:s19] =	ssyncadd.s32 $0xFFFFFF80  }
0x10c: {  	[tilespmem:s31], [sflag:$0x7] =	stream.indirect.gather [hbm4b:s4+s28], $0x80, s3, s28, $0xb8;
	[tilespmem:$0x1DE00] =	vst v63  }
0x10d: {  	_ =	swait.ge [sflag:s17], $0x3200  }
0x10e: {  	[sflag:s17] =	ssyncset.done $0x0  }
0x10f: {  	[sflag:s17] =	ssyncadd.s32 $0xFFFFCE00  }
0x110: {  	_ =	swait.ge [sflag:s10], $0x3200  }
0x111: {  	[sflag:s10] =	ssyncset.done $0x0  }
0x112: {  	s25 =	rddreg [dreg:$0x3];
	[sflag:s10] =	ssyncadd.s32 $0xFFFFCE00  }
0x113: {  	[spmem:s26] =	stream.indirect.scatter.add.f32 [tilespmem:s2], [sflag:$0xA], $0x80, s1, s28, $0xb8;
	[tilespmem:$0x1DE00] =	vst v63  }
0x114: {  	s31 =	rddreg [dreg:$0x4];
	s14 =	sadd.s32 s13, s25  }
0x115: {  	[tilespmem:s12], [sflag:$0x4] =	stream.linear.gather [hbm4b:s14+s3], $0x80, $0x38;
	[tilespmem:$0x1DE00] =	vst v63  }
0x116: {  	s0 =	sadd.s32 $0x60, s0;
	s13 =	sadd.s32 s13, s31;
	s14 =	simm.s32 $0x2  }
0x117: {  	[tilespmem:s29], [sflag:$0x4] =	stream.linear.gather [hbm4b:s13+s3], $0x80, $0x38;
	[tilespmem:$0x1DE00] =	vst v63  }
0x118: {  	p0 =	sne.s32 s0, $0x600;
	_ =	swait.ge [sflag:s14], $0x80  }
.Ltmp0:
0x119: {  	[sflag:s14] =	ssyncset.done $0x0;
	(pc) =	sbr.rel @p0 .LBB2_2-.Ltmp0, $4  }
0x11a: {  	s23 =	simm.s32 $0x300;
	s22 =	simm.s32 $0x80;
	[sflag:s14] =	ssyncadd.s32 $0xFFFFFF80  }
0x11b: {  	s24 =	simm.s32 $0x380;
	s5 =	simm.s32 $0x100;
	_ =	swait.ge [sflag:s14], $0x80  }
0x11c: {  	s6 =	simm.s32 $0x400;
	s11 =	simm.s32 $0x180;
	[sflag:s14] =	ssyncset.done $0x0  }
0x11d: {  	s12 =	simm.s32 $0x480;
	s29 =	simm.s32 $0x200;
	[sflag:s14] =	ssyncadd.s32 $0xFFFFFF80  }
0x11e: {  	s8 =	simm.s32 $0x3A00;
	s1 =	simm.s32 $0x7  }
0x11f: {  	[tilespmem:s8], [sflag:$0x8] =	stream.indirect.gather [hbm4b:s4+s28], $0x80, s22, s28, $0xb8;
	[tilespmem:$0x1DE00] =	vst v63  }
0x120: {  	_ =	swait.ge [sflag:s1], $0x3200  }
0x121: {  	[sflag:s1] =	ssyncset.done $0x0  }
0x122: {  	[sflag:s1] =	ssyncadd.s32 $0xFFFFCE00  }
0x123: {  	_ =	swait.ge [sflag:s10], $0x3200  }
0x124: {  	[sflag:s10] =	ssyncset.done $0x0  }
0x125: {  	[sflag:s10] =	ssyncadd.s32 $0xFFFFCE00  }
0x126: {  	s0 =	simm.s32 $0x600;
	s2 =	simm.s32 $0x3;
	s13 =	rddreg [dreg:$0x1]  }
0x127: {  	[spmem:s13] =	stream.indirect.scatter.add.f32 [tilespmem:s0], [sflag:$0xA], $0x80, s23, s28, $0xb8;
	[tilespmem:$0x1DE00] =	vst v63  }
0x128: {  	_ =	swait.ge [sflag:s2], $0x80  }
0x129: {  	[sflag:s2] =	ssyncset.done $0x0  }
0x12a: {  	[sflag:s2] =	ssyncadd.s32 $0xFFFFFF80  }
0x12b: {  	_ =	swait.ge [sflag:s2], $0x80  }
0x12c: {  	[sflag:s2] =	ssyncset.done $0x0  }
0x12d: {  	s17 =	simm.s32 $0x6E00;
	s18 =	simm.s32 $0x8;
	[sflag:s2] =	ssyncadd.s32 $0xFFFFFF80  }
0x12e: {  	[tilespmem:s17], [sflag:$0x9] =	stream.indirect.gather [hbm4b:s4+s28], $0x80, s5, s28, $0xb8;
	[tilespmem:$0x1DE00] =	vst v63  }
0x12f: {  	_ =	swait.ge [sflag:s18], $0x3200  }
0x130: {  	[sflag:s18] =	ssyncset.done $0x0  }
0x131: {  	[sflag:s18] =	ssyncadd.s32 $0xFFFFCE00  }
0x132: {  	_ =	swait.ge [sflag:s10], $0x3200  }
0x133: {  	[sflag:s10] =	ssyncset.done $0x0  }
0x134: {  	s19 =	simm.s32 $0x4;
	[sflag:s10] =	ssyncadd.s32 $0xFFFFCE00  }
0x135: {  	[spmem:s13] =	stream.indirect.scatter.add.f32 [tilespmem:s8], [sflag:$0xA], $0x80, s24, s28, $0xb8;
	[tilespmem:$0x1DE00] =	vst v63  }
0x136: {  	_ =	swait.ge [sflag:s19], $0x80  }
0x137: {  	[sflag:s19] =	ssyncset.done $0x0  }
0x138: {  	[sflag:s19] =	ssyncadd.s32 $0xFFFFFF80  }
0x139: {  	_ =	swait.ge [sflag:s19], $0x80  }
0x13a: {  	[sflag:s19] =	ssyncset.done $0x0  }
0x13b: {  	s22 =	simm.s32 $0x9;
	[sflag:s19] =	ssyncadd.s32 $0xFFFFFF80  }
0x13c: {  	[tilespmem:s0], [sflag:$0x7] =	stream.indirect.gather [hbm4b:s4+s28], $0x80, s11, s28, $0xb8;
	[tilespmem:$0x1DE00] =	vst v63  }
0x13d: {  	_ =	swait.ge [sflag:s22], $0x3200  }
0x13e: {  	[sflag:s22] =	ssyncset.done $0x0  }
0x13f: {  	[sflag:s22] =	ssyncadd.s32 $0xFFFFCE00  }
0x140: {  	_ =	swait.ge [sflag:s10], $0x3200  }
0x141: {  	[sflag:s10] =	ssyncset.done $0x0  }
0x142: {  	[sflag:s10] =	ssyncadd.s32 $0xFFFFCE00  }
0x143: {  	[spmem:s13] =	stream.indirect.scatter.add.f32 [tilespmem:s17], [sflag:$0xA], $0x80, s6, s28, $0xb8;
	[tilespmem:$0x1DE00] =	vst v63  }
0x144: {  	_ =	swait.ge [sflag:s1], $0x3200  }
0x145: {  	[sflag:s1] =	ssyncset.done $0x0  }
0x146: {  	[sflag:s1] =	ssyncadd.s32 $0xFFFFCE00  }
0x147: {  	_ =	swait.ge [sflag:s10], $0x3200  }
0x148: {  	[sflag:s10] =	ssyncset.done $0x0  }
0x149: {  	[sflag:s10] =	ssyncadd.s32 $0xFFFFCE00  }
0x14a: {  	[spmem:s13] =	stream.indirect.scatter.add.f32 [tilespmem:s0], [sflag:$0xA], $0x80, s12, s28, $0xb8;
	[tilespmem:$0x1DE00] =	vst v63  }
0x14b: {  	_ =	swait.ge [sflag:s10], $0x3200  }
0x14c: {  	[sflag:s10] =	ssyncset.done $0x0  }
0x14d: {  	[sflag:s10] =	ssyncadd.s32 $0xFFFFCE00  }
0x14e: {  	[bflag:$0x0] =	sbarrier.arrive $0xFFFF  }
0x14f: {  	s23 =	rddreg [dreg:$0x13]  }
0x150: {  	s24 =	rddreg [dreg:$0x16]  }
0x151: {  	s13 =	simm.s32 $0xB;
	s25 =	rddreg [dreg:$0x17]  }
0x152: {  	[hbm:s23], [sflag:s24] =	dma.local [spmem:s25], $0x2780  }
0x153: {  	_ =	swait.ge [sflag:s13], $0x2780  }
0x154: {  	s26 =	rddreg [dreg:$0x15]  }
0x155: {  	s30 =	rddreg [dreg:$0x14];
	s5 =	sadd.s32 $0x1, s26  }
0x156: {  	p0 =	sne.s32 s5, s30  }
.Ltmp1:
0x157: {  	_ = 	snop;
	(pc) =	sbr.rel @p0 .LBB2_1-.Ltmp1, $4  }
0x158: {  	_ = 	snop  }
0x159: {  	s31 =	simm.s32 $0x500  }
0x15a: {  	s2 =	simm.s32 $0x1;
	s18 =	simm.s32 $0x6;
	[sflag:s13] =	ssyncset.done $0x0  }
0x15b: {  	s19 =	simm.s32 $0x280;
	s17 =	simm.s32 $0x5;
	[sflag:s13] =	ssyncadd.s32 $0xFFFFD880  }
0x15c: {  	_ =	sfence.sel $0x180000  }
0x15d: {  	[bflag:$0x0] =	sbarrier.arrive $0xFFFF  }
0x15e: {  	_ =	strace $0x9000004D  }
0x15f: {  	s0 =	stileid.u32;
	[bflag:$0x2] =	sbarrier.arrive $0xFFFF  }
0x160: {  	p0 =	sne.s32 s0, $0x0;
	s0 =	rddreg [dreg:$0x2]  }
0x161: {  	s0 =	sadd.s32 @!p0 $0x100000, s0  }
0x162: {  	[sflag:s0] =	ssyncadd.tile.s32 @!p0 $0x1;
	_ =	shalt  }
.Lfunc_end2:
_tile_overlayer_lowered:
.L_overlay_start_2:
0x163: {  	(tag) =	ssettag $0x2  }
0x164: {  	s0 =	rddreg [dreg:$0x0];
	s2 =	stileid.u32  }
0x165: {  	s1 =	rddreg [dreg:$0x1];
	p0 =	sne.s32 s2, $0x0  }
0x166: {  	s3 =	rddreg [dreg:$0x2];
	[bflag:$0x3] =	sbarrier.arrive $0xFFFF;
	s2 =	simm.s32 @!p0 $0x1C0B  }
0x167: {  	[timem:s3], [sflag:s2] =	dma.local @!p0 [hbm:s0], s1  }
0x168: {  	s0 =	simm.s32 @!p0 $0xB  }
0x169: {  	_ =	swait.ge @!p0 [sflag:s0], s1  }
0x16a: {  	s1 =	ssub.s32 @!p0 $0x0, s1;
	[sflag:s0] =	ssyncset.done @!p0 $0x0  }
0x16b: {  	[sflag:s0] =	ssyncadd.s32 @!p0 s1  }
0x16c: {  	[bflag:$0x3] =	sbarrier.arrive $0xFFFF  }
0x16d: {  	_ =	shalt  }

</sc_bundles>
